<compile_context>
chip_gen: v7x
topology: tpu7x:2x2x1
jax: 0.10.2.dev20260603
libtpu: 0.0.44.dev20260713+nightly
codegen_flags: <defaults>
</compile_context>

<pallas_src>
import functools
import math

import jax
import jax.numpy as jnp
from jax import lax
from jax.experimental import pallas as pl
from jax.experimental.pallas import tpu as pltpu
from jax.experimental.pallas import tpu_sc as plsc

N = 10000
E = 320000
D = 128
NH = 4
HD = 32

NW = 32
CH = 80
NC = E // CH
CPB = 32
PART_NC = (1984, 2016)

NPAD = 10240
TROWS = NPAD // 16

_INV_SQRT_HD = 1.0 / math.sqrt(HD)
_INV_SQRT2 = 1.0 / math.sqrt(2.0)


def _node_proj_body(hn_ref, w_ref, b_ref, qn_ref, kn_ref, vn_ref):
    o = jnp.dot(hn_ref[...], w_ref[...], preferred_element_type=jnp.float32)
    o = o + b_ref[...]
    qn_ref[...] = o[:, :D]
    kn_ref[...] = o[:, D:2 * D]
    vn_ref[...] = o[:, 2 * D:]


def _node_proj(h_n, w_node, b_node):
    blk = 2000
    return pl.pallas_call(
        _node_proj_body,
        grid=(N // blk,),
        in_specs=[
            pl.BlockSpec((blk, D), lambda i: (i, 0)),
            pl.BlockSpec((D, 3 * D), lambda i: (0, 0)),
            pl.BlockSpec((1, 3 * D), lambda i: (0, 0)),
        ],
        out_specs=[
            pl.BlockSpec((blk, D), lambda i: (i, 0)),
            pl.BlockSpec((blk, D), lambda i: (i, 0)),
            pl.BlockSpec((blk, D), lambda i: (i, 0)),
        ],
        out_shape=[
            jax.ShapeDtypeStruct((N, D), jnp.float32),
            jax.ShapeDtypeStruct((N, D), jnp.float32),
            jax.ShapeDtypeStruct((N, D), jnp.float32),
        ],
    )(h_n, w_node, b_node)


def _sc_gather(qn, kn, vn, src2, dst2, nchunk, hoff):
    perw = nchunk // NW
    mesh = plsc.VectorSubcoreMesh(core_axis_name="c", subcore_axis_name="s")

    @functools.partial(
        pl.kernel,
        out_type=(
            jax.ShapeDtypeStruct((nchunk, CH, D), jnp.float32),
            jax.ShapeDtypeStruct((nchunk, CH, D), jnp.float32),
            jax.ShapeDtypeStruct((nchunk, CH, D), jnp.float32),
        ),
        mesh=mesh,
        scratch_types=(
            [pltpu.VMEM((CH,), jnp.int32)] * 4
            + [pltpu.VMEM((CH, D), jnp.float32)] * 6
            + [pltpu.SemaphoreType.DMA] * 16
        ),
    )
    def k(qn_hbm, kn_hbm, vn_hbm, src_hbm, dst_hbm, qns_hbm, kns_hbm, vns_hbm,
          sxA, dxA, sxB, dxB, qbA, kbA, vbA, qbB, kbB, vbB,
          isA, idA, isB, idB,
          gqA, gkA, gvA, gqB, gkB, gvB, wqA, wkA, wvA, wqB, wkB, wvB):
        c = lax.axis_index("c")
        s = lax.axis_index("s")
        wid = s * 2 + c
        base = wid * perw

        A = (sxA, dxA, qbA, kbA, vbA, isA, idA, gqA, gkA, gvA, wqA, wkA, wvA)
        B = (sxB, dxB, qbB, kbB, vbB, isB, idB, gqB, gkB, gvB, wqB, wkB, wvB)

        def issue_ix(j, bufs):
            sx, dx = bufs[0], bufs[1]
            si, di = bufs[5], bufs[6]
            g = hoff + base + j
            pltpu.async_copy(src_hbm.at[g], sx, si)
            pltpu.async_copy(dst_hbm.at[g], dx, di)

        def wait_ix(j, bufs):
            sx, dx = bufs[0], bufs[1]
            si, di = bufs[5], bufs[6]
            g = hoff + base + j
            pltpu.make_async_copy(src_hbm.at[g], sx, si).wait()
            pltpu.make_async_copy(dst_hbm.at[g], dx, di).wait()

        def issue_g(j, bufs):
            sx, dx, qb, kb, vb = bufs[:5]
            gq, gk, gv = bufs[7:10]
            pltpu.async_copy(qn_hbm.at[sx], qb, gq)
            pltpu.async_copy(kn_hbm.at[dx], kb, gk)
            pltpu.async_copy(vn_hbm.at[dx], vb, gv)

        def wait_g(j, bufs):
            sx, dx, qb, kb, vb = bufs[:5]
            gq, gk, gv = bufs[7:10]
            pltpu.make_async_copy(qn_hbm.at[sx], qb, gq).wait()
            pltpu.make_async_copy(kn_hbm.at[dx], kb, gk).wait()
            pltpu.make_async_copy(vn_hbm.at[dx], vb, gv).wait()

        def issue_w(j, bufs):
            qb, kb, vb = bufs[2:5]
            wq, wk, wv = bufs[10:]
            chunk = base + j
            pltpu.async_copy(qb, qns_hbm.at[chunk], wq)
            pltpu.async_copy(kb, kns_hbm.at[chunk], wk)
            pltpu.async_copy(vb, vns_hbm.at[chunk], wv)

        def wait_w(j, bufs):
            qb, kb, vb = bufs[2:5]
            wq, wk, wv = bufs[10:]
            chunk = base + j
            pltpu.make_async_copy(qb, qns_hbm.at[chunk], wq).wait()
            pltpu.make_async_copy(kb, kns_hbm.at[chunk], wk).wait()
            pltpu.make_async_copy(vb, vns_hbm.at[chunk], wv).wait()

        def step(j, cur, nxt):
            @pl.when(j + 1 < perw)
            def _():
                @pl.when(j >= 1)
                def _():
                    wait_w(j - 1, nxt)

                wait_ix(j + 1, nxt)
                issue_g(j + 1, nxt)

            wait_g(j, cur)
            @pl.when(j + 2 < perw)
            def _():
                issue_ix(j + 2, cur)

            issue_w(j, cur)

        issue_ix(0, A)
        wait_ix(0, A)
        issue_g(0, A)

        @pl.when(1 < perw)
        def _():
            issue_ix(1, B)

        def body(j, carry):
            @pl.when(lax.rem(j, 2) == 0)
            def _():
                step(j, A, B)

            @pl.when(lax.rem(j, 2) == 1)
            def _():
                step(j, B, A)

            return carry

        lax.fori_loop(0, perw, body, 0)
        wait_w(perw - 1, A if (perw - 1) % 2 == 0 else B)
        wait_w(perw - 2, A if (perw - 2) % 2 == 0 else B)

    return k(qn, kn, vn, src2, dst2)


def _edge_body(he_ref, qns_ref, kns_ref, vns_ref, we_ref, m16_ref, ex_ref, pv_ref, p_ref):
    he = he_ref[...]
    qkve = jnp.dot(he, we_ref[...], preferred_element_type=jnp.float32)
    q = qkve[:, :D] + qns_ref[...]
    k = qkve[:, D:2 * D] + kns_ref[...]
    v = qkve[:, 2 * D:] + vns_ref[...]
    s16 = jnp.dot(q * k, m16_ref[...], preferred_element_type=jnp.float32)
    s16 = s16 * _INV_SQRT_HD
    col = lax.broadcasted_iota(jnp.int32, s16.shape, 1)
    p16 = jnp.where(col < NH, jnp.exp(s16), 0.0)
    pv_ref[...] = v * jnp.dot(p16, ex_ref[...], preferred_element_type=jnp.float32)
    p_ref[...] = p16


def _edge_stage(h_e, qns, kns, vns, w_edge, m16, ex16, nchunk, hblk):
    blk = CPB * CH
    ne = nchunk * CH
    return pl.pallas_call(
        _edge_body,
        grid=(ne // blk,),
        in_specs=[
            pl.BlockSpec((blk, D), lambda i: (i + hblk, 0)),
            pl.BlockSpec((blk, D), lambda i: (i, 0)),
            pl.BlockSpec((blk, D), lambda i: (i, 0)),
            pl.BlockSpec((blk, D), lambda i: (i, 0)),
            pl.BlockSpec((D, 3 * D), lambda i: (0, 0)),
            pl.BlockSpec((D, 16), lambda i: (0, 0)),
            pl.BlockSpec((16, D), lambda i: (0, 0)),
        ],
        out_specs=[
            pl.BlockSpec((blk, D), lambda i: (i, 0)),
            pl.BlockSpec((blk, 16), lambda i: (i, 0)),
        ],
        out_shape=[
            jax.ShapeDtypeStruct((ne, D), jnp.float32),
            jax.ShapeDtypeStruct((ne, 16), jnp.float32),
        ],
    )(h_e, qns, kns, vns, w_edge, m16, ex16)


def _sc_scatter(pv3, p3, src2, z128, nchunk, dbase):
    perc = nchunk // 16
    mesh = plsc.VectorSubcoreMesh(core_axis_name="c", subcore_axis_name="s")

    @functools.partial(
        pl.kernel,
        out_type=jax.ShapeDtypeStruct((2, NPAD, D), jnp.float32),
        mesh=mesh,
        scratch_types=(
            [pltpu.VMEM_SHARED((NPAD, D), jnp.float32)]
            + [pltpu.VMEM((CH, D), jnp.float32)] * 2
            + [pltpu.VMEM((CH, 16), jnp.float32)] * 2
            + [pltpu.VMEM((CH,), jnp.int32)] * 2
            + [pltpu.SemaphoreType.DMA] * 6
        ),
    )
    def k(pv_hbm, p_hbm, src_hbm, z_hbm, outacc_hbm, acc_sp,
          dbA, dbB, pbA, pbB, ixA, ixB, gA, gB, giA, giB, sA, sB):
        c = lax.axis_index("c")
        s = lax.axis_index("s")
        base = s * perc
        pltpu.sync_copy(z_hbm, acc_sp.at[pl.ds(s * TROWS, TROWS)])

        A = (dbA, pbA, ixA, gA, giA, sA)
        B = (dbB, pbB, ixB, gB, giB, sB)

        def issue_loads(j, bufs, core):
            db, pb, ix, g, gi, _ = bufs
            chunk = base + j
            pltpu.async_copy(src_hbm.at[dbase + chunk], ix, gi)
            if core == 0:
                pltpu.async_copy(pv_hbm.at[chunk], db, g)
            else:
                pltpu.async_copy(p_hbm.at[chunk], pb, g)

        def wait_loads(j, bufs, core):
            db, pb, ix, g, gi, _ = bufs
            chunk = base + j
            pltpu.make_async_copy(src_hbm.at[dbase + chunk], ix, gi).wait()
            if core == 0:
                pltpu.make_async_copy(pv_hbm.at[chunk], db, g).wait()
            else:
                pltpu.make_async_copy(p_hbm.at[chunk], pb, g).wait()

        def issue_scatter(bufs, core):
            db, pb, ix, _, _, ss = bufs
            if core == 1:
                def ug(r, carry2):
                    db[r, pl.ds(0, 16)] = pb[r, ...]
                    return carry2

                lax.fori_loop(0, CH, ug, 0)
            pltpu.async_copy(db, acc_sp.at[ix], ss, add=True)

        def wait_scatter(bufs):
            db, _, ix, _, _, ss = bufs
            pltpu.make_async_copy(db, acc_sp.at[ix], ss).wait()

        def core_loop(core):
            if core == 1:
                pltpu.sync_copy(z_hbm.at[pl.ds(0, CH)], dbA)
                pltpu.sync_copy(z_hbm.at[pl.ds(0, CH)], dbB)
            plsc.subcore_barrier()
            issue_loads(0, A, core)

            def step(j, cur, nxt):
                @pl.when(j + 1 < perc)
                def _():
                    @pl.when(j >= 1)
                    def _():
                        wait_scatter(nxt)

                    issue_loads(j + 1, nxt, core)

                wait_loads(j, cur, core)
                issue_scatter(cur, core)

            def body(j, carry):
                @pl.when(lax.rem(j, 2) == 0)
                def _():
                    step(j, A, B)

                @pl.when(lax.rem(j, 2) == 1)
                def _():
                    step(j, B, A)

                return carry

            lax.fori_loop(0, perc, body, 0)
            wait_scatter(A if (perc - 1) % 2 == 0 else B)
            wait_scatter(A if (perc - 2) % 2 == 0 else B)

        @pl.when(c == 0)
        def _():
            core_loop(0)

        @pl.when(c == 1)
        def _():
            core_loop(1)

        plsc.subcore_barrier()
        pltpu.sync_copy(acc_sp.at[pl.ds(s * TROWS, TROWS)],
                        outacc_hbm.at[c, pl.ds(s * TROWS, TROWS)])

    return k(pv3, p3, src2, z128)


def _ln(x, g, b):
    m = jnp.mean(x, axis=-1, keepdims=True)
    v = jnp.mean((x - m) ** 2, axis=-1, keepdims=True)
    return (x - m) * lax.rsqrt(v + 1e-5) * g + b


def _final_body(*refs):
    nacc = len(PART_NC)
    acc_refs = refs[:nacc]
    (hn_ref, ex_ref, wo_ref, bo_ref, g1_ref, bl1_ref,
     w1_ref, b1_ref, w2_ref, b2_ref, g2_ref, bl2_ref, out_ref) = refs[nacc:]
    acc = acc_refs[0][0]
    s16 = acc_refs[0][1][:, :16]
    for r in acc_refs[1:]:
        acc = acc + r[0]
        s16 = s16 + r[1][:, :16]
    den = jnp.dot(s16, ex_ref[...], preferred_element_type=jnp.float32)
    den = jnp.where(den == 0.0, 1.0, den)
    attn = acc / den
    o = jnp.dot(attn, wo_ref[...], preferred_element_type=jnp.float32) + bo_ref[...]
    x = hn_ref[...] + o
    h1 = _ln(x, g1_ref[...], bl1_ref[...])
    f = jnp.dot(h1, w1_ref[...], preferred_element_type=jnp.float32) + b1_ref[...]
    f = 0.5 * f * (1.0 + lax.erf(f * _INV_SQRT2))
    f = jnp.dot(f, w2_ref[...], preferred_element_type=jnp.float32) + b2_ref[...]
    out_ref[...] = _ln(h1 + f, g2_ref[...], bl2_ref[...])


def _final_stage(accs, h_n, ex16, wo_t, bo, g1, bl1, w1_t, b1_, w2_t, b2_, g2, bl2):
    blk = 2000
    full = lambda shape: pl.BlockSpec(shape, lambda i: tuple(0 for _ in shape))
    return pl.pallas_call(
        _final_body,
        grid=(N // blk,),
        in_specs=[
            pl.BlockSpec((2, blk, D), lambda i: (0, i, 0))
            for _ in PART_NC
        ] + [
            pl.BlockSpec((blk, D), lambda i: (i, 0)),
            full((16, D)),
            full((D, D)),
            full((1, D)),
            full((1, D)),
            full((1, D)),
            full((D, 4 * D)),
            full((1, 4 * D)),
            full((4 * D, D)),
            full((1, D)),
            full((1, D)),
            full((1, D)),
        ],
        out_specs=pl.BlockSpec((blk, D), lambda i: (i, 0)),
        out_shape=jax.ShapeDtypeStruct((N, D), jnp.float32),
    )(*accs, h_n, ex16, wo_t, bo, g1, bl1, w1_t, b1_, w2_t, b2_, g2, bl2)


def kernel(h_n, h_e, edge_index, Wq_w, Wq_b, Wkv_w, Wkv_b, Wo_w, Wo_b,
           ln1_g, ln1_b, W1, b1, W2, b2, ln2_g, ln2_b):
    f32 = jnp.float32
    src = edge_index[0]
    dst = edge_index[1]

    w_node = jnp.concatenate([Wq_w[:, :D].T, Wkv_w[:, :D].T], axis=1)
    b_node = jnp.concatenate([Wq_b, Wkv_b])[None, :]
    w_edge = jnp.concatenate([Wq_w[:, D:].T, Wkv_w[:, D:].T], axis=1)

    hd_ids = jnp.arange(D) // HD
    m16 = (hd_ids[:, None] == jnp.arange(16)[None, :]).astype(f32)
    ex16 = m16.T

    z128 = jnp.zeros((TROWS, D), f32)

    qn, kn, vn = _node_proj(h_n, w_node, b_node)

    src2 = src.reshape(NC, CH)
    dst2 = dst.reshape(NC, CH)

    accs = []
    hoff = 0
    for nchunk in PART_NC:
        qns, kns, vns = _sc_gather(qn, kn, vn, src2, dst2, nchunk, hoff)
        ne = nchunk * CH
        pv, p = _edge_stage(h_e, qns.reshape(ne, D), kns.reshape(ne, D),
                            vns.reshape(ne, D), w_edge, m16, ex16,
                            nchunk, hoff // CPB)
        accs.append(_sc_scatter(pv.reshape(nchunk, CH, D),
                                p.reshape(nchunk, CH, 16),
                                src2, z128, nchunk, hoff))
        hoff += nchunk

    return _final_stage(accs, h_n, ex16,
                        Wo_w.T, Wo_b[None, :], ln1_g[None, :], ln1_b[None, :],
                        W1.T, b1[None, :], W2.T, b2[None, :],
                        ln2_g[None, :], ln2_b[None, :])

# --- scband reference (transcript-rebuilt; emitter-appended) ---
"""Pipeline reference for scband-sparse-transformer-layer-11063835755126 (READ-ONLY COPY).

The authoritative reference and input builder live on the scoring server;
editing this copy changes nothing except your own understanding.
"""

import math
import jax, jax.numpy as jnp
import numpy as np

HIDDEN = 128
HEADS = 4
HEAD_DIM = HIDDEN // HEADS
N_NODES = 10000
N_EDGES = 320000

def _layer_norm(x, g, b, eps=1e-5):
    m = jnp.mean(x, axis=-1, keepdims=True)
    v = jnp.var(x, axis=-1, keepdims=True)
    return (x - m) / jnp.sqrt(v + eps) * g + b

def setup_inputs(seed: int = 0) -> dict:
    key = jax.random.key(seed)
    ks = jax.random.split(key, 20)
    d = HIDDEN
    h_n = jax.random.normal(ks[0], (N_NODES, d), dtype=jnp.float32)
    h_e = jax.random.normal(ks[1], (N_EDGES, d), dtype=jnp.float32)
    edge_index = jax.random.randint(ks[2], (2, N_EDGES), 0, N_NODES, dtype=jnp.int32)
    def lin(k, out_f, in_f):
        return jax.random.normal(k, (out_f, in_f), dtype=jnp.float32) / np.sqrt(in_f)
    return {
        "h_n": h_n,
        "h_e": h_e,
        "edge_index": edge_index,
        "Wq_w": lin(ks[3], d, 2 * d), "Wq_b": jnp.zeros((d,), jnp.float32),
        "Wkv_w": lin(ks[4], 2 * d, 2 * d), "Wkv_b": jnp.zeros((2 * d,), jnp.float32),
        "Wo_w": lin(ks[5], d, d), "Wo_b": jnp.zeros((d,), jnp.float32),
        "ln1_g": jnp.ones((d,), jnp.float32), "ln1_b": jnp.zeros((d,), jnp.float32),
        "W1": lin(ks[6], 4 * d, d), "b1": jnp.zeros((4 * d,), jnp.float32),
        "W2": lin(ks[7], d, 4 * d), "b2": jnp.zeros((d,), jnp.float32),
        "ln2_g": jnp.ones((d,), jnp.float32), "ln2_b": jnp.zeros((d,), jnp.float32),
    }

def reference(h_n, h_e, edge_index, Wq_w, Wq_b, Wkv_w, Wkv_b, Wo_w, Wo_b,
              ln1_g, ln1_b, W1, b1, W2, b2, ln2_g, ln2_b):
    num_nodes = h_n.shape[0]
    src = edge_index[0]
    dst = edge_index[1]
    h_n_src = h_n[src]
    h_n_dst = h_n[dst]
    q_input = jnp.concatenate([h_n_src, h_e], axis=-1)
    kv_input = jnp.concatenate([h_n_dst, h_e], axis=-1)
    Q = q_input @ Wq_w.T + Wq_b
    KV = kv_input @ Wkv_w.T + Wkv_b
    K, V = jnp.split(KV, 2, axis=-1)
    Q = Q.reshape(-1, HEADS, HEAD_DIM)
    K = K.reshape(-1, HEADS, HEAD_DIM)
    V = V.reshape(-1, HEADS, HEAD_DIM)
    attn_scores = jnp.sum(Q * K, axis=-1) / math.sqrt(HEAD_DIM)
    seg_max = jax.ops.segment_max(attn_scores, src, num_segments=num_nodes)
    ex = jnp.exp(attn_scores - seg_max[src])
    seg_sum = jax.ops.segment_sum(ex, src, num_segments=num_nodes)
    attn_weights = ex / seg_sum[src]
    weighted_values = attn_weights[..., None] * V
    out = jax.ops.segment_sum(weighted_values, src, num_segments=num_nodes)
    out = out.reshape(num_nodes, HEADS * HEAD_DIM)
    out = out @ Wo_w.T + Wo_b
    h = _layer_norm(h_n + out, ln1_g, ln1_b)
    ffn = jax.nn.gelu(h @ W1.T + b1, approximate=False) @ W2.T + b2
    h = _layer_norm(h + ffn, ln2_g, ln2_b)
    return h

if __name__ == "__main__":
    import jax
    _d = setup_inputs()
    print(jax.jit(kernel)(*tuple(_d.values())))

</pallas_src>

<mosaic_0001>
#map = affine_map<(d0, d1) -> (0, 0, 0)>
#map1 = affine_map<(d0, d1) -> (0, 0)>
module attributes {stable_mosaic.version = 14 : i64} {
  func.func @k(%arg0: i32, %arg1: i32, %arg2: memref<2016x80x128xf32, #tpu.memory_space<hbm>>, %arg3: memref<2016x80x16xf32, #tpu.memory_space<hbm>>, %arg4: memref<4000x80xi32, #tpu.memory_space<hbm>>, %arg5: memref<640x128xf32, #tpu.memory_space<hbm>>, %arg6: memref<2x10240x128xf32, #tpu.memory_space<hbm>>, %arg7: memref<10240x128xf32, #tpu.memory_space<vmem_shared>>, %arg8: memref<80x128xf32, #tpu.memory_space<vmem>>, %arg9: memref<80x128xf32, #tpu.memory_space<vmem>>, %arg10: memref<80x16xf32, #tpu.memory_space<vmem>>, %arg11: memref<80x16xf32, #tpu.memory_space<vmem>>, %arg12: memref<80xi32, #tpu.memory_space<vmem>>, %arg13: memref<80xi32, #tpu.memory_space<vmem>>, %arg14: memref<!tpu.dma_semaphore, #tpu.memory_space<semaphore_mem>>, %arg15: memref<!tpu.dma_semaphore, #tpu.memory_space<semaphore_mem>>, %arg16: memref<!tpu.dma_semaphore, #tpu.memory_space<semaphore_mem>>, %arg17: memref<!tpu.dma_semaphore, #tpu.memory_space<semaphore_mem>>, %arg18: memref<!tpu.dma_semaphore, #tpu.memory_space<semaphore_mem>>, %arg19: memref<!tpu.dma_semaphore, #tpu.memory_space<semaphore_mem>>) attributes {dimension_semantics = [#tpu.dimension_semantics<core_parallel>, #tpu.dimension_semantics<subcore_parallel>], iteration_bounds = array<i64: 2, 16>, scalar_prefetch = 0 : i64, scratch_operands = 13 : i64, tpu.core_type = #tpu.core_type<sc_vector_subcore>, window_params = [{transform_indices = #map}, {transform_indices = #map}, {transform_indices = #map1}, {transform_indices = #map1}, {transform_indices = #map}]} {
    %mul3A = arith.constant 126 : i32
    %mul3A_0 = arith.muli %arg1, %mul3A : i32
    %mul3A_1 = arith.constant 640 : i32
    %mul3A_2 = arith.muli %arg1, %mul3A_1 : i32
    "tpu.region"() ({
      %run_scoped3A = tpu.sem_alloc : memref<!tpu.dma_semaphore, #tpu.memory_space<semaphore_mem>>
      %dma_start3A = arith.constant 0 : i32
      %dma_start3A_14 = tpu.memref_slice %arg7[%mul3A_2, %dma_start3A] : memref<10240x128xf32, #tpu.memory_space<vmem_shared>> -> memref<640x128xf32, #tpu.memory_space<vmem_shared>>
      tpu.enqueue_dma source(%arg5 : memref<640x128xf32, #tpu.memory_space<hbm>>) target(%dma_start3A_14 : memref<640x128xf32, #tpu.memory_space<vmem_shared>>) target_semaphore(%run_scoped3A : memref<!tpu.dma_semaphore, #tpu.memory_space<semaphore_mem>>)
      %dma_wait3A = arith.constant 0 : i32
      %dma_wait3A_15 = tpu.memref_slice %arg7[%mul3A_2, %dma_wait3A] : memref<10240x128xf32, #tpu.memory_space<vmem_shared>> -> memref<640x128xf32, #tpu.memory_space<vmem_shared>>
      tpu.wait_dma2 semaphore(%run_scoped3A : memref<!tpu.dma_semaphore, #tpu.memory_space<semaphore_mem>>) src(%arg5 : memref<640x128xf32, #tpu.memory_space<hbm>>) dst(%dma_wait3A_15 : memref<640x128xf32, #tpu.memory_space<vmem_shared>>)
      tpu.yield
    }) : () -> ()
    %eq3A = arith.constant 0 : i32
    %eq3A_3 = arith.cmpi eq, %arg0, %eq3A : i32
    %convert_element_type3A = arith.extui %eq3A_3 : i1 to i32
    %cond3A = arith.constant 0 : i32
    %cond3A_4 = arith.cmpi ne, %convert_element_type3A, %cond3A : i32
    scf.if %cond3A_4 {
      %barrier3A_14 = arith.constant 0 : index
      tpu.barrier barrier_id(%barrier3A_14)
      %add3A = arith.constant 0 : i32
      %add3A_15 = arith.addi %mul3A_0, %add3A : i32
      %add3A_16 = arith.constant 1984 : i32
      %add3A_17 = arith.addi %add3A_16, %add3A_15 : i32
      %dma_start3A = arith.constant 0 : i32
      %dma_start3A_18 = tpu.memref_slice %arg4[%add3A_17, %dma_start3A] : memref<4000x80xi32, #tpu.memory_space<hbm>> -> memref<1x80xi32, #tpu.memory_space<hbm>>
      %dma_start3A_19 = tpu.memref_squeeze %dma_start3A_18 : memref<1x80xi32, #tpu.memory_space<hbm>> -> memref<80xi32, #tpu.memory_space<hbm>>
      %dma_start3A_20 = arith.constant 0 : i32
      %dma_start3A_21 = tpu.memref_slice %arg4[%add3A_17, %dma_start3A_20] : memref<4000x80xi32, #tpu.memory_space<hbm>> -> memref<1x80xi32, #tpu.memory_space<hbm>>
      %dma_start3A_22 = tpu.memref_squeeze %dma_start3A_21 : memref<1x80xi32, #tpu.memory_space<hbm>> -> memref<80xi32, #tpu.memory_space<hbm>>
      tpu.enqueue_dma source(%dma_start3A_22 : memref<80xi32, #tpu.memory_space<hbm>>) target(%arg12 : memref<80xi32, #tpu.memory_space<vmem>>) target_semaphore(%arg16 : memref<!tpu.dma_semaphore, #tpu.memory_space<semaphore_mem>>)
      %dma_start3A_23 = arith.constant 0 : i32
      %dma_start3A_24 = arith.constant 0 : i32
      %dma_start3A_25 = tpu.memref_slice %arg2[%add3A_15, %dma_start3A_23, %dma_start3A_24] : memref<2016x80x128xf32, #tpu.memory_space<hbm>> -> memref<1x80x128xf32, #tpu.memory_space<hbm>>
      %dma_start3A_26 = tpu.memref_squeeze %dma_start3A_25 : memref<1x80x128xf32, #tpu.memory_space<hbm>> -> memref<80x128xf32, #tpu.memory_space<hbm>>
      %dma_start3A_27 = arith.constant 0 : i32
      %dma_start3A_28 = arith.constant 0 : i32
      %dma_start3A_29 = tpu.memref_slice %arg2[%add3A_15, %dma_start3A_27, %dma_start3A_28] : memref<2016x80x128xf32, #tpu.memory_space<hbm>> -> memref<1x80x128xf32, #tpu.memory_space<hbm>>
      %dma_start3A_30 = tpu.memref_squeeze %dma_start3A_29 : memref<1x80x128xf32, #tpu.memory_space<hbm>> -> memref<80x128xf32, #tpu.memory_space<hbm>>
      tpu.enqueue_dma source(%dma_start3A_30 : memref<80x128xf32, #tpu.memory_space<hbm>>) target(%arg8 : memref<80x128xf32, #tpu.memory_space<vmem>>) target_semaphore(%arg14 : memref<!tpu.dma_semaphore, #tpu.memory_space<semaphore_mem>>)
      %scan3A = arith.constant 0 : i32
      %scan3A_31 = arith.constant 0 : i32
      %scan3A_32 = arith.constant 126 : i32
      %scan3A_33 = arith.addi %scan3A_31, %scan3A_32 : i32
      %scan3A_34 = arith.constant 1 : i32
      scf.for %scan3A_41 = %scan3A_31 to %scan3A_33 step %scan3A_34  : i32 {
        %rem3A = arith.constant 2 : i32
        %rem3A_42 = arith.remsi %scan3A_41, %rem3A : i32
        %eq3A_43 = arith.constant 0 : i32
        %eq3A_44 = arith.cmpi eq, %rem3A_42, %eq3A_43 : i32
        %convert_element_type3A_45 = arith.extui %eq3A_44 : i1 to i32
        %cond3A_46 = arith.constant 0 : i32
        %cond3A_47 = arith.cmpi ne, %convert_element_type3A_45, %cond3A_46 : i32
        scf.if %cond3A_47 {
          %add3A_55 = arith.constant 1 : i32
          %add3A_56 = arith.addi %scan3A_41, %add3A_55 : i32
          %lt3A = arith.constant 126 : i32
          %lt3A_57 = arith.cmpi slt, %add3A_56, %lt3A : i32
          %convert_element_type3A_58 = arith.extui %lt3A_57 : i1 to i32
          %cond3A_59 = arith.constant 0 : i32
          %cond3A_60 = arith.cmpi ne, %convert_element_type3A_58, %cond3A_59 : i32
          scf.if %cond3A_60 {
            %ge3A = arith.constant 1 : i32
            %ge3A_81 = arith.cmpi sge, %scan3A_41, %ge3A : i32
            %convert_element_type3A_82 = arith.extui %ge3A_81 : i1 to i32
            %cond3A_83 = arith.constant 0 : i32
            %cond3A_84 = arith.cmpi ne, %convert_element_type3A_82, %cond3A_83 : i32
            scf.if %cond3A_84 {
              %dma_wait3A_104 = arith.constant 0 : i32
              %dma_wait3A_105 = arith.constant 0 : i32
              %dma_wait3A_106 = tpu.memref_slice %arg7[%dma_wait3A_104, %dma_wait3A_105] : memref<10240x128xf32, #tpu.memory_space<vmem_shared>> -> memref<10240x128xf32, #tpu.memory_space<vmem_shared>>
              tpu.wait_indirect_dma semaphore(%arg19 : memref<!tpu.dma_semaphore, #tpu.memory_space<semaphore_mem>>) src(%arg9 : memref<80x128xf32, #tpu.memory_space<vmem>>) dst(%dma_wait3A_106 : memref<10240x128xf32, #tpu.memory_space<vmem_shared>>)
            } else {
            }
            %add3A_85 = arith.constant 1 : i32
            %add3A_86 = arith.addi %scan3A_41, %add3A_85 : i32
            %add3A_87 = arith.addi %mul3A_0, %add3A_86 : i32
            %add3A_88 = arith.constant 1984 : i32
            %add3A_89 = arith.addi %add3A_88, %add3A_87 : i32
            %dma_start3A_90 = arith.constant 0 : i32
            %dma_start3A_91 = tpu.memref_slice %arg4[%add3A_89, %dma_start3A_90] : memref<4000x80xi32, #tpu.memory_space<hbm>> -> memref<1x80xi32, #tpu.memory_space<hbm>>
            %dma_start3A_92 = tpu.memref_squeeze %dma_start3A_91 : memref<1x80xi32, #tpu.memory_space<hbm>> -> memref<80xi32, #tpu.memory_space<hbm>>
            %dma_start3A_93 = arith.constant 0 : i32
            %dma_start3A_94 = tpu.memref_slice %arg4[%add3A_89, %dma_start3A_93] : memref<4000x80xi32, #tpu.memory_space<hbm>> -> memref<1x80xi32, #tpu.memory_space<hbm>>
            %dma_start3A_95 = tpu.memref_squeeze %dma_start3A_94 : memref<1x80xi32, #tpu.memory_space<hbm>> -> memref<80xi32, #tpu.memory_space<hbm>>
            tpu.enqueue_dma source(%dma_start3A_95 : memref<80xi32, #tpu.memory_space<hbm>>) target(%arg13 : memref<80xi32, #tpu.memory_space<vmem>>) target_semaphore(%arg17 : memref<!tpu.dma_semaphore, #tpu.memory_space<semaphore_mem>>)
            %dma_start3A_96 = arith.constant 0 : i32
            %dma_start3A_97 = arith.constant 0 : i32
            %dma_start3A_98 = tpu.memref_slice %arg2[%add3A_87, %dma_start3A_96, %dma_start3A_97] : memref<2016x80x128xf32, #tpu.memory_space<hbm>> -> memref<1x80x128xf32, #tpu.memory_space<hbm>>
            %dma_start3A_99 = tpu.memref_squeeze %dma_start3A_98 : memref<1x80x128xf32, #tpu.memory_space<hbm>> -> memref<80x128xf32, #tpu.memory_space<hbm>>
            %dma_start3A_100 = arith.constant 0 : i32
            %dma_start3A_101 = arith.constant 0 : i32
            %dma_start3A_102 = tpu.memref_slice %arg2[%add3A_87, %dma_start3A_100, %dma_start3A_101] : memref<2016x80x128xf32, #tpu.memory_space<hbm>> -> memref<1x80x128xf32, #tpu.memory_space<hbm>>
            %dma_start3A_103 = tpu.memref_squeeze %dma_start3A_102 : memref<1x80x128xf32, #tpu.memory_space<hbm>> -> memref<80x128xf32, #tpu.memory_space<hbm>>
            tpu.enqueue_dma source(%dma_start3A_103 : memref<80x128xf32, #tpu.memory_space<hbm>>) target(%arg9 : memref<80x128xf32, #tpu.memory_space<vmem>>) target_semaphore(%arg15 : memref<!tpu.dma_semaphore, #tpu.memory_space<semaphore_mem>>)
          } else {
          }
          %add3A_61 = arith.addi %mul3A_0, %scan3A_41 : i32
          %add3A_62 = arith.constant 1984 : i32
          %add3A_63 = arith.addi %add3A_62, %add3A_61 : i32
          %dma_wait3A_64 = arith.constant 0 : i32
          %dma_wait3A_65 = tpu.memref_slice %arg4[%add3A_63, %dma_wait3A_64] : memref<4000x80xi32, #tpu.memory_space<hbm>> -> memref<1x80xi32, #tpu.memory_space<hbm>>
          %dma_wait3A_66 = tpu.memref_squeeze %dma_wait3A_65 : memref<1x80xi32, #tpu.memory_space<hbm>> -> memref<80xi32, #tpu.memory_space<hbm>>
          %dma_wait3A_67 = arith.constant 0 : i32
          %dma_wait3A_68 = tpu.memref_slice %arg4[%add3A_63, %dma_wait3A_67] : memref<4000x80xi32, #tpu.memory_space<hbm>> -> memref<1x80xi32, #tpu.memory_space<hbm>>
          %dma_wait3A_69 = tpu.memref_squeeze %dma_wait3A_68 : memref<1x80xi32, #tpu.memory_space<hbm>> -> memref<80xi32, #tpu.memory_space<hbm>>
          tpu.wait_dma2 semaphore(%arg16 : memref<!tpu.dma_semaphore, #tpu.memory_space<semaphore_mem>>) src(%dma_wait3A_69 : memref<80xi32, #tpu.memory_space<hbm>>) dst(%arg12 : memref<80xi32, #tpu.memory_space<vmem>>)
          %dma_wait3A_70 = arith.constant 0 : i32
          %dma_wait3A_71 = arith.constant 0 : i32
          %dma_wait3A_72 = tpu.memref_slice %arg2[%add3A_61, %dma_wait3A_70, %dma_wait3A_71] : memref<2016x80x128xf32, #tpu.memory_space<hbm>> -> memref<1x80x128xf32, #tpu.memory_space<hbm>>
          %dma_wait3A_73 = tpu.memref_squeeze %dma_wait3A_72 : memref<1x80x128xf32, #tpu.memory_space<hbm>> -> memref<80x128xf32, #tpu.memory_space<hbm>>
          %dma_wait3A_74 = arith.constant 0 : i32
          %dma_wait3A_75 = arith.constant 0 : i32
          %dma_wait3A_76 = tpu.memref_slice %arg2[%add3A_61, %dma_wait3A_74, %dma_wait3A_75] : memref<2016x80x128xf32, #tpu.memory_space<hbm>> -> memref<1x80x128xf32, #tpu.memory_space<hbm>>
          %dma_wait3A_77 = tpu.memref_squeeze %dma_wait3A_76 : memref<1x80x128xf32, #tpu.memory_space<hbm>> -> memref<80x128xf32, #tpu.memory_space<hbm>>
          tpu.wait_dma2 semaphore(%arg14 : memref<!tpu.dma_semaphore, #tpu.memory_space<semaphore_mem>>) src(%dma_wait3A_77 : memref<80x128xf32, #tpu.memory_space<hbm>>) dst(%arg8 : memref<80x128xf32, #tpu.memory_space<vmem>>)
          %dma_start3A_78 = arith.constant 0 : i32
          %dma_start3A_79 = arith.constant 0 : i32
          %dma_start3A_80 = tpu.memref_slice %arg7[%dma_start3A_78, %dma_start3A_79] : memref<10240x128xf32, #tpu.memory_space<vmem_shared>> -> memref<10240x128xf32, #tpu.memory_space<vmem_shared>>
          tpu.enqueue_indirect_dma source(%arg8 : memref<80x128xf32, #tpu.memory_space<vmem>>) target(%dma_start3A_80 : memref<10240x128xf32, #tpu.memory_space<vmem_shared>>) offsets(%arg12 : memref<80xi32, #tpu.memory_space<vmem>>) semaphore(%arg18 : memref<!tpu.dma_semaphore, #tpu.memory_space<semaphore_mem>>) {add = true}
        } else {
        }
        %rem3A_48 = arith.constant 2 : i32
        %rem3A_49 = arith.remsi %scan3A_41, %rem3A_48 : i32
        %eq3A_50 = arith.constant 1 : i32
        %eq3A_51 = arith.cmpi eq, %rem3A_49, %eq3A_50 : i32
        %convert_element_type3A_52 = arith.extui %eq3A_51 : i1 to i32
        %cond3A_53 = arith.constant 0 : i32
        %cond3A_54 = arith.cmpi ne, %convert_element_type3A_52, %cond3A_53 : i32
        scf.if %cond3A_54 {
          %add3A_55 = arith.constant 1 : i32
          %add3A_56 = arith.addi %scan3A_41, %add3A_55 : i32
          %lt3A = arith.constant 126 : i32
          %lt3A_57 = arith.cmpi slt, %add3A_56, %lt3A : i32
          %convert_element_type3A_58 = arith.extui %lt3A_57 : i1 to i32
          %cond3A_59 = arith.constant 0 : i32
          %cond3A_60 = arith.cmpi ne, %convert_element_type3A_58, %cond3A_59 : i32
          scf.if %cond3A_60 {
            %ge3A = arith.constant 1 : i32
            %ge3A_81 = arith.cmpi sge, %scan3A_41, %ge3A : i32
            %convert_element_type3A_82 = arith.extui %ge3A_81 : i1 to i32
            %cond3A_83 = arith.constant 0 : i32
            %cond3A_84 = arith.cmpi ne, %convert_element_type3A_82, %cond3A_83 : i32
            scf.if %cond3A_84 {
              %dma_wait3A_104 = arith.constant 0 : i32
              %dma_wait3A_105 = arith.constant 0 : i32
              %dma_wait3A_106 = tpu.memref_slice %arg7[%dma_wait3A_104, %dma_wait3A_105] : memref<10240x128xf32, #tpu.memory_space<vmem_shared>> -> memref<10240x128xf32, #tpu.memory_space<vmem_shared>>
              tpu.wait_indirect_dma semaphore(%arg18 : memref<!tpu.dma_semaphore, #tpu.memory_space<semaphore_mem>>) src(%arg8 : memref<80x128xf32, #tpu.memory_space<vmem>>) dst(%dma_wait3A_106 : memref<10240x128xf32, #tpu.memory_space<vmem_shared>>)
            } else {
            }
            %add3A_85 = arith.constant 1 : i32
            %add3A_86 = arith.addi %scan3A_41, %add3A_85 : i32
            %add3A_87 = arith.addi %mul3A_0, %add3A_86 : i32
            %add3A_88 = arith.constant 1984 : i32
            %add3A_89 = arith.addi %add3A_88, %add3A_87 : i32
            %dma_start3A_90 = arith.constant 0 : i32
            %dma_start3A_91 = tpu.memref_slice %arg4[%add3A_89, %dma_start3A_90] : memref<4000x80xi32, #tpu.memory_space<hbm>> -> memref<1x80xi32, #tpu.memory_space<hbm>>
            %dma_start3A_92 = tpu.memref_squeeze %dma_start3A_91 : memref<1x80xi32, #tpu.memory_space<hbm>> -> memref<80xi32, #tpu.memory_space<hbm>>
            %dma_start3A_93 = arith.constant 0 : i32
            %dma_start3A_94 = tpu.memref_slice %arg4[%add3A_89, %dma_start3A_93] : memref<4000x80xi32, #tpu.memory_space<hbm>> -> memref<1x80xi32, #tpu.memory_space<hbm>>
            %dma_start3A_95 = tpu.memref_squeeze %dma_start3A_94 : memref<1x80xi32, #tpu.memory_space<hbm>> -> memref<80xi32, #tpu.memory_space<hbm>>
            tpu.enqueue_dma source(%dma_start3A_95 : memref<80xi32, #tpu.memory_space<hbm>>) target(%arg12 : memref<80xi32, #tpu.memory_space<vmem>>) target_semaphore(%arg16 : memref<!tpu.dma_semaphore, #tpu.memory_space<semaphore_mem>>)
            %dma_start3A_96 = arith.constant 0 : i32
            %dma_start3A_97 = arith.constant 0 : i32
            %dma_start3A_98 = tpu.memref_slice %arg2[%add3A_87, %dma_start3A_96, %dma_start3A_97] : memref<2016x80x128xf32, #tpu.memory_space<hbm>> -> memref<1x80x128xf32, #tpu.memory_space<hbm>>
            %dma_start3A_99 = tpu.memref_squeeze %dma_start3A_98 : memref<1x80x128xf32, #tpu.memory_space<hbm>> -> memref<80x128xf32, #tpu.memory_space<hbm>>
            %dma_start3A_100 = arith.constant 0 : i32
            %dma_start3A_101 = arith.constant 0 : i32
            %dma_start3A_102 = tpu.memref_slice %arg2[%add3A_87, %dma_start3A_100, %dma_start3A_101] : memref<2016x80x128xf32, #tpu.memory_space<hbm>> -> memref<1x80x128xf32, #tpu.memory_space<hbm>>
            %dma_start3A_103 = tpu.memref_squeeze %dma_start3A_102 : memref<1x80x128xf32, #tpu.memory_space<hbm>> -> memref<80x128xf32, #tpu.memory_space<hbm>>
            tpu.enqueue_dma source(%dma_start3A_103 : memref<80x128xf32, #tpu.memory_space<hbm>>) target(%arg8 : memref<80x128xf32, #tpu.memory_space<vmem>>) target_semaphore(%arg14 : memref<!tpu.dma_semaphore, #tpu.memory_space<semaphore_mem>>)
          } else {
          }
          %add3A_61 = arith.addi %mul3A_0, %scan3A_41 : i32
          %add3A_62 = arith.constant 1984 : i32
          %add3A_63 = arith.addi %add3A_62, %add3A_61 : i32
          %dma_wait3A_64 = arith.constant 0 : i32
          %dma_wait3A_65 = tpu.memref_slice %arg4[%add3A_63, %dma_wait3A_64] : memref<4000x80xi32, #tpu.memory_space<hbm>> -> memref<1x80xi32, #tpu.memory_space<hbm>>
          %dma_wait3A_66 = tpu.memref_squeeze %dma_wait3A_65 : memref<1x80xi32, #tpu.memory_space<hbm>> -> memref<80xi32, #tpu.memory_space<hbm>>
          %dma_wait3A_67 = arith.constant 0 : i32
          %dma_wait3A_68 = tpu.memref_slice %arg4[%add3A_63, %dma_wait3A_67] : memref<4000x80xi32, #tpu.memory_space<hbm>> -> memref<1x80xi32, #tpu.memory_space<hbm>>
          %dma_wait3A_69 = tpu.memref_squeeze %dma_wait3A_68 : memref<1x80xi32, #tpu.memory_space<hbm>> -> memref<80xi32, #tpu.memory_space<hbm>>
          tpu.wait_dma2 semaphore(%arg17 : memref<!tpu.dma_semaphore, #tpu.memory_space<semaphore_mem>>) src(%dma_wait3A_69 : memref<80xi32, #tpu.memory_space<hbm>>) dst(%arg13 : memref<80xi32, #tpu.memory_space<vmem>>)
          %dma_wait3A_70 = arith.constant 0 : i32
          %dma_wait3A_71 = arith.constant 0 : i32
          %dma_wait3A_72 = tpu.memref_slice %arg2[%add3A_61, %dma_wait3A_70, %dma_wait3A_71] : memref<2016x80x128xf32, #tpu.memory_space<hbm>> -> memref<1x80x128xf32, #tpu.memory_space<hbm>>
          %dma_wait3A_73 = tpu.memref_squeeze %dma_wait3A_72 : memref<1x80x128xf32, #tpu.memory_space<hbm>> -> memref<80x128xf32, #tpu.memory_space<hbm>>
          %dma_wait3A_74 = arith.constant 0 : i32
          %dma_wait3A_75 = arith.constant 0 : i32
          %dma_wait3A_76 = tpu.memref_slice %arg2[%add3A_61, %dma_wait3A_74, %dma_wait3A_75] : memref<2016x80x128xf32, #tpu.memory_space<hbm>> -> memref<1x80x128xf32, #tpu.memory_space<hbm>>
          %dma_wait3A_77 = tpu.memref_squeeze %dma_wait3A_76 : memref<1x80x128xf32, #tpu.memory_space<hbm>> -> memref<80x128xf32, #tpu.memory_space<hbm>>
          tpu.wait_dma2 semaphore(%arg15 : memref<!tpu.dma_semaphore, #tpu.memory_space<semaphore_mem>>) src(%dma_wait3A_77 : memref<80x128xf32, #tpu.memory_space<hbm>>) dst(%arg9 : memref<80x128xf32, #tpu.memory_space<vmem>>)
          %dma_start3A_78 = arith.constant 0 : i32
          %dma_start3A_79 = arith.constant 0 : i32
          %dma_start3A_80 = tpu.memref_slice %arg7[%dma_start3A_78, %dma_start3A_79] : memref<10240x128xf32, #tpu.memory_space<vmem_shared>> -> memref<10240x128xf32, #tpu.memory_space<vmem_shared>>
          tpu.enqueue_indirect_dma source(%arg9 : memref<80x128xf32, #tpu.memory_space<vmem>>) target(%dma_start3A_80 : memref<10240x128xf32, #tpu.memory_space<vmem_shared>>) offsets(%arg13 : memref<80xi32, #tpu.memory_space<vmem>>) semaphore(%arg19 : memref<!tpu.dma_semaphore, #tpu.memory_space<semaphore_mem>>) {add = true}
        } else {
        }
      }
      %scan3A_35 = arith.constant 126 : i32
      %dma_wait3A = arith.constant 0 : i32
      %dma_wait3A_36 = arith.constant 0 : i32
      %dma_wait3A_37 = tpu.memref_slice %arg7[%dma_wait3A, %dma_wait3A_36] : memref<10240x128xf32, #tpu.memory_space<vmem_shared>> -> memref<10240x128xf32, #tpu.memory_space<vmem_shared>>
      tpu.wait_indirect_dma semaphore(%arg19 : memref<!tpu.dma_semaphore, #tpu.memory_space<semaphore_mem>>) src(%arg9 : memref<80x128xf32, #tpu.memory_space<vmem>>) dst(%dma_wait3A_37 : memref<10240x128xf32, #tpu.memory_space<vmem_shared>>)
      %dma_wait3A_38 = arith.constant 0 : i32
      %dma_wait3A_39 = arith.constant 0 : i32
      %dma_wait3A_40 = tpu.memref_slice %arg7[%dma_wait3A_38, %dma_wait3A_39] : memref<10240x128xf32, #tpu.memory_space<vmem_shared>> -> memref<10240x128xf32, #tpu.memory_space<vmem_shared>>
      tpu.wait_indirect_dma semaphore(%arg18 : memref<!tpu.dma_semaphore, #tpu.memory_space<semaphore_mem>>) src(%arg8 : memref<80x128xf32, #tpu.memory_space<vmem>>) dst(%dma_wait3A_40 : memref<10240x128xf32, #tpu.memory_space<vmem_shared>>)
    } else {
    }
    %eq3A_5 = arith.constant 1 : i32
    %eq3A_6 = arith.cmpi eq, %arg0, %eq3A_5 : i32
    %convert_element_type3A_7 = arith.extui %eq3A_6 : i1 to i32
    %cond3A_8 = arith.constant 0 : i32
    %cond3A_9 = arith.cmpi ne, %convert_element_type3A_7, %cond3A_8 : i32
    scf.if %cond3A_9 {
      "tpu.region"() ({
        %run_scoped3A = tpu.sem_alloc : memref<!tpu.dma_semaphore, #tpu.memory_space<semaphore_mem>>
        %dma_start3A_41 = arith.constant 0 : i32
        %dma_start3A_42 = arith.constant 0 : i32
        %dma_start3A_43 = tpu.memref_slice %arg5[%dma_start3A_41, %dma_start3A_42] : memref<640x128xf32, #tpu.memory_space<hbm>> -> memref<80x128xf32, #tpu.memory_space<hbm>>
        %dma_start3A_44 = arith.constant 0 : i32
        %dma_start3A_45 = arith.constant 0 : i32
        %dma_start3A_46 = tpu.memref_slice %arg5[%dma_start3A_44, %dma_start3A_45] : memref<640x128xf32, #tpu.memory_space<hbm>> -> memref<80x128xf32, #tpu.memory_space<hbm>>
        tpu.enqueue_dma source(%dma_start3A_46 : memref<80x128xf32, #tpu.memory_space<hbm>>) target(%arg8 : memref<80x128xf32, #tpu.memory_space<vmem>>) target_semaphore(%run_scoped3A : memref<!tpu.dma_semaphore, #tpu.memory_space<semaphore_mem>>)
        %dma_wait3A_47 = arith.constant 0 : i32
        %dma_wait3A_48 = arith.constant 0 : i32
        %dma_wait3A_49 = tpu.memref_slice %arg5[%dma_wait3A_47, %dma_wait3A_48] : memref<640x128xf32, #tpu.memory_space<hbm>> -> memref<80x128xf32, #tpu.memory_space<hbm>>
        %dma_wait3A_50 = arith.constant 0 : i32
        %dma_wait3A_51 = arith.constant 0 : i32
        %dma_wait3A_52 = tpu.memref_slice %arg5[%dma_wait3A_50, %dma_wait3A_51] : memref<640x128xf32, #tpu.memory_space<hbm>> -> memref<80x128xf32, #tpu.memory_space<hbm>>
        tpu.wait_dma2 semaphore(%run_scoped3A : memref<!tpu.dma_semaphore, #tpu.memory_space<semaphore_mem>>) src(%dma_wait3A_52 : memref<80x128xf32, #tpu.memory_space<hbm>>) dst(%arg8 : memref<80x128xf32, #tpu.memory_space<vmem>>)
        tpu.yield
      }) : () -> ()
      "tpu.region"() ({
        %run_scoped3A = tpu.sem_alloc : memref<!tpu.dma_semaphore, #tpu.memory_space<semaphore_mem>>
        %dma_start3A_41 = arith.constant 0 : i32
        %dma_start3A_42 = arith.constant 0 : i32
        %dma_start3A_43 = tpu.memref_slice %arg5[%dma_start3A_41, %dma_start3A_42] : memref<640x128xf32, #tpu.memory_space<hbm>> -> memref<80x128xf32, #tpu.memory_space<hbm>>
        %dma_start3A_44 = arith.constant 0 : i32
        %dma_start3A_45 = arith.constant 0 : i32
        %dma_start3A_46 = tpu.memref_slice %arg5[%dma_start3A_44, %dma_start3A_45] : memref<640x128xf32, #tpu.memory_space<hbm>> -> memref<80x128xf32, #tpu.memory_space<hbm>>
        tpu.enqueue_dma source(%dma_start3A_46 : memref<80x128xf32, #tpu.memory_space<hbm>>) target(%arg9 : memref<80x128xf32, #tpu.memory_space<vmem>>) target_semaphore(%run_scoped3A : memref<!tpu.dma_semaphore, #tpu.memory_space<semaphore_mem>>)
        %dma_wait3A_47 = arith.constant 0 : i32
        %dma_wait3A_48 = arith.constant 0 : i32
        %dma_wait3A_49 = tpu.memref_slice %arg5[%dma_wait3A_47, %dma_wait3A_48] : memref<640x128xf32, #tpu.memory_space<hbm>> -> memref<80x128xf32, #tpu.memory_space<hbm>>
        %dma_wait3A_50 = arith.constant 0 : i32
        %dma_wait3A_51 = arith.constant 0 : i32
        %dma_wait3A_52 = tpu.memref_slice %arg5[%dma_wait3A_50, %dma_wait3A_51] : memref<640x128xf32, #tpu.memory_space<hbm>> -> memref<80x128xf32, #tpu.memory_space<hbm>>
        tpu.wait_dma2 semaphore(%run_scoped3A : memref<!tpu.dma_semaphore, #tpu.memory_space<semaphore_mem>>) src(%dma_wait3A_52 : memref<80x128xf32, #tpu.memory_space<hbm>>) dst(%arg9 : memref<80x128xf32, #tpu.memory_space<vmem>>)
        tpu.yield
      }) : () -> ()
      %barrier3A_14 = arith.constant 0 : index
      tpu.barrier barrier_id(%barrier3A_14)
      %add3A = arith.constant 0 : i32
      %add3A_15 = arith.addi %mul3A_0, %add3A : i32
      %add3A_16 = arith.constant 1984 : i32
      %add3A_17 = arith.addi %add3A_16, %add3A_15 : i32
      %dma_start3A = arith.constant 0 : i32
      %dma_start3A_18 = tpu.memref_slice %arg4[%add3A_17, %dma_start3A] : memref<4000x80xi32, #tpu.memory_space<hbm>> -> memref<1x80xi32, #tpu.memory_space<hbm>>
      %dma_start3A_19 = tpu.memref_squeeze %dma_start3A_18 : memref<1x80xi32, #tpu.memory_space<hbm>> -> memref<80xi32, #tpu.memory_space<hbm>>
      %dma_start3A_20 = arith.constant 0 : i32
      %dma_start3A_21 = tpu.memref_slice %arg4[%add3A_17, %dma_start3A_20] : memref<4000x80xi32, #tpu.memory_space<hbm>> -> memref<1x80xi32, #tpu.memory_space<hbm>>
      %dma_start3A_22 = tpu.memref_squeeze %dma_start3A_21 : memref<1x80xi32, #tpu.memory_space<hbm>> -> memref<80xi32, #tpu.memory_space<hbm>>
      tpu.enqueue_dma source(%dma_start3A_22 : memref<80xi32, #tpu.memory_space<hbm>>) target(%arg12 : memref<80xi32, #tpu.memory_space<vmem>>) target_semaphore(%arg16 : memref<!tpu.dma_semaphore, #tpu.memory_space<semaphore_mem>>)
      %dma_start3A_23 = arith.constant 0 : i32
      %dma_start3A_24 = arith.constant 0 : i32
      %dma_start3A_25 = tpu.memref_slice %arg3[%add3A_15, %dma_start3A_23, %dma_start3A_24] : memref<2016x80x16xf32, #tpu.memory_space<hbm>> -> memref<1x80x16xf32, #tpu.memory_space<hbm>>
      %dma_start3A_26 = tpu.memref_squeeze %dma_start3A_25 : memref<1x80x16xf32, #tpu.memory_space<hbm>> -> memref<80x16xf32, #tpu.memory_space<hbm>>
      %dma_start3A_27 = arith.constant 0 : i32
      %dma_start3A_28 = arith.constant 0 : i32
      %dma_start3A_29 = tpu.memref_slice %arg3[%add3A_15, %dma_start3A_27, %dma_start3A_28] : memref<2016x80x16xf32, #tpu.memory_space<hbm>> -> memref<1x80x16xf32, #tpu.memory_space<hbm>>
      %dma_start3A_30 = tpu.memref_squeeze %dma_start3A_29 : memref<1x80x16xf32, #tpu.memory_space<hbm>> -> memref<80x16xf32, #tpu.memory_space<hbm>>
      tpu.enqueue_dma source(%dma_start3A_30 : memref<80x16xf32, #tpu.memory_space<hbm>>) target(%arg10 : memref<80x16xf32, #tpu.memory_space<vmem>>) target_semaphore(%arg14 : memref<!tpu.dma_semaphore, #tpu.memory_space<semaphore_mem>>)
      %scan3A = arith.constant 0 : i32
      %scan3A_31 = arith.constant 0 : i32
      %scan3A_32 = arith.constant 126 : i32
      %scan3A_33 = arith.addi %scan3A_31, %scan3A_32 : i32
      %scan3A_34 = arith.constant 1 : i32
      scf.for %scan3A_41 = %scan3A_31 to %scan3A_33 step %scan3A_34  : i32 {
        %rem3A = arith.constant 2 : i32
        %rem3A_42 = arith.remsi %scan3A_41, %rem3A : i32
        %eq3A_43 = arith.constant 0 : i32
        %eq3A_44 = arith.cmpi eq, %rem3A_42, %eq3A_43 : i32
        %convert_element_type3A_45 = arith.extui %eq3A_44 : i1 to i32
        %cond3A_46 = arith.constant 0 : i32
        %cond3A_47 = arith.cmpi ne, %convert_element_type3A_45, %cond3A_46 : i32
        scf.if %cond3A_47 {
          %add3A_55 = arith.constant 1 : i32
          %add3A_56 = arith.addi %scan3A_41, %add3A_55 : i32
          %lt3A = arith.constant 126 : i32
          %lt3A_57 = arith.cmpi slt, %add3A_56, %lt3A : i32
          %convert_element_type3A_58 = arith.extui %lt3A_57 : i1 to i32
          %cond3A_59 = arith.constant 0 : i32
          %cond3A_60 = arith.cmpi ne, %convert_element_type3A_58, %cond3A_59 : i32
          scf.if %cond3A_60 {
            %ge3A = arith.constant 1 : i32
            %ge3A_87 = arith.cmpi sge, %scan3A_41, %ge3A : i32
            %convert_element_type3A_88 = arith.extui %ge3A_87 : i1 to i32
            %cond3A_89 = arith.constant 0 : i32
            %cond3A_90 = arith.cmpi ne, %convert_element_type3A_88, %cond3A_89 : i32
            scf.if %cond3A_90 {
              %dma_wait3A_110 = arith.constant 0 : i32
              %dma_wait3A_111 = arith.constant 0 : i32
              %dma_wait3A_112 = tpu.memref_slice %arg7[%dma_wait3A_110, %dma_wait3A_111] : memref<10240x128xf32, #tpu.memory_space<vmem_shared>> -> memref<10240x128xf32, #tpu.memory_space<vmem_shared>>
              tpu.wait_indirect_dma semaphore(%arg19 : memref<!tpu.dma_semaphore, #tpu.memory_space<semaphore_mem>>) src(%arg9 : memref<80x128xf32, #tpu.memory_space<vmem>>) dst(%dma_wait3A_112 : memref<10240x128xf32, #tpu.memory_space<vmem_shared>>)
            } else {
            }
            %add3A_91 = arith.constant 1 : i32
            %add3A_92 = arith.addi %scan3A_41, %add3A_91 : i32
            %add3A_93 = arith.addi %mul3A_0, %add3A_92 : i32
            %add3A_94 = arith.constant 1984 : i32
            %add3A_95 = arith.addi %add3A_94, %add3A_93 : i32
            %dma_start3A_96 = arith.constant 0 : i32
            %dma_start3A_97 = tpu.memref_slice %arg4[%add3A_95, %dma_start3A_96] : memref<4000x80xi32, #tpu.memory_space<hbm>> -> memref<1x80xi32, #tpu.memory_space<hbm>>
            %dma_start3A_98 = tpu.memref_squeeze %dma_start3A_97 : memref<1x80xi32, #tpu.memory_space<hbm>> -> memref<80xi32, #tpu.memory_space<hbm>>
            %dma_start3A_99 = arith.constant 0 : i32
            %dma_start3A_100 = tpu.memref_slice %arg4[%add3A_95, %dma_start3A_99] : memref<4000x80xi32, #tpu.memory_space<hbm>> -> memref<1x80xi32, #tpu.memory_space<hbm>>
            %dma_start3A_101 = tpu.memref_squeeze %dma_start3A_100 : memref<1x80xi32, #tpu.memory_space<hbm>> -> memref<80xi32, #tpu.memory_space<hbm>>
            tpu.enqueue_dma source(%dma_start3A_101 : memref<80xi32, #tpu.memory_space<hbm>>) target(%arg13 : memref<80xi32, #tpu.memory_space<vmem>>) target_semaphore(%arg17 : memref<!tpu.dma_semaphore, #tpu.memory_space<semaphore_mem>>)
            %dma_start3A_102 = arith.constant 0 : i32
            %dma_start3A_103 = arith.constant 0 : i32
            %dma_start3A_104 = tpu.memref_slice %arg3[%add3A_93, %dma_start3A_102, %dma_start3A_103] : memref<2016x80x16xf32, #tpu.memory_space<hbm>> -> memref<1x80x16xf32, #tpu.memory_space<hbm>>
            %dma_start3A_105 = tpu.memref_squeeze %dma_start3A_104 : memref<1x80x16xf32, #tpu.memory_space<hbm>> -> memref<80x16xf32, #tpu.memory_space<hbm>>
            %dma_start3A_106 = arith.constant 0 : i32
            %dma_start3A_107 = arith.constant 0 : i32
            %dma_start3A_108 = tpu.memref_slice %arg3[%add3A_93, %dma_start3A_106, %dma_start3A_107] : memref<2016x80x16xf32, #tpu.memory_space<hbm>> -> memref<1x80x16xf32, #tpu.memory_space<hbm>>
            %dma_start3A_109 = tpu.memref_squeeze %dma_start3A_108 : memref<1x80x16xf32, #tpu.memory_space<hbm>> -> memref<80x16xf32, #tpu.memory_space<hbm>>
            tpu.enqueue_dma source(%dma_start3A_109 : memref<80x16xf32, #tpu.memory_space<hbm>>) target(%arg11 : memref<80x16xf32, #tpu.memory_space<vmem>>) target_semaphore(%arg15 : memref<!tpu.dma_semaphore, #tpu.memory_space<semaphore_mem>>)
          } else {
          }
          %add3A_61 = arith.addi %mul3A_0, %scan3A_41 : i32
          %add3A_62 = arith.constant 1984 : i32
          %add3A_63 = arith.addi %add3A_62, %add3A_61 : i32
          %dma_wait3A_64 = arith.constant 0 : i32
          %dma_wait3A_65 = tpu.memref_slice %arg4[%add3A_63, %dma_wait3A_64] : memref<4000x80xi32, #tpu.memory_space<hbm>> -> memref<1x80xi32, #tpu.memory_space<hbm>>
          %dma_wait3A_66 = tpu.memref_squeeze %dma_wait3A_65 : memref<1x80xi32, #tpu.memory_space<hbm>> -> memref<80xi32, #tpu.memory_space<hbm>>
          %dma_wait3A_67 = arith.constant 0 : i32
          %dma_wait3A_68 = tpu.memref_slice %arg4[%add3A_63, %dma_wait3A_67] : memref<4000x80xi32, #tpu.memory_space<hbm>> -> memref<1x80xi32, #tpu.memory_space<hbm>>
          %dma_wait3A_69 = tpu.memref_squeeze %dma_wait3A_68 : memref<1x80xi32, #tpu.memory_space<hbm>> -> memref<80xi32, #tpu.memory_space<hbm>>
          tpu.wait_dma2 semaphore(%arg16 : memref<!tpu.dma_semaphore, #tpu.memory_space<semaphore_mem>>) src(%dma_wait3A_69 : memref<80xi32, #tpu.memory_space<hbm>>) dst(%arg12 : memref<80xi32, #tpu.memory_space<vmem>>)
          %dma_wait3A_70 = arith.constant 0 : i32
          %dma_wait3A_71 = arith.constant 0 : i32
          %dma_wait3A_72 = tpu.memref_slice %arg3[%add3A_61, %dma_wait3A_70, %dma_wait3A_71] : memref<2016x80x16xf32, #tpu.memory_space<hbm>> -> memref<1x80x16xf32, #tpu.memory_space<hbm>>
          %dma_wait3A_73 = tpu.memref_squeeze %dma_wait3A_72 : memref<1x80x16xf32, #tpu.memory_space<hbm>> -> memref<80x16xf32, #tpu.memory_space<hbm>>
          %dma_wait3A_74 = arith.constant 0 : i32
          %dma_wait3A_75 = arith.constant 0 : i32
          %dma_wait3A_76 = tpu.memref_slice %arg3[%add3A_61, %dma_wait3A_74, %dma_wait3A_75] : memref<2016x80x16xf32, #tpu.memory_space<hbm>> -> memref<1x80x16xf32, #tpu.memory_space<hbm>>
          %dma_wait3A_77 = tpu.memref_squeeze %dma_wait3A_76 : memref<1x80x16xf32, #tpu.memory_space<hbm>> -> memref<80x16xf32, #tpu.memory_space<hbm>>
          tpu.wait_dma2 semaphore(%arg14 : memref<!tpu.dma_semaphore, #tpu.memory_space<semaphore_mem>>) src(%dma_wait3A_77 : memref<80x16xf32, #tpu.memory_space<hbm>>) dst(%arg10 : memref<80x16xf32, #tpu.memory_space<vmem>>)
          %scan3A_78 = arith.constant 0 : i32
          %scan3A_79 = arith.constant 0 : i32
          %scan3A_80 = arith.constant 80 : i32
          %scan3A_81 = arith.addi %scan3A_79, %scan3A_80 : i32
          %scan3A_82 = arith.constant 1 : i32
          scf.for %scan3A_87 = %scan3A_79 to %scan3A_81 step %scan3A_82  : i32 {
            %get3A = arith.index_cast %scan3A_87 : i32 to index
            %get3A_88 = arith.constant 0 : index
            %get3A_89 = tpu.vector_load %arg10[%get3A, %get3A_88] {strides = array<i32>} : memref<80x16xf32, #tpu.memory_space<vmem>>, vector<1x16xf32>,
            %get3A_90 = vector.shape_cast %get3A_89 : vector<1x16xf32> to vector<16xf32>
            %swap3A = arith.index_cast %scan3A_87 : i32 to index
            %swap3A_91 = arith.constant 0 : index
            %swap3A_92 = tpu.vector_load %arg8[%swap3A, %swap3A_91] {strides = array<i32>} : memref<80x128xf32, #tpu.memory_space<vmem>>, vector<1x16xf32>,
            %swap3A_93 = vector.shape_cast %swap3A_92 : vector<1x16xf32> to vector<16xf32>
            %swap3A_94 = vector.shape_cast %get3A_90 : vector<16xf32> to vector<1x16xf32>
            tpu.vector_store %arg8[%swap3A, %swap3A_91], %swap3A_94 {strides = array<i32>} : memref<80x128xf32, #tpu.memory_space<vmem>>, vector<1x16xf32>,
          }
          %scan3A_83 = arith.constant 80 : i32
          %dma_start3A_84 = arith.constant 0 : i32
          %dma_start3A_85 = arith.constant 0 : i32
          %dma_start3A_86 = tpu.memref_slice %arg7[%dma_start3A_84, %dma_start3A_85] : memref<10240x128xf32, #tpu.memory_space<vmem_shared>> -> memref<10240x128xf32, #tpu.memory_space<vmem_shared>>
          tpu.enqueue_indirect_dma source(%arg8 : memref<80x128xf32, #tpu.memory_space<vmem>>) target(%dma_start3A_86 : memref<10240x128xf32, #tpu.memory_space<vmem_shared>>) offsets(%arg12 : memref<80xi32, #tpu.memory_space<vmem>>) semaphore(%arg18 : memref<!tpu.dma_semaphore, #tpu.memory_space<semaphore_mem>>) {add = true}
        } else {
        }
        %rem3A_48 = arith.constant 2 : i32
        %rem3A_49 = arith.remsi %scan3A_41, %rem3A_48 : i32
        %eq3A_50 = arith.constant 1 : i32
        %eq3A_51 = arith.cmpi eq, %rem3A_49, %eq3A_50 : i32
        %convert_element_type3A_52 = arith.extui %eq3A_51 : i1 to i32
        %cond3A_53 = arith.constant 0 : i32
        %cond3A_54 = arith.cmpi ne, %convert_element_type3A_52, %cond3A_53 : i32
        scf.if %cond3A_54 {
          %add3A_55 = arith.constant 1 : i32
          %add3A_56 = arith.addi %scan3A_41, %add3A_55 : i32
          %lt3A = arith.constant 126 : i32
          %lt3A_57 = arith.cmpi slt, %add3A_56, %lt3A : i32
          %convert_element_type3A_58 = arith.extui %lt3A_57 : i1 to i32
          %cond3A_59 = arith.constant 0 : i32
          %cond3A_60 = arith.cmpi ne, %convert_element_type3A_58, %cond3A_59 : i32
          scf.if %cond3A_60 {
            %ge3A = arith.constant 1 : i32
            %ge3A_87 = arith.cmpi sge, %scan3A_41, %ge3A : i32
            %convert_element_type3A_88 = arith.extui %ge3A_87 : i1 to i32
            %cond3A_89 = arith.constant 0 : i32
            %cond3A_90 = arith.cmpi ne, %convert_element_type3A_88, %cond3A_89 : i32
            scf.if %cond3A_90 {
              %dma_wait3A_110 = arith.constant 0 : i32
              %dma_wait3A_111 = arith.constant 0 : i32
              %dma_wait3A_112 = tpu.memref_slice %arg7[%dma_wait3A_110, %dma_wait3A_111] : memref<10240x128xf32, #tpu.memory_space<vmem_shared>> -> memref<10240x128xf32, #tpu.memory_space<vmem_shared>>
              tpu.wait_indirect_dma semaphore(%arg18 : memref<!tpu.dma_semaphore, #tpu.memory_space<semaphore_mem>>) src(%arg8 : memref<80x128xf32, #tpu.memory_space<vmem>>) dst(%dma_wait3A_112 : memref<10240x128xf32, #tpu.memory_space<vmem_shared>>)
            } else {
            }
            %add3A_91 = arith.constant 1 : i32
            %add3A_92 = arith.addi %scan3A_41, %add3A_91 : i32
            %add3A_93 = arith.addi %mul3A_0, %add3A_92 : i32
            %add3A_94 = arith.constant 1984 : i32
            %add3A_95 = arith.addi %add3A_94, %add3A_93 : i32
            %dma_start3A_96 = arith.constant 0 : i32
            %dma_start3A_97 = tpu.memref_slice %arg4[%add3A_95, %dma_start3A_96] : memref<4000x80xi32, #tpu.memory_space<hbm>> -> memref<1x80xi32, #tpu.memory_space<hbm>>
            %dma_start3A_98 = tpu.memref_squeeze %dma_start3A_97 : memref<1x80xi32, #tpu.memory_space<hbm>> -> memref<80xi32, #tpu.memory_space<hbm>>
            %dma_start3A_99 = arith.constant 0 : i32
            %dma_start3A_100 = tpu.memref_slice %arg4[%add3A_95, %dma_start3A_99] : memref<4000x80xi32, #tpu.memory_space<hbm>> -> memref<1x80xi32, #tpu.memory_space<hbm>>
            %dma_start3A_101 = tpu.memref_squeeze %dma_start3A_100 : memref<1x80xi32, #tpu.memory_space<hbm>> -> memref<80xi32, #tpu.memory_space<hbm>>
            tpu.enqueue_dma source(%dma_start3A_101 : memref<80xi32, #tpu.memory_space<hbm>>) target(%arg12 : memref<80xi32, #tpu.memory_space<vmem>>) target_semaphore(%arg16 : memref<!tpu.dma_semaphore, #tpu.memory_space<semaphore_mem>>)
            %dma_start3A_102 = arith.constant 0 : i32
            %dma_start3A_103 = arith.constant 0 : i32
            %dma_start3A_104 = tpu.memref_slice %arg3[%add3A_93, %dma_start3A_102, %dma_start3A_103] : memref<2016x80x16xf32, #tpu.memory_space<hbm>> -> memref<1x80x16xf32, #tpu.memory_space<hbm>>
            %dma_start3A_105 = tpu.memref_squeeze %dma_start3A_104 : memref<1x80x16xf32, #tpu.memory_space<hbm>> -> memref<80x16xf32, #tpu.memory_space<hbm>>
            %dma_start3A_106 = arith.constant 0 : i32
            %dma_start3A_107 = arith.constant 0 : i32
            %dma_start3A_108 = tpu.memref_slice %arg3[%add3A_93, %dma_start3A_106, %dma_start3A_107] : memref<2016x80x16xf32, #tpu.memory_space<hbm>> -> memref<1x80x16xf32, #tpu.memory_space<hbm>>
            %dma_start3A_109 = tpu.memref_squeeze %dma_start3A_108 : memref<1x80x16xf32, #tpu.memory_space<hbm>> -> memref<80x16xf32, #tpu.memory_space<hbm>>
            tpu.enqueue_dma source(%dma_start3A_109 : memref<80x16xf32, #tpu.memory_space<hbm>>) target(%arg10 : memref<80x16xf32, #tpu.memory_space<vmem>>) target_semaphore(%arg14 : memref<!tpu.dma_semaphore, #tpu.memory_space<semaphore_mem>>)
          } else {
          }
          %add3A_61 = arith.addi %mul3A_0, %scan3A_41 : i32
          %add3A_62 = arith.constant 1984 : i32
          %add3A_63 = arith.addi %add3A_62, %add3A_61 : i32
          %dma_wait3A_64 = arith.constant 0 : i32
          %dma_wait3A_65 = tpu.memref_slice %arg4[%add3A_63, %dma_wait3A_64] : memref<4000x80xi32, #tpu.memory_space<hbm>> -> memref<1x80xi32, #tpu.memory_space<hbm>>
          %dma_wait3A_66 = tpu.memref_squeeze %dma_wait3A_65 : memref<1x80xi32, #tpu.memory_space<hbm>> -> memref<80xi32, #tpu.memory_space<hbm>>
          %dma_wait3A_67 = arith.constant 0 : i32
          %dma_wait3A_68 = tpu.memref_slice %arg4[%add3A_63, %dma_wait3A_67] : memref<4000x80xi32, #tpu.memory_space<hbm>> -> memref<1x80xi32, #tpu.memory_space<hbm>>
          %dma_wait3A_69 = tpu.memref_squeeze %dma_wait3A_68 : memref<1x80xi32, #tpu.memory_space<hbm>> -> memref<80xi32, #tpu.memory_space<hbm>>
          tpu.wait_dma2 semaphore(%arg17 : memref<!tpu.dma_semaphore, #tpu.memory_space<semaphore_mem>>) src(%dma_wait3A_69 : memref<80xi32, #tpu.memory_space<hbm>>) dst(%arg13 : memref<80xi32, #tpu.memory_space<vmem>>)
          %dma_wait3A_70 = arith.constant 0 : i32
          %dma_wait3A_71 = arith.constant 0 : i32
          %dma_wait3A_72 = tpu.memref_slice %arg3[%add3A_61, %dma_wait3A_70, %dma_wait3A_71] : memref<2016x80x16xf32, #tpu.memory_space<hbm>> -> memref<1x80x16xf32, #tpu.memory_space<hbm>>
          %dma_wait3A_73 = tpu.memref_squeeze %dma_wait3A_72 : memref<1x80x16xf32, #tpu.memory_space<hbm>> -> memref<80x16xf32, #tpu.memory_space<hbm>>
          %dma_wait3A_74 = arith.constant 0 : i32
          %dma_wait3A_75 = arith.constant 0 : i32
          %dma_wait3A_76 = tpu.memref_slice %arg3[%add3A_61, %dma_wait3A_74, %dma_wait3A_75] : memref<2016x80x16xf32, #tpu.memory_space<hbm>> -> memref<1x80x16xf32, #tpu.memory_space<hbm>>
          %dma_wait3A_77 = tpu.memref_squeeze %dma_wait3A_76 : memref<1x80x16xf32, #tpu.memory_space<hbm>> -> memref<80x16xf32, #tpu.memory_space<hbm>>
          tpu.wait_dma2 semaphore(%arg15 : memref<!tpu.dma_semaphore, #tpu.memory_space<semaphore_mem>>) src(%dma_wait3A_77 : memref<80x16xf32, #tpu.memory_space<hbm>>) dst(%arg11 : memref<80x16xf32, #tpu.memory_space<vmem>>)
          %scan3A_78 = arith.constant 0 : i32
          %scan3A_79 = arith.constant 0 : i32
          %scan3A_80 = arith.constant 80 : i32
          %scan3A_81 = arith.addi %scan3A_79, %scan3A_80 : i32
          %scan3A_82 = arith.constant 1 : i32
          scf.for %scan3A_87 = %scan3A_79 to %scan3A_81 step %scan3A_82  : i32 {
            %get3A = arith.index_cast %scan3A_87 : i32 to index
            %get3A_88 = arith.constant 0 : index
            %get3A_89 = tpu.vector_load %arg11[%get3A, %get3A_88] {strides = array<i32>} : memref<80x16xf32, #tpu.memory_space<vmem>>, vector<1x16xf32>,
            %get3A_90 = vector.shape_cast %get3A_89 : vector<1x16xf32> to vector<16xf32>
            %swap3A = arith.index_cast %scan3A_87 : i32 to index
            %swap3A_91 = arith.constant 0 : index
            %swap3A_92 = tpu.vector_load %arg9[%swap3A, %swap3A_91] {strides = array<i32>} : memref<80x128xf32, #tpu.memory_space<vmem>>, vector<1x16xf32>,
            %swap3A_93 = vector.shape_cast %swap3A_92 : vector<1x16xf32> to vector<16xf32>
            %swap3A_94 = vector.shape_cast %get3A_90 : vector<16xf32> to vector<1x16xf32>
            tpu.vector_store %arg9[%swap3A, %swap3A_91], %swap3A_94 {strides = array<i32>} : memref<80x128xf32, #tpu.memory_space<vmem>>, vector<1x16xf32>,
          }
          %scan3A_83 = arith.constant 80 : i32
          %dma_start3A_84 = arith.constant 0 : i32
          %dma_start3A_85 = arith.constant 0 : i32
          %dma_start3A_86 = tpu.memref_slice %arg7[%dma_start3A_84, %dma_start3A_85] : memref<10240x128xf32, #tpu.memory_space<vmem_shared>> -> memref<10240x128xf32, #tpu.memory_space<vmem_shared>>
          tpu.enqueue_indirect_dma source(%arg9 : memref<80x128xf32, #tpu.memory_space<vmem>>) target(%dma_start3A_86 : memref<10240x128xf32, #tpu.memory_space<vmem_shared>>) offsets(%arg13 : memref<80xi32, #tpu.memory_space<vmem>>) semaphore(%arg19 : memref<!tpu.dma_semaphore, #tpu.memory_space<semaphore_mem>>) {add = true}
        } else {
        }
      }
      %scan3A_35 = arith.constant 126 : i32
      %dma_wait3A = arith.constant 0 : i32
      %dma_wait3A_36 = arith.constant 0 : i32
      %dma_wait3A_37 = tpu.memref_slice %arg7[%dma_wait3A, %dma_wait3A_36] : memref<10240x128xf32, #tpu.memory_space<vmem_shared>> -> memref<10240x128xf32, #tpu.memory_space<vmem_shared>>
      tpu.wait_indirect_dma semaphore(%arg19 : memref<!tpu.dma_semaphore, #tpu.memory_space<semaphore_mem>>) src(%arg9 : memref<80x128xf32, #tpu.memory_space<vmem>>) dst(%dma_wait3A_37 : memref<10240x128xf32, #tpu.memory_space<vmem_shared>>)
      %dma_wait3A_38 = arith.constant 0 : i32
      %dma_wait3A_39 = arith.constant 0 : i32
      %dma_wait3A_40 = tpu.memref_slice %arg7[%dma_wait3A_38, %dma_wait3A_39] : memref<10240x128xf32, #tpu.memory_space<vmem_shared>> -> memref<10240x128xf32, #tpu.memory_space<vmem_shared>>
      tpu.wait_indirect_dma semaphore(%arg18 : memref<!tpu.dma_semaphore, #tpu.memory_space<semaphore_mem>>) src(%arg8 : memref<80x128xf32, #tpu.memory_space<vmem>>) dst(%dma_wait3A_40 : memref<10240x128xf32, #tpu.memory_space<vmem_shared>>)
    } else {
    }
    %barrier3A = arith.constant 0 : index
    tpu.barrier barrier_id(%barrier3A)
    %mul3A_10 = arith.constant 640 : i32
    %mul3A_11 = arith.muli %arg1, %mul3A_10 : i32
    %mul3A_12 = arith.constant 640 : i32
    %mul3A_13 = arith.muli %arg1, %mul3A_12 : i32
    "tpu.region"() ({
      %run_scoped3A = tpu.sem_alloc : memref<!tpu.dma_semaphore, #tpu.memory_space<semaphore_mem>>
      %dma_start3A = arith.constant 0 : i32
      %dma_start3A_14 = tpu.memref_slice %arg6[%arg0, %mul3A_13, %dma_start3A] : memref<2x10240x128xf32, #tpu.memory_space<hbm>> -> memref<1x640x128xf32, #tpu.memory_space<hbm>>
      %dma_start3A_15 = tpu.memref_squeeze %dma_start3A_14 : memref<1x640x128xf32, #tpu.memory_space<hbm>> -> memref<640x128xf32, #tpu.memory_space<hbm>>
      %dma_start3A_16 = arith.constant 0 : i32
      %dma_start3A_17 = tpu.memref_slice %arg7[%mul3A_11, %dma_start3A_16] : memref<10240x128xf32, #tpu.memory_space<vmem_shared>> -> memref<640x128xf32, #tpu.memory_space<vmem_shared>>
      tpu.enqueue_dma source(%dma_start3A_17 : memref<640x128xf32, #tpu.memory_space<vmem_shared>>) target(%dma_start3A_15 : memref<640x128xf32, #tpu.memory_space<hbm>>) target_semaphore(%run_scoped3A : memref<!tpu.dma_semaphore, #tpu.memory_space<semaphore_mem>>)
      %dma_wait3A = arith.constant 0 : i32
      %dma_wait3A_18 = tpu.memref_slice %arg6[%arg0, %mul3A_13, %dma_wait3A] : memref<2x10240x128xf32, #tpu.memory_space<hbm>> -> memref<1x640x128xf32, #tpu.memory_space<hbm>>
      %dma_wait3A_19 = tpu.memref_squeeze %dma_wait3A_18 : memref<1x640x128xf32, #tpu.memory_space<hbm>> -> memref<640x128xf32, #tpu.memory_space<hbm>>
      %dma_wait3A_20 = arith.constant 0 : i32
      %dma_wait3A_21 = tpu.memref_slice %arg7[%mul3A_11, %dma_wait3A_20] : memref<10240x128xf32, #tpu.memory_space<vmem_shared>> -> memref<640x128xf32, #tpu.memory_space<vmem_shared>>
      tpu.wait_dma2 semaphore(%run_scoped3A : memref<!tpu.dma_semaphore, #tpu.memory_space<semaphore_mem>>) src(%dma_wait3A_21 : memref<640x128xf32, #tpu.memory_space<vmem_shared>>) dst(%dma_wait3A_19 : memref<640x128xf32, #tpu.memory_space<hbm>>)
      tpu.yield
    }) : () -> ()
    return
  }
}

#map = affine_map<(d0, d1) -> (0, 0)>
#map1 = affine_map<(d0, d1) -> (0, 0, 0)>
module attributes {stable_mosaic.version = 14 : i64} {
  func.func @k(%arg0: i32, %arg1: i32, %arg2: memref<10000x128xf32, #tpu.memory_space<hbm>>, %arg3: memref<10000x128xf32, #tpu.memory_space<hbm>>, %arg4: memref<10000x128xf32, #tpu.memory_space<hbm>>, %arg5: memref<4000x80xi32, #tpu.memory_space<hbm>>, %arg6: memref<4000x80xi32, #tpu.memory_space<hbm>>, %arg7: memref<2016x80x128xf32, #tpu.memory_space<hbm>>, %arg8: memref<2016x80x128xf32, #tpu.memory_space<hbm>>, %arg9: memref<2016x80x128xf32, #tpu.memory_space<hbm>>, %arg10: memref<80xi32, #tpu.memory_space<vmem>>, %arg11: memref<80xi32, #tpu.memory_space<vmem>>, %arg12: memref<80xi32, #tpu.memory_space<vmem>>, %arg13: memref<80xi32, #tpu.memory_space<vmem>>, %arg14: memref<80x128xf32, #tpu.memory_space<vmem>>, %arg15: memref<80x128xf32, #tpu.memory_space<vmem>>, %arg16: memref<80x128xf32, #tpu.memory_space<vmem>>, %arg17: memref<80x128xf32, #tpu.memory_space<vmem>>, %arg18: memref<80x128xf32, #tpu.memory_space<vmem>>, %arg19: memref<80x128xf32, #tpu.memory_space<vmem>>, %arg20: memref<!tpu.dma_semaphore, #tpu.memory_space<semaphore_mem>>, %arg21: memref<!tpu.dma_semaphore, #tpu.memory_space<semaphore_mem>>, %arg22: memref<!tpu.dma_semaphore, #tpu.memory_space<semaphore_mem>>, %arg23: memref<!tpu.dma_semaphore, #tpu.memory_space<semaphore_mem>>, %arg24: memref<!tpu.dma_semaphore, #tpu.memory_space<semaphore_mem>>, %arg25: memref<!tpu.dma_semaphore, #tpu.memory_space<semaphore_mem>>, %arg26: memref<!tpu.dma_semaphore, #tpu.memory_space<semaphore_mem>>, %arg27: memref<!tpu.dma_semaphore, #tpu.memory_space<semaphore_mem>>, %arg28: memref<!tpu.dma_semaphore, #tpu.memory_space<semaphore_mem>>, %arg29: memref<!tpu.dma_semaphore, #tpu.memory_space<semaphore_mem>>, %arg30: memref<!tpu.dma_semaphore, #tpu.memory_space<semaphore_mem>>, %arg31: memref<!tpu.dma_semaphore, #tpu.memory_space<semaphore_mem>>, %arg32: memref<!tpu.dma_semaphore, #tpu.memory_space<semaphore_mem>>, %arg33: memref<!tpu.dma_semaphore, #tpu.memory_space<semaphore_mem>>, %arg34: memref<!tpu.dma_semaphore, #tpu.memory_space<semaphore_mem>>, %arg35: memref<!tpu.dma_semaphore, #tpu.memory_space<semaphore_mem>>) attributes {dimension_semantics = [#tpu.dimension_semantics<core_parallel>, #tpu.dimension_semantics<subcore_parallel>], iteration_bounds = array<i64: 2, 16>, scalar_prefetch = 0 : i64, scratch_operands = 26 : i64, tpu.core_type = #tpu.core_type<sc_vector_subcore>, window_params = [{transform_indices = #map}, {transform_indices = #map}, {transform_indices = #map}, {transform_indices = #map}, {transform_indices = #map}, {transform_indices = #map1}, {transform_indices = #map1}, {transform_indices = #map1}]} {
    %mul3A = arith.constant 2 : i32
    %mul3A_0 = arith.muli %arg1, %mul3A : i32
    %add3A = arith.addi %mul3A_0, %arg0 : i32
    %mul3A_1 = arith.constant 63 : i32
    %mul3A_2 = arith.muli %add3A, %mul3A_1 : i32
    %add3A_3 = arith.constant 1984 : i32
    %add3A_4 = arith.addi %add3A_3, %mul3A_2 : i32
    %add3A_5 = arith.constant 0 : i32
    %add3A_6 = arith.addi %add3A_4, %add3A_5 : i32
    %dma_start3A = arith.constant 0 : i32
    %dma_start3A_7 = tpu.memref_slice %arg5[%add3A_6, %dma_start3A] : memref<4000x80xi32, #tpu.memory_space<hbm>> -> memref<1x80xi32, #tpu.memory_space<hbm>>
    %dma_start3A_8 = tpu.memref_squeeze %dma_start3A_7 : memref<1x80xi32, #tpu.memory_space<hbm>> -> memref<80xi32, #tpu.memory_space<hbm>>
    %dma_start3A_9 = arith.constant 0 : i32
    %dma_start3A_10 = tpu.memref_slice %arg5[%add3A_6, %dma_start3A_9] : memref<4000x80xi32, #tpu.memory_space<hbm>> -> memref<1x80xi32, #tpu.memory_space<hbm>>
    %dma_start3A_11 = tpu.memref_squeeze %dma_start3A_10 : memref<1x80xi32, #tpu.memory_space<hbm>> -> memref<80xi32, #tpu.memory_space<hbm>>
    tpu.enqueue_dma source(%dma_start3A_11 : memref<80xi32, #tpu.memory_space<hbm>>) target(%arg10 : memref<80xi32, #tpu.memory_space<vmem>>) target_semaphore(%arg20 : memref<!tpu.dma_semaphore, #tpu.memory_space<semaphore_mem>>)
    %dma_start3A_12 = arith.constant 0 : i32
    %dma_start3A_13 = tpu.memref_slice %arg6[%add3A_6, %dma_start3A_12] : memref<4000x80xi32, #tpu.memory_space<hbm>> -> memref<1x80xi32, #tpu.memory_space<hbm>>
    %dma_start3A_14 = tpu.memref_squeeze %dma_start3A_13 : memref<1x80xi32, #tpu.memory_space<hbm>> -> memref<80xi32, #tpu.memory_space<hbm>>
    %dma_start3A_15 = arith.constant 0 : i32
    %dma_start3A_16 = tpu.memref_slice %arg6[%add3A_6, %dma_start3A_15] : memref<4000x80xi32, #tpu.memory_space<hbm>> -> memref<1x80xi32, #tpu.memory_space<hbm>>
    %dma_start3A_17 = tpu.memref_squeeze %dma_start3A_16 : memref<1x80xi32, #tpu.memory_space<hbm>> -> memref<80xi32, #tpu.memory_space<hbm>>
    tpu.enqueue_dma source(%dma_start3A_17 : memref<80xi32, #tpu.memory_space<hbm>>) target(%arg11 : memref<80xi32, #tpu.memory_space<vmem>>) target_semaphore(%arg21 : memref<!tpu.dma_semaphore, #tpu.memory_space<semaphore_mem>>)
    %add3A_18 = arith.constant 1984 : i32
    %add3A_19 = arith.addi %add3A_18, %mul3A_2 : i32
    %add3A_20 = arith.constant 0 : i32
    %add3A_21 = arith.addi %add3A_19, %add3A_20 : i32
    %dma_wait3A = arith.constant 0 : i32
    %dma_wait3A_22 = tpu.memref_slice %arg5[%add3A_21, %dma_wait3A] : memref<4000x80xi32, #tpu.memory_space<hbm>> -> memref<1x80xi32, #tpu.memory_space<hbm>>
    %dma_wait3A_23 = tpu.memref_squeeze %dma_wait3A_22 : memref<1x80xi32, #tpu.memory_space<hbm>> -> memref<80xi32, #tpu.memory_space<hbm>>
    %dma_wait3A_24 = arith.constant 0 : i32
    %dma_wait3A_25 = tpu.memref_slice %arg5[%add3A_21, %dma_wait3A_24] : memref<4000x80xi32, #tpu.memory_space<hbm>> -> memref<1x80xi32, #tpu.memory_space<hbm>>
    %dma_wait3A_26 = tpu.memref_squeeze %dma_wait3A_25 : memref<1x80xi32, #tpu.memory_space<hbm>> -> memref<80xi32, #tpu.memory_space<hbm>>
    tpu.wait_dma2 semaphore(%arg20 : memref<!tpu.dma_semaphore, #tpu.memory_space<semaphore_mem>>) src(%dma_wait3A_26 : memref<80xi32, #tpu.memory_space<hbm>>) dst(%arg10 : memref<80xi32, #tpu.memory_space<vmem>>)
    %dma_wait3A_27 = arith.constant 0 : i32
    %dma_wait3A_28 = tpu.memref_slice %arg6[%add3A_21, %dma_wait3A_27] : memref<4000x80xi32, #tpu.memory_space<hbm>> -> memref<1x80xi32, #tpu.memory_space<hbm>>
    %dma_wait3A_29 = tpu.memref_squeeze %dma_wait3A_28 : memref<1x80xi32, #tpu.memory_space<hbm>> -> memref<80xi32, #tpu.memory_space<hbm>>
    %dma_wait3A_30 = arith.constant 0 : i32
    %dma_wait3A_31 = tpu.memref_slice %arg6[%add3A_21, %dma_wait3A_30] : memref<4000x80xi32, #tpu.memory_space<hbm>> -> memref<1x80xi32, #tpu.memory_space<hbm>>
    %dma_wait3A_32 = tpu.memref_squeeze %dma_wait3A_31 : memref<1x80xi32, #tpu.memory_space<hbm>> -> memref<80xi32, #tpu.memory_space<hbm>>
    tpu.wait_dma2 semaphore(%arg21 : memref<!tpu.dma_semaphore, #tpu.memory_space<semaphore_mem>>) src(%dma_wait3A_32 : memref<80xi32, #tpu.memory_space<hbm>>) dst(%arg11 : memref<80xi32, #tpu.memory_space<vmem>>)
    %dma_start3A_33 = arith.constant 0 : i32
    %dma_start3A_34 = arith.constant 0 : i32
    %dma_start3A_35 = tpu.memref_slice %arg2[%dma_start3A_33, %dma_start3A_34] : memref<10000x128xf32, #tpu.memory_space<hbm>> -> memref<10000x128xf32, #tpu.memory_space<hbm>>
    tpu.enqueue_indirect_dma source(%dma_start3A_35 : memref<10000x128xf32, #tpu.memory_space<hbm>>) target(%arg14 : memref<80x128xf32, #tpu.memory_space<vmem>>) offsets(%arg10 : memref<80xi32, #tpu.memory_space<vmem>>) semaphore(%arg24 : memref<!tpu.dma_semaphore, #tpu.memory_space<semaphore_mem>>)
    %dma_start3A_36 = arith.constant 0 : i32
    %dma_start3A_37 = arith.constant 0 : i32
    %dma_start3A_38 = tpu.memref_slice %arg3[%dma_start3A_36, %dma_start3A_37] : memref<10000x128xf32, #tpu.memory_space<hbm>> -> memref<10000x128xf32, #tpu.memory_space<hbm>>
    tpu.enqueue_indirect_dma source(%dma_start3A_38 : memref<10000x128xf32, #tpu.memory_space<hbm>>) target(%arg15 : memref<80x128xf32, #tpu.memory_space<vmem>>) offsets(%arg11 : memref<80xi32, #tpu.memory_space<vmem>>) semaphore(%arg25 : memref<!tpu.dma_semaphore, #tpu.memory_space<semaphore_mem>>)
    %dma_start3A_39 = arith.constant 0 : i32
    %dma_start3A_40 = arith.constant 0 : i32
    %dma_start3A_41 = tpu.memref_slice %arg4[%dma_start3A_39, %dma_start3A_40] : memref<10000x128xf32, #tpu.memory_space<hbm>> -> memref<10000x128xf32, #tpu.memory_space<hbm>>
    tpu.enqueue_indirect_dma source(%dma_start3A_41 : memref<10000x128xf32, #tpu.memory_space<hbm>>) target(%arg16 : memref<80x128xf32, #tpu.memory_space<vmem>>) offsets(%arg11 : memref<80xi32, #tpu.memory_space<vmem>>) semaphore(%arg26 : memref<!tpu.dma_semaphore, #tpu.memory_space<semaphore_mem>>)
    %add3A_42 = arith.constant 1984 : i32
    %add3A_43 = arith.addi %add3A_42, %mul3A_2 : i32
    %add3A_44 = arith.constant 1 : i32
    %add3A_45 = arith.addi %add3A_43, %add3A_44 : i32
    %dma_start3A_46 = arith.constant 0 : i32
    %dma_start3A_47 = tpu.memref_slice %arg5[%add3A_45, %dma_start3A_46] : memref<4000x80xi32, #tpu.memory_space<hbm>> -> memref<1x80xi32, #tpu.memory_space<hbm>>
    %dma_start3A_48 = tpu.memref_squeeze %dma_start3A_47 : memref<1x80xi32, #tpu.memory_space<hbm>> -> memref<80xi32, #tpu.memory_space<hbm>>
    %dma_start3A_49 = arith.constant 0 : i32
    %dma_start3A_50 = tpu.memref_slice %arg5[%add3A_45, %dma_start3A_49] : memref<4000x80xi32, #tpu.memory_space<hbm>> -> memref<1x80xi32, #tpu.memory_space<hbm>>
    %dma_start3A_51 = tpu.memref_squeeze %dma_start3A_50 : memref<1x80xi32, #tpu.memory_space<hbm>> -> memref<80xi32, #tpu.memory_space<hbm>>
    tpu.enqueue_dma source(%dma_start3A_51 : memref<80xi32, #tpu.memory_space<hbm>>) target(%arg12 : memref<80xi32, #tpu.memory_space<vmem>>) target_semaphore(%arg22 : memref<!tpu.dma_semaphore, #tpu.memory_space<semaphore_mem>>)
    %dma_start3A_52 = arith.constant 0 : i32
    %dma_start3A_53 = tpu.memref_slice %arg6[%add3A_45, %dma_start3A_52] : memref<4000x80xi32, #tpu.memory_space<hbm>> -> memref<1x80xi32, #tpu.memory_space<hbm>>
    %dma_start3A_54 = tpu.memref_squeeze %dma_start3A_53 : memref<1x80xi32, #tpu.memory_space<hbm>> -> memref<80xi32, #tpu.memory_space<hbm>>
    %dma_start3A_55 = arith.constant 0 : i32
    %dma_start3A_56 = tpu.memref_slice %arg6[%add3A_45, %dma_start3A_55] : memref<4000x80xi32, #tpu.memory_space<hbm>> -> memref<1x80xi32, #tpu.memory_space<hbm>>
    %dma_start3A_57 = tpu.memref_squeeze %dma_start3A_56 : memref<1x80xi32, #tpu.memory_space<hbm>> -> memref<80xi32, #tpu.memory_space<hbm>>
    tpu.enqueue_dma source(%dma_start3A_57 : memref<80xi32, #tpu.memory_space<hbm>>) target(%arg13 : memref<80xi32, #tpu.memory_space<vmem>>) target_semaphore(%arg23 : memref<!tpu.dma_semaphore, #tpu.memory_space<semaphore_mem>>)
    %scan3A = arith.constant 0 : i32
    %scan3A_58 = arith.constant 0 : i32
    %scan3A_59 = arith.constant 63 : i32
    %scan3A_60 = arith.addi %scan3A_58, %scan3A_59 : i32
    %scan3A_61 = arith.constant 1 : i32
    scf.for %scan3A_115 = %scan3A_58 to %scan3A_60 step %scan3A_61  : i32 {
      %rem3A = arith.constant 2 : i32
      %rem3A_116 = arith.remsi %scan3A_115, %rem3A : i32
      %eq3A = arith.constant 0 : i32
      %eq3A_117 = arith.cmpi eq, %rem3A_116, %eq3A : i32
      %convert_element_type3A = arith.extui %eq3A_117 : i1 to i32
      %cond3A = arith.constant 0 : i32
      %cond3A_118 = arith.cmpi ne, %convert_element_type3A, %cond3A : i32
      scf.if %cond3A_118 {
        %add3A_126 = arith.constant 1 : i32
        %add3A_127 = arith.addi %scan3A_115, %add3A_126 : i32
        %lt3A = arith.constant 63 : i32
        %lt3A_128 = arith.cmpi slt, %add3A_127, %lt3A : i32
        %convert_element_type3A_129 = arith.extui %lt3A_128 : i1 to i32
        %cond3A_130 = arith.constant 0 : i32
        %cond3A_131 = arith.cmpi ne, %convert_element_type3A_129, %cond3A_130 : i32
        scf.if %cond3A_131 {
          %ge3A = arith.constant 1 : i32
          %ge3A_173 = arith.cmpi sge, %scan3A_115, %ge3A : i32
          %convert_element_type3A_174 = arith.extui %ge3A_173 : i1 to i32
          %cond3A_175 = arith.constant 0 : i32
          %cond3A_176 = arith.cmpi ne, %convert_element_type3A_174, %cond3A_175 : i32
          scf.if %cond3A_176 {
            %sub3A = arith.constant 1 : i32
            %sub3A_205 = arith.subi %scan3A_115, %sub3A : i32
            %add3A_206 = arith.addi %mul3A_2, %sub3A_205 : i32
            %dma_wait3A_207 = arith.constant 0 : i32
            %dma_wait3A_208 = arith.constant 0 : i32
            %dma_wait3A_209 = tpu.memref_slice %arg7[%add3A_206, %dma_wait3A_207, %dma_wait3A_208] : memref<2016x80x128xf32, #tpu.memory_space<hbm>> -> memref<1x80x128xf32, #tpu.memory_space<hbm>>
            %dma_wait3A_210 = tpu.memref_squeeze %dma_wait3A_209 : memref<1x80x128xf32, #tpu.memory_space<hbm>> -> memref<80x128xf32, #tpu.memory_space<hbm>>
            %dma_wait3A_211 = arith.constant 0 : i32
            %dma_wait3A_212 = arith.constant 0 : i32
            %dma_wait3A_213 = tpu.memref_slice %arg7[%add3A_206, %dma_wait3A_211, %dma_wait3A_212] : memref<2016x80x128xf32, #tpu.memory_space<hbm>> -> memref<1x80x128xf32, #tpu.memory_space<hbm>>
            %dma_wait3A_214 = tpu.memref_squeeze %dma_wait3A_213 : memref<1x80x128xf32, #tpu.memory_space<hbm>> -> memref<80x128xf32, #tpu.memory_space<hbm>>
            tpu.wait_dma2 semaphore(%arg33 : memref<!tpu.dma_semaphore, #tpu.memory_space<semaphore_mem>>) src(%arg17 : memref<80x128xf32, #tpu.memory_space<vmem>>) dst(%dma_wait3A_214 : memref<80x128xf32, #tpu.memory_space<hbm>>)
            %dma_wait3A_215 = arith.constant 0 : i32
            %dma_wait3A_216 = arith.constant 0 : i32
            %dma_wait3A_217 = tpu.memref_slice %arg8[%add3A_206, %dma_wait3A_215, %dma_wait3A_216] : memref<2016x80x128xf32, #tpu.memory_space<hbm>> -> memref<1x80x128xf32, #tpu.memory_space<hbm>>
            %dma_wait3A_218 = tpu.memref_squeeze %dma_wait3A_217 : memref<1x80x128xf32, #tpu.memory_space<hbm>> -> memref<80x128xf32, #tpu.memory_space<hbm>>
            %dma_wait3A_219 = arith.constant 0 : i32
            %dma_wait3A_220 = arith.constant 0 : i32
            %dma_wait3A_221 = tpu.memref_slice %arg8[%add3A_206, %dma_wait3A_219, %dma_wait3A_220] : memref<2016x80x128xf32, #tpu.memory_space<hbm>> -> memref<1x80x128xf32, #tpu.memory_space<hbm>>
            %dma_wait3A_222 = tpu.memref_squeeze %dma_wait3A_221 : memref<1x80x128xf32, #tpu.memory_space<hbm>> -> memref<80x128xf32, #tpu.memory_space<hbm>>
            tpu.wait_dma2 semaphore(%arg34 : memref<!tpu.dma_semaphore, #tpu.memory_space<semaphore_mem>>) src(%arg18 : memref<80x128xf32, #tpu.memory_space<vmem>>) dst(%dma_wait3A_222 : memref<80x128xf32, #tpu.memory_space<hbm>>)
            %dma_wait3A_223 = arith.constant 0 : i32
            %dma_wait3A_224 = arith.constant 0 : i32
            %dma_wait3A_225 = tpu.memref_slice %arg9[%add3A_206, %dma_wait3A_223, %dma_wait3A_224] : memref<2016x80x128xf32, #tpu.memory_space<hbm>> -> memref<1x80x128xf32, #tpu.memory_space<hbm>>
            %dma_wait3A_226 = tpu.memref_squeeze %dma_wait3A_225 : memref<1x80x128xf32, #tpu.memory_space<hbm>> -> memref<80x128xf32, #tpu.memory_space<hbm>>
            %dma_wait3A_227 = arith.constant 0 : i32
            %dma_wait3A_228 = arith.constant 0 : i32
            %dma_wait3A_229 = tpu.memref_slice %arg9[%add3A_206, %dma_wait3A_227, %dma_wait3A_228] : memref<2016x80x128xf32, #tpu.memory_space<hbm>> -> memref<1x80x128xf32, #tpu.memory_space<hbm>>
            %dma_wait3A_230 = tpu.memref_squeeze %dma_wait3A_229 : memref<1x80x128xf32, #tpu.memory_space<hbm>> -> memref<80x128xf32, #tpu.memory_space<hbm>>
            tpu.wait_dma2 semaphore(%arg35 : memref<!tpu.dma_semaphore, #tpu.memory_space<semaphore_mem>>) src(%arg19 : memref<80x128xf32, #tpu.memory_space<vmem>>) dst(%dma_wait3A_230 : memref<80x128xf32, #tpu.memory_space<hbm>>)
          } else {
          }
          %add3A_177 = arith.constant 1 : i32
          %add3A_178 = arith.addi %scan3A_115, %add3A_177 : i32
          %add3A_179 = arith.constant 1984 : i32
          %add3A_180 = arith.addi %add3A_179, %mul3A_2 : i32
          %add3A_181 = arith.addi %add3A_180, %add3A_178 : i32
          %dma_wait3A_182 = arith.constant 0 : i32
          %dma_wait3A_183 = tpu.memref_slice %arg5[%add3A_181, %dma_wait3A_182] : memref<4000x80xi32, #tpu.memory_space<hbm>> -> memref<1x80xi32, #tpu.memory_space<hbm>>
          %dma_wait3A_184 = tpu.memref_squeeze %dma_wait3A_183 : memref<1x80xi32, #tpu.memory_space<hbm>> -> memref<80xi32, #tpu.memory_space<hbm>>
          %dma_wait3A_185 = arith.constant 0 : i32
          %dma_wait3A_186 = tpu.memref_slice %arg5[%add3A_181, %dma_wait3A_185] : memref<4000x80xi32, #tpu.memory_space<hbm>> -> memref<1x80xi32, #tpu.memory_space<hbm>>
          %dma_wait3A_187 = tpu.memref_squeeze %dma_wait3A_186 : memref<1x80xi32, #tpu.memory_space<hbm>> -> memref<80xi32, #tpu.memory_space<hbm>>
          tpu.wait_dma2 semaphore(%arg22 : memref<!tpu.dma_semaphore, #tpu.memory_space<semaphore_mem>>) src(%dma_wait3A_187 : memref<80xi32, #tpu.memory_space<hbm>>) dst(%arg12 : memref<80xi32, #tpu.memory_space<vmem>>)
          %dma_wait3A_188 = arith.constant 0 : i32
          %dma_wait3A_189 = tpu.memref_slice %arg6[%add3A_181, %dma_wait3A_188] : memref<4000x80xi32, #tpu.memory_space<hbm>> -> memref<1x80xi32, #tpu.memory_space<hbm>>
          %dma_wait3A_190 = tpu.memref_squeeze %dma_wait3A_189 : memref<1x80xi32, #tpu.memory_space<hbm>> -> memref<80xi32, #tpu.memory_space<hbm>>
          %dma_wait3A_191 = arith.constant 0 : i32
          %dma_wait3A_192 = tpu.memref_slice %arg6[%add3A_181, %dma_wait3A_191] : memref<4000x80xi32, #tpu.memory_space<hbm>> -> memref<1x80xi32, #tpu.memory_space<hbm>>
          %dma_wait3A_193 = tpu.memref_squeeze %dma_wait3A_192 : memref<1x80xi32, #tpu.memory_space<hbm>> -> memref<80xi32, #tpu.memory_space<hbm>>
          tpu.wait_dma2 semaphore(%arg23 : memref<!tpu.dma_semaphore, #tpu.memory_space<semaphore_mem>>) src(%dma_wait3A_193 : memref<80xi32, #tpu.memory_space<hbm>>) dst(%arg13 : memref<80xi32, #tpu.memory_space<vmem>>)
          %add3A_194 = arith.constant 1 : i32
          %add3A_195 = arith.addi %scan3A_115, %add3A_194 : i32
          %dma_start3A_196 = arith.constant 0 : i32
          %dma_start3A_197 = arith.constant 0 : i32
          %dma_start3A_198 = tpu.memref_slice %arg2[%dma_start3A_196, %dma_start3A_197] : memref<10000x128xf32, #tpu.memory_space<hbm>> -> memref<10000x128xf32, #tpu.memory_space<hbm>>
          tpu.enqueue_indirect_dma source(%dma_start3A_198 : memref<10000x128xf32, #tpu.memory_space<hbm>>) target(%arg17 : memref<80x128xf32, #tpu.memory_space<vmem>>) offsets(%arg12 : memref<80xi32, #tpu.memory_space<vmem>>) semaphore(%arg27 : memref<!tpu.dma_semaphore, #tpu.memory_space<semaphore_mem>>)
          %dma_start3A_199 = arith.constant 0 : i32
          %dma_start3A_200 = arith.constant 0 : i32
          %dma_start3A_201 = tpu.memref_slice %arg3[%dma_start3A_199, %dma_start3A_200] : memref<10000x128xf32, #tpu.memory_space<hbm>> -> memref<10000x128xf32, #tpu.memory_space<hbm>>
          tpu.enqueue_indirect_dma source(%dma_start3A_201 : memref<10000x128xf32, #tpu.memory_space<hbm>>) target(%arg18 : memref<80x128xf32, #tpu.memory_space<vmem>>) offsets(%arg13 : memref<80xi32, #tpu.memory_space<vmem>>) semaphore(%arg28 : memref<!tpu.dma_semaphore, #tpu.memory_space<semaphore_mem>>)
          %dma_start3A_202 = arith.constant 0 : i32
          %dma_start3A_203 = arith.constant 0 : i32
          %dma_start3A_204 = tpu.memref_slice %arg4[%dma_start3A_202, %dma_start3A_203] : memref<10000x128xf32, #tpu.memory_space<hbm>> -> memref<10000x128xf32, #tpu.memory_space<hbm>>
          tpu.enqueue_indirect_dma source(%dma_start3A_204 : memref<10000x128xf32, #tpu.memory_space<hbm>>) target(%arg19 : memref<80x128xf32, #tpu.memory_space<vmem>>) offsets(%arg13 : memref<80xi32, #tpu.memory_space<vmem>>) semaphore(%arg29 : memref<!tpu.dma_semaphore, #tpu.memory_space<semaphore_mem>>)
        } else {
        }
        %dma_wait3A_132 = arith.constant 0 : i32
        %dma_wait3A_133 = arith.constant 0 : i32
        %dma_wait3A_134 = tpu.memref_slice %arg2[%dma_wait3A_132, %dma_wait3A_133] : memref<10000x128xf32, #tpu.memory_space<hbm>> -> memref<10000x128xf32, #tpu.memory_space<hbm>>
        tpu.wait_indirect_dma semaphore(%arg24 : memref<!tpu.dma_semaphore, #tpu.memory_space<semaphore_mem>>) src(%dma_wait3A_134 : memref<10000x128xf32, #tpu.memory_space<hbm>>) dst(%arg14 : memref<80x128xf32, #tpu.memory_space<vmem>>)
        %dma_wait3A_135 = arith.constant 0 : i32
        %dma_wait3A_136 = arith.constant 0 : i32
        %dma_wait3A_137 = tpu.memref_slice %arg3[%dma_wait3A_135, %dma_wait3A_136] : memref<10000x128xf32, #tpu.memory_space<hbm>> -> memref<10000x128xf32, #tpu.memory_space<hbm>>
        tpu.wait_indirect_dma semaphore(%arg25 : memref<!tpu.dma_semaphore, #tpu.memory_space<semaphore_mem>>) src(%dma_wait3A_137 : memref<10000x128xf32, #tpu.memory_space<hbm>>) dst(%arg15 : memref<80x128xf32, #tpu.memory_space<vmem>>)
        %dma_wait3A_138 = arith.constant 0 : i32
        %dma_wait3A_139 = arith.constant 0 : i32
        %dma_wait3A_140 = tpu.memref_slice %arg4[%dma_wait3A_138, %dma_wait3A_139] : memref<10000x128xf32, #tpu.memory_space<hbm>> -> memref<10000x128xf32, #tpu.memory_space<hbm>>
        tpu.wait_indirect_dma semaphore(%arg26 : memref<!tpu.dma_semaphore, #tpu.memory_space<semaphore_mem>>) src(%dma_wait3A_140 : memref<10000x128xf32, #tpu.memory_space<hbm>>) dst(%arg16 : memref<80x128xf32, #tpu.memory_space<vmem>>)
        %add3A_141 = arith.constant 2 : i32
        %add3A_142 = arith.addi %scan3A_115, %add3A_141 : i32
        %lt3A_143 = arith.constant 63 : i32
        %lt3A_144 = arith.cmpi slt, %add3A_142, %lt3A_143 : i32
        %convert_element_type3A_145 = arith.extui %lt3A_144 : i1 to i32
        %cond3A_146 = arith.constant 0 : i32
        %cond3A_147 = arith.cmpi ne, %convert_element_type3A_145, %cond3A_146 : i32
        scf.if %cond3A_147 {
          %add3A_173 = arith.constant 2 : i32
          %add3A_174 = arith.addi %scan3A_115, %add3A_173 : i32
          %add3A_175 = arith.constant 1984 : i32
          %add3A_176 = arith.addi %add3A_175, %mul3A_2 : i32
          %add3A_177 = arith.addi %add3A_176, %add3A_174 : i32
          %dma_start3A_178 = arith.constant 0 : i32
          %dma_start3A_179 = tpu.memref_slice %arg5[%add3A_177, %dma_start3A_178] : memref<4000x80xi32, #tpu.memory_space<hbm>> -> memref<1x80xi32, #tpu.memory_space<hbm>>
          %dma_start3A_180 = tpu.memref_squeeze %dma_start3A_179 : memref<1x80xi32, #tpu.memory_space<hbm>> -> memref<80xi32, #tpu.memory_space<hbm>>
          %dma_start3A_181 = arith.constant 0 : i32
          %dma_start3A_182 = tpu.memref_slice %arg5[%add3A_177, %dma_start3A_181] : memref<4000x80xi32, #tpu.memory_space<hbm>> -> memref<1x80xi32, #tpu.memory_space<hbm>>
          %dma_start3A_183 = tpu.memref_squeeze %dma_start3A_182 : memref<1x80xi32, #tpu.memory_space<hbm>> -> memref<80xi32, #tpu.memory_space<hbm>>
          tpu.enqueue_dma source(%dma_start3A_183 : memref<80xi32, #tpu.memory_space<hbm>>) target(%arg10 : memref<80xi32, #tpu.memory_space<vmem>>) target_semaphore(%arg20 : memref<!tpu.dma_semaphore, #tpu.memory_space<semaphore_mem>>)
          %dma_start3A_184 = arith.constant 0 : i32
          %dma_start3A_185 = tpu.memref_slice %arg6[%add3A_177, %dma_start3A_184] : memref<4000x80xi32, #tpu.memory_space<hbm>> -> memref<1x80xi32, #tpu.memory_space<hbm>>
          %dma_start3A_186 = tpu.memref_squeeze %dma_start3A_185 : memref<1x80xi32, #tpu.memory_space<hbm>> -> memref<80xi32, #tpu.memory_space<hbm>>
          %dma_start3A_187 = arith.constant 0 : i32
          %dma_start3A_188 = tpu.memref_slice %arg6[%add3A_177, %dma_start3A_187] : memref<4000x80xi32, #tpu.memory_space<hbm>> -> memref<1x80xi32, #tpu.memory_space<hbm>>
          %dma_start3A_189 = tpu.memref_squeeze %dma_start3A_188 : memref<1x80xi32, #tpu.memory_space<hbm>> -> memref<80xi32, #tpu.memory_space<hbm>>
          tpu.enqueue_dma source(%dma_start3A_189 : memref<80xi32, #tpu.memory_space<hbm>>) target(%arg11 : memref<80xi32, #tpu.memory_space<vmem>>) target_semaphore(%arg21 : memref<!tpu.dma_semaphore, #tpu.memory_space<semaphore_mem>>)
        } else {
        }
        %add3A_148 = arith.addi %mul3A_2, %scan3A_115 : i32
        %dma_start3A_149 = arith.constant 0 : i32
        %dma_start3A_150 = arith.constant 0 : i32
        %dma_start3A_151 = tpu.memref_slice %arg7[%add3A_148, %dma_start3A_149, %dma_start3A_150] : memref<2016x80x128xf32, #tpu.memory_space<hbm>> -> memref<1x80x128xf32, #tpu.memory_space<hbm>>
        %dma_start3A_152 = tpu.memref_squeeze %dma_start3A_151 : memref<1x80x128xf32, #tpu.memory_space<hbm>> -> memref<80x128xf32, #tpu.memory_space<hbm>>
        %dma_start3A_153 = arith.constant 0 : i32
        %dma_start3A_154 = arith.constant 0 : i32
        %dma_start3A_155 = tpu.memref_slice %arg7[%add3A_148, %dma_start3A_153, %dma_start3A_154] : memref<2016x80x128xf32, #tpu.memory_space<hbm>> -> memref<1x80x128xf32, #tpu.memory_space<hbm>>
        %dma_start3A_156 = tpu.memref_squeeze %dma_start3A_155 : memref<1x80x128xf32, #tpu.memory_space<hbm>> -> memref<80x128xf32, #tpu.memory_space<hbm>>
        tpu.enqueue_dma source(%arg14 : memref<80x128xf32, #tpu.memory_space<vmem>>) target(%dma_start3A_156 : memref<80x128xf32, #tpu.memory_space<hbm>>) target_semaphore(%arg30 : memref<!tpu.dma_semaphore, #tpu.memory_space<semaphore_mem>>)
        %dma_start3A_157 = arith.constant 0 : i32
        %dma_start3A_158 = arith.constant 0 : i32
        %dma_start3A_159 = tpu.memref_slice %arg8[%add3A_148, %dma_start3A_157, %dma_start3A_158] : memref<2016x80x128xf32, #tpu.memory_space<hbm>> -> memref<1x80x128xf32, #tpu.memory_space<hbm>>
        %dma_start3A_160 = tpu.memref_squeeze %dma_start3A_159 : memref<1x80x128xf32, #tpu.memory_space<hbm>> -> memref<80x128xf32, #tpu.memory_space<hbm>>
        %dma_start3A_161 = arith.constant 0 : i32
        %dma_start3A_162 = arith.constant 0 : i32
        %dma_start3A_163 = tpu.memref_slice %arg8[%add3A_148, %dma_start3A_161, %dma_start3A_162] : memref<2016x80x128xf32, #tpu.memory_space<hbm>> -> memref<1x80x128xf32, #tpu.memory_space<hbm>>
        %dma_start3A_164 = tpu.memref_squeeze %dma_start3A_163 : memref<1x80x128xf32, #tpu.memory_space<hbm>> -> memref<80x128xf32, #tpu.memory_space<hbm>>
        tpu.enqueue_dma source(%arg15 : memref<80x128xf32, #tpu.memory_space<vmem>>) target(%dma_start3A_164 : memref<80x128xf32, #tpu.memory_space<hbm>>) target_semaphore(%arg31 : memref<!tpu.dma_semaphore, #tpu.memory_space<semaphore_mem>>)
        %dma_start3A_165 = arith.constant 0 : i32
        %dma_start3A_166 = arith.constant 0 : i32
        %dma_start3A_167 = tpu.memref_slice %arg9[%add3A_148, %dma_start3A_165, %dma_start3A_166] : memref<2016x80x128xf32, #tpu.memory_space<hbm>> -> memref<1x80x128xf32, #tpu.memory_space<hbm>>
        %dma_start3A_168 = tpu.memref_squeeze %dma_start3A_167 : memref<1x80x128xf32, #tpu.memory_space<hbm>> -> memref<80x128xf32, #tpu.memory_space<hbm>>
        %dma_start3A_169 = arith.constant 0 : i32
        %dma_start3A_170 = arith.constant 0 : i32
        %dma_start3A_171 = tpu.memref_slice %arg9[%add3A_148, %dma_start3A_169, %dma_start3A_170] : memref<2016x80x128xf32, #tpu.memory_space<hbm>> -> memref<1x80x128xf32, #tpu.memory_space<hbm>>
        %dma_start3A_172 = tpu.memref_squeeze %dma_start3A_171 : memref<1x80x128xf32, #tpu.memory_space<hbm>> -> memref<80x128xf32, #tpu.memory_space<hbm>>
        tpu.enqueue_dma source(%arg16 : memref<80x128xf32, #tpu.memory_space<vmem>>) target(%dma_start3A_172 : memref<80x128xf32, #tpu.memory_space<hbm>>) target_semaphore(%arg32 : memref<!tpu.dma_semaphore, #tpu.memory_space<semaphore_mem>>)
      } else {
      }
      %rem3A_119 = arith.constant 2 : i32
      %rem3A_120 = arith.remsi %scan3A_115, %rem3A_119 : i32
      %eq3A_121 = arith.constant 1 : i32
      %eq3A_122 = arith.cmpi eq, %rem3A_120, %eq3A_121 : i32
      %convert_element_type3A_123 = arith.extui %eq3A_122 : i1 to i32
      %cond3A_124 = arith.constant 0 : i32
      %cond3A_125 = arith.cmpi ne, %convert_element_type3A_123, %cond3A_124 : i32
      scf.if %cond3A_125 {
        %add3A_126 = arith.constant 1 : i32
        %add3A_127 = arith.addi %scan3A_115, %add3A_126 : i32
        %lt3A = arith.constant 63 : i32
        %lt3A_128 = arith.cmpi slt, %add3A_127, %lt3A : i32
        %convert_element_type3A_129 = arith.extui %lt3A_128 : i1 to i32
        %cond3A_130 = arith.constant 0 : i32
        %cond3A_131 = arith.cmpi ne, %convert_element_type3A_129, %cond3A_130 : i32
        scf.if %cond3A_131 {
          %ge3A = arith.constant 1 : i32
          %ge3A_173 = arith.cmpi sge, %scan3A_115, %ge3A : i32
          %convert_element_type3A_174 = arith.extui %ge3A_173 : i1 to i32
          %cond3A_175 = arith.constant 0 : i32
          %cond3A_176 = arith.cmpi ne, %convert_element_type3A_174, %cond3A_175 : i32
          scf.if %cond3A_176 {
            %sub3A = arith.constant 1 : i32
            %sub3A_205 = arith.subi %scan3A_115, %sub3A : i32
            %add3A_206 = arith.addi %mul3A_2, %sub3A_205 : i32
            %dma_wait3A_207 = arith.constant 0 : i32
            %dma_wait3A_208 = arith.constant 0 : i32
            %dma_wait3A_209 = tpu.memref_slice %arg7[%add3A_206, %dma_wait3A_207, %dma_wait3A_208] : memref<2016x80x128xf32, #tpu.memory_space<hbm>> -> memref<1x80x128xf32, #tpu.memory_space<hbm>>
            %dma_wait3A_210 = tpu.memref_squeeze %dma_wait3A_209 : memref<1x80x128xf32, #tpu.memory_space<hbm>> -> memref<80x128xf32, #tpu.memory_space<hbm>>
            %dma_wait3A_211 = arith.constant 0 : i32
            %dma_wait3A_212 = arith.constant 0 : i32
            %dma_wait3A_213 = tpu.memref_slice %arg7[%add3A_206, %dma_wait3A_211, %dma_wait3A_212] : memref<2016x80x128xf32, #tpu.memory_space<hbm>> -> memref<1x80x128xf32, #tpu.memory_space<hbm>>
            %dma_wait3A_214 = tpu.memref_squeeze %dma_wait3A_213 : memref<1x80x128xf32, #tpu.memory_space<hbm>> -> memref<80x128xf32, #tpu.memory_space<hbm>>
            tpu.wait_dma2 semaphore(%arg30 : memref<!tpu.dma_semaphore, #tpu.memory_space<semaphore_mem>>) src(%arg14 : memref<80x128xf32, #tpu.memory_space<vmem>>) dst(%dma_wait3A_214 : memref<80x128xf32, #tpu.memory_space<hbm>>)
            %dma_wait3A_215 = arith.constant 0 : i32
            %dma_wait3A_216 = arith.constant 0 : i32
            %dma_wait3A_217 = tpu.memref_slice %arg8[%add3A_206, %dma_wait3A_215, %dma_wait3A_216] : memref<2016x80x128xf32, #tpu.memory_space<hbm>> -> memref<1x80x128xf32, #tpu.memory_space<hbm>>
            %dma_wait3A_218 = tpu.memref_squeeze %dma_wait3A_217 : memref<1x80x128xf32, #tpu.memory_space<hbm>> -> memref<80x128xf32, #tpu.memory_space<hbm>>
            %dma_wait3A_219 = arith.constant 0 : i32
            %dma_wait3A_220 = arith.constant 0 : i32
            %dma_wait3A_221 = tpu.memref_slice %arg8[%add3A_206, %dma_wait3A_219, %dma_wait3A_220] : memref<2016x80x128xf32, #tpu.memory_space<hbm>> -> memref<1x80x128xf32, #tpu.memory_space<hbm>>
            %dma_wait3A_222 = tpu.memref_squeeze %dma_wait3A_221 : memref<1x80x128xf32, #tpu.memory_space<hbm>> -> memref<80x128xf32, #tpu.memory_space<hbm>>
            tpu.wait_dma2 semaphore(%arg31 : memref<!tpu.dma_semaphore, #tpu.memory_space<semaphore_mem>>) src(%arg15 : memref<80x128xf32, #tpu.memory_space<vmem>>) dst(%dma_wait3A_222 : memref<80x128xf32, #tpu.memory_space<hbm>>)
            %dma_wait3A_223 = arith.constant 0 : i32
            %dma_wait3A_224 = arith.constant 0 : i32
            %dma_wait3A_225 = tpu.memref_slice %arg9[%add3A_206, %dma_wait3A_223, %dma_wait3A_224] : memref<2016x80x128xf32, #tpu.memory_space<hbm>> -> memref<1x80x128xf32, #tpu.memory_space<hbm>>
            %dma_wait3A_226 = tpu.memref_squeeze %dma_wait3A_225 : memref<1x80x128xf32, #tpu.memory_space<hbm>> -> memref<80x128xf32, #tpu.memory_space<hbm>>
            %dma_wait3A_227 = arith.constant 0 : i32
            %dma_wait3A_228 = arith.constant 0 : i32
            %dma_wait3A_229 = tpu.memref_slice %arg9[%add3A_206, %dma_wait3A_227, %dma_wait3A_228] : memref<2016x80x128xf32, #tpu.memory_space<hbm>> -> memref<1x80x128xf32, #tpu.memory_space<hbm>>
            %dma_wait3A_230 = tpu.memref_squeeze %dma_wait3A_229 : memref<1x80x128xf32, #tpu.memory_space<hbm>> -> memref<80x128xf32, #tpu.memory_space<hbm>>
            tpu.wait_dma2 semaphore(%arg32 : memref<!tpu.dma_semaphore, #tpu.memory_space<semaphore_mem>>) src(%arg16 : memref<80x128xf32, #tpu.memory_space<vmem>>) dst(%dma_wait3A_230 : memref<80x128xf32, #tpu.memory_space<hbm>>)
          } else {
          }
          %add3A_177 = arith.constant 1 : i32
          %add3A_178 = arith.addi %scan3A_115, %add3A_177 : i32
          %add3A_179 = arith.constant 1984 : i32
          %add3A_180 = arith.addi %add3A_179, %mul3A_2 : i32
          %add3A_181 = arith.addi %add3A_180, %add3A_178 : i32
          %dma_wait3A_182 = arith.constant 0 : i32
          %dma_wait3A_183 = tpu.memref_slice %arg5[%add3A_181, %dma_wait3A_182] : memref<4000x80xi32, #tpu.memory_space<hbm>> -> memref<1x80xi32, #tpu.memory_space<hbm>>
          %dma_wait3A_184 = tpu.memref_squeeze %dma_wait3A_183 : memref<1x80xi32, #tpu.memory_space<hbm>> -> memref<80xi32, #tpu.memory_space<hbm>>
          %dma_wait3A_185 = arith.constant 0 : i32
          %dma_wait3A_186 = tpu.memref_slice %arg5[%add3A_181, %dma_wait3A_185] : memref<4000x80xi32, #tpu.memory_space<hbm>> -> memref<1x80xi32, #tpu.memory_space<hbm>>
          %dma_wait3A_187 = tpu.memref_squeeze %dma_wait3A_186 : memref<1x80xi32, #tpu.memory_space<hbm>> -> memref<80xi32, #tpu.memory_space<hbm>>
          tpu.wait_dma2 semaphore(%arg20 : memref<!tpu.dma_semaphore, #tpu.memory_space<semaphore_mem>>) src(%dma_wait3A_187 : memref<80xi32, #tpu.memory_space<hbm>>) dst(%arg10 : memref<80xi32, #tpu.memory_space<vmem>>)
          %dma_wait3A_188 = arith.constant 0 : i32
          %dma_wait3A_189 = tpu.memref_slice %arg6[%add3A_181, %dma_wait3A_188] : memref<4000x80xi32, #tpu.memory_space<hbm>> -> memref<1x80xi32, #tpu.memory_space<hbm>>
          %dma_wait3A_190 = tpu.memref_squeeze %dma_wait3A_189 : memref<1x80xi32, #tpu.memory_space<hbm>> -> memref<80xi32, #tpu.memory_space<hbm>>
          %dma_wait3A_191 = arith.constant 0 : i32
          %dma_wait3A_192 = tpu.memref_slice %arg6[%add3A_181, %dma_wait3A_191] : memref<4000x80xi32, #tpu.memory_space<hbm>> -> memref<1x80xi32, #tpu.memory_space<hbm>>
          %dma_wait3A_193 = tpu.memref_squeeze %dma_wait3A_192 : memref<1x80xi32, #tpu.memory_space<hbm>> -> memref<80xi32, #tpu.memory_space<hbm>>
          tpu.wait_dma2 semaphore(%arg21 : memref<!tpu.dma_semaphore, #tpu.memory_space<semaphore_mem>>) src(%dma_wait3A_193 : memref<80xi32, #tpu.memory_space<hbm>>) dst(%arg11 : memref<80xi32, #tpu.memory_space<vmem>>)
          %add3A_194 = arith.constant 1 : i32
          %add3A_195 = arith.addi %scan3A_115, %add3A_194 : i32
          %dma_start3A_196 = arith.constant 0 : i32
          %dma_start3A_197 = arith.constant 0 : i32
          %dma_start3A_198 = tpu.memref_slice %arg2[%dma_start3A_196, %dma_start3A_197] : memref<10000x128xf32, #tpu.memory_space<hbm>> -> memref<10000x128xf32, #tpu.memory_space<hbm>>
          tpu.enqueue_indirect_dma source(%dma_start3A_198 : memref<10000x128xf32, #tpu.memory_space<hbm>>) target(%arg14 : memref<80x128xf32, #tpu.memory_space<vmem>>) offsets(%arg10 : memref<80xi32, #tpu.memory_space<vmem>>) semaphore(%arg24 : memref<!tpu.dma_semaphore, #tpu.memory_space<semaphore_mem>>)
          %dma_start3A_199 = arith.constant 0 : i32
          %dma_start3A_200 = arith.constant 0 : i32
          %dma_start3A_201 = tpu.memref_slice %arg3[%dma_start3A_199, %dma_start3A_200] : memref<10000x128xf32, #tpu.memory_space<hbm>> -> memref<10000x128xf32, #tpu.memory_space<hbm>>
          tpu.enqueue_indirect_dma source(%dma_start3A_201 : memref<10000x128xf32, #tpu.memory_space<hbm>>) target(%arg15 : memref<80x128xf32, #tpu.memory_space<vmem>>) offsets(%arg11 : memref<80xi32, #tpu.memory_space<vmem>>) semaphore(%arg25 : memref<!tpu.dma_semaphore, #tpu.memory_space<semaphore_mem>>)
          %dma_start3A_202 = arith.constant 0 : i32
          %dma_start3A_203 = arith.constant 0 : i32
          %dma_start3A_204 = tpu.memref_slice %arg4[%dma_start3A_202, %dma_start3A_203] : memref<10000x128xf32, #tpu.memory_space<hbm>> -> memref<10000x128xf32, #tpu.memory_space<hbm>>
          tpu.enqueue_indirect_dma source(%dma_start3A_204 : memref<10000x128xf32, #tpu.memory_space<hbm>>) target(%arg16 : memref<80x128xf32, #tpu.memory_space<vmem>>) offsets(%arg11 : memref<80xi32, #tpu.memory_space<vmem>>) semaphore(%arg26 : memref<!tpu.dma_semaphore, #tpu.memory_space<semaphore_mem>>)
        } else {
        }
        %dma_wait3A_132 = arith.constant 0 : i32
        %dma_wait3A_133 = arith.constant 0 : i32
        %dma_wait3A_134 = tpu.memref_slice %arg2[%dma_wait3A_132, %dma_wait3A_133] : memref<10000x128xf32, #tpu.memory_space<hbm>> -> memref<10000x128xf32, #tpu.memory_space<hbm>>
        tpu.wait_indirect_dma semaphore(%arg27 : memref<!tpu.dma_semaphore, #tpu.memory_space<semaphore_mem>>) src(%dma_wait3A_134 : memref<10000x128xf32, #tpu.memory_space<hbm>>) dst(%arg17 : memref<80x128xf32, #tpu.memory_space<vmem>>)
        %dma_wait3A_135 = arith.constant 0 : i32
        %dma_wait3A_136 = arith.constant 0 : i32
        %dma_wait3A_137 = tpu.memref_slice %arg3[%dma_wait3A_135, %dma_wait3A_136] : memref<10000x128xf32, #tpu.memory_space<hbm>> -> memref<10000x128xf32, #tpu.memory_space<hbm>>
        tpu.wait_indirect_dma semaphore(%arg28 : memref<!tpu.dma_semaphore, #tpu.memory_space<semaphore_mem>>) src(%dma_wait3A_137 : memref<10000x128xf32, #tpu.memory_space<hbm>>) dst(%arg18 : memref<80x128xf32, #tpu.memory_space<vmem>>)
        %dma_wait3A_138 = arith.constant 0 : i32
        %dma_wait3A_139 = arith.constant 0 : i32
        %dma_wait3A_140 = tpu.memref_slice %arg4[%dma_wait3A_138, %dma_wait3A_139] : memref<10000x128xf32, #tpu.memory_space<hbm>> -> memref<10000x128xf32, #tpu.memory_space<hbm>>
        tpu.wait_indirect_dma semaphore(%arg29 : memref<!tpu.dma_semaphore, #tpu.memory_space<semaphore_mem>>) src(%dma_wait3A_140 : memref<10000x128xf32, #tpu.memory_space<hbm>>) dst(%arg19 : memref<80x128xf32, #tpu.memory_space<vmem>>)
        %add3A_141 = arith.constant 2 : i32
        %add3A_142 = arith.addi %scan3A_115, %add3A_141 : i32
        %lt3A_143 = arith.constant 63 : i32
        %lt3A_144 = arith.cmpi slt, %add3A_142, %lt3A_143 : i32
        %convert_element_type3A_145 = arith.extui %lt3A_144 : i1 to i32
        %cond3A_146 = arith.constant 0 : i32
        %cond3A_147 = arith.cmpi ne, %convert_element_type3A_145, %cond3A_146 : i32
        scf.if %cond3A_147 {
          %add3A_173 = arith.constant 2 : i32
          %add3A_174 = arith.addi %scan3A_115, %add3A_173 : i32
          %add3A_175 = arith.constant 1984 : i32
          %add3A_176 = arith.addi %add3A_175, %mul3A_2 : i32
          %add3A_177 = arith.addi %add3A_176, %add3A_174 : i32
          %dma_start3A_178 = arith.constant 0 : i32
          %dma_start3A_179 = tpu.memref_slice %arg5[%add3A_177, %dma_start3A_178] : memref<4000x80xi32, #tpu.memory_space<hbm>> -> memref<1x80xi32, #tpu.memory_space<hbm>>
          %dma_start3A_180 = tpu.memref_squeeze %dma_start3A_179 : memref<1x80xi32, #tpu.memory_space<hbm>> -> memref<80xi32, #tpu.memory_space<hbm>>
          %dma_start3A_181 = arith.constant 0 : i32
          %dma_start3A_182 = tpu.memref_slice %arg5[%add3A_177, %dma_start3A_181] : memref<4000x80xi32, #tpu.memory_space<hbm>> -> memref<1x80xi32, #tpu.memory_space<hbm>>
          %dma_start3A_183 = tpu.memref_squeeze %dma_start3A_182 : memref<1x80xi32, #tpu.memory_space<hbm>> -> memref<80xi32, #tpu.memory_space<hbm>>
          tpu.enqueue_dma source(%dma_start3A_183 : memref<80xi32, #tpu.memory_space<hbm>>) target(%arg12 : memref<80xi32, #tpu.memory_space<vmem>>) target_semaphore(%arg22 : memref<!tpu.dma_semaphore, #tpu.memory_space<semaphore_mem>>)
          %dma_start3A_184 = arith.constant 0 : i32
          %dma_start3A_185 = tpu.memref_slice %arg6[%add3A_177, %dma_start3A_184] : memref<4000x80xi32, #tpu.memory_space<hbm>> -> memref<1x80xi32, #tpu.memory_space<hbm>>
          %dma_start3A_186 = tpu.memref_squeeze %dma_start3A_185 : memref<1x80xi32, #tpu.memory_space<hbm>> -> memref<80xi32, #tpu.memory_space<hbm>>
          %dma_start3A_187 = arith.constant 0 : i32
          %dma_start3A_188 = tpu.memref_slice %arg6[%add3A_177, %dma_start3A_187] : memref<4000x80xi32, #tpu.memory_space<hbm>> -> memref<1x80xi32, #tpu.memory_space<hbm>>
          %dma_start3A_189 = tpu.memref_squeeze %dma_start3A_188 : memref<1x80xi32, #tpu.memory_space<hbm>> -> memref<80xi32, #tpu.memory_space<hbm>>
          tpu.enqueue_dma source(%dma_start3A_189 : memref<80xi32, #tpu.memory_space<hbm>>) target(%arg13 : memref<80xi32, #tpu.memory_space<vmem>>) target_semaphore(%arg23 : memref<!tpu.dma_semaphore, #tpu.memory_space<semaphore_mem>>)
        } else {
        }
        %add3A_148 = arith.addi %mul3A_2, %scan3A_115 : i32
        %dma_start3A_149 = arith.constant 0 : i32
        %dma_start3A_150 = arith.constant 0 : i32
        %dma_start3A_151 = tpu.memref_slice %arg7[%add3A_148, %dma_start3A_149, %dma_start3A_150] : memref<2016x80x128xf32, #tpu.memory_space<hbm>> -> memref<1x80x128xf32, #tpu.memory_space<hbm>>
        %dma_start3A_152 = tpu.memref_squeeze %dma_start3A_151 : memref<1x80x128xf32, #tpu.memory_space<hbm>> -> memref<80x128xf32, #tpu.memory_space<hbm>>
        %dma_start3A_153 = arith.constant 0 : i32
        %dma_start3A_154 = arith.constant 0 : i32
        %dma_start3A_155 = tpu.memref_slice %arg7[%add3A_148, %dma_start3A_153, %dma_start3A_154] : memref<2016x80x128xf32, #tpu.memory_space<hbm>> -> memref<1x80x128xf32, #tpu.memory_space<hbm>>
        %dma_start3A_156 = tpu.memref_squeeze %dma_start3A_155 : memref<1x80x128xf32, #tpu.memory_space<hbm>> -> memref<80x128xf32, #tpu.memory_space<hbm>>
        tpu.enqueue_dma source(%arg17 : memref<80x128xf32, #tpu.memory_space<vmem>>) target(%dma_start3A_156 : memref<80x128xf32, #tpu.memory_space<hbm>>) target_semaphore(%arg33 : memref<!tpu.dma_semaphore, #tpu.memory_space<semaphore_mem>>)
        %dma_start3A_157 = arith.constant 0 : i32
        %dma_start3A_158 = arith.constant 0 : i32
        %dma_start3A_159 = tpu.memref_slice %arg8[%add3A_148, %dma_start3A_157, %dma_start3A_158] : memref<2016x80x128xf32, #tpu.memory_space<hbm>> -> memref<1x80x128xf32, #tpu.memory_space<hbm>>
        %dma_start3A_160 = tpu.memref_squeeze %dma_start3A_159 : memref<1x80x128xf32, #tpu.memory_space<hbm>> -> memref<80x128xf32, #tpu.memory_space<hbm>>
        %dma_start3A_161 = arith.constant 0 : i32
        %dma_start3A_162 = arith.constant 0 : i32
        %dma_start3A_163 = tpu.memref_slice %arg8[%add3A_148, %dma_start3A_161, %dma_start3A_162] : memref<2016x80x128xf32, #tpu.memory_space<hbm>> -> memref<1x80x128xf32, #tpu.memory_space<hbm>>
        %dma_start3A_164 = tpu.memref_squeeze %dma_start3A_163 : memref<1x80x128xf32, #tpu.memory_space<hbm>> -> memref<80x128xf32, #tpu.memory_space<hbm>>
        tpu.enqueue_dma source(%arg18 : memref<80x128xf32, #tpu.memory_space<vmem>>) target(%dma_start3A_164 : memref<80x128xf32, #tpu.memory_space<hbm>>) target_semaphore(%arg34 : memref<!tpu.dma_semaphore, #tpu.memory_space<semaphore_mem>>)
        %dma_start3A_165 = arith.constant 0 : i32
        %dma_start3A_166 = arith.constant 0 : i32
        %dma_start3A_167 = tpu.memref_slice %arg9[%add3A_148, %dma_start3A_165, %dma_start3A_166] : memref<2016x80x128xf32, #tpu.memory_space<hbm>> -> memref<1x80x128xf32, #tpu.memory_space<hbm>>
        %dma_start3A_168 = tpu.memref_squeeze %dma_start3A_167 : memref<1x80x128xf32, #tpu.memory_space<hbm>> -> memref<80x128xf32, #tpu.memory_space<hbm>>
        %dma_start3A_169 = arith.constant 0 : i32
        %dma_start3A_170 = arith.constant 0 : i32
        %dma_start3A_171 = tpu.memref_slice %arg9[%add3A_148, %dma_start3A_169, %dma_start3A_170] : memref<2016x80x128xf32, #tpu.memory_space<hbm>> -> memref<1x80x128xf32, #tpu.memory_space<hbm>>
        %dma_start3A_172 = tpu.memref_squeeze %dma_start3A_171 : memref<1x80x128xf32, #tpu.memory_space<hbm>> -> memref<80x128xf32, #tpu.memory_space<hbm>>
        tpu.enqueue_dma source(%arg19 : memref<80x128xf32, #tpu.memory_space<vmem>>) target(%dma_start3A_172 : memref<80x128xf32, #tpu.memory_space<hbm>>) target_semaphore(%arg35 : memref<!tpu.dma_semaphore, #tpu.memory_space<semaphore_mem>>)
      } else {
      }
    }
    %scan3A_62 = arith.constant 63 : i32
    %add3A_63 = arith.constant 62 : i32
    %add3A_64 = arith.addi %mul3A_2, %add3A_63 : i32
    %dma_wait3A_65 = arith.constant 0 : i32
    %dma_wait3A_66 = arith.constant 0 : i32
    %dma_wait3A_67 = tpu.memref_slice %arg7[%add3A_64, %dma_wait3A_65, %dma_wait3A_66] : memref<2016x80x128xf32, #tpu.memory_space<hbm>> -> memref<1x80x128xf32, #tpu.memory_space<hbm>>
    %dma_wait3A_68 = tpu.memref_squeeze %dma_wait3A_67 : memref<1x80x128xf32, #tpu.memory_space<hbm>> -> memref<80x128xf32, #tpu.memory_space<hbm>>
    %dma_wait3A_69 = arith.constant 0 : i32
    %dma_wait3A_70 = arith.constant 0 : i32
    %dma_wait3A_71 = tpu.memref_slice %arg7[%add3A_64, %dma_wait3A_69, %dma_wait3A_70] : memref<2016x80x128xf32, #tpu.memory_space<hbm>> -> memref<1x80x128xf32, #tpu.memory_space<hbm>>
    %dma_wait3A_72 = tpu.memref_squeeze %dma_wait3A_71 : memref<1x80x128xf32, #tpu.memory_space<hbm>> -> memref<80x128xf32, #tpu.memory_space<hbm>>
    tpu.wait_dma2 semaphore(%arg30 : memref<!tpu.dma_semaphore, #tpu.memory_space<semaphore_mem>>) src(%arg14 : memref<80x128xf32, #tpu.memory_space<vmem>>) dst(%dma_wait3A_72 : memref<80x128xf32, #tpu.memory_space<hbm>>)
    %dma_wait3A_73 = arith.constant 0 : i32
    %dma_wait3A_74 = arith.constant 0 : i32
    %dma_wait3A_75 = tpu.memref_slice %arg8[%add3A_64, %dma_wait3A_73, %dma_wait3A_74] : memref<2016x80x128xf32, #tpu.memory_space<hbm>> -> memref<1x80x128xf32, #tpu.memory_space<hbm>>
    %dma_wait3A_76 = tpu.memref_squeeze %dma_wait3A_75 : memref<1x80x128xf32, #tpu.memory_space<hbm>> -> memref<80x128xf32, #tpu.memory_space<hbm>>
    %dma_wait3A_77 = arith.constant 0 : i32
    %dma_wait3A_78 = arith.constant 0 : i32
    %dma_wait3A_79 = tpu.memref_slice %arg8[%add3A_64, %dma_wait3A_77, %dma_wait3A_78] : memref<2016x80x128xf32, #tpu.memory_space<hbm>> -> memref<1x80x128xf32, #tpu.memory_space<hbm>>
    %dma_wait3A_80 = tpu.memref_squeeze %dma_wait3A_79 : memref<1x80x128xf32, #tpu.memory_space<hbm>> -> memref<80x128xf32, #tpu.memory_space<hbm>>
    tpu.wait_dma2 semaphore(%arg31 : memref<!tpu.dma_semaphore, #tpu.memory_space<semaphore_mem>>) src(%arg15 : memref<80x128xf32, #tpu.memory_space<vmem>>) dst(%dma_wait3A_80 : memref<80x128xf32, #tpu.memory_space<hbm>>)
    %dma_wait3A_81 = arith.constant 0 : i32
    %dma_wait3A_82 = arith.constant 0 : i32
    %dma_wait3A_83 = tpu.memref_slice %arg9[%add3A_64, %dma_wait3A_81, %dma_wait3A_82] : memref<2016x80x128xf32, #tpu.memory_space<hbm>> -> memref<1x80x128xf32, #tpu.memory_space<hbm>>
    %dma_wait3A_84 = tpu.memref_squeeze %dma_wait3A_83 : memref<1x80x128xf32, #tpu.memory_space<hbm>> -> memref<80x128xf32, #tpu.memory_space<hbm>>
    %dma_wait3A_85 = arith.constant 0 : i32
    %dma_wait3A_86 = arith.constant 0 : i32
    %dma_wait3A_87 = tpu.memref_slice %arg9[%add3A_64, %dma_wait3A_85, %dma_wait3A_86] : memref<2016x80x128xf32, #tpu.memory_space<hbm>> -> memref<1x80x128xf32, #tpu.memory_space<hbm>>
    %dma_wait3A_88 = tpu.memref_squeeze %dma_wait3A_87 : memref<1x80x128xf32, #tpu.memory_space<hbm>> -> memref<80x128xf32, #tpu.memory_space<hbm>>
    tpu.wait_dma2 semaphore(%arg32 : memref<!tpu.dma_semaphore, #tpu.memory_space<semaphore_mem>>) src(%arg16 : memref<80x128xf32, #tpu.memory_space<vmem>>) dst(%dma_wait3A_88 : memref<80x128xf32, #tpu.memory_space<hbm>>)
    %add3A_89 = arith.constant 61 : i32
    %add3A_90 = arith.addi %mul3A_2, %add3A_89 : i32
    %dma_wait3A_91 = arith.constant 0 : i32
    %dma_wait3A_92 = arith.constant 0 : i32
    %dma_wait3A_93 = tpu.memref_slice %arg7[%add3A_90, %dma_wait3A_91, %dma_wait3A_92] : memref<2016x80x128xf32, #tpu.memory_space<hbm>> -> memref<1x80x128xf32, #tpu.memory_space<hbm>>
    %dma_wait3A_94 = tpu.memref_squeeze %dma_wait3A_93 : memref<1x80x128xf32, #tpu.memory_space<hbm>> -> memref<80x128xf32, #tpu.memory_space<hbm>>
    %dma_wait3A_95 = arith.constant 0 : i32
    %dma_wait3A_96 = arith.constant 0 : i32
    %dma_wait3A_97 = tpu.memref_slice %arg7[%add3A_90, %dma_wait3A_95, %dma_wait3A_96] : memref<2016x80x128xf32, #tpu.memory_space<hbm>> -> memref<1x80x128xf32, #tpu.memory_space<hbm>>
    %dma_wait3A_98 = tpu.memref_squeeze %dma_wait3A_97 : memref<1x80x128xf32, #tpu.memory_space<hbm>> -> memref<80x128xf32, #tpu.memory_space<hbm>>
    tpu.wait_dma2 semaphore(%arg33 : memref<!tpu.dma_semaphore, #tpu.memory_space<semaphore_mem>>) src(%arg17 : memref<80x128xf32, #tpu.memory_space<vmem>>) dst(%dma_wait3A_98 : memref<80x128xf32, #tpu.memory_space<hbm>>)
    %dma_wait3A_99 = arith.constant 0 : i32
    %dma_wait3A_100 = arith.constant 0 : i32
    %dma_wait3A_101 = tpu.memref_slice %arg8[%add3A_90, %dma_wait3A_99, %dma_wait3A_100] : memref<2016x80x128xf32, #tpu.memory_space<hbm>> -> memref<1x80x128xf32, #tpu.memory_space<hbm>>
    %dma_wait3A_102 = tpu.memref_squeeze %dma_wait3A_101 : memref<1x80x128xf32, #tpu.memory_space<hbm>> -> memref<80x128xf32, #tpu.memory_space<hbm>>
    %dma_wait3A_103 = arith.constant 0 : i32
    %dma_wait3A_104 = arith.constant 0 : i32
    %dma_wait3A_105 = tpu.memref_slice %arg8[%add3A_90, %dma_wait3A_103, %dma_wait3A_104] : memref<2016x80x128xf32, #tpu.memory_space<hbm>> -> memref<1x80x128xf32, #tpu.memory_space<hbm>>
    %dma_wait3A_106 = tpu.memref_squeeze %dma_wait3A_105 : memref<1x80x128xf32, #tpu.memory_space<hbm>> -> memref<80x128xf32, #tpu.memory_space<hbm>>
    tpu.wait_dma2 semaphore(%arg34 : memref<!tpu.dma_semaphore, #tpu.memory_space<semaphore_mem>>) src(%arg18 : memref<80x128xf32, #tpu.memory_space<vmem>>) dst(%dma_wait3A_106 : memref<80x128xf32, #tpu.memory_space<hbm>>)
    %dma_wait3A_107 = arith.constant 0 : i32
    %dma_wait3A_108 = arith.constant 0 : i32
    %dma_wait3A_109 = tpu.memref_slice %arg9[%add3A_90, %dma_wait3A_107, %dma_wait3A_108] : memref<2016x80x128xf32, #tpu.memory_space<hbm>> -> memref<1x80x128xf32, #tpu.memory_space<hbm>>
    %dma_wait3A_110 = tpu.memref_squeeze %dma_wait3A_109 : memref<1x80x128xf32, #tpu.memory_space<hbm>> -> memref<80x128xf32, #tpu.memory_space<hbm>>
    %dma_wait3A_111 = arith.constant 0 : i32
    %dma_wait3A_112 = arith.constant 0 : i32
    %dma_wait3A_113 = tpu.memref_slice %arg9[%add3A_90, %dma_wait3A_111, %dma_wait3A_112] : memref<2016x80x128xf32, #tpu.memory_space<hbm>> -> memref<1x80x128xf32, #tpu.memory_space<hbm>>
    %dma_wait3A_114 = tpu.memref_squeeze %dma_wait3A_113 : memref<1x80x128xf32, #tpu.memory_space<hbm>> -> memref<80x128xf32, #tpu.memory_space<hbm>>
    tpu.wait_dma2 semaphore(%arg35 : memref<!tpu.dma_semaphore, #tpu.memory_space<semaphore_mem>>) src(%arg19 : memref<80x128xf32, #tpu.memory_space<vmem>>) dst(%dma_wait3A_114 : memref<80x128xf32, #tpu.memory_space<hbm>>)
    return
  }
}

#map = affine_map<(d0, d1) -> (0, 0, 0)>
#map1 = affine_map<(d0, d1) -> (0, 0)>
module attributes {stable_mosaic.version = 14 : i64} {
  func.func @k(%arg0: i32, %arg1: i32, %arg2: memref<1984x80x128xf32, #tpu.memory_space<hbm>>, %arg3: memref<1984x80x16xf32, #tpu.memory_space<hbm>>, %arg4: memref<4000x80xi32, #tpu.memory_space<hbm>>, %arg5: memref<640x128xf32, #tpu.memory_space<hbm>>, %arg6: memref<2x10240x128xf32, #tpu.memory_space<hbm>>, %arg7: memref<10240x128xf32, #tpu.memory_space<vmem_shared>>, %arg8: memref<80x128xf32, #tpu.memory_space<vmem>>, %arg9: memref<80x128xf32, #tpu.memory_space<vmem>>, %arg10: memref<80x16xf32, #tpu.memory_space<vmem>>, %arg11: memref<80x16xf32, #tpu.memory_space<vmem>>, %arg12: memref<80xi32, #tpu.memory_space<vmem>>, %arg13: memref<80xi32, #tpu.memory_space<vmem>>, %arg14: memref<!tpu.dma_semaphore, #tpu.memory_space<semaphore_mem>>, %arg15: memref<!tpu.dma_semaphore, #tpu.memory_space<semaphore_mem>>, %arg16: memref<!tpu.dma_semaphore, #tpu.memory_space<semaphore_mem>>, %arg17: memref<!tpu.dma_semaphore, #tpu.memory_space<semaphore_mem>>, %arg18: memref<!tpu.dma_semaphore, #tpu.memory_space<semaphore_mem>>, %arg19: memref<!tpu.dma_semaphore, #tpu.memory_space<semaphore_mem>>) attributes {dimension_semantics = [#tpu.dimension_semantics<core_parallel>, #tpu.dimension_semantics<subcore_parallel>], iteration_bounds = array<i64: 2, 16>, scalar_prefetch = 0 : i64, scratch_operands = 13 : i64, tpu.core_type = #tpu.core_type<sc_vector_subcore>, window_params = [{transform_indices = #map}, {transform_indices = #map}, {transform_indices = #map1}, {transform_indices = #map1}, {transform_indices = #map}]} {
    %mul3A = arith.constant 124 : i32
    %mul3A_0 = arith.muli %arg1, %mul3A : i32
    %mul3A_1 = arith.constant 640 : i32
    %mul3A_2 = arith.muli %arg1, %mul3A_1 : i32
    "tpu.region"() ({
      %run_scoped3A = tpu.sem_alloc : memref<!tpu.dma_semaphore, #tpu.memory_space<semaphore_mem>>
      %dma_start3A = arith.constant 0 : i32
      %dma_start3A_14 = tpu.memref_slice %arg7[%mul3A_2, %dma_start3A] : memref<10240x128xf32, #tpu.memory_space<vmem_shared>> -> memref<640x128xf32, #tpu.memory_space<vmem_shared>>
      tpu.enqueue_dma source(%arg5 : memref<640x128xf32, #tpu.memory_space<hbm>>) target(%dma_start3A_14 : memref<640x128xf32, #tpu.memory_space<vmem_shared>>) target_semaphore(%run_scoped3A : memref<!tpu.dma_semaphore, #tpu.memory_space<semaphore_mem>>)
      %dma_wait3A = arith.constant 0 : i32
      %dma_wait3A_15 = tpu.memref_slice %arg7[%mul3A_2, %dma_wait3A] : memref<10240x128xf32, #tpu.memory_space<vmem_shared>> -> memref<640x128xf32, #tpu.memory_space<vmem_shared>>
      tpu.wait_dma2 semaphore(%run_scoped3A : memref<!tpu.dma_semaphore, #tpu.memory_space<semaphore_mem>>) src(%arg5 : memref<640x128xf32, #tpu.memory_space<hbm>>) dst(%dma_wait3A_15 : memref<640x128xf32, #tpu.memory_space<vmem_shared>>)
      tpu.yield
    }) : () -> ()
    %eq3A = arith.constant 0 : i32
    %eq3A_3 = arith.cmpi eq, %arg0, %eq3A : i32
    %convert_element_type3A = arith.extui %eq3A_3 : i1 to i32
    %cond3A = arith.constant 0 : i32
    %cond3A_4 = arith.cmpi ne, %convert_element_type3A, %cond3A : i32
    scf.if %cond3A_4 {
      %barrier3A_14 = arith.constant 0 : index
      tpu.barrier barrier_id(%barrier3A_14)
      %add3A = arith.constant 0 : i32
      %add3A_15 = arith.addi %mul3A_0, %add3A : i32
      %add3A_16 = arith.constant 0 : i32
      %add3A_17 = arith.addi %add3A_16, %add3A_15 : i32
      %dma_start3A = arith.constant 0 : i32
      %dma_start3A_18 = tpu.memref_slice %arg4[%add3A_17, %dma_start3A] : memref<4000x80xi32, #tpu.memory_space<hbm>> -> memref<1x80xi32, #tpu.memory_space<hbm>>
      %dma_start3A_19 = tpu.memref_squeeze %dma_start3A_18 : memref<1x80xi32, #tpu.memory_space<hbm>> -> memref<80xi32, #tpu.memory_space<hbm>>
      %dma_start3A_20 = arith.constant 0 : i32
      %dma_start3A_21 = tpu.memref_slice %arg4[%add3A_17, %dma_start3A_20] : memref<4000x80xi32, #tpu.memory_space<hbm>> -> memref<1x80xi32, #tpu.memory_space<hbm>>
      %dma_start3A_22 = tpu.memref_squeeze %dma_start3A_21 : memref<1x80xi32, #tpu.memory_space<hbm>> -> memref<80xi32, #tpu.memory_space<hbm>>
      tpu.enqueue_dma source(%dma_start3A_22 : memref<80xi32, #tpu.memory_space<hbm>>) target(%arg12 : memref<80xi32, #tpu.memory_space<vmem>>) target_semaphore(%arg16 : memref<!tpu.dma_semaphore, #tpu.memory_space<semaphore_mem>>)
      %dma_start3A_23 = arith.constant 0 : i32
      %dma_start3A_24 = arith.constant 0 : i32
      %dma_start3A_25 = tpu.memref_slice %arg2[%add3A_15, %dma_start3A_23, %dma_start3A_24] : memref<1984x80x128xf32, #tpu.memory_space<hbm>> -> memref<1x80x128xf32, #tpu.memory_space<hbm>>
      %dma_start3A_26 = tpu.memref_squeeze %dma_start3A_25 : memref<1x80x128xf32, #tpu.memory_space<hbm>> -> memref<80x128xf32, #tpu.memory_space<hbm>>
      %dma_start3A_27 = arith.constant 0 : i32
      %dma_start3A_28 = arith.constant 0 : i32
      %dma_start3A_29 = tpu.memref_slice %arg2[%add3A_15, %dma_start3A_27, %dma_start3A_28] : memref<1984x80x128xf32, #tpu.memory_space<hbm>> -> memref<1x80x128xf32, #tpu.memory_space<hbm>>
      %dma_start3A_30 = tpu.memref_squeeze %dma_start3A_29 : memref<1x80x128xf32, #tpu.memory_space<hbm>> -> memref<80x128xf32, #tpu.memory_space<hbm>>
      tpu.enqueue_dma source(%dma_start3A_30 : memref<80x128xf32, #tpu.memory_space<hbm>>) target(%arg8 : memref<80x128xf32, #tpu.memory_space<vmem>>) target_semaphore(%arg14 : memref<!tpu.dma_semaphore, #tpu.memory_space<semaphore_mem>>)
      %scan3A = arith.constant 0 : i32
      %scan3A_31 = arith.constant 0 : i32
      %scan3A_32 = arith.constant 124 : i32
      %scan3A_33 = arith.addi %scan3A_31, %scan3A_32 : i32
      %scan3A_34 = arith.constant 1 : i32
      scf.for %scan3A_41 = %scan3A_31 to %scan3A_33 step %scan3A_34  : i32 {
        %rem3A = arith.constant 2 : i32
        %rem3A_42 = arith.remsi %scan3A_41, %rem3A : i32
        %eq3A_43 = arith.constant 0 : i32
        %eq3A_44 = arith.cmpi eq, %rem3A_42, %eq3A_43 : i32
        %convert_element_type3A_45 = arith.extui %eq3A_44 : i1 to i32
        %cond3A_46 = arith.constant 0 : i32
        %cond3A_47 = arith.cmpi ne, %convert_element_type3A_45, %cond3A_46 : i32
        scf.if %cond3A_47 {
          %add3A_55 = arith.constant 1 : i32
          %add3A_56 = arith.addi %scan3A_41, %add3A_55 : i32
          %lt3A = arith.constant 124 : i32
          %lt3A_57 = arith.cmpi slt, %add3A_56, %lt3A : i32
          %convert_element_type3A_58 = arith.extui %lt3A_57 : i1 to i32
          %cond3A_59 = arith.constant 0 : i32
          %cond3A_60 = arith.cmpi ne, %convert_element_type3A_58, %cond3A_59 : i32
          scf.if %cond3A_60 {
            %ge3A = arith.constant 1 : i32
            %ge3A_81 = arith.cmpi sge, %scan3A_41, %ge3A : i32
            %convert_element_type3A_82 = arith.extui %ge3A_81 : i1 to i32
            %cond3A_83 = arith.constant 0 : i32
            %cond3A_84 = arith.cmpi ne, %convert_element_type3A_82, %cond3A_83 : i32
            scf.if %cond3A_84 {
              %dma_wait3A_104 = arith.constant 0 : i32
              %dma_wait3A_105 = arith.constant 0 : i32
              %dma_wait3A_106 = tpu.memref_slice %arg7[%dma_wait3A_104, %dma_wait3A_105] : memref<10240x128xf32, #tpu.memory_space<vmem_shared>> -> memref<10240x128xf32, #tpu.memory_space<vmem_shared>>
              tpu.wait_indirect_dma semaphore(%arg19 : memref<!tpu.dma_semaphore, #tpu.memory_space<semaphore_mem>>) src(%arg9 : memref<80x128xf32, #tpu.memory_space<vmem>>) dst(%dma_wait3A_106 : memref<10240x128xf32, #tpu.memory_space<vmem_shared>>)
            } else {
            }
            %add3A_85 = arith.constant 1 : i32
            %add3A_86 = arith.addi %scan3A_41, %add3A_85 : i32
            %add3A_87 = arith.addi %mul3A_0, %add3A_86 : i32
            %add3A_88 = arith.constant 0 : i32
            %add3A_89 = arith.addi %add3A_88, %add3A_87 : i32
            %dma_start3A_90 = arith.constant 0 : i32
            %dma_start3A_91 = tpu.memref_slice %arg4[%add3A_89, %dma_start3A_90] : memref<4000x80xi32, #tpu.memory_space<hbm>> -> memref<1x80xi32, #tpu.memory_space<hbm>>
            %dma_start3A_92 = tpu.memref_squeeze %dma_start3A_91 : memref<1x80xi32, #tpu.memory_space<hbm>> -> memref<80xi32, #tpu.memory_space<hbm>>
            %dma_start3A_93 = arith.constant 0 : i32
            %dma_start3A_94 = tpu.memref_slice %arg4[%add3A_89, %dma_start3A_93] : memref<4000x80xi32, #tpu.memory_space<hbm>> -> memref<1x80xi32, #tpu.memory_space<hbm>>
            %dma_start3A_95 = tpu.memref_squeeze %dma_start3A_94 : memref<1x80xi32, #tpu.memory_space<hbm>> -> memref<80xi32, #tpu.memory_space<hbm>>
            tpu.enqueue_dma source(%dma_start3A_95 : memref<80xi32, #tpu.memory_space<hbm>>) target(%arg13 : memref<80xi32, #tpu.memory_space<vmem>>) target_semaphore(%arg17 : memref<!tpu.dma_semaphore, #tpu.memory_space<semaphore_mem>>)
            %dma_start3A_96 = arith.constant 0 : i32
            %dma_start3A_97 = arith.constant 0 : i32
            %dma_start3A_98 = tpu.memref_slice %arg2[%add3A_87, %dma_start3A_96, %dma_start3A_97] : memref<1984x80x128xf32, #tpu.memory_space<hbm>> -> memref<1x80x128xf32, #tpu.memory_space<hbm>>
            %dma_start3A_99 = tpu.memref_squeeze %dma_start3A_98 : memref<1x80x128xf32, #tpu.memory_space<hbm>> -> memref<80x128xf32, #tpu.memory_space<hbm>>
            %dma_start3A_100 = arith.constant 0 : i32
            %dma_start3A_101 = arith.constant 0 : i32
            %dma_start3A_102 = tpu.memref_slice %arg2[%add3A_87, %dma_start3A_100, %dma_start3A_101] : memref<1984x80x128xf32, #tpu.memory_space<hbm>> -> memref<1x80x128xf32, #tpu.memory_space<hbm>>
            %dma_start3A_103 = tpu.memref_squeeze %dma_start3A_102 : memref<1x80x128xf32, #tpu.memory_space<hbm>> -> memref<80x128xf32, #tpu.memory_space<hbm>>
            tpu.enqueue_dma source(%dma_start3A_103 : memref<80x128xf32, #tpu.memory_space<hbm>>) target(%arg9 : memref<80x128xf32, #tpu.memory_space<vmem>>) target_semaphore(%arg15 : memref<!tpu.dma_semaphore, #tpu.memory_space<semaphore_mem>>)
          } else {
          }
          %add3A_61 = arith.addi %mul3A_0, %scan3A_41 : i32
          %add3A_62 = arith.constant 0 : i32
          %add3A_63 = arith.addi %add3A_62, %add3A_61 : i32
          %dma_wait3A_64 = arith.constant 0 : i32
          %dma_wait3A_65 = tpu.memref_slice %arg4[%add3A_63, %dma_wait3A_64] : memref<4000x80xi32, #tpu.memory_space<hbm>> -> memref<1x80xi32, #tpu.memory_space<hbm>>
          %dma_wait3A_66 = tpu.memref_squeeze %dma_wait3A_65 : memref<1x80xi32, #tpu.memory_space<hbm>> -> memref<80xi32, #tpu.memory_space<hbm>>
          %dma_wait3A_67 = arith.constant 0 : i32
          %dma_wait3A_68 = tpu.memref_slice %arg4[%add3A_63, %dma_wait3A_67] : memref<4000x80xi32, #tpu.memory_space<hbm>> -> memref<1x80xi32, #tpu.memory_space<hbm>>
          %dma_wait3A_69 = tpu.memref_squeeze %dma_wait3A_68 : memref<1x80xi32, #tpu.memory_space<hbm>> -> memref<80xi32, #tpu.memory_space<hbm>>
          tpu.wait_dma2 semaphore(%arg16 : memref<!tpu.dma_semaphore, #tpu.memory_space<semaphore_mem>>) src(%dma_wait3A_69 : memref<80xi32, #tpu.memory_space<hbm>>) dst(%arg12 : memref<80xi32, #tpu.memory_space<vmem>>)
          %dma_wait3A_70 = arith.constant 0 : i32
          %dma_wait3A_71 = arith.constant 0 : i32
          %dma_wait3A_72 = tpu.memref_slice %arg2[%add3A_61, %dma_wait3A_70, %dma_wait3A_71] : memref<1984x80x128xf32, #tpu.memory_space<hbm>> -> memref<1x80x128xf32, #tpu.memory_space<hbm>>
          %dma_wait3A_73 = tpu.memref_squeeze %dma_wait3A_72 : memref<1x80x128xf32, #tpu.memory_space<hbm>> -> memref<80x128xf32, #tpu.memory_space<hbm>>
          %dma_wait3A_74 = arith.constant 0 : i32
          %dma_wait3A_75 = arith.constant 0 : i32
          %dma_wait3A_76 = tpu.memref_slice %arg2[%add3A_61, %dma_wait3A_74, %dma_wait3A_75] : memref<1984x80x128xf32, #tpu.memory_space<hbm>> -> memref<1x80x128xf32, #tpu.memory_space<hbm>>
          %dma_wait3A_77 = tpu.memref_squeeze %dma_wait3A_76 : memref<1x80x128xf32, #tpu.memory_space<hbm>> -> memref<80x128xf32, #tpu.memory_space<hbm>>
          tpu.wait_dma2 semaphore(%arg14 : memref<!tpu.dma_semaphore, #tpu.memory_space<semaphore_mem>>) src(%dma_wait3A_77 : memref<80x128xf32, #tpu.memory_space<hbm>>) dst(%arg8 : memref<80x128xf32, #tpu.memory_space<vmem>>)
          %dma_start3A_78 = arith.constant 0 : i32
          %dma_start3A_79 = arith.constant 0 : i32
          %dma_start3A_80 = tpu.memref_slice %arg7[%dma_start3A_78, %dma_start3A_79] : memref<10240x128xf32, #tpu.memory_space<vmem_shared>> -> memref<10240x128xf32, #tpu.memory_space<vmem_shared>>
          tpu.enqueue_indirect_dma source(%arg8 : memref<80x128xf32, #tpu.memory_space<vmem>>) target(%dma_start3A_80 : memref<10240x128xf32, #tpu.memory_space<vmem_shared>>) offsets(%arg12 : memref<80xi32, #tpu.memory_space<vmem>>) semaphore(%arg18 : memref<!tpu.dma_semaphore, #tpu.memory_space<semaphore_mem>>) {add = true}
        } else {
        }
        %rem3A_48 = arith.constant 2 : i32
        %rem3A_49 = arith.remsi %scan3A_41, %rem3A_48 : i32
        %eq3A_50 = arith.constant 1 : i32
        %eq3A_51 = arith.cmpi eq, %rem3A_49, %eq3A_50 : i32
        %convert_element_type3A_52 = arith.extui %eq3A_51 : i1 to i32
        %cond3A_53 = arith.constant 0 : i32
        %cond3A_54 = arith.cmpi ne, %convert_element_type3A_52, %cond3A_53 : i32
        scf.if %cond3A_54 {
          %add3A_55 = arith.constant 1 : i32
          %add3A_56 = arith.addi %scan3A_41, %add3A_55 : i32
          %lt3A = arith.constant 124 : i32
          %lt3A_57 = arith.cmpi slt, %add3A_56, %lt3A : i32
          %convert_element_type3A_58 = arith.extui %lt3A_57 : i1 to i32
          %cond3A_59 = arith.constant 0 : i32
          %cond3A_60 = arith.cmpi ne, %convert_element_type3A_58, %cond3A_59 : i32
          scf.if %cond3A_60 {
            %ge3A = arith.constant 1 : i32
            %ge3A_81 = arith.cmpi sge, %scan3A_41, %ge3A : i32
            %convert_element_type3A_82 = arith.extui %ge3A_81 : i1 to i32
            %cond3A_83 = arith.constant 0 : i32
            %cond3A_84 = arith.cmpi ne, %convert_element_type3A_82, %cond3A_83 : i32
            scf.if %cond3A_84 {
              %dma_wait3A_104 = arith.constant 0 : i32
              %dma_wait3A_105 = arith.constant 0 : i32
              %dma_wait3A_106 = tpu.memref_slice %arg7[%dma_wait3A_104, %dma_wait3A_105] : memref<10240x128xf32, #tpu.memory_space<vmem_shared>> -> memref<10240x128xf32, #tpu.memory_space<vmem_shared>>
              tpu.wait_indirect_dma semaphore(%arg18 : memref<!tpu.dma_semaphore, #tpu.memory_space<semaphore_mem>>) src(%arg8 : memref<80x128xf32, #tpu.memory_space<vmem>>) dst(%dma_wait3A_106 : memref<10240x128xf32, #tpu.memory_space<vmem_shared>>)
            } else {
            }
            %add3A_85 = arith.constant 1 : i32
            %add3A_86 = arith.addi %scan3A_41, %add3A_85 : i32
            %add3A_87 = arith.addi %mul3A_0, %add3A_86 : i32
            %add3A_88 = arith.constant 0 : i32
            %add3A_89 = arith.addi %add3A_88, %add3A_87 : i32
            %dma_start3A_90 = arith.constant 0 : i32
            %dma_start3A_91 = tpu.memref_slice %arg4[%add3A_89, %dma_start3A_90] : memref<4000x80xi32, #tpu.memory_space<hbm>> -> memref<1x80xi32, #tpu.memory_space<hbm>>
            %dma_start3A_92 = tpu.memref_squeeze %dma_start3A_91 : memref<1x80xi32, #tpu.memory_space<hbm>> -> memref<80xi32, #tpu.memory_space<hbm>>
            %dma_start3A_93 = arith.constant 0 : i32
            %dma_start3A_94 = tpu.memref_slice %arg4[%add3A_89, %dma_start3A_93] : memref<4000x80xi32, #tpu.memory_space<hbm>> -> memref<1x80xi32, #tpu.memory_space<hbm>>
            %dma_start3A_95 = tpu.memref_squeeze %dma_start3A_94 : memref<1x80xi32, #tpu.memory_space<hbm>> -> memref<80xi32, #tpu.memory_space<hbm>>
            tpu.enqueue_dma source(%dma_start3A_95 : memref<80xi32, #tpu.memory_space<hbm>>) target(%arg12 : memref<80xi32, #tpu.memory_space<vmem>>) target_semaphore(%arg16 : memref<!tpu.dma_semaphore, #tpu.memory_space<semaphore_mem>>)
            %dma_start3A_96 = arith.constant 0 : i32
            %dma_start3A_97 = arith.constant 0 : i32
            %dma_start3A_98 = tpu.memref_slice %arg2[%add3A_87, %dma_start3A_96, %dma_start3A_97] : memref<1984x80x128xf32, #tpu.memory_space<hbm>> -> memref<1x80x128xf32, #tpu.memory_space<hbm>>
            %dma_start3A_99 = tpu.memref_squeeze %dma_start3A_98 : memref<1x80x128xf32, #tpu.memory_space<hbm>> -> memref<80x128xf32, #tpu.memory_space<hbm>>
            %dma_start3A_100 = arith.constant 0 : i32
            %dma_start3A_101 = arith.constant 0 : i32
            %dma_start3A_102 = tpu.memref_slice %arg2[%add3A_87, %dma_start3A_100, %dma_start3A_101] : memref<1984x80x128xf32, #tpu.memory_space<hbm>> -> memref<1x80x128xf32, #tpu.memory_space<hbm>>
            %dma_start3A_103 = tpu.memref_squeeze %dma_start3A_102 : memref<1x80x128xf32, #tpu.memory_space<hbm>> -> memref<80x128xf32, #tpu.memory_space<hbm>>
            tpu.enqueue_dma source(%dma_start3A_103 : memref<80x128xf32, #tpu.memory_space<hbm>>) target(%arg8 : memref<80x128xf32, #tpu.memory_space<vmem>>) target_semaphore(%arg14 : memref<!tpu.dma_semaphore, #tpu.memory_space<semaphore_mem>>)
          } else {
          }
          %add3A_61 = arith.addi %mul3A_0, %scan3A_41 : i32
          %add3A_62 = arith.constant 0 : i32
          %add3A_63 = arith.addi %add3A_62, %add3A_61 : i32
          %dma_wait3A_64 = arith.constant 0 : i32
          %dma_wait3A_65 = tpu.memref_slice %arg4[%add3A_63, %dma_wait3A_64] : memref<4000x80xi32, #tpu.memory_space<hbm>> -> memref<1x80xi32, #tpu.memory_space<hbm>>
          %dma_wait3A_66 = tpu.memref_squeeze %dma_wait3A_65 : memref<1x80xi32, #tpu.memory_space<hbm>> -> memref<80xi32, #tpu.memory_space<hbm>>
          %dma_wait3A_67 = arith.constant 0 : i32
          %dma_wait3A_68 = tpu.memref_slice %arg4[%add3A_63, %dma_wait3A_67] : memref<4000x80xi32, #tpu.memory_space<hbm>> -> memref<1x80xi32, #tpu.memory_space<hbm>>
          %dma_wait3A_69 = tpu.memref_squeeze %dma_wait3A_68 : memref<1x80xi32, #tpu.memory_space<hbm>> -> memref<80xi32, #tpu.memory_space<hbm>>
          tpu.wait_dma2 semaphore(%arg17 : memref<!tpu.dma_semaphore, #tpu.memory_space<semaphore_mem>>) src(%dma_wait3A_69 : memref<80xi32, #tpu.memory_space<hbm>>) dst(%arg13 : memref<80xi32, #tpu.memory_space<vmem>>)
          %dma_wait3A_70 = arith.constant 0 : i32
          %dma_wait3A_71 = arith.constant 0 : i32
          %dma_wait3A_72 = tpu.memref_slice %arg2[%add3A_61, %dma_wait3A_70, %dma_wait3A_71] : memref<1984x80x128xf32, #tpu.memory_space<hbm>> -> memref<1x80x128xf32, #tpu.memory_space<hbm>>
          %dma_wait3A_73 = tpu.memref_squeeze %dma_wait3A_72 : memref<1x80x128xf32, #tpu.memory_space<hbm>> -> memref<80x128xf32, #tpu.memory_space<hbm>>
          %dma_wait3A_74 = arith.constant 0 : i32
          %dma_wait3A_75 = arith.constant 0 : i32
          %dma_wait3A_76 = tpu.memref_slice %arg2[%add3A_61, %dma_wait3A_74, %dma_wait3A_75] : memref<1984x80x128xf32, #tpu.memory_space<hbm>> -> memref<1x80x128xf32, #tpu.memory_space<hbm>>
          %dma_wait3A_77 = tpu.memref_squeeze %dma_wait3A_76 : memref<1x80x128xf32, #tpu.memory_space<hbm>> -> memref<80x128xf32, #tpu.memory_space<hbm>>
          tpu.wait_dma2 semaphore(%arg15 : memref<!tpu.dma_semaphore, #tpu.memory_space<semaphore_mem>>) src(%dma_wait3A_77 : memref<80x128xf32, #tpu.memory_space<hbm>>) dst(%arg9 : memref<80x128xf32, #tpu.memory_space<vmem>>)
          %dma_start3A_78 = arith.constant 0 : i32
          %dma_start3A_79 = arith.constant 0 : i32
          %dma_start3A_80 = tpu.memref_slice %arg7[%dma_start3A_78, %dma_start3A_79] : memref<10240x128xf32, #tpu.memory_space<vmem_shared>> -> memref<10240x128xf32, #tpu.memory_space<vmem_shared>>
          tpu.enqueue_indirect_dma source(%arg9 : memref<80x128xf32, #tpu.memory_space<vmem>>) target(%dma_start3A_80 : memref<10240x128xf32, #tpu.memory_space<vmem_shared>>) offsets(%arg13 : memref<80xi32, #tpu.memory_space<vmem>>) semaphore(%arg19 : memref<!tpu.dma_semaphore, #tpu.memory_space<semaphore_mem>>) {add = true}
        } else {
        }
      }
      %scan3A_35 = arith.constant 124 : i32
      %dma_wait3A = arith.constant 0 : i32
      %dma_wait3A_36 = arith.constant 0 : i32
      %dma_wait3A_37 = tpu.memref_slice %arg7[%dma_wait3A, %dma_wait3A_36] : memref<10240x128xf32, #tpu.memory_space<vmem_shared>> -> memref<10240x128xf32, #tpu.memory_space<vmem_shared>>
      tpu.wait_indirect_dma semaphore(%arg19 : memref<!tpu.dma_semaphore, #tpu.memory_space<semaphore_mem>>) src(%arg9 : memref<80x128xf32, #tpu.memory_space<vmem>>) dst(%dma_wait3A_37 : memref<10240x128xf32, #tpu.memory_space<vmem_shared>>)
      %dma_wait3A_38 = arith.constant 0 : i32
      %dma_wait3A_39 = arith.constant 0 : i32
      %dma_wait3A_40 = tpu.memref_slice %arg7[%dma_wait3A_38, %dma_wait3A_39] : memref<10240x128xf32, #tpu.memory_space<vmem_shared>> -> memref<10240x128xf32, #tpu.memory_space<vmem_shared>>
      tpu.wait_indirect_dma semaphore(%arg18 : memref<!tpu.dma_semaphore, #tpu.memory_space<semaphore_mem>>) src(%arg8 : memref<80x128xf32, #tpu.memory_space<vmem>>) dst(%dma_wait3A_40 : memref<10240x128xf32, #tpu.memory_space<vmem_shared>>)
    } else {
    }
    %eq3A_5 = arith.constant 1 : i32
    %eq3A_6 = arith.cmpi eq, %arg0, %eq3A_5 : i32
    %convert_element_type3A_7 = arith.extui %eq3A_6 : i1 to i32
    %cond3A_8 = arith.constant 0 : i32
    %cond3A_9 = arith.cmpi ne, %convert_element_type3A_7, %cond3A_8 : i32
    scf.if %cond3A_9 {
      "tpu.region"() ({
        %run_scoped3A = tpu.sem_alloc : memref<!tpu.dma_semaphore, #tpu.memory_space<semaphore_mem>>
        %dma_start3A_41 = arith.constant 0 : i32
        %dma_start3A_42 = arith.constant 0 : i32
        %dma_start3A_43 = tpu.memref_slice %arg5[%dma_start3A_41, %dma_start3A_42] : memref<640x128xf32, #tpu.memory_space<hbm>> -> memref<80x128xf32, #tpu.memory_space<hbm>>
        %dma_start3A_44 = arith.constant 0 : i32
        %dma_start3A_45 = arith.constant 0 : i32
        %dma_start3A_46 = tpu.memref_slice %arg5[%dma_start3A_44, %dma_start3A_45] : memref<640x128xf32, #tpu.memory_space<hbm>> -> memref<80x128xf32, #tpu.memory_space<hbm>>
        tpu.enqueue_dma source(%dma_start3A_46 : memref<80x128xf32, #tpu.memory_space<hbm>>) target(%arg8 : memref<80x128xf32, #tpu.memory_space<vmem>>) target_semaphore(%run_scoped3A : memref<!tpu.dma_semaphore, #tpu.memory_space<semaphore_mem>>)
        %dma_wait3A_47 = arith.constant 0 : i32
        %dma_wait3A_48 = arith.constant 0 : i32
        %dma_wait3A_49 = tpu.memref_slice %arg5[%dma_wait3A_47, %dma_wait3A_48] : memref<640x128xf32, #tpu.memory_space<hbm>> -> memref<80x128xf32, #tpu.memory_space<hbm>>
        %dma_wait3A_50 = arith.constant 0 : i32
        %dma_wait3A_51 = arith.constant 0 : i32
        %dma_wait3A_52 = tpu.memref_slice %arg5[%dma_wait3A_50, %dma_wait3A_51] : memref<640x128xf32, #tpu.memory_space<hbm>> -> memref<80x128xf32, #tpu.memory_space<hbm>>
        tpu.wait_dma2 semaphore(%run_scoped3A : memref<!tpu.dma_semaphore, #tpu.memory_space<semaphore_mem>>) src(%dma_wait3A_52 : memref<80x128xf32, #tpu.memory_space<hbm>>) dst(%arg8 : memref<80x128xf32, #tpu.memory_space<vmem>>)
        tpu.yield
      }) : () -> ()
      "tpu.region"() ({
        %run_scoped3A = tpu.sem_alloc : memref<!tpu.dma_semaphore, #tpu.memory_space<semaphore_mem>>
        %dma_start3A_41 = arith.constant 0 : i32
        %dma_start3A_42 = arith.constant 0 : i32
        %dma_start3A_43 = tpu.memref_slice %arg5[%dma_start3A_41, %dma_start3A_42] : memref<640x128xf32, #tpu.memory_space<hbm>> -> memref<80x128xf32, #tpu.memory_space<hbm>>
        %dma_start3A_44 = arith.constant 0 : i32
        %dma_start3A_45 = arith.constant 0 : i32
        %dma_start3A_46 = tpu.memref_slice %arg5[%dma_start3A_44, %dma_start3A_45] : memref<640x128xf32, #tpu.memory_space<hbm>> -> memref<80x128xf32, #tpu.memory_space<hbm>>
        tpu.enqueue_dma source(%dma_start3A_46 : memref<80x128xf32, #tpu.memory_space<hbm>>) target(%arg9 : memref<80x128xf32, #tpu.memory_space<vmem>>) target_semaphore(%run_scoped3A : memref<!tpu.dma_semaphore, #tpu.memory_space<semaphore_mem>>)
        %dma_wait3A_47 = arith.constant 0 : i32
        %dma_wait3A_48 = arith.constant 0 : i32
        %dma_wait3A_49 = tpu.memref_slice %arg5[%dma_wait3A_47, %dma_wait3A_48] : memref<640x128xf32, #tpu.memory_space<hbm>> -> memref<80x128xf32, #tpu.memory_space<hbm>>
        %dma_wait3A_50 = arith.constant 0 : i32
        %dma_wait3A_51 = arith.constant 0 : i32
        %dma_wait3A_52 = tpu.memref_slice %arg5[%dma_wait3A_50, %dma_wait3A_51] : memref<640x128xf32, #tpu.memory_space<hbm>> -> memref<80x128xf32, #tpu.memory_space<hbm>>
        tpu.wait_dma2 semaphore(%run_scoped3A : memref<!tpu.dma_semaphore, #tpu.memory_space<semaphore_mem>>) src(%dma_wait3A_52 : memref<80x128xf32, #tpu.memory_space<hbm>>) dst(%arg9 : memref<80x128xf32, #tpu.memory_space<vmem>>)
        tpu.yield
      }) : () -> ()
      %barrier3A_14 = arith.constant 0 : index
      tpu.barrier barrier_id(%barrier3A_14)
      %add3A = arith.constant 0 : i32
      %add3A_15 = arith.addi %mul3A_0, %add3A : i32
      %add3A_16 = arith.constant 0 : i32
      %add3A_17 = arith.addi %add3A_16, %add3A_15 : i32
      %dma_start3A = arith.constant 0 : i32
      %dma_start3A_18 = tpu.memref_slice %arg4[%add3A_17, %dma_start3A] : memref<4000x80xi32, #tpu.memory_space<hbm>> -> memref<1x80xi32, #tpu.memory_space<hbm>>
      %dma_start3A_19 = tpu.memref_squeeze %dma_start3A_18 : memref<1x80xi32, #tpu.memory_space<hbm>> -> memref<80xi32, #tpu.memory_space<hbm>>
      %dma_start3A_20 = arith.constant 0 : i32
      %dma_start3A_21 = tpu.memref_slice %arg4[%add3A_17, %dma_start3A_20] : memref<4000x80xi32, #tpu.memory_space<hbm>> -> memref<1x80xi32, #tpu.memory_space<hbm>>
      %dma_start3A_22 = tpu.memref_squeeze %dma_start3A_21 : memref<1x80xi32, #tpu.memory_space<hbm>> -> memref<80xi32, #tpu.memory_space<hbm>>
      tpu.enqueue_dma source(%dma_start3A_22 : memref<80xi32, #tpu.memory_space<hbm>>) target(%arg12 : memref<80xi32, #tpu.memory_space<vmem>>) target_semaphore(%arg16 : memref<!tpu.dma_semaphore, #tpu.memory_space<semaphore_mem>>)
      %dma_start3A_23 = arith.constant 0 : i32
      %dma_start3A_24 = arith.constant 0 : i32
      %dma_start3A_25 = tpu.memref_slice %arg3[%add3A_15, %dma_start3A_23, %dma_start3A_24] : memref<1984x80x16xf32, #tpu.memory_space<hbm>> -> memref<1x80x16xf32, #tpu.memory_space<hbm>>
      %dma_start3A_26 = tpu.memref_squeeze %dma_start3A_25 : memref<1x80x16xf32, #tpu.memory_space<hbm>> -> memref<80x16xf32, #tpu.memory_space<hbm>>
      %dma_start3A_27 = arith.constant 0 : i32
      %dma_start3A_28 = arith.constant 0 : i32
      %dma_start3A_29 = tpu.memref_slice %arg3[%add3A_15, %dma_start3A_27, %dma_start3A_28] : memref<1984x80x16xf32, #tpu.memory_space<hbm>> -> memref<1x80x16xf32, #tpu.memory_space<hbm>>
      %dma_start3A_30 = tpu.memref_squeeze %dma_start3A_29 : memref<1x80x16xf32, #tpu.memory_space<hbm>> -> memref<80x16xf32, #tpu.memory_space<hbm>>
      tpu.enqueue_dma source(%dma_start3A_30 : memref<80x16xf32, #tpu.memory_space<hbm>>) target(%arg10 : memref<80x16xf32, #tpu.memory_space<vmem>>) target_semaphore(%arg14 : memref<!tpu.dma_semaphore, #tpu.memory_space<semaphore_mem>>)
      %scan3A = arith.constant 0 : i32
      %scan3A_31 = arith.constant 0 : i32
      %scan3A_32 = arith.constant 124 : i32
      %scan3A_33 = arith.addi %scan3A_31, %scan3A_32 : i32
      %scan3A_34 = arith.constant 1 : i32
      scf.for %scan3A_41 = %scan3A_31 to %scan3A_33 step %scan3A_34  : i32 {
        %rem3A = arith.constant 2 : i32
        %rem3A_42 = arith.remsi %scan3A_41, %rem3A : i32
        %eq3A_43 = arith.constant 0 : i32
        %eq3A_44 = arith.cmpi eq, %rem3A_42, %eq3A_43 : i32
        %convert_element_type3A_45 = arith.extui %eq3A_44 : i1 to i32
        %cond3A_46 = arith.constant 0 : i32
        %cond3A_47 = arith.cmpi ne, %convert_element_type3A_45, %cond3A_46 : i32
        scf.if %cond3A_47 {
          %add3A_55 = arith.constant 1 : i32
          %add3A_56 = arith.addi %scan3A_41, %add3A_55 : i32
          %lt3A = arith.constant 124 : i32
          %lt3A_57 = arith.cmpi slt, %add3A_56, %lt3A : i32
          %convert_element_type3A_58 = arith.extui %lt3A_57 : i1 to i32
          %cond3A_59 = arith.constant 0 : i32
          %cond3A_60 = arith.cmpi ne, %convert_element_type3A_58, %cond3A_59 : i32
          scf.if %cond3A_60 {
            %ge3A = arith.constant 1 : i32
            %ge3A_87 = arith.cmpi sge, %scan3A_41, %ge3A : i32
            %convert_element_type3A_88 = arith.extui %ge3A_87 : i1 to i32
            %cond3A_89 = arith.constant 0 : i32
            %cond3A_90 = arith.cmpi ne, %convert_element_type3A_88, %cond3A_89 : i32
            scf.if %cond3A_90 {
              %dma_wait3A_110 = arith.constant 0 : i32
              %dma_wait3A_111 = arith.constant 0 : i32
              %dma_wait3A_112 = tpu.memref_slice %arg7[%dma_wait3A_110, %dma_wait3A_111] : memref<10240x128xf32, #tpu.memory_space<vmem_shared>> -> memref<10240x128xf32, #tpu.memory_space<vmem_shared>>
              tpu.wait_indirect_dma semaphore(%arg19 : memref<!tpu.dma_semaphore, #tpu.memory_space<semaphore_mem>>) src(%arg9 : memref<80x128xf32, #tpu.memory_space<vmem>>) dst(%dma_wait3A_112 : memref<10240x128xf32, #tpu.memory_space<vmem_shared>>)
            } else {
            }
            %add3A_91 = arith.constant 1 : i32
            %add3A_92 = arith.addi %scan3A_41, %add3A_91 : i32
            %add3A_93 = arith.addi %mul3A_0, %add3A_92 : i32
            %add3A_94 = arith.constant 0 : i32
            %add3A_95 = arith.addi %add3A_94, %add3A_93 : i32
            %dma_start3A_96 = arith.constant 0 : i32
            %dma_start3A_97 = tpu.memref_slice %arg4[%add3A_95, %dma_start3A_96] : memref<4000x80xi32, #tpu.memory_space<hbm>> -> memref<1x80xi32, #tpu.memory_space<hbm>>
            %dma_start3A_98 = tpu.memref_squeeze %dma_start3A_97 : memref<1x80xi32, #tpu.memory_space<hbm>> -> memref<80xi32, #tpu.memory_space<hbm>>
            %dma_start3A_99 = arith.constant 0 : i32
            %dma_start3A_100 = tpu.memref_slice %arg4[%add3A_95, %dma_start3A_99] : memref<4000x80xi32, #tpu.memory_space<hbm>> -> memref<1x80xi32, #tpu.memory_space<hbm>>
            %dma_start3A_101 = tpu.memref_squeeze %dma_start3A_100 : memref<1x80xi32, #tpu.memory_space<hbm>> -> memref<80xi32, #tpu.memory_space<hbm>>
            tpu.enqueue_dma source(%dma_start3A_101 : memref<80xi32, #tpu.memory_space<hbm>>) target(%arg13 : memref<80xi32, #tpu.memory_space<vmem>>) target_semaphore(%arg17 : memref<!tpu.dma_semaphore, #tpu.memory_space<semaphore_mem>>)
            %dma_start3A_102 = arith.constant 0 : i32
            %dma_start3A_103 = arith.constant 0 : i32
            %dma_start3A_104 = tpu.memref_slice %arg3[%add3A_93, %dma_start3A_102, %dma_start3A_103] : memref<1984x80x16xf32, #tpu.memory_space<hbm>> -> memref<1x80x16xf32, #tpu.memory_space<hbm>>
            %dma_start3A_105 = tpu.memref_squeeze %dma_start3A_104 : memref<1x80x16xf32, #tpu.memory_space<hbm>> -> memref<80x16xf32, #tpu.memory_space<hbm>>
            %dma_start3A_106 = arith.constant 0 : i32
            %dma_start3A_107 = arith.constant 0 : i32
            %dma_start3A_108 = tpu.memref_slice %arg3[%add3A_93, %dma_start3A_106, %dma_start3A_107] : memref<1984x80x16xf32, #tpu.memory_space<hbm>> -> memref<1x80x16xf32, #tpu.memory_space<hbm>>
            %dma_start3A_109 = tpu.memref_squeeze %dma_start3A_108 : memref<1x80x16xf32, #tpu.memory_space<hbm>> -> memref<80x16xf32, #tpu.memory_space<hbm>>
            tpu.enqueue_dma source(%dma_start3A_109 : memref<80x16xf32, #tpu.memory_space<hbm>>) target(%arg11 : memref<80x16xf32, #tpu.memory_space<vmem>>) target_semaphore(%arg15 : memref<!tpu.dma_semaphore, #tpu.memory_space<semaphore_mem>>)
          } else {
          }
          %add3A_61 = arith.addi %mul3A_0, %scan3A_41 : i32
          %add3A_62 = arith.constant 0 : i32
          %add3A_63 = arith.addi %add3A_62, %add3A_61 : i32
          %dma_wait3A_64 = arith.constant 0 : i32
          %dma_wait3A_65 = tpu.memref_slice %arg4[%add3A_63, %dma_wait3A_64] : memref<4000x80xi32, #tpu.memory_space<hbm>> -> memref<1x80xi32, #tpu.memory_space<hbm>>
          %dma_wait3A_66 = tpu.memref_squeeze %dma_wait3A_65 : memref<1x80xi32, #tpu.memory_space<hbm>> -> memref<80xi32, #tpu.memory_space<hbm>>
          %dma_wait3A_67 = arith.constant 0 : i32
          %dma_wait3A_68 = tpu.memref_slice %arg4[%add3A_63, %dma_wait3A_67] : memref<4000x80xi32, #tpu.memory_space<hbm>> -> memref<1x80xi32, #tpu.memory_space<hbm>>
          %dma_wait3A_69 = tpu.memref_squeeze %dma_wait3A_68 : memref<1x80xi32, #tpu.memory_space<hbm>> -> memref<80xi32, #tpu.memory_space<hbm>>
          tpu.wait_dma2 semaphore(%arg16 : memref<!tpu.dma_semaphore, #tpu.memory_space<semaphore_mem>>) src(%dma_wait3A_69 : memref<80xi32, #tpu.memory_space<hbm>>) dst(%arg12 : memref<80xi32, #tpu.memory_space<vmem>>)
          %dma_wait3A_70 = arith.constant 0 : i32
          %dma_wait3A_71 = arith.constant 0 : i32
          %dma_wait3A_72 = tpu.memref_slice %arg3[%add3A_61, %dma_wait3A_70, %dma_wait3A_71] : memref<1984x80x16xf32, #tpu.memory_space<hbm>> -> memref<1x80x16xf32, #tpu.memory_space<hbm>>
          %dma_wait3A_73 = tpu.memref_squeeze %dma_wait3A_72 : memref<1x80x16xf32, #tpu.memory_space<hbm>> -> memref<80x16xf32, #tpu.memory_space<hbm>>
          %dma_wait3A_74 = arith.constant 0 : i32
          %dma_wait3A_75 = arith.constant 0 : i32
          %dma_wait3A_76 = tpu.memref_slice %arg3[%add3A_61, %dma_wait3A_74, %dma_wait3A_75] : memref<1984x80x16xf32, #tpu.memory_space<hbm>> -> memref<1x80x16xf32, #tpu.memory_space<hbm>>
          %dma_wait3A_77 = tpu.memref_squeeze %dma_wait3A_76 : memref<1x80x16xf32, #tpu.memory_space<hbm>> -> memref<80x16xf32, #tpu.memory_space<hbm>>
          tpu.wait_dma2 semaphore(%arg14 : memref<!tpu.dma_semaphore, #tpu.memory_space<semaphore_mem>>) src(%dma_wait3A_77 : memref<80x16xf32, #tpu.memory_space<hbm>>) dst(%arg10 : memref<80x16xf32, #tpu.memory_space<vmem>>)
          %scan3A_78 = arith.constant 0 : i32
          %scan3A_79 = arith.constant 0 : i32
          %scan3A_80 = arith.constant 80 : i32
          %scan3A_81 = arith.addi %scan3A_79, %scan3A_80 : i32
          %scan3A_82 = arith.constant 1 : i32
          scf.for %scan3A_87 = %scan3A_79 to %scan3A_81 step %scan3A_82  : i32 {
            %get3A = arith.index_cast %scan3A_87 : i32 to index
            %get3A_88 = arith.constant 0 : index
            %get3A_89 = tpu.vector_load %arg10[%get3A, %get3A_88] {strides = array<i32>} : memref<80x16xf32, #tpu.memory_space<vmem>>, vector<1x16xf32>,
            %get3A_90 = vector.shape_cast %get3A_89 : vector<1x16xf32> to vector<16xf32>
            %swap3A = arith.index_cast %scan3A_87 : i32 to index
            %swap3A_91 = arith.constant 0 : index
            %swap3A_92 = tpu.vector_load %arg8[%swap3A, %swap3A_91] {strides = array<i32>} : memref<80x128xf32, #tpu.memory_space<vmem>>, vector<1x16xf32>,
            %swap3A_93 = vector.shape_cast %swap3A_92 : vector<1x16xf32> to vector<16xf32>
            %swap3A_94 = vector.shape_cast %get3A_90 : vector<16xf32> to vector<1x16xf32>
            tpu.vector_store %arg8[%swap3A, %swap3A_91], %swap3A_94 {strides = array<i32>} : memref<80x128xf32, #tpu.memory_space<vmem>>, vector<1x16xf32>,
          }
          %scan3A_83 = arith.constant 80 : i32
          %dma_start3A_84 = arith.constant 0 : i32
          %dma_start3A_85 = arith.constant 0 : i32
          %dma_start3A_86 = tpu.memref_slice %arg7[%dma_start3A_84, %dma_start3A_85] : memref<10240x128xf32, #tpu.memory_space<vmem_shared>> -> memref<10240x128xf32, #tpu.memory_space<vmem_shared>>
          tpu.enqueue_indirect_dma source(%arg8 : memref<80x128xf32, #tpu.memory_space<vmem>>) target(%dma_start3A_86 : memref<10240x128xf32, #tpu.memory_space<vmem_shared>>) offsets(%arg12 : memref<80xi32, #tpu.memory_space<vmem>>) semaphore(%arg18 : memref<!tpu.dma_semaphore, #tpu.memory_space<semaphore_mem>>) {add = true}
        } else {
        }
        %rem3A_48 = arith.constant 2 : i32
        %rem3A_49 = arith.remsi %scan3A_41, %rem3A_48 : i32
        %eq3A_50 = arith.constant 1 : i32
        %eq3A_51 = arith.cmpi eq, %rem3A_49, %eq3A_50 : i32
        %convert_element_type3A_52 = arith.extui %eq3A_51 : i1 to i32
        %cond3A_53 = arith.constant 0 : i32
        %cond3A_54 = arith.cmpi ne, %convert_element_type3A_52, %cond3A_53 : i32
        scf.if %cond3A_54 {
          %add3A_55 = arith.constant 1 : i32
          %add3A_56 = arith.addi %scan3A_41, %add3A_55 : i32
          %lt3A = arith.constant 124 : i32
          %lt3A_57 = arith.cmpi slt, %add3A_56, %lt3A : i32
          %convert_element_type3A_58 = arith.extui %lt3A_57 : i1 to i32
          %cond3A_59 = arith.constant 0 : i32
          %cond3A_60 = arith.cmpi ne, %convert_element_type3A_58, %cond3A_59 : i32
          scf.if %cond3A_60 {
            %ge3A = arith.constant 1 : i32
            %ge3A_87 = arith.cmpi sge, %scan3A_41, %ge3A : i32
            %convert_element_type3A_88 = arith.extui %ge3A_87 : i1 to i32
            %cond3A_89 = arith.constant 0 : i32
            %cond3A_90 = arith.cmpi ne, %convert_element_type3A_88, %cond3A_89 : i32
            scf.if %cond3A_90 {
              %dma_wait3A_110 = arith.constant 0 : i32
              %dma_wait3A_111 = arith.constant 0 : i32
              %dma_wait3A_112 = tpu.memref_slice %arg7[%dma_wait3A_110, %dma_wait3A_111] : memref<10240x128xf32, #tpu.memory_space<vmem_shared>> -> memref<10240x128xf32, #tpu.memory_space<vmem_shared>>
              tpu.wait_indirect_dma semaphore(%arg18 : memref<!tpu.dma_semaphore, #tpu.memory_space<semaphore_mem>>) src(%arg8 : memref<80x128xf32, #tpu.memory_space<vmem>>) dst(%dma_wait3A_112 : memref<10240x128xf32, #tpu.memory_space<vmem_shared>>)
            } else {
            }
            %add3A_91 = arith.constant 1 : i32
            %add3A_92 = arith.addi %scan3A_41, %add3A_91 : i32
            %add3A_93 = arith.addi %mul3A_0, %add3A_92 : i32
            %add3A_94 = arith.constant 0 : i32
            %add3A_95 = arith.addi %add3A_94, %add3A_93 : i32
            %dma_start3A_96 = arith.constant 0 : i32
            %dma_start3A_97 = tpu.memref_slice %arg4[%add3A_95, %dma_start3A_96] : memref<4000x80xi32, #tpu.memory_space<hbm>> -> memref<1x80xi32, #tpu.memory_space<hbm>>
            %dma_start3A_98 = tpu.memref_squeeze %dma_start3A_97 : memref<1x80xi32, #tpu.memory_space<hbm>> -> memref<80xi32, #tpu.memory_space<hbm>>
            %dma_start3A_99 = arith.constant 0 : i32
            %dma_start3A_100 = tpu.memref_slice %arg4[%add3A_95, %dma_start3A_99] : memref<4000x80xi32, #tpu.memory_space<hbm>> -> memref<1x80xi32, #tpu.memory_space<hbm>>
            %dma_start3A_101 = tpu.memref_squeeze %dma_start3A_100 : memref<1x80xi32, #tpu.memory_space<hbm>> -> memref<80xi32, #tpu.memory_space<hbm>>
            tpu.enqueue_dma source(%dma_start3A_101 : memref<80xi32, #tpu.memory_space<hbm>>) target(%arg12 : memref<80xi32, #tpu.memory_space<vmem>>) target_semaphore(%arg16 : memref<!tpu.dma_semaphore, #tpu.memory_space<semaphore_mem>>)
            %dma_start3A_102 = arith.constant 0 : i32
            %dma_start3A_103 = arith.constant 0 : i32
            %dma_start3A_104 = tpu.memref_slice %arg3[%add3A_93, %dma_start3A_102, %dma_start3A_103] : memref<1984x80x16xf32, #tpu.memory_space<hbm>> -> memref<1x80x16xf32, #tpu.memory_space<hbm>>
            %dma_start3A_105 = tpu.memref_squeeze %dma_start3A_104 : memref<1x80x16xf32, #tpu.memory_space<hbm>> -> memref<80x16xf32, #tpu.memory_space<hbm>>
            %dma_start3A_106 = arith.constant 0 : i32
            %dma_start3A_107 = arith.constant 0 : i32
            %dma_start3A_108 = tpu.memref_slice %arg3[%add3A_93, %dma_start3A_106, %dma_start3A_107] : memref<1984x80x16xf32, #tpu.memory_space<hbm>> -> memref<1x80x16xf32, #tpu.memory_space<hbm>>
            %dma_start3A_109 = tpu.memref_squeeze %dma_start3A_108 : memref<1x80x16xf32, #tpu.memory_space<hbm>> -> memref<80x16xf32, #tpu.memory_space<hbm>>
            tpu.enqueue_dma source(%dma_start3A_109 : memref<80x16xf32, #tpu.memory_space<hbm>>) target(%arg10 : memref<80x16xf32, #tpu.memory_space<vmem>>) target_semaphore(%arg14 : memref<!tpu.dma_semaphore, #tpu.memory_space<semaphore_mem>>)
          } else {
          }
          %add3A_61 = arith.addi %mul3A_0, %scan3A_41 : i32
          %add3A_62 = arith.constant 0 : i32
          %add3A_63 = arith.addi %add3A_62, %add3A_61 : i32
          %dma_wait3A_64 = arith.constant 0 : i32
          %dma_wait3A_65 = tpu.memref_slice %arg4[%add3A_63, %dma_wait3A_64] : memref<4000x80xi32, #tpu.memory_space<hbm>> -> memref<1x80xi32, #tpu.memory_space<hbm>>
          %dma_wait3A_66 = tpu.memref_squeeze %dma_wait3A_65 : memref<1x80xi32, #tpu.memory_space<hbm>> -> memref<80xi32, #tpu.memory_space<hbm>>
          %dma_wait3A_67 = arith.constant 0 : i32
          %dma_wait3A_68 = tpu.memref_slice %arg4[%add3A_63, %dma_wait3A_67] : memref<4000x80xi32, #tpu.memory_space<hbm>> -> memref<1x80xi32, #tpu.memory_space<hbm>>
          %dma_wait3A_69 = tpu.memref_squeeze %dma_wait3A_68 : memref<1x80xi32, #tpu.memory_space<hbm>> -> memref<80xi32, #tpu.memory_space<hbm>>
          tpu.wait_dma2 semaphore(%arg17 : memref<!tpu.dma_semaphore, #tpu.memory_space<semaphore_mem>>) src(%dma_wait3A_69 : memref<80xi32, #tpu.memory_space<hbm>>) dst(%arg13 : memref<80xi32, #tpu.memory_space<vmem>>)
          %dma_wait3A_70 = arith.constant 0 : i32
          %dma_wait3A_71 = arith.constant 0 : i32
          %dma_wait3A_72 = tpu.memref_slice %arg3[%add3A_61, %dma_wait3A_70, %dma_wait3A_71] : memref<1984x80x16xf32, #tpu.memory_space<hbm>> -> memref<1x80x16xf32, #tpu.memory_space<hbm>>
          %dma_wait3A_73 = tpu.memref_squeeze %dma_wait3A_72 : memref<1x80x16xf32, #tpu.memory_space<hbm>> -> memref<80x16xf32, #tpu.memory_space<hbm>>
          %dma_wait3A_74 = arith.constant 0 : i32
          %dma_wait3A_75 = arith.constant 0 : i32
          %dma_wait3A_76 = tpu.memref_slice %arg3[%add3A_61, %dma_wait3A_74, %dma_wait3A_75] : memref<1984x80x16xf32, #tpu.memory_space<hbm>> -> memref<1x80x16xf32, #tpu.memory_space<hbm>>
          %dma_wait3A_77 = tpu.memref_squeeze %dma_wait3A_76 : memref<1x80x16xf32, #tpu.memory_space<hbm>> -> memref<80x16xf32, #tpu.memory_space<hbm>>
          tpu.wait_dma2 semaphore(%arg15 : memref<!tpu.dma_semaphore, #tpu.memory_space<semaphore_mem>>) src(%dma_wait3A_77 : memref<80x16xf32, #tpu.memory_space<hbm>>) dst(%arg11 : memref<80x16xf32, #tpu.memory_space<vmem>>)
          %scan3A_78 = arith.constant 0 : i32
          %scan3A_79 = arith.constant 0 : i32
          %scan3A_80 = arith.constant 80 : i32
          %scan3A_81 = arith.addi %scan3A_79, %scan3A_80 : i32
          %scan3A_82 = arith.constant 1 : i32
          scf.for %scan3A_87 = %scan3A_79 to %scan3A_81 step %scan3A_82  : i32 {
            %get3A = arith.index_cast %scan3A_87 : i32 to index
            %get3A_88 = arith.constant 0 : index
            %get3A_89 = tpu.vector_load %arg11[%get3A, %get3A_88] {strides = array<i32>} : memref<80x16xf32, #tpu.memory_space<vmem>>, vector<1x16xf32>,
            %get3A_90 = vector.shape_cast %get3A_89 : vector<1x16xf32> to vector<16xf32>
            %swap3A = arith.index_cast %scan3A_87 : i32 to index
            %swap3A_91 = arith.constant 0 : index
            %swap3A_92 = tpu.vector_load %arg9[%swap3A, %swap3A_91] {strides = array<i32>} : memref<80x128xf32, #tpu.memory_space<vmem>>, vector<1x16xf32>,
            %swap3A_93 = vector.shape_cast %swap3A_92 : vector<1x16xf32> to vector<16xf32>
            %swap3A_94 = vector.shape_cast %get3A_90 : vector<16xf32> to vector<1x16xf32>
            tpu.vector_store %arg9[%swap3A, %swap3A_91], %swap3A_94 {strides = array<i32>} : memref<80x128xf32, #tpu.memory_space<vmem>>, vector<1x16xf32>,
          }
          %scan3A_83 = arith.constant 80 : i32
          %dma_start3A_84 = arith.constant 0 : i32
          %dma_start3A_85 = arith.constant 0 : i32
          %dma_start3A_86 = tpu.memref_slice %arg7[%dma_start3A_84, %dma_start3A_85] : memref<10240x128xf32, #tpu.memory_space<vmem_shared>> -> memref<10240x128xf32, #tpu.memory_space<vmem_shared>>
          tpu.enqueue_indirect_dma source(%arg9 : memref<80x128xf32, #tpu.memory_space<vmem>>) target(%dma_start3A_86 : memref<10240x128xf32, #tpu.memory_space<vmem_shared>>) offsets(%arg13 : memref<80xi32, #tpu.memory_space<vmem>>) semaphore(%arg19 : memref<!tpu.dma_semaphore, #tpu.memory_space<semaphore_mem>>) {add = true}
        } else {
        }
      }
      %scan3A_35 = arith.constant 124 : i32
      %dma_wait3A = arith.constant 0 : i32
      %dma_wait3A_36 = arith.constant 0 : i32
      %dma_wait3A_37 = tpu.memref_slice %arg7[%dma_wait3A, %dma_wait3A_36] : memref<10240x128xf32, #tpu.memory_space<vmem_shared>> -> memref<10240x128xf32, #tpu.memory_space<vmem_shared>>
      tpu.wait_indirect_dma semaphore(%arg19 : memref<!tpu.dma_semaphore, #tpu.memory_space<semaphore_mem>>) src(%arg9 : memref<80x128xf32, #tpu.memory_space<vmem>>) dst(%dma_wait3A_37 : memref<10240x128xf32, #tpu.memory_space<vmem_shared>>)
      %dma_wait3A_38 = arith.constant 0 : i32
      %dma_wait3A_39 = arith.constant 0 : i32
      %dma_wait3A_40 = tpu.memref_slice %arg7[%dma_wait3A_38, %dma_wait3A_39] : memref<10240x128xf32, #tpu.memory_space<vmem_shared>> -> memref<10240x128xf32, #tpu.memory_space<vmem_shared>>
      tpu.wait_indirect_dma semaphore(%arg18 : memref<!tpu.dma_semaphore, #tpu.memory_space<semaphore_mem>>) src(%arg8 : memref<80x128xf32, #tpu.memory_space<vmem>>) dst(%dma_wait3A_40 : memref<10240x128xf32, #tpu.memory_space<vmem_shared>>)
    } else {
    }
    %barrier3A = arith.constant 0 : index
    tpu.barrier barrier_id(%barrier3A)
    %mul3A_10 = arith.constant 640 : i32
    %mul3A_11 = arith.muli %arg1, %mul3A_10 : i32
    %mul3A_12 = arith.constant 640 : i32
    %mul3A_13 = arith.muli %arg1, %mul3A_12 : i32
    "tpu.region"() ({
      %run_scoped3A = tpu.sem_alloc : memref<!tpu.dma_semaphore, #tpu.memory_space<semaphore_mem>>
      %dma_start3A = arith.constant 0 : i32
      %dma_start3A_14 = tpu.memref_slice %arg6[%arg0, %mul3A_13, %dma_start3A] : memref<2x10240x128xf32, #tpu.memory_space<hbm>> -> memref<1x640x128xf32, #tpu.memory_space<hbm>>
      %dma_start3A_15 = tpu.memref_squeeze %dma_start3A_14 : memref<1x640x128xf32, #tpu.memory_space<hbm>> -> memref<640x128xf32, #tpu.memory_space<hbm>>
      %dma_start3A_16 = arith.constant 0 : i32
      %dma_start3A_17 = tpu.memref_slice %arg7[%mul3A_11, %dma_start3A_16] : memref<10240x128xf32, #tpu.memory_space<vmem_shared>> -> memref<640x128xf32, #tpu.memory_space<vmem_shared>>
      tpu.enqueue_dma source(%dma_start3A_17 : memref<640x128xf32, #tpu.memory_space<vmem_shared>>) target(%dma_start3A_15 : memref<640x128xf32, #tpu.memory_space<hbm>>) target_semaphore(%run_scoped3A : memref<!tpu.dma_semaphore, #tpu.memory_space<semaphore_mem>>)
      %dma_wait3A = arith.constant 0 : i32
      %dma_wait3A_18 = tpu.memref_slice %arg6[%arg0, %mul3A_13, %dma_wait3A] : memref<2x10240x128xf32, #tpu.memory_space<hbm>> -> memref<1x640x128xf32, #tpu.memory_space<hbm>>
      %dma_wait3A_19 = tpu.memref_squeeze %dma_wait3A_18 : memref<1x640x128xf32, #tpu.memory_space<hbm>> -> memref<640x128xf32, #tpu.memory_space<hbm>>
      %dma_wait3A_20 = arith.constant 0 : i32
      %dma_wait3A_21 = tpu.memref_slice %arg7[%mul3A_11, %dma_wait3A_20] : memref<10240x128xf32, #tpu.memory_space<vmem_shared>> -> memref<640x128xf32, #tpu.memory_space<vmem_shared>>
      tpu.wait_dma2 semaphore(%run_scoped3A : memref<!tpu.dma_semaphore, #tpu.memory_space<semaphore_mem>>) src(%dma_wait3A_21 : memref<640x128xf32, #tpu.memory_space<vmem_shared>>) dst(%dma_wait3A_19 : memref<640x128xf32, #tpu.memory_space<hbm>>)
      tpu.yield
    }) : () -> ()
    return
  }
}

#map = affine_map<(d0, d1) -> (0, 0)>
#map1 = affine_map<(d0, d1) -> (0, 0, 0)>
module attributes {stable_mosaic.version = 14 : i64} {
  func.func @k(%arg0: i32, %arg1: i32, %arg2: memref<10000x128xf32, #tpu.memory_space<hbm>>, %arg3: memref<10000x128xf32, #tpu.memory_space<hbm>>, %arg4: memref<10000x128xf32, #tpu.memory_space<hbm>>, %arg5: memref<4000x80xi32, #tpu.memory_space<hbm>>, %arg6: memref<4000x80xi32, #tpu.memory_space<hbm>>, %arg7: memref<1984x80x128xf32, #tpu.memory_space<hbm>>, %arg8: memref<1984x80x128xf32, #tpu.memory_space<hbm>>, %arg9: memref<1984x80x128xf32, #tpu.memory_space<hbm>>, %arg10: memref<80xi32, #tpu.memory_space<vmem>>, %arg11: memref<80xi32, #tpu.memory_space<vmem>>, %arg12: memref<80xi32, #tpu.memory_space<vmem>>, %arg13: memref<80xi32, #tpu.memory_space<vmem>>, %arg14: memref<80x128xf32, #tpu.memory_space<vmem>>, %arg15: memref<80x128xf32, #tpu.memory_space<vmem>>, %arg16: memref<80x128xf32, #tpu.memory_space<vmem>>, %arg17: memref<80x128xf32, #tpu.memory_space<vmem>>, %arg18: memref<80x128xf32, #tpu.memory_space<vmem>>, %arg19: memref<80x128xf32, #tpu.memory_space<vmem>>, %arg20: memref<!tpu.dma_semaphore, #tpu.memory_space<semaphore_mem>>, %arg21: memref<!tpu.dma_semaphore, #tpu.memory_space<semaphore_mem>>, %arg22: memref<!tpu.dma_semaphore, #tpu.memory_space<semaphore_mem>>, %arg23: memref<!tpu.dma_semaphore, #tpu.memory_space<semaphore_mem>>, %arg24: memref<!tpu.dma_semaphore, #tpu.memory_space<semaphore_mem>>, %arg25: memref<!tpu.dma_semaphore, #tpu.memory_space<semaphore_mem>>, %arg26: memref<!tpu.dma_semaphore, #tpu.memory_space<semaphore_mem>>, %arg27: memref<!tpu.dma_semaphore, #tpu.memory_space<semaphore_mem>>, %arg28: memref<!tpu.dma_semaphore, #tpu.memory_space<semaphore_mem>>, %arg29: memref<!tpu.dma_semaphore, #tpu.memory_space<semaphore_mem>>, %arg30: memref<!tpu.dma_semaphore, #tpu.memory_space<semaphore_mem>>, %arg31: memref<!tpu.dma_semaphore, #tpu.memory_space<semaphore_mem>>, %arg32: memref<!tpu.dma_semaphore, #tpu.memory_space<semaphore_mem>>, %arg33: memref<!tpu.dma_semaphore, #tpu.memory_space<semaphore_mem>>, %arg34: memref<!tpu.dma_semaphore, #tpu.memory_space<semaphore_mem>>, %arg35: memref<!tpu.dma_semaphore, #tpu.memory_space<semaphore_mem>>) attributes {dimension_semantics = [#tpu.dimension_semantics<core_parallel>, #tpu.dimension_semantics<subcore_parallel>], iteration_bounds = array<i64: 2, 16>, scalar_prefetch = 0 : i64, scratch_operands = 26 : i64, tpu.core_type = #tpu.core_type<sc_vector_subcore>, window_params = [{transform_indices = #map}, {transform_indices = #map}, {transform_indices = #map}, {transform_indices = #map}, {transform_indices = #map}, {transform_indices = #map1}, {transform_indices = #map1}, {transform_indices = #map1}]} {
    %mul3A = arith.constant 2 : i32
    %mul3A_0 = arith.muli %arg1, %mul3A : i32
    %add3A = arith.addi %mul3A_0, %arg0 : i32
    %mul3A_1 = arith.constant 62 : i32
    %mul3A_2 = arith.muli %add3A, %mul3A_1 : i32
    %add3A_3 = arith.constant 0 : i32
    %add3A_4 = arith.addi %add3A_3, %mul3A_2 : i32
    %add3A_5 = arith.constant 0 : i32
    %add3A_6 = arith.addi %add3A_4, %add3A_5 : i32
    %dma_start3A = arith.constant 0 : i32
    %dma_start3A_7 = tpu.memref_slice %arg5[%add3A_6, %dma_start3A] : memref<4000x80xi32, #tpu.memory_space<hbm>> -> memref<1x80xi32, #tpu.memory_space<hbm>>
    %dma_start3A_8 = tpu.memref_squeeze %dma_start3A_7 : memref<1x80xi32, #tpu.memory_space<hbm>> -> memref<80xi32, #tpu.memory_space<hbm>>
    %dma_start3A_9 = arith.constant 0 : i32
    %dma_start3A_10 = tpu.memref_slice %arg5[%add3A_6, %dma_start3A_9] : memref<4000x80xi32, #tpu.memory_space<hbm>> -> memref<1x80xi32, #tpu.memory_space<hbm>>
    %dma_start3A_11 = tpu.memref_squeeze %dma_start3A_10 : memref<1x80xi32, #tpu.memory_space<hbm>> -> memref<80xi32, #tpu.memory_space<hbm>>
    tpu.enqueue_dma source(%dma_start3A_11 : memref<80xi32, #tpu.memory_space<hbm>>) target(%arg10 : memref<80xi32, #tpu.memory_space<vmem>>) target_semaphore(%arg20 : memref<!tpu.dma_semaphore, #tpu.memory_space<semaphore_mem>>)
    %dma_start3A_12 = arith.constant 0 : i32
    %dma_start3A_13 = tpu.memref_slice %arg6[%add3A_6, %dma_start3A_12] : memref<4000x80xi32, #tpu.memory_space<hbm>> -> memref<1x80xi32, #tpu.memory_space<hbm>>
    %dma_start3A_14 = tpu.memref_squeeze %dma_start3A_13 : memref<1x80xi32, #tpu.memory_space<hbm>> -> memref<80xi32, #tpu.memory_space<hbm>>
    %dma_start3A_15 = arith.constant 0 : i32
    %dma_start3A_16 = tpu.memref_slice %arg6[%add3A_6, %dma_start3A_15] : memref<4000x80xi32, #tpu.memory_space<hbm>> -> memref<1x80xi32, #tpu.memory_space<hbm>>
    %dma_start3A_17 = tpu.memref_squeeze %dma_start3A_16 : memref<1x80xi32, #tpu.memory_space<hbm>> -> memref<80xi32, #tpu.memory_space<hbm>>
    tpu.enqueue_dma source(%dma_start3A_17 : memref<80xi32, #tpu.memory_space<hbm>>) target(%arg11 : memref<80xi32, #tpu.memory_space<vmem>>) target_semaphore(%arg21 : memref<!tpu.dma_semaphore, #tpu.memory_space<semaphore_mem>>)
    %add3A_18 = arith.constant 0 : i32
    %add3A_19 = arith.addi %add3A_18, %mul3A_2 : i32
    %add3A_20 = arith.constant 0 : i32
    %add3A_21 = arith.addi %add3A_19, %add3A_20 : i32
    %dma_wait3A = arith.constant 0 : i32
    %dma_wait3A_22 = tpu.memref_slice %arg5[%add3A_21, %dma_wait3A] : memref<4000x80xi32, #tpu.memory_space<hbm>> -> memref<1x80xi32, #tpu.memory_space<hbm>>
    %dma_wait3A_23 = tpu.memref_squeeze %dma_wait3A_22 : memref<1x80xi32, #tpu.memory_space<hbm>> -> memref<80xi32, #tpu.memory_space<hbm>>
    %dma_wait3A_24 = arith.constant 0 : i32
    %dma_wait3A_25 = tpu.memref_slice %arg5[%add3A_21, %dma_wait3A_24] : memref<4000x80xi32, #tpu.memory_space<hbm>> -> memref<1x80xi32, #tpu.memory_space<hbm>>
    %dma_wait3A_26 = tpu.memref_squeeze %dma_wait3A_25 : memref<1x80xi32, #tpu.memory_space<hbm>> -> memref<80xi32, #tpu.memory_space<hbm>>
    tpu.wait_dma2 semaphore(%arg20 : memref<!tpu.dma_semaphore, #tpu.memory_space<semaphore_mem>>) src(%dma_wait3A_26 : memref<80xi32, #tpu.memory_space<hbm>>) dst(%arg10 : memref<80xi32, #tpu.memory_space<vmem>>)
    %dma_wait3A_27 = arith.constant 0 : i32
    %dma_wait3A_28 = tpu.memref_slice %arg6[%add3A_21, %dma_wait3A_27] : memref<4000x80xi32, #tpu.memory_space<hbm>> -> memref<1x80xi32, #tpu.memory_space<hbm>>
    %dma_wait3A_29 = tpu.memref_squeeze %dma_wait3A_28 : memref<1x80xi32, #tpu.memory_space<hbm>> -> memref<80xi32, #tpu.memory_space<hbm>>
    %dma_wait3A_30 = arith.constant 0 : i32
    %dma_wait3A_31 = tpu.memref_slice %arg6[%add3A_21, %dma_wait3A_30] : memref<4000x80xi32, #tpu.memory_space<hbm>> -> memref<1x80xi32, #tpu.memory_space<hbm>>
    %dma_wait3A_32 = tpu.memref_squeeze %dma_wait3A_31 : memref<1x80xi32, #tpu.memory_space<hbm>> -> memref<80xi32, #tpu.memory_space<hbm>>
    tpu.wait_dma2 semaphore(%arg21 : memref<!tpu.dma_semaphore, #tpu.memory_space<semaphore_mem>>) src(%dma_wait3A_32 : memref<80xi32, #tpu.memory_space<hbm>>) dst(%arg11 : memref<80xi32, #tpu.memory_space<vmem>>)
    %dma_start3A_33 = arith.constant 0 : i32
    %dma_start3A_34 = arith.constant 0 : i32
    %dma_start3A_35 = tpu.memref_slice %arg2[%dma_start3A_33, %dma_start3A_34] : memref<10000x128xf32, #tpu.memory_space<hbm>> -> memref<10000x128xf32, #tpu.memory_space<hbm>>
    tpu.enqueue_indirect_dma source(%dma_start3A_35 : memref<10000x128xf32, #tpu.memory_space<hbm>>) target(%arg14 : memref<80x128xf32, #tpu.memory_space<vmem>>) offsets(%arg10 : memref<80xi32, #tpu.memory_space<vmem>>) semaphore(%arg24 : memref<!tpu.dma_semaphore, #tpu.memory_space<semaphore_mem>>)
    %dma_start3A_36 = arith.constant 0 : i32
    %dma_start3A_37 = arith.constant 0 : i32
    %dma_start3A_38 = tpu.memref_slice %arg3[%dma_start3A_36, %dma_start3A_37] : memref<10000x128xf32, #tpu.memory_space<hbm>> -> memref<10000x128xf32, #tpu.memory_space<hbm>>
    tpu.enqueue_indirect_dma source(%dma_start3A_38 : memref<10000x128xf32, #tpu.memory_space<hbm>>) target(%arg15 : memref<80x128xf32, #tpu.memory_space<vmem>>) offsets(%arg11 : memref<80xi32, #tpu.memory_space<vmem>>) semaphore(%arg25 : memref<!tpu.dma_semaphore, #tpu.memory_space<semaphore_mem>>)
    %dma_start3A_39 = arith.constant 0 : i32
    %dma_start3A_40 = arith.constant 0 : i32
    %dma_start3A_41 = tpu.memref_slice %arg4[%dma_start3A_39, %dma_start3A_40] : memref<10000x128xf32, #tpu.memory_space<hbm>> -> memref<10000x128xf32, #tpu.memory_space<hbm>>
    tpu.enqueue_indirect_dma source(%dma_start3A_41 : memref<10000x128xf32, #tpu.memory_space<hbm>>) target(%arg16 : memref<80x128xf32, #tpu.memory_space<vmem>>) offsets(%arg11 : memref<80xi32, #tpu.memory_space<vmem>>) semaphore(%arg26 : memref<!tpu.dma_semaphore, #tpu.memory_space<semaphore_mem>>)
    %add3A_42 = arith.constant 0 : i32
    %add3A_43 = arith.addi %add3A_42, %mul3A_2 : i32
    %add3A_44 = arith.constant 1 : i32
    %add3A_45 = arith.addi %add3A_43, %add3A_44 : i32
    %dma_start3A_46 = arith.constant 0 : i32
    %dma_start3A_47 = tpu.memref_slice %arg5[%add3A_45, %dma_start3A_46] : memref<4000x80xi32, #tpu.memory_space<hbm>> -> memref<1x80xi32, #tpu.memory_space<hbm>>
    %dma_start3A_48 = tpu.memref_squeeze %dma_start3A_47 : memref<1x80xi32, #tpu.memory_space<hbm>> -> memref<80xi32, #tpu.memory_space<hbm>>
    %dma_start3A_49 = arith.constant 0 : i32
    %dma_start3A_50 = tpu.memref_slice %arg5[%add3A_45, %dma_start3A_49] : memref<4000x80xi32, #tpu.memory_space<hbm>> -> memref<1x80xi32, #tpu.memory_space<hbm>>
    %dma_start3A_51 = tpu.memref_squeeze %dma_start3A_50 : memref<1x80xi32, #tpu.memory_space<hbm>> -> memref<80xi32, #tpu.memory_space<hbm>>
    tpu.enqueue_dma source(%dma_start3A_51 : memref<80xi32, #tpu.memory_space<hbm>>) target(%arg12 : memref<80xi32, #tpu.memory_space<vmem>>) target_semaphore(%arg22 : memref<!tpu.dma_semaphore, #tpu.memory_space<semaphore_mem>>)
    %dma_start3A_52 = arith.constant 0 : i32
    %dma_start3A_53 = tpu.memref_slice %arg6[%add3A_45, %dma_start3A_52] : memref<4000x80xi32, #tpu.memory_space<hbm>> -> memref<1x80xi32, #tpu.memory_space<hbm>>
    %dma_start3A_54 = tpu.memref_squeeze %dma_start3A_53 : memref<1x80xi32, #tpu.memory_space<hbm>> -> memref<80xi32, #tpu.memory_space<hbm>>
    %dma_start3A_55 = arith.constant 0 : i32
    %dma_start3A_56 = tpu.memref_slice %arg6[%add3A_45, %dma_start3A_55] : memref<4000x80xi32, #tpu.memory_space<hbm>> -> memref<1x80xi32, #tpu.memory_space<hbm>>
    %dma_start3A_57 = tpu.memref_squeeze %dma_start3A_56 : memref<1x80xi32, #tpu.memory_space<hbm>> -> memref<80xi32, #tpu.memory_space<hbm>>
    tpu.enqueue_dma source(%dma_start3A_57 : memref<80xi32, #tpu.memory_space<hbm>>) target(%arg13 : memref<80xi32, #tpu.memory_space<vmem>>) target_semaphore(%arg23 : memref<!tpu.dma_semaphore, #tpu.memory_space<semaphore_mem>>)
    %scan3A = arith.constant 0 : i32
    %scan3A_58 = arith.constant 0 : i32
    %scan3A_59 = arith.constant 62 : i32
    %scan3A_60 = arith.addi %scan3A_58, %scan3A_59 : i32
    %scan3A_61 = arith.constant 1 : i32
    scf.for %scan3A_115 = %scan3A_58 to %scan3A_60 step %scan3A_61  : i32 {
      %rem3A = arith.constant 2 : i32
      %rem3A_116 = arith.remsi %scan3A_115, %rem3A : i32
      %eq3A = arith.constant 0 : i32
      %eq3A_117 = arith.cmpi eq, %rem3A_116, %eq3A : i32
      %convert_element_type3A = arith.extui %eq3A_117 : i1 to i32
      %cond3A = arith.constant 0 : i32
      %cond3A_118 = arith.cmpi ne, %convert_element_type3A, %cond3A : i32
      scf.if %cond3A_118 {
        %add3A_126 = arith.constant 1 : i32
        %add3A_127 = arith.addi %scan3A_115, %add3A_126 : i32
        %lt3A = arith.constant 62 : i32
        %lt3A_128 = arith.cmpi slt, %add3A_127, %lt3A : i32
        %convert_element_type3A_129 = arith.extui %lt3A_128 : i1 to i32
        %cond3A_130 = arith.constant 0 : i32
        %cond3A_131 = arith.cmpi ne, %convert_element_type3A_129, %cond3A_130 : i32
        scf.if %cond3A_131 {
          %ge3A = arith.constant 1 : i32
          %ge3A_173 = arith.cmpi sge, %scan3A_115, %ge3A : i32
          %convert_element_type3A_174 = arith.extui %ge3A_173 : i1 to i32
          %cond3A_175 = arith.constant 0 : i32
          %cond3A_176 = arith.cmpi ne, %convert_element_type3A_174, %cond3A_175 : i32
          scf.if %cond3A_176 {
            %sub3A = arith.constant 1 : i32
            %sub3A_205 = arith.subi %scan3A_115, %sub3A : i32
            %add3A_206 = arith.addi %mul3A_2, %sub3A_205 : i32
            %dma_wait3A_207 = arith.constant 0 : i32
            %dma_wait3A_208 = arith.constant 0 : i32
            %dma_wait3A_209 = tpu.memref_slice %arg7[%add3A_206, %dma_wait3A_207, %dma_wait3A_208] : memref<1984x80x128xf32, #tpu.memory_space<hbm>> -> memref<1x80x128xf32, #tpu.memory_space<hbm>>
            %dma_wait3A_210 = tpu.memref_squeeze %dma_wait3A_209 : memref<1x80x128xf32, #tpu.memory_space<hbm>> -> memref<80x128xf32, #tpu.memory_space<hbm>>
            %dma_wait3A_211 = arith.constant 0 : i32
            %dma_wait3A_212 = arith.constant 0 : i32
            %dma_wait3A_213 = tpu.memref_slice %arg7[%add3A_206, %dma_wait3A_211, %dma_wait3A_212] : memref<1984x80x128xf32, #tpu.memory_space<hbm>> -> memref<1x80x128xf32, #tpu.memory_space<hbm>>
            %dma_wait3A_214 = tpu.memref_squeeze %dma_wait3A_213 : memref<1x80x128xf32, #tpu.memory_space<hbm>> -> memref<80x128xf32, #tpu.memory_space<hbm>>
            tpu.wait_dma2 semaphore(%arg33 : memref<!tpu.dma_semaphore, #tpu.memory_space<semaphore_mem>>) src(%arg17 : memref<80x128xf32, #tpu.memory_space<vmem>>) dst(%dma_wait3A_214 : memref<80x128xf32, #tpu.memory_space<hbm>>)
            %dma_wait3A_215 = arith.constant 0 : i32
            %dma_wait3A_216 = arith.constant 0 : i32
            %dma_wait3A_217 = tpu.memref_slice %arg8[%add3A_206, %dma_wait3A_215, %dma_wait3A_216] : memref<1984x80x128xf32, #tpu.memory_space<hbm>> -> memref<1x80x128xf32, #tpu.memory_space<hbm>>
            %dma_wait3A_218 = tpu.memref_squeeze %dma_wait3A_217 : memref<1x80x128xf32, #tpu.memory_space<hbm>> -> memref<80x128xf32, #tpu.memory_space<hbm>>
            %dma_wait3A_219 = arith.constant 0 : i32
            %dma_wait3A_220 = arith.constant 0 : i32
            %dma_wait3A_221 = tpu.memref_slice %arg8[%add3A_206, %dma_wait3A_219, %dma_wait3A_220] : memref<1984x80x128xf32, #tpu.memory_space<hbm>> -> memref<1x80x128xf32, #tpu.memory_space<hbm>>
            %dma_wait3A_222 = tpu.memref_squeeze %dma_wait3A_221 : memref<1x80x128xf32, #tpu.memory_space<hbm>> -> memref<80x128xf32, #tpu.memory_space<hbm>>
            tpu.wait_dma2 semaphore(%arg34 : memref<!tpu.dma_semaphore, #tpu.memory_space<semaphore_mem>>) src(%arg18 : memref<80x128xf32, #tpu.memory_space<vmem>>) dst(%dma_wait3A_222 : memref<80x128xf32, #tpu.memory_space<hbm>>)
            %dma_wait3A_223 = arith.constant 0 : i32
            %dma_wait3A_224 = arith.constant 0 : i32
            %dma_wait3A_225 = tpu.memref_slice %arg9[%add3A_206, %dma_wait3A_223, %dma_wait3A_224] : memref<1984x80x128xf32, #tpu.memory_space<hbm>> -> memref<1x80x128xf32, #tpu.memory_space<hbm>>
            %dma_wait3A_226 = tpu.memref_squeeze %dma_wait3A_225 : memref<1x80x128xf32, #tpu.memory_space<hbm>> -> memref<80x128xf32, #tpu.memory_space<hbm>>
            %dma_wait3A_227 = arith.constant 0 : i32
            %dma_wait3A_228 = arith.constant 0 : i32
            %dma_wait3A_229 = tpu.memref_slice %arg9[%add3A_206, %dma_wait3A_227, %dma_wait3A_228] : memref<1984x80x128xf32, #tpu.memory_space<hbm>> -> memref<1x80x128xf32, #tpu.memory_space<hbm>>
            %dma_wait3A_230 = tpu.memref_squeeze %dma_wait3A_229 : memref<1x80x128xf32, #tpu.memory_space<hbm>> -> memref<80x128xf32, #tpu.memory_space<hbm>>
            tpu.wait_dma2 semaphore(%arg35 : memref<!tpu.dma_semaphore, #tpu.memory_space<semaphore_mem>>) src(%arg19 : memref<80x128xf32, #tpu.memory_space<vmem>>) dst(%dma_wait3A_230 : memref<80x128xf32, #tpu.memory_space<hbm>>)
          } else {
          }
          %add3A_177 = arith.constant 1 : i32
          %add3A_178 = arith.addi %scan3A_115, %add3A_177 : i32
          %add3A_179 = arith.constant 0 : i32
          %add3A_180 = arith.addi %add3A_179, %mul3A_2 : i32
          %add3A_181 = arith.addi %add3A_180, %add3A_178 : i32
          %dma_wait3A_182 = arith.constant 0 : i32
          %dma_wait3A_183 = tpu.memref_slice %arg5[%add3A_181, %dma_wait3A_182] : memref<4000x80xi32, #tpu.memory_space<hbm>> -> memref<1x80xi32, #tpu.memory_space<hbm>>
          %dma_wait3A_184 = tpu.memref_squeeze %dma_wait3A_183 : memref<1x80xi32, #tpu.memory_space<hbm>> -> memref<80xi32, #tpu.memory_space<hbm>>
          %dma_wait3A_185 = arith.constant 0 : i32
          %dma_wait3A_186 = tpu.memref_slice %arg5[%add3A_181, %dma_wait3A_185] : memref<4000x80xi32, #tpu.memory_space<hbm>> -> memref<1x80xi32, #tpu.memory_space<hbm>>
          %dma_wait3A_187 = tpu.memref_squeeze %dma_wait3A_186 : memref<1x80xi32, #tpu.memory_space<hbm>> -> memref<80xi32, #tpu.memory_space<hbm>>
          tpu.wait_dma2 semaphore(%arg22 : memref<!tpu.dma_semaphore, #tpu.memory_space<semaphore_mem>>) src(%dma_wait3A_187 : memref<80xi32, #tpu.memory_space<hbm>>) dst(%arg12 : memref<80xi32, #tpu.memory_space<vmem>>)
          %dma_wait3A_188 = arith.constant 0 : i32
          %dma_wait3A_189 = tpu.memref_slice %arg6[%add3A_181, %dma_wait3A_188] : memref<4000x80xi32, #tpu.memory_space<hbm>> -> memref<1x80xi32, #tpu.memory_space<hbm>>
          %dma_wait3A_190 = tpu.memref_squeeze %dma_wait3A_189 : memref<1x80xi32, #tpu.memory_space<hbm>> -> memref<80xi32, #tpu.memory_space<hbm>>
          %dma_wait3A_191 = arith.constant 0 : i32
          %dma_wait3A_192 = tpu.memref_slice %arg6[%add3A_181, %dma_wait3A_191] : memref<4000x80xi32, #tpu.memory_space<hbm>> -> memref<1x80xi32, #tpu.memory_space<hbm>>
          %dma_wait3A_193 = tpu.memref_squeeze %dma_wait3A_192 : memref<1x80xi32, #tpu.memory_space<hbm>> -> memref<80xi32, #tpu.memory_space<hbm>>
          tpu.wait_dma2 semaphore(%arg23 : memref<!tpu.dma_semaphore, #tpu.memory_space<semaphore_mem>>) src(%dma_wait3A_193 : memref<80xi32, #tpu.memory_space<hbm>>) dst(%arg13 : memref<80xi32, #tpu.memory_space<vmem>>)
          %add3A_194 = arith.constant 1 : i32
          %add3A_195 = arith.addi %scan3A_115, %add3A_194 : i32
          %dma_start3A_196 = arith.constant 0 : i32
          %dma_start3A_197 = arith.constant 0 : i32
          %dma_start3A_198 = tpu.memref_slice %arg2[%dma_start3A_196, %dma_start3A_197] : memref<10000x128xf32, #tpu.memory_space<hbm>> -> memref<10000x128xf32, #tpu.memory_space<hbm>>
          tpu.enqueue_indirect_dma source(%dma_start3A_198 : memref<10000x128xf32, #tpu.memory_space<hbm>>) target(%arg17 : memref<80x128xf32, #tpu.memory_space<vmem>>) offsets(%arg12 : memref<80xi32, #tpu.memory_space<vmem>>) semaphore(%arg27 : memref<!tpu.dma_semaphore, #tpu.memory_space<semaphore_mem>>)
          %dma_start3A_199 = arith.constant 0 : i32
          %dma_start3A_200 = arith.constant 0 : i32
          %dma_start3A_201 = tpu.memref_slice %arg3[%dma_start3A_199, %dma_start3A_200] : memref<10000x128xf32, #tpu.memory_space<hbm>> -> memref<10000x128xf32, #tpu.memory_space<hbm>>
          tpu.enqueue_indirect_dma source(%dma_start3A_201 : memref<10000x128xf32, #tpu.memory_space<hbm>>) target(%arg18 : memref<80x128xf32, #tpu.memory_space<vmem>>) offsets(%arg13 : memref<80xi32, #tpu.memory_space<vmem>>) semaphore(%arg28 : memref<!tpu.dma_semaphore, #tpu.memory_space<semaphore_mem>>)
          %dma_start3A_202 = arith.constant 0 : i32
          %dma_start3A_203 = arith.constant 0 : i32
          %dma_start3A_204 = tpu.memref_slice %arg4[%dma_start3A_202, %dma_start3A_203] : memref<10000x128xf32, #tpu.memory_space<hbm>> -> memref<10000x128xf32, #tpu.memory_space<hbm>>
          tpu.enqueue_indirect_dma source(%dma_start3A_204 : memref<10000x128xf32, #tpu.memory_space<hbm>>) target(%arg19 : memref<80x128xf32, #tpu.memory_space<vmem>>) offsets(%arg13 : memref<80xi32, #tpu.memory_space<vmem>>) semaphore(%arg29 : memref<!tpu.dma_semaphore, #tpu.memory_space<semaphore_mem>>)
        } else {
        }
        %dma_wait3A_132 = arith.constant 0 : i32
        %dma_wait3A_133 = arith.constant 0 : i32
        %dma_wait3A_134 = tpu.memref_slice %arg2[%dma_wait3A_132, %dma_wait3A_133] : memref<10000x128xf32, #tpu.memory_space<hbm>> -> memref<10000x128xf32, #tpu.memory_space<hbm>>
        tpu.wait_indirect_dma semaphore(%arg24 : memref<!tpu.dma_semaphore, #tpu.memory_space<semaphore_mem>>) src(%dma_wait3A_134 : memref<10000x128xf32, #tpu.memory_space<hbm>>) dst(%arg14 : memref<80x128xf32, #tpu.memory_space<vmem>>)
        %dma_wait3A_135 = arith.constant 0 : i32
        %dma_wait3A_136 = arith.constant 0 : i32
        %dma_wait3A_137 = tpu.memref_slice %arg3[%dma_wait3A_135, %dma_wait3A_136] : memref<10000x128xf32, #tpu.memory_space<hbm>> -> memref<10000x128xf32, #tpu.memory_space<hbm>>
        tpu.wait_indirect_dma semaphore(%arg25 : memref<!tpu.dma_semaphore, #tpu.memory_space<semaphore_mem>>) src(%dma_wait3A_137 : memref<10000x128xf32, #tpu.memory_space<hbm>>) dst(%arg15 : memref<80x128xf32, #tpu.memory_space<vmem>>)
        %dma_wait3A_138 = arith.constant 0 : i32
        %dma_wait3A_139 = arith.constant 0 : i32
        %dma_wait3A_140 = tpu.memref_slice %arg4[%dma_wait3A_138, %dma_wait3A_139] : memref<10000x128xf32, #tpu.memory_space<hbm>> -> memref<10000x128xf32, #tpu.memory_space<hbm>>
        tpu.wait_indirect_dma semaphore(%arg26 : memref<!tpu.dma_semaphore, #tpu.memory_space<semaphore_mem>>) src(%dma_wait3A_140 : memref<10000x128xf32, #tpu.memory_space<hbm>>) dst(%arg16 : memref<80x128xf32, #tpu.memory_space<vmem>>)
        %add3A_141 = arith.constant 2 : i32
        %add3A_142 = arith.addi %scan3A_115, %add3A_141 : i32
        %lt3A_143 = arith.constant 62 : i32
        %lt3A_144 = arith.cmpi slt, %add3A_142, %lt3A_143 : i32
        %convert_element_type3A_145 = arith.extui %lt3A_144 : i1 to i32
        %cond3A_146 = arith.constant 0 : i32
        %cond3A_147 = arith.cmpi ne, %convert_element_type3A_145, %cond3A_146 : i32
        scf.if %cond3A_147 {
          %add3A_173 = arith.constant 2 : i32
          %add3A_174 = arith.addi %scan3A_115, %add3A_173 : i32
          %add3A_175 = arith.constant 0 : i32
          %add3A_176 = arith.addi %add3A_175, %mul3A_2 : i32
          %add3A_177 = arith.addi %add3A_176, %add3A_174 : i32
          %dma_start3A_178 = arith.constant 0 : i32
          %dma_start3A_179 = tpu.memref_slice %arg5[%add3A_177, %dma_start3A_178] : memref<4000x80xi32, #tpu.memory_space<hbm>> -> memref<1x80xi32, #tpu.memory_space<hbm>>
          %dma_start3A_180 = tpu.memref_squeeze %dma_start3A_179 : memref<1x80xi32, #tpu.memory_space<hbm>> -> memref<80xi32, #tpu.memory_space<hbm>>
          %dma_start3A_181 = arith.constant 0 : i32
          %dma_start3A_182 = tpu.memref_slice %arg5[%add3A_177, %dma_start3A_181] : memref<4000x80xi32, #tpu.memory_space<hbm>> -> memref<1x80xi32, #tpu.memory_space<hbm>>
          %dma_start3A_183 = tpu.memref_squeeze %dma_start3A_182 : memref<1x80xi32, #tpu.memory_space<hbm>> -> memref<80xi32, #tpu.memory_space<hbm>>
          tpu.enqueue_dma source(%dma_start3A_183 : memref<80xi32, #tpu.memory_space<hbm>>) target(%arg10 : memref<80xi32, #tpu.memory_space<vmem>>) target_semaphore(%arg20 : memref<!tpu.dma_semaphore, #tpu.memory_space<semaphore_mem>>)
          %dma_start3A_184 = arith.constant 0 : i32
          %dma_start3A_185 = tpu.memref_slice %arg6[%add3A_177, %dma_start3A_184] : memref<4000x80xi32, #tpu.memory_space<hbm>> -> memref<1x80xi32, #tpu.memory_space<hbm>>
          %dma_start3A_186 = tpu.memref_squeeze %dma_start3A_185 : memref<1x80xi32, #tpu.memory_space<hbm>> -> memref<80xi32, #tpu.memory_space<hbm>>
          %dma_start3A_187 = arith.constant 0 : i32
          %dma_start3A_188 = tpu.memref_slice %arg6[%add3A_177, %dma_start3A_187] : memref<4000x80xi32, #tpu.memory_space<hbm>> -> memref<1x80xi32, #tpu.memory_space<hbm>>
          %dma_start3A_189 = tpu.memref_squeeze %dma_start3A_188 : memref<1x80xi32, #tpu.memory_space<hbm>> -> memref<80xi32, #tpu.memory_space<hbm>>
          tpu.enqueue_dma source(%dma_start3A_189 : memref<80xi32, #tpu.memory_space<hbm>>) target(%arg11 : memref<80xi32, #tpu.memory_space<vmem>>) target_semaphore(%arg21 : memref<!tpu.dma_semaphore, #tpu.memory_space<semaphore_mem>>)
        } else {
        }
        %add3A_148 = arith.addi %mul3A_2, %scan3A_115 : i32
        %dma_start3A_149 = arith.constant 0 : i32
        %dma_start3A_150 = arith.constant 0 : i32
        %dma_start3A_151 = tpu.memref_slice %arg7[%add3A_148, %dma_start3A_149, %dma_start3A_150] : memref<1984x80x128xf32, #tpu.memory_space<hbm>> -> memref<1x80x128xf32, #tpu.memory_space<hbm>>
        %dma_start3A_152 = tpu.memref_squeeze %dma_start3A_151 : memref<1x80x128xf32, #tpu.memory_space<hbm>> -> memref<80x128xf32, #tpu.memory_space<hbm>>
        %dma_start3A_153 = arith.constant 0 : i32
        %dma_start3A_154 = arith.constant 0 : i32
        %dma_start3A_155 = tpu.memref_slice %arg7[%add3A_148, %dma_start3A_153, %dma_start3A_154] : memref<1984x80x128xf32, #tpu.memory_space<hbm>> -> memref<1x80x128xf32, #tpu.memory_space<hbm>>
        %dma_start3A_156 = tpu.memref_squeeze %dma_start3A_155 : memref<1x80x128xf32, #tpu.memory_space<hbm>> -> memref<80x128xf32, #tpu.memory_space<hbm>>
        tpu.enqueue_dma source(%arg14 : memref<80x128xf32, #tpu.memory_space<vmem>>) target(%dma_start3A_156 : memref<80x128xf32, #tpu.memory_space<hbm>>) target_semaphore(%arg30 : memref<!tpu.dma_semaphore, #tpu.memory_space<semaphore_mem>>)
        %dma_start3A_157 = arith.constant 0 : i32
        %dma_start3A_158 = arith.constant 0 : i32
        %dma_start3A_159 = tpu.memref_slice %arg8[%add3A_148, %dma_start3A_157, %dma_start3A_158] : memref<1984x80x128xf32, #tpu.memory_space<hbm>> -> memref<1x80x128xf32, #tpu.memory_space<hbm>>
        %dma_start3A_160 = tpu.memref_squeeze %dma_start3A_159 : memref<1x80x128xf32, #tpu.memory_space<hbm>> -> memref<80x128xf32, #tpu.memory_space<hbm>>
        %dma_start3A_161 = arith.constant 0 : i32
        %dma_start3A_162 = arith.constant 0 : i32
        %dma_start3A_163 = tpu.memref_slice %arg8[%add3A_148, %dma_start3A_161, %dma_start3A_162] : memref<1984x80x128xf32, #tpu.memory_space<hbm>> -> memref<1x80x128xf32, #tpu.memory_space<hbm>>
        %dma_start3A_164 = tpu.memref_squeeze %dma_start3A_163 : memref<1x80x128xf32, #tpu.memory_space<hbm>> -> memref<80x128xf32, #tpu.memory_space<hbm>>
        tpu.enqueue_dma source(%arg15 : memref<80x128xf32, #tpu.memory_space<vmem>>) target(%dma_start3A_164 : memref<80x128xf32, #tpu.memory_space<hbm>>) target_semaphore(%arg31 : memref<!tpu.dma_semaphore, #tpu.memory_space<semaphore_mem>>)
        %dma_start3A_165 = arith.constant 0 : i32
        %dma_start3A_166 = arith.constant 0 : i32
        %dma_start3A_167 = tpu.memref_slice %arg9[%add3A_148, %dma_start3A_165, %dma_start3A_166] : memref<1984x80x128xf32, #tpu.memory_space<hbm>> -> memref<1x80x128xf32, #tpu.memory_space<hbm>>
        %dma_start3A_168 = tpu.memref_squeeze %dma_start3A_167 : memref<1x80x128xf32, #tpu.memory_space<hbm>> -> memref<80x128xf32, #tpu.memory_space<hbm>>
        %dma_start3A_169 = arith.constant 0 : i32
        %dma_start3A_170 = arith.constant 0 : i32
        %dma_start3A_171 = tpu.memref_slice %arg9[%add3A_148, %dma_start3A_169, %dma_start3A_170] : memref<1984x80x128xf32, #tpu.memory_space<hbm>> -> memref<1x80x128xf32, #tpu.memory_space<hbm>>
        %dma_start3A_172 = tpu.memref_squeeze %dma_start3A_171 : memref<1x80x128xf32, #tpu.memory_space<hbm>> -> memref<80x128xf32, #tpu.memory_space<hbm>>
        tpu.enqueue_dma source(%arg16 : memref<80x128xf32, #tpu.memory_space<vmem>>) target(%dma_start3A_172 : memref<80x128xf32, #tpu.memory_space<hbm>>) target_semaphore(%arg32 : memref<!tpu.dma_semaphore, #tpu.memory_space<semaphore_mem>>)
      } else {
      }
      %rem3A_119 = arith.constant 2 : i32
      %rem3A_120 = arith.remsi %scan3A_115, %rem3A_119 : i32
      %eq3A_121 = arith.constant 1 : i32
      %eq3A_122 = arith.cmpi eq, %rem3A_120, %eq3A_121 : i32
      %convert_element_type3A_123 = arith.extui %eq3A_122 : i1 to i32
      %cond3A_124 = arith.constant 0 : i32
      %cond3A_125 = arith.cmpi ne, %convert_element_type3A_123, %cond3A_124 : i32
      scf.if %cond3A_125 {
        %add3A_126 = arith.constant 1 : i32
        %add3A_127 = arith.addi %scan3A_115, %add3A_126 : i32
        %lt3A = arith.constant 62 : i32
        %lt3A_128 = arith.cmpi slt, %add3A_127, %lt3A : i32
        %convert_element_type3A_129 = arith.extui %lt3A_128 : i1 to i32
        %cond3A_130 = arith.constant 0 : i32
        %cond3A_131 = arith.cmpi ne, %convert_element_type3A_129, %cond3A_130 : i32
        scf.if %cond3A_131 {
          %ge3A = arith.constant 1 : i32
          %ge3A_173 = arith.cmpi sge, %scan3A_115, %ge3A : i32
          %convert_element_type3A_174 = arith.extui %ge3A_173 : i1 to i32
          %cond3A_175 = arith.constant 0 : i32
          %cond3A_176 = arith.cmpi ne, %convert_element_type3A_174, %cond3A_175 : i32
          scf.if %cond3A_176 {
            %sub3A = arith.constant 1 : i32
            %sub3A_205 = arith.subi %scan3A_115, %sub3A : i32
            %add3A_206 = arith.addi %mul3A_2, %sub3A_205 : i32
            %dma_wait3A_207 = arith.constant 0 : i32
            %dma_wait3A_208 = arith.constant 0 : i32
            %dma_wait3A_209 = tpu.memref_slice %arg7[%add3A_206, %dma_wait3A_207, %dma_wait3A_208] : memref<1984x80x128xf32, #tpu.memory_space<hbm>> -> memref<1x80x128xf32, #tpu.memory_space<hbm>>
            %dma_wait3A_210 = tpu.memref_squeeze %dma_wait3A_209 : memref<1x80x128xf32, #tpu.memory_space<hbm>> -> memref<80x128xf32, #tpu.memory_space<hbm>>
            %dma_wait3A_211 = arith.constant 0 : i32
            %dma_wait3A_212 = arith.constant 0 : i32
            %dma_wait3A_213 = tpu.memref_slice %arg7[%add3A_206, %dma_wait3A_211, %dma_wait3A_212] : memref<1984x80x128xf32, #tpu.memory_space<hbm>> -> memref<1x80x128xf32, #tpu.memory_space<hbm>>
            %dma_wait3A_214 = tpu.memref_squeeze %dma_wait3A_213 : memref<1x80x128xf32, #tpu.memory_space<hbm>> -> memref<80x128xf32, #tpu.memory_space<hbm>>
            tpu.wait_dma2 semaphore(%arg30 : memref<!tpu.dma_semaphore, #tpu.memory_space<semaphore_mem>>) src(%arg14 : memref<80x128xf32, #tpu.memory_space<vmem>>) dst(%dma_wait3A_214 : memref<80x128xf32, #tpu.memory_space<hbm>>)
            %dma_wait3A_215 = arith.constant 0 : i32
            %dma_wait3A_216 = arith.constant 0 : i32
            %dma_wait3A_217 = tpu.memref_slice %arg8[%add3A_206, %dma_wait3A_215, %dma_wait3A_216] : memref<1984x80x128xf32, #tpu.memory_space<hbm>> -> memref<1x80x128xf32, #tpu.memory_space<hbm>>
            %dma_wait3A_218 = tpu.memref_squeeze %dma_wait3A_217 : memref<1x80x128xf32, #tpu.memory_space<hbm>> -> memref<80x128xf32, #tpu.memory_space<hbm>>
            %dma_wait3A_219 = arith.constant 0 : i32
            %dma_wait3A_220 = arith.constant 0 : i32
            %dma_wait3A_221 = tpu.memref_slice %arg8[%add3A_206, %dma_wait3A_219, %dma_wait3A_220] : memref<1984x80x128xf32, #tpu.memory_space<hbm>> -> memref<1x80x128xf32, #tpu.memory_space<hbm>>
            %dma_wait3A_222 = tpu.memref_squeeze %dma_wait3A_221 : memref<1x80x128xf32, #tpu.memory_space<hbm>> -> memref<80x128xf32, #tpu.memory_space<hbm>>
            tpu.wait_dma2 semaphore(%arg31 : memref<!tpu.dma_semaphore, #tpu.memory_space<semaphore_mem>>) src(%arg15 : memref<80x128xf32, #tpu.memory_space<vmem>>) dst(%dma_wait3A_222 : memref<80x128xf32, #tpu.memory_space<hbm>>)
            %dma_wait3A_223 = arith.constant 0 : i32
            %dma_wait3A_224 = arith.constant 0 : i32
            %dma_wait3A_225 = tpu.memref_slice %arg9[%add3A_206, %dma_wait3A_223, %dma_wait3A_224] : memref<1984x80x128xf32, #tpu.memory_space<hbm>> -> memref<1x80x128xf32, #tpu.memory_space<hbm>>
            %dma_wait3A_226 = tpu.memref_squeeze %dma_wait3A_225 : memref<1x80x128xf32, #tpu.memory_space<hbm>> -> memref<80x128xf32, #tpu.memory_space<hbm>>
            %dma_wait3A_227 = arith.constant 0 : i32
            %dma_wait3A_228 = arith.constant 0 : i32
            %dma_wait3A_229 = tpu.memref_slice %arg9[%add3A_206, %dma_wait3A_227, %dma_wait3A_228] : memref<1984x80x128xf32, #tpu.memory_space<hbm>> -> memref<1x80x128xf32, #tpu.memory_space<hbm>>
            %dma_wait3A_230 = tpu.memref_squeeze %dma_wait3A_229 : memref<1x80x128xf32, #tpu.memory_space<hbm>> -> memref<80x128xf32, #tpu.memory_space<hbm>>
            tpu.wait_dma2 semaphore(%arg32 : memref<!tpu.dma_semaphore, #tpu.memory_space<semaphore_mem>>) src(%arg16 : memref<80x128xf32, #tpu.memory_space<vmem>>) dst(%dma_wait3A_230 : memref<80x128xf32, #tpu.memory_space<hbm>>)
          } else {
          }
          %add3A_177 = arith.constant 1 : i32
          %add3A_178 = arith.addi %scan3A_115, %add3A_177 : i32
          %add3A_179 = arith.constant 0 : i32
          %add3A_180 = arith.addi %add3A_179, %mul3A_2 : i32
          %add3A_181 = arith.addi %add3A_180, %add3A_178 : i32
          %dma_wait3A_182 = arith.constant 0 : i32
          %dma_wait3A_183 = tpu.memref_slice %arg5[%add3A_181, %dma_wait3A_182] : memref<4000x80xi32, #tpu.memory_space<hbm>> -> memref<1x80xi32, #tpu.memory_space<hbm>>
          %dma_wait3A_184 = tpu.memref_squeeze %dma_wait3A_183 : memref<1x80xi32, #tpu.memory_space<hbm>> -> memref<80xi32, #tpu.memory_space<hbm>>
          %dma_wait3A_185 = arith.constant 0 : i32
          %dma_wait3A_186 = tpu.memref_slice %arg5[%add3A_181, %dma_wait3A_185] : memref<4000x80xi32, #tpu.memory_space<hbm>> -> memref<1x80xi32, #tpu.memory_space<hbm>>
          %dma_wait3A_187 = tpu.memref_squeeze %dma_wait3A_186 : memref<1x80xi32, #tpu.memory_space<hbm>> -> memref<80xi32, #tpu.memory_space<hbm>>
          tpu.wait_dma2 semaphore(%arg20 : memref<!tpu.dma_semaphore, #tpu.memory_space<semaphore_mem>>) src(%dma_wait3A_187 : memref<80xi32, #tpu.memory_space<hbm>>) dst(%arg10 : memref<80xi32, #tpu.memory_space<vmem>>)
          %dma_wait3A_188 = arith.constant 0 : i32
          %dma_wait3A_189 = tpu.memref_slice %arg6[%add3A_181, %dma_wait3A_188] : memref<4000x80xi32, #tpu.memory_space<hbm>> -> memref<1x80xi32, #tpu.memory_space<hbm>>
          %dma_wait3A_190 = tpu.memref_squeeze %dma_wait3A_189 : memref<1x80xi32, #tpu.memory_space<hbm>> -> memref<80xi32, #tpu.memory_space<hbm>>
          %dma_wait3A_191 = arith.constant 0 : i32
          %dma_wait3A_192 = tpu.memref_slice %arg6[%add3A_181, %dma_wait3A_191] : memref<4000x80xi32, #tpu.memory_space<hbm>> -> memref<1x80xi32, #tpu.memory_space<hbm>>
          %dma_wait3A_193 = tpu.memref_squeeze %dma_wait3A_192 : memref<1x80xi32, #tpu.memory_space<hbm>> -> memref<80xi32, #tpu.memory_space<hbm>>
          tpu.wait_dma2 semaphore(%arg21 : memref<!tpu.dma_semaphore, #tpu.memory_space<semaphore_mem>>) src(%dma_wait3A_193 : memref<80xi32, #tpu.memory_space<hbm>>) dst(%arg11 : memref<80xi32, #tpu.memory_space<vmem>>)
          %add3A_194 = arith.constant 1 : i32
          %add3A_195 = arith.addi %scan3A_115, %add3A_194 : i32
          %dma_start3A_196 = arith.constant 0 : i32
          %dma_start3A_197 = arith.constant 0 : i32
          %dma_start3A_198 = tpu.memref_slice %arg2[%dma_start3A_196, %dma_start3A_197] : memref<10000x128xf32, #tpu.memory_space<hbm>> -> memref<10000x128xf32, #tpu.memory_space<hbm>>
          tpu.enqueue_indirect_dma source(%dma_start3A_198 : memref<10000x128xf32, #tpu.memory_space<hbm>>) target(%arg14 : memref<80x128xf32, #tpu.memory_space<vmem>>) offsets(%arg10 : memref<80xi32, #tpu.memory_space<vmem>>) semaphore(%arg24 : memref<!tpu.dma_semaphore, #tpu.memory_space<semaphore_mem>>)
          %dma_start3A_199 = arith.constant 0 : i32
          %dma_start3A_200 = arith.constant 0 : i32
          %dma_start3A_201 = tpu.memref_slice %arg3[%dma_start3A_199, %dma_start3A_200] : memref<10000x128xf32, #tpu.memory_space<hbm>> -> memref<10000x128xf32, #tpu.memory_space<hbm>>
          tpu.enqueue_indirect_dma source(%dma_start3A_201 : memref<10000x128xf32, #tpu.memory_space<hbm>>) target(%arg15 : memref<80x128xf32, #tpu.memory_space<vmem>>) offsets(%arg11 : memref<80xi32, #tpu.memory_space<vmem>>) semaphore(%arg25 : memref<!tpu.dma_semaphore, #tpu.memory_space<semaphore_mem>>)
          %dma_start3A_202 = arith.constant 0 : i32
          %dma_start3A_203 = arith.constant 0 : i32
          %dma_start3A_204 = tpu.memref_slice %arg4[%dma_start3A_202, %dma_start3A_203] : memref<10000x128xf32, #tpu.memory_space<hbm>> -> memref<10000x128xf32, #tpu.memory_space<hbm>>
          tpu.enqueue_indirect_dma source(%dma_start3A_204 : memref<10000x128xf32, #tpu.memory_space<hbm>>) target(%arg16 : memref<80x128xf32, #tpu.memory_space<vmem>>) offsets(%arg11 : memref<80xi32, #tpu.memory_space<vmem>>) semaphore(%arg26 : memref<!tpu.dma_semaphore, #tpu.memory_space<semaphore_mem>>)
        } else {
        }
        %dma_wait3A_132 = arith.constant 0 : i32
        %dma_wait3A_133 = arith.constant 0 : i32
        %dma_wait3A_134 = tpu.memref_slice %arg2[%dma_wait3A_132, %dma_wait3A_133] : memref<10000x128xf32, #tpu.memory_space<hbm>> -> memref<10000x128xf32, #tpu.memory_space<hbm>>
        tpu.wait_indirect_dma semaphore(%arg27 : memref<!tpu.dma_semaphore, #tpu.memory_space<semaphore_mem>>) src(%dma_wait3A_134 : memref<10000x128xf32, #tpu.memory_space<hbm>>) dst(%arg17 : memref<80x128xf32, #tpu.memory_space<vmem>>)
        %dma_wait3A_135 = arith.constant 0 : i32
        %dma_wait3A_136 = arith.constant 0 : i32
        %dma_wait3A_137 = tpu.memref_slice %arg3[%dma_wait3A_135, %dma_wait3A_136] : memref<10000x128xf32, #tpu.memory_space<hbm>> -> memref<10000x128xf32, #tpu.memory_space<hbm>>
        tpu.wait_indirect_dma semaphore(%arg28 : memref<!tpu.dma_semaphore, #tpu.memory_space<semaphore_mem>>) src(%dma_wait3A_137 : memref<10000x128xf32, #tpu.memory_space<hbm>>) dst(%arg18 : memref<80x128xf32, #tpu.memory_space<vmem>>)
        %dma_wait3A_138 = arith.constant 0 : i32
        %dma_wait3A_139 = arith.constant 0 : i32
        %dma_wait3A_140 = tpu.memref_slice %arg4[%dma_wait3A_138, %dma_wait3A_139] : memref<10000x128xf32, #tpu.memory_space<hbm>> -> memref<10000x128xf32, #tpu.memory_space<hbm>>
        tpu.wait_indirect_dma semaphore(%arg29 : memref<!tpu.dma_semaphore, #tpu.memory_space<semaphore_mem>>) src(%dma_wait3A_140 : memref<10000x128xf32, #tpu.memory_space<hbm>>) dst(%arg19 : memref<80x128xf32, #tpu.memory_space<vmem>>)
        %add3A_141 = arith.constant 2 : i32
        %add3A_142 = arith.addi %scan3A_115, %add3A_141 : i32
        %lt3A_143 = arith.constant 62 : i32
        %lt3A_144 = arith.cmpi slt, %add3A_142, %lt3A_143 : i32
        %convert_element_type3A_145 = arith.extui %lt3A_144 : i1 to i32
        %cond3A_146 = arith.constant 0 : i32
        %cond3A_147 = arith.cmpi ne, %convert_element_type3A_145, %cond3A_146 : i32
        scf.if %cond3A_147 {
          %add3A_173 = arith.constant 2 : i32
          %add3A_174 = arith.addi %scan3A_115, %add3A_173 : i32
          %add3A_175 = arith.constant 0 : i32
          %add3A_176 = arith.addi %add3A_175, %mul3A_2 : i32
          %add3A_177 = arith.addi %add3A_176, %add3A_174 : i32
          %dma_start3A_178 = arith.constant 0 : i32
          %dma_start3A_179 = tpu.memref_slice %arg5[%add3A_177, %dma_start3A_178] : memref<4000x80xi32, #tpu.memory_space<hbm>> -> memref<1x80xi32, #tpu.memory_space<hbm>>
          %dma_start3A_180 = tpu.memref_squeeze %dma_start3A_179 : memref<1x80xi32, #tpu.memory_space<hbm>> -> memref<80xi32, #tpu.memory_space<hbm>>
          %dma_start3A_181 = arith.constant 0 : i32
          %dma_start3A_182 = tpu.memref_slice %arg5[%add3A_177, %dma_start3A_181] : memref<4000x80xi32, #tpu.memory_space<hbm>> -> memref<1x80xi32, #tpu.memory_space<hbm>>
          %dma_start3A_183 = tpu.memref_squeeze %dma_start3A_182 : memref<1x80xi32, #tpu.memory_space<hbm>> -> memref<80xi32, #tpu.memory_space<hbm>>
          tpu.enqueue_dma source(%dma_start3A_183 : memref<80xi32, #tpu.memory_space<hbm>>) target(%arg12 : memref<80xi32, #tpu.memory_space<vmem>>) target_semaphore(%arg22 : memref<!tpu.dma_semaphore, #tpu.memory_space<semaphore_mem>>)
          %dma_start3A_184 = arith.constant 0 : i32
          %dma_start3A_185 = tpu.memref_slice %arg6[%add3A_177, %dma_start3A_184] : memref<4000x80xi32, #tpu.memory_space<hbm>> -> memref<1x80xi32, #tpu.memory_space<hbm>>
          %dma_start3A_186 = tpu.memref_squeeze %dma_start3A_185 : memref<1x80xi32, #tpu.memory_space<hbm>> -> memref<80xi32, #tpu.memory_space<hbm>>
          %dma_start3A_187 = arith.constant 0 : i32
          %dma_start3A_188 = tpu.memref_slice %arg6[%add3A_177, %dma_start3A_187] : memref<4000x80xi32, #tpu.memory_space<hbm>> -> memref<1x80xi32, #tpu.memory_space<hbm>>
          %dma_start3A_189 = tpu.memref_squeeze %dma_start3A_188 : memref<1x80xi32, #tpu.memory_space<hbm>> -> memref<80xi32, #tpu.memory_space<hbm>>
          tpu.enqueue_dma source(%dma_start3A_189 : memref<80xi32, #tpu.memory_space<hbm>>) target(%arg13 : memref<80xi32, #tpu.memory_space<vmem>>) target_semaphore(%arg23 : memref<!tpu.dma_semaphore, #tpu.memory_space<semaphore_mem>>)
        } else {
        }
        %add3A_148 = arith.addi %mul3A_2, %scan3A_115 : i32
        %dma_start3A_149 = arith.constant 0 : i32
        %dma_start3A_150 = arith.constant 0 : i32
        %dma_start3A_151 = tpu.memref_slice %arg7[%add3A_148, %dma_start3A_149, %dma_start3A_150] : memref<1984x80x128xf32, #tpu.memory_space<hbm>> -> memref<1x80x128xf32, #tpu.memory_space<hbm>>
        %dma_start3A_152 = tpu.memref_squeeze %dma_start3A_151 : memref<1x80x128xf32, #tpu.memory_space<hbm>> -> memref<80x128xf32, #tpu.memory_space<hbm>>
        %dma_start3A_153 = arith.constant 0 : i32
        %dma_start3A_154 = arith.constant 0 : i32
        %dma_start3A_155 = tpu.memref_slice %arg7[%add3A_148, %dma_start3A_153, %dma_start3A_154] : memref<1984x80x128xf32, #tpu.memory_space<hbm>> -> memref<1x80x128xf32, #tpu.memory_space<hbm>>
        %dma_start3A_156 = tpu.memref_squeeze %dma_start3A_155 : memref<1x80x128xf32, #tpu.memory_space<hbm>> -> memref<80x128xf32, #tpu.memory_space<hbm>>
        tpu.enqueue_dma source(%arg17 : memref<80x128xf32, #tpu.memory_space<vmem>>) target(%dma_start3A_156 : memref<80x128xf32, #tpu.memory_space<hbm>>) target_semaphore(%arg33 : memref<!tpu.dma_semaphore, #tpu.memory_space<semaphore_mem>>)
        %dma_start3A_157 = arith.constant 0 : i32
        %dma_start3A_158 = arith.constant 0 : i32
        %dma_start3A_159 = tpu.memref_slice %arg8[%add3A_148, %dma_start3A_157, %dma_start3A_158] : memref<1984x80x128xf32, #tpu.memory_space<hbm>> -> memref<1x80x128xf32, #tpu.memory_space<hbm>>
        %dma_start3A_160 = tpu.memref_squeeze %dma_start3A_159 : memref<1x80x128xf32, #tpu.memory_space<hbm>> -> memref<80x128xf32, #tpu.memory_space<hbm>>
        %dma_start3A_161 = arith.constant 0 : i32
        %dma_start3A_162 = arith.constant 0 : i32
        %dma_start3A_163 = tpu.memref_slice %arg8[%add3A_148, %dma_start3A_161, %dma_start3A_162] : memref<1984x80x128xf32, #tpu.memory_space<hbm>> -> memref<1x80x128xf32, #tpu.memory_space<hbm>>
        %dma_start3A_164 = tpu.memref_squeeze %dma_start3A_163 : memref<1x80x128xf32, #tpu.memory_space<hbm>> -> memref<80x128xf32, #tpu.memory_space<hbm>>
        tpu.enqueue_dma source(%arg18 : memref<80x128xf32, #tpu.memory_space<vmem>>) target(%dma_start3A_164 : memref<80x128xf32, #tpu.memory_space<hbm>>) target_semaphore(%arg34 : memref<!tpu.dma_semaphore, #tpu.memory_space<semaphore_mem>>)
        %dma_start3A_165 = arith.constant 0 : i32
        %dma_start3A_166 = arith.constant 0 : i32
        %dma_start3A_167 = tpu.memref_slice %arg9[%add3A_148, %dma_start3A_165, %dma_start3A_166] : memref<1984x80x128xf32, #tpu.memory_space<hbm>> -> memref<1x80x128xf32, #tpu.memory_space<hbm>>
        %dma_start3A_168 = tpu.memref_squeeze %dma_start3A_167 : memref<1x80x128xf32, #tpu.memory_space<hbm>> -> memref<80x128xf32, #tpu.memory_space<hbm>>
        %dma_start3A_169 = arith.constant 0 : i32
        %dma_start3A_170 = arith.constant 0 : i32
        %dma_start3A_171 = tpu.memref_slice %arg9[%add3A_148, %dma_start3A_169, %dma_start3A_170] : memref<1984x80x128xf32, #tpu.memory_space<hbm>> -> memref<1x80x128xf32, #tpu.memory_space<hbm>>
        %dma_start3A_172 = tpu.memref_squeeze %dma_start3A_171 : memref<1x80x128xf32, #tpu.memory_space<hbm>> -> memref<80x128xf32, #tpu.memory_space<hbm>>
        tpu.enqueue_dma source(%arg19 : memref<80x128xf32, #tpu.memory_space<vmem>>) target(%dma_start3A_172 : memref<80x128xf32, #tpu.memory_space<hbm>>) target_semaphore(%arg35 : memref<!tpu.dma_semaphore, #tpu.memory_space<semaphore_mem>>)
      } else {
      }
    }
    %scan3A_62 = arith.constant 62 : i32
    %add3A_63 = arith.constant 61 : i32
    %add3A_64 = arith.addi %mul3A_2, %add3A_63 : i32
    %dma_wait3A_65 = arith.constant 0 : i32
    %dma_wait3A_66 = arith.constant 0 : i32
    %dma_wait3A_67 = tpu.memref_slice %arg7[%add3A_64, %dma_wait3A_65, %dma_wait3A_66] : memref<1984x80x128xf32, #tpu.memory_space<hbm>> -> memref<1x80x128xf32, #tpu.memory_space<hbm>>
    %dma_wait3A_68 = tpu.memref_squeeze %dma_wait3A_67 : memref<1x80x128xf32, #tpu.memory_space<hbm>> -> memref<80x128xf32, #tpu.memory_space<hbm>>
    %dma_wait3A_69 = arith.constant 0 : i32
    %dma_wait3A_70 = arith.constant 0 : i32
    %dma_wait3A_71 = tpu.memref_slice %arg7[%add3A_64, %dma_wait3A_69, %dma_wait3A_70] : memref<1984x80x128xf32, #tpu.memory_space<hbm>> -> memref<1x80x128xf32, #tpu.memory_space<hbm>>
    %dma_wait3A_72 = tpu.memref_squeeze %dma_wait3A_71 : memref<1x80x128xf32, #tpu.memory_space<hbm>> -> memref<80x128xf32, #tpu.memory_space<hbm>>
    tpu.wait_dma2 semaphore(%arg33 : memref<!tpu.dma_semaphore, #tpu.memory_space<semaphore_mem>>) src(%arg17 : memref<80x128xf32, #tpu.memory_space<vmem>>) dst(%dma_wait3A_72 : memref<80x128xf32, #tpu.memory_space<hbm>>)
    %dma_wait3A_73 = arith.constant 0 : i32
    %dma_wait3A_74 = arith.constant 0 : i32
    %dma_wait3A_75 = tpu.memref_slice %arg8[%add3A_64, %dma_wait3A_73, %dma_wait3A_74] : memref<1984x80x128xf32, #tpu.memory_space<hbm>> -> memref<1x80x128xf32, #tpu.memory_space<hbm>>
    %dma_wait3A_76 = tpu.memref_squeeze %dma_wait3A_75 : memref<1x80x128xf32, #tpu.memory_space<hbm>> -> memref<80x128xf32, #tpu.memory_space<hbm>>
    %dma_wait3A_77 = arith.constant 0 : i32
    %dma_wait3A_78 = arith.constant 0 : i32
    %dma_wait3A_79 = tpu.memref_slice %arg8[%add3A_64, %dma_wait3A_77, %dma_wait3A_78] : memref<1984x80x128xf32, #tpu.memory_space<hbm>> -> memref<1x80x128xf32, #tpu.memory_space<hbm>>
    %dma_wait3A_80 = tpu.memref_squeeze %dma_wait3A_79 : memref<1x80x128xf32, #tpu.memory_space<hbm>> -> memref<80x128xf32, #tpu.memory_space<hbm>>
    tpu.wait_dma2 semaphore(%arg34 : memref<!tpu.dma_semaphore, #tpu.memory_space<semaphore_mem>>) src(%arg18 : memref<80x128xf32, #tpu.memory_space<vmem>>) dst(%dma_wait3A_80 : memref<80x128xf32, #tpu.memory_space<hbm>>)
    %dma_wait3A_81 = arith.constant 0 : i32
    %dma_wait3A_82 = arith.constant 0 : i32
    %dma_wait3A_83 = tpu.memref_slice %arg9[%add3A_64, %dma_wait3A_81, %dma_wait3A_82] : memref<1984x80x128xf32, #tpu.memory_space<hbm>> -> memref<1x80x128xf32, #tpu.memory_space<hbm>>
    %dma_wait3A_84 = tpu.memref_squeeze %dma_wait3A_83 : memref<1x80x128xf32, #tpu.memory_space<hbm>> -> memref<80x128xf32, #tpu.memory_space<hbm>>
    %dma_wait3A_85 = arith.constant 0 : i32
    %dma_wait3A_86 = arith.constant 0 : i32
    %dma_wait3A_87 = tpu.memref_slice %arg9[%add3A_64, %dma_wait3A_85, %dma_wait3A_86] : memref<1984x80x128xf32, #tpu.memory_space<hbm>> -> memref<1x80x128xf32, #tpu.memory_space<hbm>>
    %dma_wait3A_88 = tpu.memref_squeeze %dma_wait3A_87 : memref<1x80x128xf32, #tpu.memory_space<hbm>> -> memref<80x128xf32, #tpu.memory_space<hbm>>
    tpu.wait_dma2 semaphore(%arg35 : memref<!tpu.dma_semaphore, #tpu.memory_space<semaphore_mem>>) src(%arg19 : memref<80x128xf32, #tpu.memory_space<vmem>>) dst(%dma_wait3A_88 : memref<80x128xf32, #tpu.memory_space<hbm>>)
    %add3A_89 = arith.constant 60 : i32
    %add3A_90 = arith.addi %mul3A_2, %add3A_89 : i32
    %dma_wait3A_91 = arith.constant 0 : i32
    %dma_wait3A_92 = arith.constant 0 : i32
    %dma_wait3A_93 = tpu.memref_slice %arg7[%add3A_90, %dma_wait3A_91, %dma_wait3A_92] : memref<1984x80x128xf32, #tpu.memory_space<hbm>> -> memref<1x80x128xf32, #tpu.memory_space<hbm>>
    %dma_wait3A_94 = tpu.memref_squeeze %dma_wait3A_93 : memref<1x80x128xf32, #tpu.memory_space<hbm>> -> memref<80x128xf32, #tpu.memory_space<hbm>>
    %dma_wait3A_95 = arith.constant 0 : i32
    %dma_wait3A_96 = arith.constant 0 : i32
    %dma_wait3A_97 = tpu.memref_slice %arg7[%add3A_90, %dma_wait3A_95, %dma_wait3A_96] : memref<1984x80x128xf32, #tpu.memory_space<hbm>> -> memref<1x80x128xf32, #tpu.memory_space<hbm>>
    %dma_wait3A_98 = tpu.memref_squeeze %dma_wait3A_97 : memref<1x80x128xf32, #tpu.memory_space<hbm>> -> memref<80x128xf32, #tpu.memory_space<hbm>>
    tpu.wait_dma2 semaphore(%arg30 : memref<!tpu.dma_semaphore, #tpu.memory_space<semaphore_mem>>) src(%arg14 : memref<80x128xf32, #tpu.memory_space<vmem>>) dst(%dma_wait3A_98 : memref<80x128xf32, #tpu.memory_space<hbm>>)
    %dma_wait3A_99 = arith.constant 0 : i32
    %dma_wait3A_100 = arith.constant 0 : i32
    %dma_wait3A_101 = tpu.memref_slice %arg8[%add3A_90, %dma_wait3A_99, %dma_wait3A_100] : memref<1984x80x128xf32, #tpu.memory_space<hbm>> -> memref<1x80x128xf32, #tpu.memory_space<hbm>>
    %dma_wait3A_102 = tpu.memref_squeeze %dma_wait3A_101 : memref<1x80x128xf32, #tpu.memory_space<hbm>> -> memref<80x128xf32, #tpu.memory_space<hbm>>
    %dma_wait3A_103 = arith.constant 0 : i32
    %dma_wait3A_104 = arith.constant 0 : i32
    %dma_wait3A_105 = tpu.memref_slice %arg8[%add3A_90, %dma_wait3A_103, %dma_wait3A_104] : memref<1984x80x128xf32, #tpu.memory_space<hbm>> -> memref<1x80x128xf32, #tpu.memory_space<hbm>>
    %dma_wait3A_106 = tpu.memref_squeeze %dma_wait3A_105 : memref<1x80x128xf32, #tpu.memory_space<hbm>> -> memref<80x128xf32, #tpu.memory_space<hbm>>
    tpu.wait_dma2 semaphore(%arg31 : memref<!tpu.dma_semaphore, #tpu.memory_space<semaphore_mem>>) src(%arg15 : memref<80x128xf32, #tpu.memory_space<vmem>>) dst(%dma_wait3A_106 : memref<80x128xf32, #tpu.memory_space<hbm>>)
    %dma_wait3A_107 = arith.constant 0 : i32
    %dma_wait3A_108 = arith.constant 0 : i32
    %dma_wait3A_109 = tpu.memref_slice %arg9[%add3A_90, %dma_wait3A_107, %dma_wait3A_108] : memref<1984x80x128xf32, #tpu.memory_space<hbm>> -> memref<1x80x128xf32, #tpu.memory_space<hbm>>
    %dma_wait3A_110 = tpu.memref_squeeze %dma_wait3A_109 : memref<1x80x128xf32, #tpu.memory_space<hbm>> -> memref<80x128xf32, #tpu.memory_space<hbm>>
    %dma_wait3A_111 = arith.constant 0 : i32
    %dma_wait3A_112 = arith.constant 0 : i32
    %dma_wait3A_113 = tpu.memref_slice %arg9[%add3A_90, %dma_wait3A_111, %dma_wait3A_112] : memref<1984x80x128xf32, #tpu.memory_space<hbm>> -> memref<1x80x128xf32, #tpu.memory_space<hbm>>
    %dma_wait3A_114 = tpu.memref_squeeze %dma_wait3A_113 : memref<1x80x128xf32, #tpu.memory_space<hbm>> -> memref<80x128xf32, #tpu.memory_space<hbm>>
    tpu.wait_dma2 semaphore(%arg32 : memref<!tpu.dma_semaphore, #tpu.memory_space<semaphore_mem>>) src(%arg16 : memref<80x128xf32, #tpu.memory_space<vmem>>) dst(%dma_wait3A_114 : memref<80x128xf32, #tpu.memory_space<hbm>>)
    return
  }
}

module attributes {stable_mosaic.version = 14 : i64} {
  func.func @_node_proj_body(%arg0: i32, %arg1: memref<2000x128xf32, #tpu.memory_space<vmem>>, %arg2: memref<128x384xf32, #tpu.memory_space<vmem>>, %arg3: memref<1x384xf32, #tpu.memory_space<vmem>>, %arg4: memref<2000x128xf32, #tpu.memory_space<vmem>>, %arg5: memref<2000x128xf32, #tpu.memory_space<vmem>>, %arg6: memref<2000x128xf32, #tpu.memory_space<vmem>>) attributes {dimension_semantics = [#tpu.dimension_semantics<arbitrary>], iteration_bounds = array<i64: 5>, scalar_prefetch = 0 : i64, scratch_operands = 0 : i64, tpu.core_type = #tpu.core_type<tc>, window_params = [{transform_indices = @transform_0, window_bounds = array<i64: 2000, 128>}, {pipeline_mode = #tpu.pipeline_mode<synchronous>, transform_indices = @transform_1, window_bounds = array<i64: 128, 384>}, {pipeline_mode = #tpu.pipeline_mode<synchronous>, transform_indices = @transform_2, window_bounds = array<i64: 1, 384>}, {transform_indices = @transform_3, window_bounds = array<i64: 2000, 128>}, {transform_indices = @transform_4, window_bounds = array<i64: 2000, 128>}, {transform_indices = @transform_5, window_bounds = array<i64: 2000, 128>}]} {
    %get3A = arith.constant 0 : index
    %get3A_0 = arith.constant 0 : index
    %get3A_1 = vector.load %arg1[%get3A, %get3A_0] : memref<2000x128xf32, #tpu.memory_space<vmem>>, vector<2000x128xf32>
    %get3A_2 = arith.constant 0 : index
    %get3A_3 = arith.constant 0 : index
    %get3A_4 = vector.load %arg2[%get3A_2, %get3A_3] : memref<128x384xf32, #tpu.memory_space<vmem>>, vector<128x384xf32>
    %dot_general3A = arith.constant dense<0.000000e+00> : vector<2000x384xf32>
    %dot_general3A_5 = tpu.matmul %get3A_1, %get3A_4, %dot_general3A {dimension_numbers = #tpu.dot_dimension_numbers<[1], [0], [0], [1], [0, 0, 1, 1], [], []>, transpose_lhs_hint = false} : vector<2000x128xf32>, vector<128x384xf32>, vector<2000x384xf32> -> vector<2000x384xf32>
    %get3A_6 = arith.constant 0 : index
    %get3A_7 = arith.constant 0 : index
    %get3A_8 = vector.load %arg3[%get3A_6, %get3A_7] : memref<1x384xf32, #tpu.memory_space<vmem>>, vector<1x384xf32>
    %add3A = vector.broadcast %get3A_8 : vector<1x384xf32> to vector<2000x384xf32>
    %add3A_9 = arith.addf %dot_general3A_5, %add3A : vector<2000x384xf32>
    %slice3A = vector.extract_strided_slice %add3A_9 {offsets = [0, 0], sizes = [2000, 128], strides = [1, 1]} : vector<2000x384xf32> to vector<2000x128xf32>
    %swap3A = arith.constant 0 : index
    %swap3A_10 = arith.constant 0 : index
    %swap3A_11 = vector.load %arg4[%swap3A, %swap3A_10] : memref<2000x128xf32, #tpu.memory_space<vmem>>, vector<2000x128xf32>
    tpu.vector_store %arg4[%swap3A, %swap3A_10], %slice3A {strides = array<i32>} : memref<2000x128xf32, #tpu.memory_space<vmem>>, vector<2000x128xf32>,
    %slice3A_12 = vector.extract_strided_slice %add3A_9 {offsets = [0, 128], sizes = [2000, 128], strides = [1, 1]} : vector<2000x384xf32> to vector<2000x128xf32>
    %swap3A_13 = arith.constant 0 : index
    %swap3A_14 = arith.constant 0 : index
    %swap3A_15 = vector.load %arg5[%swap3A_13, %swap3A_14] : memref<2000x128xf32, #tpu.memory_space<vmem>>, vector<2000x128xf32>
    tpu.vector_store %arg5[%swap3A_13, %swap3A_14], %slice3A_12 {strides = array<i32>} : memref<2000x128xf32, #tpu.memory_space<vmem>>, vector<2000x128xf32>,
    %slice3A_16 = vector.extract_strided_slice %add3A_9 {offsets = [0, 256], sizes = [2000, 128], strides = [1, 1]} : vector<2000x384xf32> to vector<2000x128xf32>
    %swap3A_17 = arith.constant 0 : index
    %swap3A_18 = arith.constant 0 : index
    %swap3A_19 = vector.load %arg6[%swap3A_17, %swap3A_18] : memref<2000x128xf32, #tpu.memory_space<vmem>>, vector<2000x128xf32>
    tpu.vector_store %arg6[%swap3A_17, %swap3A_18], %slice3A_16 {strides = array<i32>} : memref<2000x128xf32, #tpu.memory_space<vmem>>, vector<2000x128xf32>,
    return
  }
  func.func @transform_0(%arg0: i32) -> (i32, i32) {
    %c0_i32 = arith.constant 0 : i32
    %c0_i32_0 = arith.constant 0 : i32
    return %arg0, %c0_i32 : i32, i32
  }
  func.func @transform_1(%arg0: i32) -> (i32, i32) {
    %c0_i32 = arith.constant 0 : i32
    %c0_i32_0 = arith.constant 0 : i32
    %c0_i32_1 = arith.constant 0 : i32
    return %c0_i32, %c0_i32_0 : i32, i32
  }
  func.func @transform_2(%arg0: i32) -> (i32, i32) {
    %c0_i32 = arith.constant 0 : i32
    %c0_i32_0 = arith.constant 0 : i32
    %c0_i32_1 = arith.constant 0 : i32
    return %c0_i32, %c0_i32_0 : i32, i32
  }
  func.func @transform_3(%arg0: i32) -> (i32, i32) {
    %c0_i32 = arith.constant 0 : i32
    %c0_i32_0 = arith.constant 0 : i32
    return %arg0, %c0_i32 : i32, i32
  }
  func.func @transform_4(%arg0: i32) -> (i32, i32) {
    %c0_i32 = arith.constant 0 : i32
    %c0_i32_0 = arith.constant 0 : i32
    return %arg0, %c0_i32 : i32, i32
  }
  func.func @transform_5(%arg0: i32) -> (i32, i32) {
    %c0_i32 = arith.constant 0 : i32
    %c0_i32_0 = arith.constant 0 : i32
    return %arg0, %c0_i32 : i32, i32
  }
}

module attributes {stable_mosaic.version = 14 : i64} {
  func.func @_edge_body(%arg0: i32, %arg1: memref<2560x128xf32, #tpu.memory_space<vmem>>, %arg2: memref<2560x128xf32, #tpu.memory_space<vmem>>, %arg3: memref<2560x128xf32, #tpu.memory_space<vmem>>, %arg4: memref<2560x128xf32, #tpu.memory_space<vmem>>, %arg5: memref<128x384xf32, #tpu.memory_space<vmem>>, %arg6: memref<128x16xf32, #tpu.memory_space<vmem>>, %arg7: memref<16x128xf32, #tpu.memory_space<vmem>>, %arg8: memref<2560x128xf32, #tpu.memory_space<vmem>>, %arg9: memref<2560x16xf32, #tpu.memory_space<vmem>>) attributes {dimension_semantics = [#tpu.dimension_semantics<arbitrary>], iteration_bounds = array<i64: 62>, scalar_prefetch = 0 : i64, scratch_operands = 0 : i64, tpu.core_type = #tpu.core_type<tc>, window_params = [{transform_indices = @transform_0, window_bounds = array<i64: 2560, 128>}, {transform_indices = @transform_1, window_bounds = array<i64: 2560, 128>}, {transform_indices = @transform_2, window_bounds = array<i64: 2560, 128>}, {transform_indices = @transform_3, window_bounds = array<i64: 2560, 128>}, {pipeline_mode = #tpu.pipeline_mode<synchronous>, transform_indices = @transform_4, window_bounds = array<i64: 128, 384>}, {pipeline_mode = #tpu.pipeline_mode<synchronous>, transform_indices = @transform_5, window_bounds = array<i64: 128, 16>}, {pipeline_mode = #tpu.pipeline_mode<synchronous>, transform_indices = @transform_6, window_bounds = array<i64: 16, 128>}, {transform_indices = @transform_7, window_bounds = array<i64: 2560, 128>}, {transform_indices = @transform_8, window_bounds = array<i64: 2560, 16>}]} {
    %get3A = arith.constant 0 : index
    %get3A_0 = arith.constant 0 : index
    %get3A_1 = vector.load %arg1[%get3A, %get3A_0] : memref<2560x128xf32, #tpu.memory_space<vmem>>, vector<2560x128xf32>
    %get3A_2 = arith.constant 0 : index
    %get3A_3 = arith.constant 0 : index
    %get3A_4 = vector.load %arg5[%get3A_2, %get3A_3] : memref<128x384xf32, #tpu.memory_space<vmem>>, vector<128x384xf32>
    %dot_general3A = arith.constant dense<0.000000e+00> : vector<2560x384xf32>
    %dot_general3A_5 = tpu.matmul %get3A_1, %get3A_4, %dot_general3A {dimension_numbers = #tpu.dot_dimension_numbers<[1], [0], [0], [1], [0, 0, 1, 1], [], []>, transpose_lhs_hint = false} : vector<2560x128xf32>, vector<128x384xf32>, vector<2560x384xf32> -> vector<2560x384xf32>
    %slice3A = vector.extract_strided_slice %dot_general3A_5 {offsets = [0, 0], sizes = [2560, 128], strides = [1, 1]} : vector<2560x384xf32> to vector<2560x128xf32>
    %get3A_6 = arith.constant 0 : index
    %get3A_7 = arith.constant 0 : index
    %get3A_8 = vector.load %arg2[%get3A_6, %get3A_7] : memref<2560x128xf32, #tpu.memory_space<vmem>>, vector<2560x128xf32>
    %add3A = arith.addf %slice3A, %get3A_8 : vector<2560x128xf32>
    %slice3A_9 = vector.extract_strided_slice %dot_general3A_5 {offsets = [0, 128], sizes = [2560, 128], strides = [1, 1]} : vector<2560x384xf32> to vector<2560x128xf32>
    %get3A_10 = arith.constant 0 : index
    %get3A_11 = arith.constant 0 : index
    %get3A_12 = vector.load %arg3[%get3A_10, %get3A_11] : memref<2560x128xf32, #tpu.memory_space<vmem>>, vector<2560x128xf32>
    %add3A_13 = arith.addf %slice3A_9, %get3A_12 : vector<2560x128xf32>
    %slice3A_14 = vector.extract_strided_slice %dot_general3A_5 {offsets = [0, 256], sizes = [2560, 128], strides = [1, 1]} : vector<2560x384xf32> to vector<2560x128xf32>
    %get3A_15 = arith.constant 0 : index
    %get3A_16 = arith.constant 0 : index
    %get3A_17 = vector.load %arg4[%get3A_15, %get3A_16] : memref<2560x128xf32, #tpu.memory_space<vmem>>, vector<2560x128xf32>
    %add3A_18 = arith.addf %slice3A_14, %get3A_17 : vector<2560x128xf32>
    %mul3A = arith.mulf %add3A, %add3A_13 : vector<2560x128xf32>
    %get3A_19 = arith.constant 0 : index
    %get3A_20 = arith.constant 0 : index
    %get3A_21 = vector.load %arg6[%get3A_19, %get3A_20] : memref<128x16xf32, #tpu.memory_space<vmem>>, vector<128x16xf32>
    %dot_general3A_22 = arith.constant dense<0.000000e+00> : vector<2560x16xf32>
    %dot_general3A_23 = tpu.matmul %mul3A, %get3A_21, %dot_general3A_22 {dimension_numbers = #tpu.dot_dimension_numbers<[1], [0], [0], [1], [0, 0, 1, 1], [], []>, transpose_lhs_hint = false} : vector<2560x128xf32>, vector<128x16xf32>, vector<2560x16xf32> -> vector<2560x16xf32>
    %mul3A_24 = arith.constant 0.176776692 : f32
    %mul3A_25 = vector.broadcast %mul3A_24 : f32 to vector<2560x16xf32>
    %mul3A_26 = arith.mulf %dot_general3A_23, %mul3A_25 : vector<2560x16xf32>
    %iota3A = tpu.iota {dimensions = array<i32: 1>} : vector<2560x16xi32>
    %lt3A = arith.constant 4 : i32
    %lt3A_27 = vector.broadcast %lt3A : i32 to vector<2560x16xi32>
    %lt3A_28 = arith.cmpi slt, %iota3A, %lt3A_27 : vector<2560x16xi32>
    %exp3A = math.exp %mul3A_26 : vector<2560x16xf32>
    %jit3A = arith.constant 0.000000e+00 : f32
    %broadcast_in_dim3A = vector.broadcast %jit3A : f32 to vector<2560x16xf32>
    %select_n3A = arith.select %lt3A_28, %exp3A, %broadcast_in_dim3A : vector<2560x16xi1>, vector<2560x16xf32>
    %get3A_29 = arith.constant 0 : index
    %get3A_30 = arith.constant 0 : index
    %get3A_31 = vector.load %arg7[%get3A_29, %get3A_30] : memref<16x128xf32, #tpu.memory_space<vmem>>, vector<16x128xf32>
    %dot_general3A_32 = arith.constant dense<0.000000e+00> : vector<2560x128xf32>
    %dot_general3A_33 = tpu.matmul %select_n3A, %get3A_31, %dot_general3A_32 {dimension_numbers = #tpu.dot_dimension_numbers<[1], [0], [0], [1], [0, 0, 1, 1], [], []>, transpose_lhs_hint = false} : vector<2560x16xf32>, vector<16x128xf32>, vector<2560x128xf32> -> vector<2560x128xf32>
    %mul3A_34 = arith.mulf %add3A_18, %dot_general3A_33 : vector<2560x128xf32>
    %swap3A = arith.constant 0 : index
    %swap3A_35 = arith.constant 0 : index
    %swap3A_36 = vector.load %arg8[%swap3A, %swap3A_35] : memref<2560x128xf32, #tpu.memory_space<vmem>>, vector<2560x128xf32>
    tpu.vector_store %arg8[%swap3A, %swap3A_35], %mul3A_34 {strides = array<i32>} : memref<2560x128xf32, #tpu.memory_space<vmem>>, vector<2560x128xf32>,
    %swap3A_37 = arith.constant 0 : index
    %swap3A_38 = arith.constant 0 : index
    %swap3A_39 = vector.load %arg9[%swap3A_37, %swap3A_38] : memref<2560x16xf32, #tpu.memory_space<vmem>>, vector<2560x16xf32>
    tpu.vector_store %arg9[%swap3A_37, %swap3A_38], %select_n3A {strides = array<i32>} : memref<2560x16xf32, #tpu.memory_space<vmem>>, vector<2560x16xf32>,
    return
  }
  func.func @transform_0(%arg0: i32) -> (i32, i32) {
    %add3A = arith.constant 0 : i32
    %add3A_0 = arith.addi %arg0, %add3A : i32
    %c0_i32 = arith.constant 0 : i32
    %c0_i32_1 = arith.constant 0 : i32
    return %add3A_0, %c0_i32 : i32, i32
  }
  func.func @transform_1(%arg0: i32) -> (i32, i32) {
    %c0_i32 = arith.constant 0 : i32
    %c0_i32_0 = arith.constant 0 : i32
    return %arg0, %c0_i32 : i32, i32
  }
  func.func @transform_2(%arg0: i32) -> (i32, i32) {
    %c0_i32 = arith.constant 0 : i32
    %c0_i32_0 = arith.constant 0 : i32
    return %arg0, %c0_i32 : i32, i32
  }
  func.func @transform_3(%arg0: i32) -> (i32, i32) {
    %c0_i32 = arith.constant 0 : i32
    %c0_i32_0 = arith.constant 0 : i32
    return %arg0, %c0_i32 : i32, i32
  }
  func.func @transform_4(%arg0: i32) -> (i32, i32) {
    %c0_i32 = arith.constant 0 : i32
    %c0_i32_0 = arith.constant 0 : i32
    %c0_i32_1 = arith.constant 0 : i32
    return %c0_i32, %c0_i32_0 : i32, i32
  }
  func.func @transform_5(%arg0: i32) -> (i32, i32) {
    %c0_i32 = arith.constant 0 : i32
    %c0_i32_0 = arith.constant 0 : i32
    %c0_i32_1 = arith.constant 0 : i32
    return %c0_i32, %c0_i32_0 : i32, i32
  }
  func.func @transform_6(%arg0: i32) -> (i32, i32) {
    %c0_i32 = arith.constant 0 : i32
    %c0_i32_0 = arith.constant 0 : i32
    %c0_i32_1 = arith.constant 0 : i32
    return %c0_i32, %c0_i32_0 : i32, i32
  }
  func.func @transform_7(%arg0: i32) -> (i32, i32) {
    %c0_i32 = arith.constant 0 : i32
    %c0_i32_0 = arith.constant 0 : i32
    return %arg0, %c0_i32 : i32, i32
  }
  func.func @transform_8(%arg0: i32) -> (i32, i32) {
    %c0_i32 = arith.constant 0 : i32
    %c0_i32_0 = arith.constant 0 : i32
    return %arg0, %c0_i32 : i32, i32
  }
}

module attributes {stable_mosaic.version = 14 : i64} {
  func.func @_edge_body(%arg0: i32, %arg1: memref<2560x128xf32, #tpu.memory_space<vmem>>, %arg2: memref<2560x128xf32, #tpu.memory_space<vmem>>, %arg3: memref<2560x128xf32, #tpu.memory_space<vmem>>, %arg4: memref<2560x128xf32, #tpu.memory_space<vmem>>, %arg5: memref<128x384xf32, #tpu.memory_space<vmem>>, %arg6: memref<128x16xf32, #tpu.memory_space<vmem>>, %arg7: memref<16x128xf32, #tpu.memory_space<vmem>>, %arg8: memref<2560x128xf32, #tpu.memory_space<vmem>>, %arg9: memref<2560x16xf32, #tpu.memory_space<vmem>>) attributes {dimension_semantics = [#tpu.dimension_semantics<arbitrary>], iteration_bounds = array<i64: 63>, scalar_prefetch = 0 : i64, scratch_operands = 0 : i64, tpu.core_type = #tpu.core_type<tc>, window_params = [{transform_indices = @transform_0, window_bounds = array<i64: 2560, 128>}, {transform_indices = @transform_1, window_bounds = array<i64: 2560, 128>}, {transform_indices = @transform_2, window_bounds = array<i64: 2560, 128>}, {transform_indices = @transform_3, window_bounds = array<i64: 2560, 128>}, {pipeline_mode = #tpu.pipeline_mode<synchronous>, transform_indices = @transform_4, window_bounds = array<i64: 128, 384>}, {pipeline_mode = #tpu.pipeline_mode<synchronous>, transform_indices = @transform_5, window_bounds = array<i64: 128, 16>}, {pipeline_mode = #tpu.pipeline_mode<synchronous>, transform_indices = @transform_6, window_bounds = array<i64: 16, 128>}, {transform_indices = @transform_7, window_bounds = array<i64: 2560, 128>}, {transform_indices = @transform_8, window_bounds = array<i64: 2560, 16>}]} {
    %get3A = arith.constant 0 : index
    %get3A_0 = arith.constant 0 : index
    %get3A_1 = vector.load %arg1[%get3A, %get3A_0] : memref<2560x128xf32, #tpu.memory_space<vmem>>, vector<2560x128xf32>
    %get3A_2 = arith.constant 0 : index
    %get3A_3 = arith.constant 0 : index
    %get3A_4 = vector.load %arg5[%get3A_2, %get3A_3] : memref<128x384xf32, #tpu.memory_space<vmem>>, vector<128x384xf32>
    %dot_general3A = arith.constant dense<0.000000e+00> : vector<2560x384xf32>
    %dot_general3A_5 = tpu.matmul %get3A_1, %get3A_4, %dot_general3A {dimension_numbers = #tpu.dot_dimension_numbers<[1], [0], [0], [1], [0, 0, 1, 1], [], []>, transpose_lhs_hint = false} : vector<2560x128xf32>, vector<128x384xf32>, vector<2560x384xf32> -> vector<2560x384xf32>
    %slice3A = vector.extract_strided_slice %dot_general3A_5 {offsets = [0, 0], sizes = [2560, 128], strides = [1, 1]} : vector<2560x384xf32> to vector<2560x128xf32>
    %get3A_6 = arith.constant 0 : index
    %get3A_7 = arith.constant 0 : index
    %get3A_8 = vector.load %arg2[%get3A_6, %get3A_7] : memref<2560x128xf32, #tpu.memory_space<vmem>>, vector<2560x128xf32>
    %add3A = arith.addf %slice3A, %get3A_8 : vector<2560x128xf32>
    %slice3A_9 = vector.extract_strided_slice %dot_general3A_5 {offsets = [0, 128], sizes = [2560, 128], strides = [1, 1]} : vector<2560x384xf32> to vector<2560x128xf32>
    %get3A_10 = arith.constant 0 : index
    %get3A_11 = arith.constant 0 : index
    %get3A_12 = vector.load %arg3[%get3A_10, %get3A_11] : memref<2560x128xf32, #tpu.memory_space<vmem>>, vector<2560x128xf32>
    %add3A_13 = arith.addf %slice3A_9, %get3A_12 : vector<2560x128xf32>
    %slice3A_14 = vector.extract_strided_slice %dot_general3A_5 {offsets = [0, 256], sizes = [2560, 128], strides = [1, 1]} : vector<2560x384xf32> to vector<2560x128xf32>
    %get3A_15 = arith.constant 0 : index
    %get3A_16 = arith.constant 0 : index
    %get3A_17 = vector.load %arg4[%get3A_15, %get3A_16] : memref<2560x128xf32, #tpu.memory_space<vmem>>, vector<2560x128xf32>
    %add3A_18 = arith.addf %slice3A_14, %get3A_17 : vector<2560x128xf32>
    %mul3A = arith.mulf %add3A, %add3A_13 : vector<2560x128xf32>
    %get3A_19 = arith.constant 0 : index
    %get3A_20 = arith.constant 0 : index
    %get3A_21 = vector.load %arg6[%get3A_19, %get3A_20] : memref<128x16xf32, #tpu.memory_space<vmem>>, vector<128x16xf32>
    %dot_general3A_22 = arith.constant dense<0.000000e+00> : vector<2560x16xf32>
    %dot_general3A_23 = tpu.matmul %mul3A, %get3A_21, %dot_general3A_22 {dimension_numbers = #tpu.dot_dimension_numbers<[1], [0], [0], [1], [0, 0, 1, 1], [], []>, transpose_lhs_hint = false} : vector<2560x128xf32>, vector<128x16xf32>, vector<2560x16xf32> -> vector<2560x16xf32>
    %mul3A_24 = arith.constant 0.176776692 : f32
    %mul3A_25 = vector.broadcast %mul3A_24 : f32 to vector<2560x16xf32>
    %mul3A_26 = arith.mulf %dot_general3A_23, %mul3A_25 : vector<2560x16xf32>
    %iota3A = tpu.iota {dimensions = array<i32: 1>} : vector<2560x16xi32>
    %lt3A = arith.constant 4 : i32
    %lt3A_27 = vector.broadcast %lt3A : i32 to vector<2560x16xi32>
    %lt3A_28 = arith.cmpi slt, %iota3A, %lt3A_27 : vector<2560x16xi32>
    %exp3A = math.exp %mul3A_26 : vector<2560x16xf32>
    %jit3A = arith.constant 0.000000e+00 : f32
    %broadcast_in_dim3A = vector.broadcast %jit3A : f32 to vector<2560x16xf32>
    %select_n3A = arith.select %lt3A_28, %exp3A, %broadcast_in_dim3A : vector<2560x16xi1>, vector<2560x16xf32>
    %get3A_29 = arith.constant 0 : index
    %get3A_30 = arith.constant 0 : index
    %get3A_31 = vector.load %arg7[%get3A_29, %get3A_30] : memref<16x128xf32, #tpu.memory_space<vmem>>, vector<16x128xf32>
    %dot_general3A_32 = arith.constant dense<0.000000e+00> : vector<2560x128xf32>
    %dot_general3A_33 = tpu.matmul %select_n3A, %get3A_31, %dot_general3A_32 {dimension_numbers = #tpu.dot_dimension_numbers<[1], [0], [0], [1], [0, 0, 1, 1], [], []>, transpose_lhs_hint = false} : vector<2560x16xf32>, vector<16x128xf32>, vector<2560x128xf32> -> vector<2560x128xf32>
    %mul3A_34 = arith.mulf %add3A_18, %dot_general3A_33 : vector<2560x128xf32>
    %swap3A = arith.constant 0 : index
    %swap3A_35 = arith.constant 0 : index
    %swap3A_36 = vector.load %arg8[%swap3A, %swap3A_35] : memref<2560x128xf32, #tpu.memory_space<vmem>>, vector<2560x128xf32>
    tpu.vector_store %arg8[%swap3A, %swap3A_35], %mul3A_34 {strides = array<i32>} : memref<2560x128xf32, #tpu.memory_space<vmem>>, vector<2560x128xf32>,
    %swap3A_37 = arith.constant 0 : index
    %swap3A_38 = arith.constant 0 : index
    %swap3A_39 = vector.load %arg9[%swap3A_37, %swap3A_38] : memref<2560x16xf32, #tpu.memory_space<vmem>>, vector<2560x16xf32>
    tpu.vector_store %arg9[%swap3A_37, %swap3A_38], %select_n3A {strides = array<i32>} : memref<2560x16xf32, #tpu.memory_space<vmem>>, vector<2560x16xf32>,
    return
  }
  func.func @transform_0(%arg0: i32) -> (i32, i32) {
    %add3A = arith.constant 62 : i32
    %add3A_0 = arith.addi %arg0, %add3A : i32
    %c0_i32 = arith.constant 0 : i32
    %c0_i32_1 = arith.constant 0 : i32
    return %add3A_0, %c0_i32 : i32, i32
  }
  func.func @transform_1(%arg0: i32) -> (i32, i32) {
    %c0_i32 = arith.constant 0 : i32
    %c0_i32_0 = arith.constant 0 : i32
    return %arg0, %c0_i32 : i32, i32
  }
  func.func @transform_2(%arg0: i32) -> (i32, i32) {
    %c0_i32 = arith.constant 0 : i32
    %c0_i32_0 = arith.constant 0 : i32
    return %arg0, %c0_i32 : i32, i32
  }
  func.func @transform_3(%arg0: i32) -> (i32, i32) {
    %c0_i32 = arith.constant 0 : i32
    %c0_i32_0 = arith.constant 0 : i32
    return %arg0, %c0_i32 : i32, i32
  }
  func.func @transform_4(%arg0: i32) -> (i32, i32) {
    %c0_i32 = arith.constant 0 : i32
    %c0_i32_0 = arith.constant 0 : i32
    %c0_i32_1 = arith.constant 0 : i32
    return %c0_i32, %c0_i32_0 : i32, i32
  }
  func.func @transform_5(%arg0: i32) -> (i32, i32) {
    %c0_i32 = arith.constant 0 : i32
    %c0_i32_0 = arith.constant 0 : i32
    %c0_i32_1 = arith.constant 0 : i32
    return %c0_i32, %c0_i32_0 : i32, i32
  }
  func.func @transform_6(%arg0: i32) -> (i32, i32) {
    %c0_i32 = arith.constant 0 : i32
    %c0_i32_0 = arith.constant 0 : i32
    %c0_i32_1 = arith.constant 0 : i32
    return %c0_i32, %c0_i32_0 : i32, i32
  }
  func.func @transform_7(%arg0: i32) -> (i32, i32) {
    %c0_i32 = arith.constant 0 : i32
    %c0_i32_0 = arith.constant 0 : i32
    return %arg0, %c0_i32 : i32, i32
  }
  func.func @transform_8(%arg0: i32) -> (i32, i32) {
    %c0_i32 = arith.constant 0 : i32
    %c0_i32_0 = arith.constant 0 : i32
    return %arg0, %c0_i32 : i32, i32
  }
}

module attributes {stable_mosaic.version = 14 : i64} {
  func.func @_final_body(%arg0: i32, %arg1: memref<2x2000x128xf32, #tpu.memory_space<vmem>>, %arg2: memref<2x2000x128xf32, #tpu.memory_space<vmem>>, %arg3: memref<2000x128xf32, #tpu.memory_space<vmem>>, %arg4: memref<16x128xf32, #tpu.memory_space<vmem>>, %arg5: memref<128x128xf32, #tpu.memory_space<vmem>>, %arg6: memref<1x128xf32, #tpu.memory_space<vmem>>, %arg7: memref<1x128xf32, #tpu.memory_space<vmem>>, %arg8: memref<1x128xf32, #tpu.memory_space<vmem>>, %arg9: memref<128x512xf32, #tpu.memory_space<vmem>>, %arg10: memref<1x512xf32, #tpu.memory_space<vmem>>, %arg11: memref<512x128xf32, #tpu.memory_space<vmem>>, %arg12: memref<1x128xf32, #tpu.memory_space<vmem>>, %arg13: memref<1x128xf32, #tpu.memory_space<vmem>>, %arg14: memref<1x128xf32, #tpu.memory_space<vmem>>, %arg15: memref<2000x128xf32, #tpu.memory_space<vmem>>) attributes {dimension_semantics = [#tpu.dimension_semantics<arbitrary>], iteration_bounds = array<i64: 5>, scalar_prefetch = 0 : i64, scratch_operands = 0 : i64, tpu.core_type = #tpu.core_type<tc>, window_params = [{transform_indices = @transform_0, window_bounds = array<i64: 2, 2000, 128>}, {transform_indices = @transform_1, window_bounds = array<i64: 2, 2000, 128>}, {transform_indices = @transform_2, window_bounds = array<i64: 2000, 128>}, {pipeline_mode = #tpu.pipeline_mode<synchronous>, transform_indices = @transform_3, window_bounds = array<i64: 16, 128>}, {pipeline_mode = #tpu.pipeline_mode<synchronous>, transform_indices = @transform_4, window_bounds = array<i64: 128, 128>}, {pipeline_mode = #tpu.pipeline_mode<synchronous>, transform_indices = @transform_5, window_bounds = array<i64: 1, 128>}, {pipeline_mode = #tpu.pipeline_mode<synchronous>, transform_indices = @transform_6, window_bounds = array<i64: 1, 128>}, {pipeline_mode = #tpu.pipeline_mode<synchronous>, transform_indices = @transform_7, window_bounds = array<i64: 1, 128>}, {pipeline_mode = #tpu.pipeline_mode<synchronous>, transform_indices = @transform_8, window_bounds = array<i64: 128, 512>}, {pipeline_mode = #tpu.pipeline_mode<synchronous>, transform_indices = @transform_9, window_bounds = array<i64: 1, 512>}, {pipeline_mode = #tpu.pipeline_mode<synchronous>, transform_indices = @transform_10, window_bounds = array<i64: 512, 128>}, {pipeline_mode = #tpu.pipeline_mode<synchronous>, transform_indices = @transform_11, window_bounds = array<i64: 1, 128>}, {pipeline_mode = #tpu.pipeline_mode<synchronous>, transform_indices = @transform_12, window_bounds = array<i64: 1, 128>}, {pipeline_mode = #tpu.pipeline_mode<synchronous>, transform_indices = @transform_13, window_bounds = array<i64: 1, 128>}, {transform_indices = @transform_14, window_bounds = array<i64: 2000, 128>}]} {
    %get3A = arith.constant 0 : index
    %get3A_0 = arith.constant 0 : index
    %get3A_1 = arith.constant 0 : index
    %get3A_2 = vector.load %arg1[%get3A, %get3A_0, %get3A_1] : memref<2x2000x128xf32, #tpu.memory_space<vmem>>, vector<1x2000x128xf32>
    %get3A_3 = vector.shape_cast %get3A_2 : vector<1x2000x128xf32> to vector<2000x128xf32>
    %get3A_4 = arith.constant 1 : index
    %get3A_5 = arith.constant 0 : index
    %get3A_6 = arith.constant 0 : index
    %get3A_7 = vector.load %arg1[%get3A_4, %get3A_5, %get3A_6] : memref<2x2000x128xf32, #tpu.memory_space<vmem>>, vector<1x2000x128xf32>
    %get3A_8 = vector.shape_cast %get3A_7 : vector<1x2000x128xf32> to vector<2000x128xf32>
    %slice3A = vector.extract_strided_slice %get3A_8 {offsets = [0, 0], sizes = [2000, 16], strides = [1, 1]} : vector<2000x128xf32> to vector<2000x16xf32>
    %get3A_9 = arith.constant 0 : index
    %get3A_10 = arith.constant 0 : index
    %get3A_11 = arith.constant 0 : index
    %get3A_12 = vector.load %arg2[%get3A_9, %get3A_10, %get3A_11] : memref<2x2000x128xf32, #tpu.memory_space<vmem>>, vector<1x2000x128xf32>
    %get3A_13 = vector.shape_cast %get3A_12 : vector<1x2000x128xf32> to vector<2000x128xf32>
    %add3A = arith.addf %get3A_3, %get3A_13 : vector<2000x128xf32>
    %get3A_14 = arith.constant 1 : index
    %get3A_15 = arith.constant 0 : index
    %get3A_16 = arith.constant 0 : index
    %get3A_17 = vector.load %arg2[%get3A_14, %get3A_15, %get3A_16] : memref<2x2000x128xf32, #tpu.memory_space<vmem>>, vector<1x2000x128xf32>
    %get3A_18 = vector.shape_cast %get3A_17 : vector<1x2000x128xf32> to vector<2000x128xf32>
    %slice3A_19 = vector.extract_strided_slice %get3A_18 {offsets = [0, 0], sizes = [2000, 16], strides = [1, 1]} : vector<2000x128xf32> to vector<2000x16xf32>
    %add3A_20 = arith.addf %slice3A, %slice3A_19 : vector<2000x16xf32>
    %get3A_21 = arith.constant 0 : index
    %get3A_22 = arith.constant 0 : index
    %get3A_23 = vector.load %arg4[%get3A_21, %get3A_22] : memref<16x128xf32, #tpu.memory_space<vmem>>, vector<16x128xf32>
    %dot_general3A = arith.constant dense<0.000000e+00> : vector<2000x128xf32>
    %dot_general3A_24 = tpu.matmul %add3A_20, %get3A_23, %dot_general3A {dimension_numbers = #tpu.dot_dimension_numbers<[1], [0], [0], [1], [0, 0, 1, 1], [], []>, transpose_lhs_hint = false} : vector<2000x16xf32>, vector<16x128xf32>, vector<2000x128xf32> -> vector<2000x128xf32>
    %eq3A = arith.constant 0.000000e+00 : f32
    %eq3A_25 = vector.broadcast %eq3A : f32 to vector<2000x128xf32>
    %eq3A_26 = arith.cmpf oeq, %dot_general3A_24, %eq3A_25 : vector<2000x128xf32>
    %jit3A = arith.constant 1.000000e+00 : f32
    %broadcast_in_dim3A = vector.broadcast %jit3A : f32 to vector<2000x128xf32>
    %select_n3A = arith.select %eq3A_26, %broadcast_in_dim3A, %dot_general3A_24 : vector<2000x128xi1>, vector<2000x128xf32>
    %div3A = arith.divf %add3A, %select_n3A : vector<2000x128xf32>
    %get3A_27 = arith.constant 0 : index
    %get3A_28 = arith.constant 0 : index
    %get3A_29 = vector.load %arg5[%get3A_27, %get3A_28] : memref<128x128xf32, #tpu.memory_space<vmem>>, vector<128x128xf32>
    %dot_general3A_30 = arith.constant dense<0.000000e+00> : vector<2000x128xf32>
    %dot_general3A_31 = tpu.matmul %div3A, %get3A_29, %dot_general3A_30 {dimension_numbers = #tpu.dot_dimension_numbers<[1], [0], [0], [1], [0, 0, 1, 1], [], []>, transpose_lhs_hint = false} : vector<2000x128xf32>, vector<128x128xf32>, vector<2000x128xf32> -> vector<2000x128xf32>
    %get3A_32 = arith.constant 0 : index
    %get3A_33 = arith.constant 0 : index
    %get3A_34 = vector.load %arg6[%get3A_32, %get3A_33] : memref<1x128xf32, #tpu.memory_space<vmem>>, vector<1x128xf32>
    %add3A_35 = vector.broadcast %get3A_34 : vector<1x128xf32> to vector<2000x128xf32>
    %add3A_36 = arith.addf %dot_general3A_31, %add3A_35 : vector<2000x128xf32>
    %get3A_37 = arith.constant 0 : index
    %get3A_38 = arith.constant 0 : index
    %get3A_39 = vector.load %arg3[%get3A_37, %get3A_38] : memref<2000x128xf32, #tpu.memory_space<vmem>>, vector<2000x128xf32>
    %add3A_40 = arith.addf %get3A_39, %add3A_36 : vector<2000x128xf32>
    %get3A_41 = arith.constant 0 : index
    %get3A_42 = arith.constant 0 : index
    %get3A_43 = vector.load %arg7[%get3A_41, %get3A_42] : memref<1x128xf32, #tpu.memory_space<vmem>>, vector<1x128xf32>
    %get3A_44 = arith.constant 0 : index
    %get3A_45 = arith.constant 0 : index
    %get3A_46 = vector.load %arg8[%get3A_44, %get3A_45] : memref<1x128xf32, #tpu.memory_space<vmem>>, vector<1x128xf32>
    %reduce_sum3A = arith.constant dense<0.000000e+00> : vector<2000xf32>
    %reduce_sum3A_47 = vector.multi_reduction <add>, %add3A_40, %reduce_sum3A [1] : vector<2000x128xf32> to vector<2000xf32>
    %broadcast_in_dim3A_48 = vector.shape_cast %reduce_sum3A_47 : vector<2000xf32> to vector<2000x1xf32>
    %div3A_49 = arith.constant 1.280000e+02 : f32
    %div3A_50 = vector.broadcast %div3A_49 : f32 to vector<2000x1xf32>
    %div3A_51 = arith.divf %broadcast_in_dim3A_48, %div3A_50 : vector<2000x1xf32>
    %sub3A = vector.broadcast %div3A_51 : vector<2000x1xf32> to vector<2000x128xf32>
    %sub3A_52 = arith.subf %add3A_40, %sub3A : vector<2000x128xf32>
    %integer_pow3A = arith.mulf %sub3A_52, %sub3A_52 : vector<2000x128xf32>
    %reduce_sum3A_53 = arith.constant dense<0.000000e+00> : vector<2000xf32>
    %reduce_sum3A_54 = vector.multi_reduction <add>, %integer_pow3A, %reduce_sum3A_53 [1] : vector<2000x128xf32> to vector<2000xf32>
    %broadcast_in_dim3A_55 = vector.shape_cast %reduce_sum3A_54 : vector<2000xf32> to vector<2000x1xf32>
    %div3A_56 = arith.constant 1.280000e+02 : f32
    %div3A_57 = vector.broadcast %div3A_56 : f32 to vector<2000x1xf32>
    %div3A_58 = arith.divf %broadcast_in_dim3A_55, %div3A_57 : vector<2000x1xf32>
    %sub3A_59 = vector.broadcast %div3A_51 : vector<2000x1xf32> to vector<2000x128xf32>
    %sub3A_60 = arith.subf %add3A_40, %sub3A_59 : vector<2000x128xf32>
    %add3A_61 = arith.constant 9.99999974E-6 : f32
    %add3A_62 = vector.broadcast %add3A_61 : f32 to vector<2000x1xf32>
    %add3A_63 = arith.addf %div3A_58, %add3A_62 : vector<2000x1xf32>
    %rsqrt3A = math.rsqrt %add3A_63 : vector<2000x1xf32>
    %mul3A = vector.broadcast %rsqrt3A : vector<2000x1xf32> to vector<2000x128xf32>
    %mul3A_64 = arith.mulf %sub3A_60, %mul3A : vector<2000x128xf32>
    %mul3A_65 = vector.broadcast %get3A_43 : vector<1x128xf32> to vector<2000x128xf32>
    %mul3A_66 = arith.mulf %mul3A_64, %mul3A_65 : vector<2000x128xf32>
    %add3A_67 = vector.broadcast %get3A_46 : vector<1x128xf32> to vector<2000x128xf32>
    %add3A_68 = arith.addf %mul3A_66, %add3A_67 : vector<2000x128xf32>
    %get3A_69 = arith.constant 0 : index
    %get3A_70 = arith.constant 0 : index
    %get3A_71 = vector.load %arg9[%get3A_69, %get3A_70] : memref<128x512xf32, #tpu.memory_space<vmem>>, vector<128x512xf32>
    %dot_general3A_72 = arith.constant dense<0.000000e+00> : vector<2000x512xf32>
    %dot_general3A_73 = tpu.matmul %add3A_68, %get3A_71, %dot_general3A_72 {dimension_numbers = #tpu.dot_dimension_numbers<[1], [0], [0], [1], [0, 0, 1, 1], [], []>, transpose_lhs_hint = false} : vector<2000x128xf32>, vector<128x512xf32>, vector<2000x512xf32> -> vector<2000x512xf32>
    %get3A_74 = arith.constant 0 : index
    %get3A_75 = arith.constant 0 : index
    %get3A_76 = vector.load %arg10[%get3A_74, %get3A_75] : memref<1x512xf32, #tpu.memory_space<vmem>>, vector<1x512xf32>
    %add3A_77 = vector.broadcast %get3A_76 : vector<1x512xf32> to vector<2000x512xf32>
    %add3A_78 = arith.addf %dot_general3A_73, %add3A_77 : vector<2000x512xf32>
    %mul3A_79 = arith.constant 5.000000e-01 : f32
    %mul3A_80 = vector.broadcast %mul3A_79 : f32 to vector<2000x512xf32>
    %mul3A_81 = arith.mulf %mul3A_80, %add3A_78 : vector<2000x512xf32>
    %mul3A_82 = arith.constant 0.707106769 : f32
    %mul3A_83 = vector.broadcast %mul3A_82 : f32 to vector<2000x512xf32>
    %mul3A_84 = arith.mulf %add3A_78, %mul3A_83 : vector<2000x512xf32>
    %erf3A = math.erf %mul3A_84 : vector<2000x512xf32>
    %add3A_85 = arith.constant 1.000000e+00 : f32
    %add3A_86 = vector.broadcast %add3A_85 : f32 to vector<2000x512xf32>
    %add3A_87 = arith.addf %add3A_86, %erf3A : vector<2000x512xf32>
    %mul3A_88 = arith.mulf %mul3A_81, %add3A_87 : vector<2000x512xf32>
    %get3A_89 = arith.constant 0 : index
    %get3A_90 = arith.constant 0 : index
    %get3A_91 = vector.load %arg11[%get3A_89, %get3A_90] : memref<512x128xf32, #tpu.memory_space<vmem>>, vector<512x128xf32>
    %dot_general3A_92 = arith.constant dense<0.000000e+00> : vector<2000x128xf32>
    %dot_general3A_93 = tpu.matmul %mul3A_88, %get3A_91, %dot_general3A_92 {dimension_numbers = #tpu.dot_dimension_numbers<[1], [0], [0], [1], [0, 0, 1, 1], [], []>, transpose_lhs_hint = false} : vector<2000x512xf32>, vector<512x128xf32>, vector<2000x128xf32> -> vector<2000x128xf32>
    %get3A_94 = arith.constant 0 : index
    %get3A_95 = arith.constant 0 : index
    %get3A_96 = vector.load %arg12[%get3A_94, %get3A_95] : memref<1x128xf32, #tpu.memory_space<vmem>>, vector<1x128xf32>
    %add3A_97 = vector.broadcast %get3A_96 : vector<1x128xf32> to vector<2000x128xf32>
    %add3A_98 = arith.addf %dot_general3A_93, %add3A_97 : vector<2000x128xf32>
    %add3A_99 = arith.addf %add3A_68, %add3A_98 : vector<2000x128xf32>
    %get3A_100 = arith.constant 0 : index
    %get3A_101 = arith.constant 0 : index
    %get3A_102 = vector.load %arg13[%get3A_100, %get3A_101] : memref<1x128xf32, #tpu.memory_space<vmem>>, vector<1x128xf32>
    %get3A_103 = arith.constant 0 : index
    %get3A_104 = arith.constant 0 : index
    %get3A_105 = vector.load %arg14[%get3A_103, %get3A_104] : memref<1x128xf32, #tpu.memory_space<vmem>>, vector<1x128xf32>
    %reduce_sum3A_106 = arith.constant dense<0.000000e+00> : vector<2000xf32>
    %reduce_sum3A_107 = vector.multi_reduction <add>, %add3A_99, %reduce_sum3A_106 [1] : vector<2000x128xf32> to vector<2000xf32>
    %broadcast_in_dim3A_108 = vector.shape_cast %reduce_sum3A_107 : vector<2000xf32> to vector<2000x1xf32>
    %div3A_109 = arith.constant 1.280000e+02 : f32
    %div3A_110 = vector.broadcast %div3A_109 : f32 to vector<2000x1xf32>
    %div3A_111 = arith.divf %broadcast_in_dim3A_108, %div3A_110 : vector<2000x1xf32>
    %sub3A_112 = vector.broadcast %div3A_111 : vector<2000x1xf32> to vector<2000x128xf32>
    %sub3A_113 = arith.subf %add3A_99, %sub3A_112 : vector<2000x128xf32>
    %integer_pow3A_114 = arith.mulf %sub3A_113, %sub3A_113 : vector<2000x128xf32>
    %reduce_sum3A_115 = arith.constant dense<0.000000e+00> : vector<2000xf32>
    %reduce_sum3A_116 = vector.multi_reduction <add>, %integer_pow3A_114, %reduce_sum3A_115 [1] : vector<2000x128xf32> to vector<2000xf32>
    %broadcast_in_dim3A_117 = vector.shape_cast %reduce_sum3A_116 : vector<2000xf32> to vector<2000x1xf32>
    %div3A_118 = arith.constant 1.280000e+02 : f32
    %div3A_119 = vector.broadcast %div3A_118 : f32 to vector<2000x1xf32>
    %div3A_120 = arith.divf %broadcast_in_dim3A_117, %div3A_119 : vector<2000x1xf32>
    %sub3A_121 = vector.broadcast %div3A_111 : vector<2000x1xf32> to vector<2000x128xf32>
    %sub3A_122 = arith.subf %add3A_99, %sub3A_121 : vector<2000x128xf32>
    %add3A_123 = arith.constant 9.99999974E-6 : f32
    %add3A_124 = vector.broadcast %add3A_123 : f32 to vector<2000x1xf32>
    %add3A_125 = arith.addf %div3A_120, %add3A_124 : vector<2000x1xf32>
    %rsqrt3A_126 = math.rsqrt %add3A_125 : vector<2000x1xf32>
    %mul3A_127 = vector.broadcast %rsqrt3A_126 : vector<2000x1xf32> to vector<2000x128xf32>
    %mul3A_128 = arith.mulf %sub3A_122, %mul3A_127 : vector<2000x128xf32>
    %mul3A_129 = vector.broadcast %get3A_102 : vector<1x128xf32> to vector<2000x128xf32>
    %mul3A_130 = arith.mulf %mul3A_128, %mul3A_129 : vector<2000x128xf32>
    %add3A_131 = vector.broadcast %get3A_105 : vector<1x128xf32> to vector<2000x128xf32>
    %add3A_132 = arith.addf %mul3A_130, %add3A_131 : vector<2000x128xf32>
    %swap3A = arith.constant 0 : index
    %swap3A_133 = arith.constant 0 : index
    %swap3A_134 = vector.load %arg15[%swap3A, %swap3A_133] : memref<2000x128xf32, #tpu.memory_space<vmem>>, vector<2000x128xf32>
    tpu.vector_store %arg15[%swap3A, %swap3A_133], %add3A_132 {strides = array<i32>} : memref<2000x128xf32, #tpu.memory_space<vmem>>, vector<2000x128xf32>,
    return
  }
  func.func @transform_0(%arg0: i32) -> (i32, i32, i32) {
    %c0_i32 = arith.constant 0 : i32
    %c0_i32_0 = arith.constant 0 : i32
    %c0_i32_1 = arith.constant 0 : i32
    return %c0_i32, %arg0, %c0_i32_0 : i32, i32, i32
  }
  func.func @transform_1(%arg0: i32) -> (i32, i32, i32) {
    %c0_i32 = arith.constant 0 : i32
    %c0_i32_0 = arith.constant 0 : i32
    %c0_i32_1 = arith.constant 0 : i32
    return %c0_i32, %arg0, %c0_i32_0 : i32, i32, i32
  }
  func.func @transform_2(%arg0: i32) -> (i32, i32) {
    %c0_i32 = arith.constant 0 : i32
    %c0_i32_0 = arith.constant 0 : i32
    return %arg0, %c0_i32 : i32, i32
  }
  func.func @transform_3(%arg0: i32) -> (i32, i32) {
    %c0_i32 = arith.constant 0 : i32
    %c0_i32_0 = arith.constant 0 : i32
    %c0_i32_1 = arith.constant 0 : i32
    return %c0_i32, %c0_i32_0 : i32, i32
  }
  func.func @transform_4(%arg0: i32) -> (i32, i32) {
    %c0_i32 = arith.constant 0 : i32
    %c0_i32_0 = arith.constant 0 : i32
    %c0_i32_1 = arith.constant 0 : i32
    return %c0_i32, %c0_i32_0 : i32, i32
  }
  func.func @transform_5(%arg0: i32) -> (i32, i32) {
    %c0_i32 = arith.constant 0 : i32
    %c0_i32_0 = arith.constant 0 : i32
    %c0_i32_1 = arith.constant 0 : i32
    return %c0_i32, %c0_i32_0 : i32, i32
  }
  func.func @transform_6(%arg0: i32) -> (i32, i32) {
    %c0_i32 = arith.constant 0 : i32
    %c0_i32_0 = arith.constant 0 : i32
    %c0_i32_1 = arith.constant 0 : i32
    return %c0_i32, %c0_i32_0 : i32, i32
  }
  func.func @transform_7(%arg0: i32) -> (i32, i32) {
    %c0_i32 = arith.constant 0 : i32
    %c0_i32_0 = arith.constant 0 : i32
    %c0_i32_1 = arith.constant 0 : i32
    return %c0_i32, %c0_i32_0 : i32, i32
  }
  func.func @transform_8(%arg0: i32) -> (i32, i32) {
    %c0_i32 = arith.constant 0 : i32
    %c0_i32_0 = arith.constant 0 : i32
    %c0_i32_1 = arith.constant 0 : i32
    return %c0_i32, %c0_i32_0 : i32, i32
  }
  func.func @transform_9(%arg0: i32) -> (i32, i32) {
    %c0_i32 = arith.constant 0 : i32
    %c0_i32_0 = arith.constant 0 : i32
    %c0_i32_1 = arith.constant 0 : i32
    return %c0_i32, %c0_i32_0 : i32, i32
  }
  func.func @transform_10(%arg0: i32) -> (i32, i32) {
    %c0_i32 = arith.constant 0 : i32
    %c0_i32_0 = arith.constant 0 : i32
    %c0_i32_1 = arith.constant 0 : i32
    return %c0_i32, %c0_i32_0 : i32, i32
  }
  func.func @transform_11(%arg0: i32) -> (i32, i32) {
    %c0_i32 = arith.constant 0 : i32
    %c0_i32_0 = arith.constant 0 : i32
    %c0_i32_1 = arith.constant 0 : i32
    return %c0_i32, %c0_i32_0 : i32, i32
  }
  func.func @transform_12(%arg0: i32) -> (i32, i32) {
    %c0_i32 = arith.constant 0 : i32
    %c0_i32_0 = arith.constant 0 : i32
    %c0_i32_1 = arith.constant 0 : i32
    return %c0_i32, %c0_i32_0 : i32, i32
  }
  func.func @transform_13(%arg0: i32) -> (i32, i32) {
    %c0_i32 = arith.constant 0 : i32
    %c0_i32_0 = arith.constant 0 : i32
    %c0_i32_1 = arith.constant 0 : i32
    return %c0_i32, %c0_i32_0 : i32, i32
  }
  func.func @transform_14(%arg0: i32) -> (i32, i32) {
    %c0_i32 = arith.constant 0 : i32
    %c0_i32_0 = arith.constant 0 : i32
    return %arg0, %c0_i32 : i32, i32
  }
}

</mosaic_0001>

<sc_bundles>
// kernel: kernel.10.cloned.1.call-start
scs
__scs_entry_jumppad:
0x0: {  	(pc) =	sbr.rel $0x88, $3  }
0x1: {  	(tag) =	ssettag $0x0;
	lr =	simm.s32 $0x1  }
0x2: {  	[smem:$0x3F90] =	sst lr;
	_ =	strace $0xD0000000  }
0x3: {  	_ = 	snop  }
0x4: {  	_ = 	snop  }
0x5: {  	_ = 	snop  }
0x6: {  	_ = 	snop  }
0x7: {  	_ = 	snop  }
__scs_overlays_trampoline_lowered:
0x8: {  	[smem:$0x3F9F] =	sst s0  }
0x9: {  	[smem:$0x3FA0] =	sst s1  }
0xa: {  	[smem:$0x3FA1] =	sst s2  }
0xb: {  	[smem:$0x3FA2] =	sst s3  }
0xc: {  	[smem:$0x3FA3] =	sst s4  }
0xd: {  	[smem:$0x3FA4] =	sst s5  }
0xe: {  	[smem:$0x3FA5] =	sst s6  }
0xf: {  	[smem:$0x3FA6] =	sst s7  }
0x10: {  	[smem:$0x3FA7] =	sst s8  }
0x11: {  	[smem:$0x3FA8] =	sst s9;
	s0 =	simm.s32 @!p0 $0x0  }
0x12: {  	s1 =	sld [smem:$0x3F8E];
	s0 =	simm.s32 @p0 $0x1  }
0x13: {  	[smem:$0x3FA9] =	sst s0;
	s0 =	simm.s32 @!p1 $0x0  }
0x14: {  	s2 =	sld [smem:$0x3F8D];
	s0 =	simm.s32 @p1 $0x1  }
0x15: {  	[smem:$0x3FAA] =	sst s0;
	s0 =	simm.s32 @!p2 $0x0  }
0x16: {  	s3 =	sld [smem:$0x3FDB];
	s0 =	simm.s32 @p2 $0x1  }
0x17: {  	s4 =	simm.s32 $0x1BF5;
	[smem:$0x3FAC] =	sst s0  }
0x18: {  	s0 =	sld [smem:$0x3F8F];
	_ =	swait.ge [sflag:s4], $0x0  }
0x19: {  	s7 =	sld [smem:$0x3F90]  }
0x1a: {  	s8 =	sadd.s32 $0xFFFFE003, lr  }
0x1b: {  	s9 =	sadd.s32 $0xFFFFFEF7, lr;
	s5 =	simm.s32 $0xFFFFFFFF;
	p2 =	slt.u32 s8, $0xFFFFF086  }
0x1c: {  	p1 =	slt.u32 s9, $0xF7A;
	s5 =	simm.s32 @!p2 $0x0  }
0x1d: {  	s5 =	simm.s32 @p1 $0x1;
	p0 =	seq.s32 s7, s2  }
0x1e: {  	s7 =	smul.u32 @!p0 $0xF7A, s2;
	p2 =	seq.s32 @!p0 s5, $0x0  }
0x1f: {  	s9 =	smul.u32 $0xF7A, s1;
	s8 =	simm.s32 @!p0 $0x1BF5;
	p2 =	por !p2, p0  }
0x20: {  	[sflag:s8] =	ssyncset.s32 @!p0 $0xFFFFF086;
	s6 =	sadd.s32 @!p0 s3, s7;
	s7 =	simm.s32 @!p0 $0x108  }
0x21: {  	s3 =	sadd.s32 s3, s9;
	s6 =	sadd.s32 @!p0 $0x88, s6;
	s7 =	simm.s32 @p2 $0x1082  }
0x22: {  	[simem:s7], [sflag:s8] =	dma.local @!p0 [hbm:s6], $0xF7A  }
0x23: {  	s9 =	sor.u32 $0xD0000000, s2;
	s6 =	simm.s32 $0x108;
	_ =	swait.ge @!p0 [sflag:s8], $0x0  }
0x24: {  	s3 =	sadd.s32 $0x88, s3;
	s6 =	simm.s32 @!p1 $0x1082;
	[sflag:s4] =	ssyncset.s32 $0xFFFFF086  }
0x25: {  	[simem:s6], [sflag:s4] =	dma.local [hbm:s3], $0xF7A  }
0x26: {  	[smem:$0x3F90] =	sst s1;
	(tag) =	ssettag s2;
	_ =	strace s9  }
0x27: {  	s1 =	sld [smem:$0x3FA0]  }
0x28: {  	s2 =	sld [smem:$0x3FA1]  }
0x29: {  	s4 =	sld [smem:$0x3FA3]  }
0x2a: {  	p0 =	seq.s32 s5, $0x0;
	s5 =	sld [smem:$0x3FA4]  }
0x2b: {  	s6 =	sld [smem:$0x3FA5]  }
0x2c: {  	s7 =	sld [smem:$0x3FA6]  }
0x2d: {  	s3 =	simm.s32 $0x108;
	s8 =	sld [smem:$0x3FA7]  }
0x2e: {  	s3 =	simm.s32 @!p0 $0x1082;
	s9 =	sld [smem:$0x3FA8]  }
0x2f: {  	lr =	sadd.s32 s0, s3;
	s0 =	sld [smem:$0x3F9F]  }
0x30: {  	s3 =	sld [smem:$0x3FA2]  }
0x31: {  	[smem:$0x3FAB] =	sst s10  }
0x32: {  	s10 =	sld [smem:$0x3FA9];
	_ =	sdelay $0x3  }
0x33: {  	p0 =	seq.s32 s10, $0x1;
	s10 =	sld [smem:$0x3FAB];
	_ =	sdelay $0x3  }
0x34: {  	[smem:$0x3FAB] =	sst s10  }
0x35: {  	s10 =	sld [smem:$0x3FAA];
	_ =	sdelay $0x3  }
0x36: {  	p1 =	seq.s32 s10, $0x1;
	s10 =	sld [smem:$0x3FAB];
	_ =	sdelay $0x3  }
0x37: {  	[smem:$0x3FAB] =	sst s10  }
0x38: {  	s10 =	sld [smem:$0x3FAC]  }
0x39: {  	_ = 	snop;
	(pc) =	sbr.ind lr, $3  }
0x3a: {  	_ = 	snop  }
0x3b: {  	_ = 	snop  }
0x3c: {  	p2 =	seq.s32 s10, $0x1;
	s10 =	sld [smem:$0x3FAB]  }
0x3d: {  	_ =	shalt  }
0x3e: {  	_ =	shalt  }
0x3f: {  	_ =	shalt  }
0x40: {  	_ =	shalt  }
0x41: {  	_ =	shalt  }
0x42: {  	_ =	shalt  }
0x43: {  	_ =	shalt  }
0x44: {  	_ =	shalt  }
0x45: {  	_ =	shalt  }
0x46: {  	_ =	shalt  }
0x47: {  	_ =	shalt  }
0x48: {  	_ =	shalt  }
0x49: {  	_ =	shalt  }
0x4a: {  	_ =	shalt  }
0x4b: {  	_ =	shalt  }
0x4c: {  	_ =	shalt  }
0x4d: {  	_ =	shalt  }
0x4e: {  	_ =	shalt  }
0x4f: {  	_ =	shalt  }
0x50: {  	_ =	shalt  }
0x51: {  	_ =	shalt  }
0x52: {  	_ =	shalt  }
0x53: {  	_ =	shalt  }
0x54: {  	_ =	shalt  }
0x55: {  	_ =	shalt  }
0x56: {  	_ =	shalt  }
0x57: {  	_ =	shalt  }
0x58: {  	_ =	shalt  }
0x59: {  	_ =	shalt  }
0x5a: {  	_ =	shalt  }
0x5b: {  	_ =	shalt  }
0x5c: {  	_ =	shalt  }
0x5d: {  	_ =	shalt  }
0x5e: {  	_ =	shalt  }
0x5f: {  	_ =	shalt  }
0x60: {  	_ =	shalt  }
0x61: {  	_ =	shalt  }
0x62: {  	_ =	shalt  }
0x63: {  	_ =	shalt  }
0x64: {  	_ =	shalt  }
0x65: {  	_ =	shalt  }
0x66: {  	_ =	shalt  }
0x67: {  	_ =	shalt  }
0x68: {  	_ =	shalt  }
0x69: {  	_ =	shalt  }
0x6a: {  	_ =	shalt  }
0x6b: {  	_ =	shalt  }
0x6c: {  	_ =	shalt  }
0x6d: {  	_ =	shalt  }
0x6e: {  	_ =	shalt  }
0x6f: {  	_ =	shalt  }
0x70: {  	_ =	shalt  }
0x71: {  	_ =	shalt  }
0x72: {  	_ =	shalt  }
0x73: {  	_ =	shalt  }
0x74: {  	_ =	shalt  }
0x75: {  	_ =	shalt  }
0x76: {  	_ =	shalt  }
0x77: {  	_ =	shalt  }
0x78: {  	_ =	shalt  }
0x79: {  	_ =	shalt  }
0x7a: {  	_ =	shalt  }
0x7b: {  	_ =	shalt  }
0x7c: {  	_ =	shalt  }
0x7d: {  	_ =	shalt  }
0x7e: {  	_ =	shalt  }
0x7f: {  	_ =	shalt  }
0x80: {  	_ =	shalt  }
0x81: {  	_ =	shalt  }
0x82: {  	_ =	shalt  }
0x83: {  	_ =	shalt  }
0x84: {  	_ =	shalt  }
0x85: {  	_ =	shalt  }
0x86: {  	_ =	shalt  }
0x87: {  	_ =	shalt  }
.Lfunc_end0:
.L_simem_size_0:
called_computation_lowered:
.L_overlay_start_0:
0x88: {  	s2 =	sld [smem:$0x3FD9]  }
0x89: {  	s3 =	sld [smem:$0x3FFE];
	_ =	sdelay $0x1  }
0x8a: {  	s1 =	srdreg.scid  }
0x8b: {  	s0 =	sand.u32 $0x1, s1  }
0x8c: {  	s17 =	sshll.u32 s0, $0xA;
	s2 =	sadd.s32 s3, s2  }
0x8d: {  	s2 =	sadd.s32 s2, s17  }
0x8e: {  	[smem:$0x3FB7] =	sst s2  }
0x8f: {  	_ = 	snop  }
0x90: {  	s2 =	sld [smem:$0x3FD0];
	(tm) =	ssettm $0x1  }
0x91: {  	s18 =	sld [smem:$0x3FFB];
	_ =	sdelay $0x3  }
0x92: {  	_ =	strace s18  }
0x93: {  	s3 =	sld [smem:$0x3FFC];
	_ =	sdelay $0x3  }
0x94: {  	_ =	strace s3  }
0x95: {  	s3 =	sld [smem:$0x3FFD];
	_ =	sdelay $0x3  }
0x96: {  	_ =	strace s3  }
0x97: {  	_ =	strace $0x8FFFFFFF  }
0x98: {  	s19 =	sld [smem:$0x3FDB];
	_ =	sdelay $0x1  }
0x99: {  	s4 =	simm.s32 $_scs_section_size  }
0x9a: {  	s5 =	simm.s32 $_size__tile_overlayer_lowered;
	s6 =	simm.s32 $_tile_overlayer_lowered  }
0x9b: {  	s22 =	simm.s32 $0x1BFF;
	s21 =	sshll.u32 s6, $0x1;
	s3 =	sadd.s32 s4, s19  }
0x9c: {  	s7 =	simm.s32 $0x0;
	s20 =	sshll.u32 s5, $0x1;
	s5 =	sadd.s32 s21, s3  }
0x9d: {  	[timem:s7], [sflag:s22] =	dma.local [hbm:s5], s20  }
0x9e: {  	_ =	swait.ge [sflag:s22], s20  }
0x9f: {  	s4 =	ssub.s32 $0x0, s20;
	[sflag:s22] =	ssyncset.done $0x0  }
0xa0: {  	[sflag:s22] =	ssyncadd.s32 s4;
	_ =	sdelay $0x1  }
0xa1: {  	s23 =	simm.s32 $0x1B8B  }
0xa2: {  	_ =	swait.ge [sflag:s23], $0x1  }
0xa3: {  	[sflag:s23] =	ssyncset.done $0x0  }
0xa4: {  	s25 =	simm.s32 $0x1B8E;
	s24 =	sld [smem:$0x3FFE];
	[sflag:s23] =	ssyncadd.s32 $0xFFFFFFFF  }
0xa5: {  	s26 =	simm.s32 $execute0_lowered;
	[smem:$0x3FD2] =	sst s25  }
0xa6: {  	s5 =	sshll.u32 s26, $0x1;
	_ =	strace $0x80000046;
	[dreg:$0x1] =	wrdreg $0xFFFFFFFF  }
0xa7: {  	s28 =	simm.s32 $_size_execute0_lowered;
	s3 =	sadd.s32 s3, s5;
	[dreg:$0x0] =	wrdreg $0x0  }
0xa8: {  	s5 =	sshll.u32 s28, $0x1;
	[dreg:$0x2] =	wrdreg s3  }
0xa9: {  	[dreg:$0x3] =	wrdreg s5  }
0xaa: {  	[dreg:$0x4] =	wrdreg $0xC0  }
0xab: {  	_ =	task [dreg:s7], $0x5FFFF  }
0xac: {  	[dreg:$0x1] =	wrdreg $0xFFFFFFFF  }
0xad: {  	[dreg:$0x0] =	wrdreg $0x60  }
0xae: {  	[dreg:$0x2] =	wrdreg s2  }
0xaf: {  	[dreg:$0x3] =	wrdreg s24  }
0xb0: {  	[dreg:$0x4] =	wrdreg $0x9  }
0xb1: {  	_ =	task.clear_ibuf [dreg:s7], $0x5FFFF;
	_ =	strace $0x90000046  }
0xb2: {  	s29 =	simm.s32 $0x9;
	_ =	strace $0x80000048  }
0xb3: {  	_ =	swait.ge [sflag:s29], $0x1  }
0xb4: {  	[sflag:s29] =	ssyncadd.s32 $0xFFFFFFFF  }
0xb5: {  	_ =	strace $0x90000048  }
0xb6: {  	_ =	sfence  }
0xb7: {  	s30 =	sld [smem:$0x0];
	_ =	sdelay $0x2  }
0xb8: {  	s31 =	sshll.u32 s1, $0xD;
	s1 =	sshrl.u32 s1, $0x2  }
0xb9: {  	s3 =	sand.u32 $0x4000, s31;
	s1 =	sadd.s32 s1, s30  }
0xba: {  	s0 =	sor.u32 s3, s0;
	s1 =	sshll.u32 s1, $0x11  }
0xbb: {  	s0 =	sor.u32 s1, s0  }
0xbc: {  	s0 =	sadd.s32 $0x8F2B, s0  }
0xbd: {  	[sflag:s0] =	ssyncadd.remote.s32 $0x1  }
0xbe: {  	_ =	sfence.sel $0xFFFF  }
0xbf: {  	[dreg:$0x0] =	wrdreg $0xFFFFFFFF;
	(pc) =	sbr.abs _section_cstart, $3  }
0xc0: {  	[dreg:$0x1] =	wrdreg $0xFFFFFFFF  }
0xc1: {  	_ =	task.clear_ibuf [dreg:s7], $0x2FFFF;
	_ =	strace $0x9FFFFFFF  }
0xc2: {  	(tm) =	ssettm $0x7FFFFFFF  }
0xc3: {  	_ =	shalt  }
tec
execute0_lowered:
.L_overlay_start_1:
0x0: {  	(tag) =	ssettag $0x1  }
0x1: {  	s2 =	rddreg [dreg:$0x0]  }
0x2: {  	s0 =	rddreg [dreg:$0x1];
	s13 =	stileid.u32  }
0x3: {  	s1 =	srdreg.scid;
	s8 =	smul.u32 $0x26C00, s13  }
0x4: {  	s3 =	simm.s32 $0x0;
	s28 =	simm.s32 $0x180;
	s17 =	smul.u32 $0x7C, s13  }
0x5: {  	s29 =	simm.s32 $0x8;
	s1 =	sand.u32 $0x1, s1;
	s20 =	smul.u32 $0x7C0, s13  }
0x6: {  	s30 =	simm.s32 $0x9;
	s31 =	simm.s32 $0xA;
	s12 =	smul.u32 $0x3E, s1  }
0x7: {  	s4 =	sshll.u32 s13, $0x1;
	[smem:$0x7FF] =	sst s3;
	s22 =	smul.u32 $0x3E0, s1  }
0x8: {  	s5 =	sor.u32 s1, s4;
	s16 =	ssub.s32 $0x2, s1;
	s1 =	smul.u32 $0x13600, s1  }
0x9: {  	s6 =	sadd.s32 $0x4800, s0;
	s7 =	sadd.s32 $0x14200, s0;
	s9 =	smul.u32 $0x1F00, s5  }
0xa: {  	_ =	strace $0x80000047;
	s4 =	sadd.s32 $0x23C00, s0;
	s10 =	smul.u32 $0x300, s5  }
0xb: {  	s5 =	sadd.s32 $0x4AE00, s0;
	s0 =	sadd.s32 s8, s0;
	s11 =	sshrl.u32 s16, $0x1  }
0xc: {  	s25 =	sadd.s32 s22, s20;
	s0 =	sadd.s32 s1, s0;
	s22 =	simm.s32 $0x50  }
0xd: {  	s20 =	simm.s32 $0x5;
	s14 =	sand.u32 $0x3FC00, s9;
	s15 =	sand.u32 $0x300, s10  }
0xe: {  	s10 =	ssub.s32 s16, s11;
	s9 =	sadd.s32 s12, s17;
	s1 =	sadd.s32 $0x72000, s0  }
0xf: {  	s26 =	sadd.s32 $0x2DE000, s0;
	s0 =	sadd.s32 $0x54A000, s0;
	s11 =	simm.s32 $0x10  }
0x10: {  	s12 =	simm.s32 $0x7;
	s16 =	simm.s32 $0x0;
	[dreg:$0x8] =	wrdreg s1  }
0x11: {  	s8 =	sor.u32 s15, s14;
	s9 =	sshll.u32 s9, $0x4;
	[dreg:$0x9] =	wrdreg s26  }
0x12: {  	s24 =	smax.u32 s10, $0x1;
	s15 =	sadd.s32 $0x20, s25;
	[dreg:$0xa] =	wrdreg s0  }
0x13: {  	s0 =	simm.s32 $0x7A00;
	s1 =	simm.s32 $0xA200;
	s8 =	sshrl.u32 s8, $0x3  }
0x14: {  	s23 =	sadd.s32 $0x20, s9;
	[dreg:$0x7] =	wrdreg s24;
	s18 =	sadd.s32 s6, s8  }
.Ltmp0:
0x15: {  	s19 =	sadd.s32 s7, s8;
	s8 =	sor.u32 $0x10, s8;
	(pc) =	sbr.rel .LBB2_1-.Ltmp0, $4  }
0x16: {  	s13 =	sadd.s32 s23, s7;
	s14 =	sadd.s32 s23, s6;
	[dreg:$0x3] =	wrdreg s18  }
0x17: {  	[dreg:$0x4] =	wrdreg s19;
	s21 =	sadd.s32 s6, s8;
	s8 =	sadd.s32 s7, s8  }
0x18: {  	s18 =	simm.s32 $0x3;
	s19 =	simm.s32 $0x4;
	[dreg:$0x5] =	wrdreg s21  }
0x19: {  	[dreg:$0x6] =	wrdreg s8;
	s8 =	simm.s32 $0xCA00;
	s21 =	simm.s32 $0x6  }
.LBB2_10:
0x1a: {  	s9 =	simm.s32 $0xE  }
0x1b: {  	_ =	swait.ge [sflag:s9], $0x2800  }
0x1c: {  	[sflag:s9] =	ssyncset.done $0x0  }
0x1d: {  	s23 =	simm.s32 $0xF;
	[sflag:s9] =	ssyncadd.s32 $0xFFFFD800  }
0x1e: {  	_ =	swait.ge [sflag:s23], $0x2800  }
0x1f: {  	[sflag:s23] =	ssyncset.done $0x0  }
0x20: {  	[sflag:s23] =	ssyncadd.s32 $0xFFFFD800  }
0x21: {  	_ =	swait.ge [sflag:s11], $0x2800  }
0x22: {  	[sflag:s11] =	ssyncset.done $0x0  }
0x23: {  	s24 =	simm.s32 $0xB;
	[sflag:s11] =	ssyncadd.s32 $0xFFFFD800  }
0x24: {  	_ =	swait.ge [sflag:s24], $0x2800  }
0x25: {  	[sflag:s24] =	ssyncset.done $0x0  }
0x26: {  	s25 =	simm.s32 $0xC;
	[sflag:s24] =	ssyncadd.s32 $0xFFFFD800  }
0x27: {  	_ =	swait.ge [sflag:s25], $0x2800  }
0x28: {  	[sflag:s25] =	ssyncset.done $0x0  }
0x29: {  	s10 =	simm.s32 $0xD;
	[sflag:s25] =	ssyncadd.s32 $0xFFFFD800  }
0x2a: {  	_ =	swait.ge [sflag:s10], $0x2800  }
0x2b: {  	s16 =	rddreg [dreg:$0xb]  }
0x2c: {  	s26 =	rddreg [dreg:$0x7];
	s16 =	sadd.s32 $0x1, s16  }
0x2d: {  	p0 =	sne.s32 s16, s26  }
.Ltmp1:
0x2e: {  	_ = 	snop;
	(pc) =	sbr.rel @!p0 .LBB2_11-.Ltmp1, $3  }
0x2f: {  	_ =	sdelay $0x1  }
0x30: {  	[sflag:s10] =	ssyncset.done $0x0  }
0x31: {  	[sflag:s10] =	ssyncadd.s32 $0xFFFFD800  }
.LBB2_1:
0x32: {  	[dreg:$0xb] =	wrdreg s16  }
0x33: {  	s9 =	rddreg [dreg:$0x3]  }
0x34: {  	[tilespmem:s3], [sflag:$0x1] =	stream.linear.gather [hbm4b:s9+s3], $0x80, $0x38;
	[tilespmem:$0xF200] =	vst v63  }
0x35: {  	s24 =	rddreg [dreg:$0x4];
	s10 =	simm.s32 $0x80;
	s25 =	simm.s32 $0x1  }
0x36: {  	[tilespmem:s10], [sflag:$0x2] =	stream.linear.gather [hbm4b:s24+s3], $0x80, $0x38;
	[tilespmem:$0xF200] =	vst v63  }
0x37: {  	_ =	swait.ge [sflag:s25], $0x80  }
0x38: {  	[sflag:s25] =	ssyncset.done $0x0  }
0x39: {  	s26 =	simm.s32 $0x2;
	[sflag:s25] =	ssyncadd.s32 $0xFFFFFF80  }
0x3a: {  	_ =	swait.ge [sflag:s26], $0x80  }
0x3b: {  	[sflag:s26] =	ssyncset.done $0x0  }
0x3c: {  	s16 =	simm.s32 $0x200;
	[sflag:s26] =	ssyncadd.s32 $0xFFFFFF80  }
0x3d: {  	[tilespmem:s16], [sflag:$0x5] =	stream.indirect.gather [hbm4b:s2+s22], $0x80, s3, s22, $0xb8;
	[tilespmem:$0xF200] =	vst v63  }
0x3e: {  	s17 =	simm.s32 $0x2A00;
	s24 =	rddreg [dreg:$0x5]  }
0x3f: {  	[tilespmem:s17], [sflag:$0x6] =	stream.indirect.gather [hbm4b:s4+s22], $0x80, s10, s22, $0xb8;
	[tilespmem:$0xF200] =	vst v63  }
0x40: {  	s23 =	simm.s32 $0x5200;
	s26 =	rddreg [dreg:$0x6]  }
0x41: {  	[tilespmem:s23], [sflag:$0x7] =	stream.indirect.gather [hbm4b:s5+s22], $0x80, s10, s22, $0xb8;
	[tilespmem:$0xF200] =	vst v63  }
.Ltmp2:
0x42: {  	s25 =	simm.s32 $0x100;
	s16 =	rddreg [dreg:$0x8];
	(pc) =	sbr.rel .LBB2_2-.Ltmp2, $4  }
0x43: {  	[tilespmem:s25], [sflag:$0x3] =	stream.linear.gather [hbm4b:s24+s3], $0x80, $0x38;
	[tilespmem:$0xF200] =	vst v63  }
0x44: {  	s17 =	rddreg [dreg:$0xa]  }
0x45: {  	[tilespmem:s28], [sflag:$0x4] =	stream.linear.gather [hbm4b:s26+s3], $0x80, $0x38;
	[tilespmem:$0xF200] =	vst v63  }
0x46: {  	s23 =	simm.s32 $0x0;
	s24 =	simm.s32 $0x0;
	s26 =	rddreg [dreg:$0x9]  }
.LBB2_8:
0x47: {  	p0 =	seq.s32 s23, $0x3D0  }
0x48: {  	s9 =	simm.s32 @!p0 $0xB  }
0x49: {  	_ =	swait.ge @!p0 [sflag:s9], $0x2800  }
0x4a: {  	[sflag:s9] =	ssyncset.done @!p0 $0x0  }
0x4b: {  	[sflag:s9] =	ssyncadd.s32 @!p0 $0xFFFFD800;
	s9 =	simm.s32 @!p0 $0xC  }
0x4c: {  	_ =	swait.ge @!p0 [sflag:s9], $0x2800  }
0x4d: {  	[sflag:s9] =	ssyncset.done @!p0 $0x0  }
0x4e: {  	[sflag:s9] =	ssyncadd.s32 @!p0 $0xFFFFD800;
	s9 =	simm.s32 @!p0 $0xD  }
0x4f: {  	_ =	swait.ge @!p0 [sflag:s9], $0x2800  }
0x50: {  	[sflag:s9] =	ssyncset.done @!p0 $0x0  }
0x51: {  	[sflag:s9] =	ssyncadd.s32 @!p0 $0xFFFFD800;
	s9 =	simm.s32 @!p0 $0x1  }
0x52: {  	_ =	swait.ge @!p0 [sflag:s9], $0x80  }
0x53: {  	[sflag:s9] =	ssyncset.done @!p0 $0x0  }
0x54: {  	[sflag:s9] =	ssyncadd.s32 @!p0 $0xFFFFFF80;
	s9 =	simm.s32 @!p0 $0x2  }
0x55: {  	_ =	swait.ge @!p0 [sflag:s9], $0x80  }
0x56: {  	s10 =	simm.s32 @!p0 $0x0;
	[sflag:s9] =	ssyncset.done @!p0 $0x0  }
0x57: {  	s25 =	simm.s32 @!p0 $0x200;
	[sflag:s9] =	ssyncadd.s32 @!p0 $0xFFFFFF80;
	s9 =	simm.s32 @!p0 $0x50  }
0x58: {  	[tilespmem:s25], [sflag:$0x5] =	stream.indirect.gather @!p0 [hbm4b:s2+s9], $0x80, s10, s9, $0xb8;
	[tilespmem:$0xF200] =	vst v63  }
0x59: {  	s10 =	simm.s32 @!p0 $0x80;
	s25 =	simm.s32 @!p0 $0x2A00  }
0x5a: {  	[tilespmem:s25], [sflag:$0x6] =	stream.indirect.gather @!p0 [hbm4b:s4+s9], $0x80, s10, s9, $0xb8;
	[tilespmem:$0xF200] =	vst v63  }
0x5b: {  	s25 =	simm.s32 @!p0 $0x5200  }
0x5c: {  	[tilespmem:s25], [sflag:$0x7] =	stream.indirect.gather @!p0 [hbm4b:s5+s9], $0x80, s10, s9, $0xb8;
	[tilespmem:$0xF200] =	vst v63  }
0x5d: {  	_ =	swait.ge [sflag:s29], $0x2800  }
0x5e: {  	[sflag:s29] =	ssyncset.done $0x0  }
0x5f: {  	[sflag:s29] =	ssyncadd.s32 $0xFFFFD800  }
0x60: {  	_ =	swait.ge [sflag:s30], $0x2800  }
0x61: {  	[sflag:s30] =	ssyncset.done $0x0  }
0x62: {  	[sflag:s30] =	ssyncadd.s32 $0xFFFFD800  }
0x63: {  	p0 =	sgt.u32 s24, $0x3B;
	_ =	swait.ge [sflag:s31], $0x2800  }
0x64: {  	s9 =	sadd.s32 @!p0 s23, s14;
	[sflag:s31] =	ssyncset.done $0x0  }
0x65: {  	s10 =	simm.s32 @!p0 $0x0;
	s25 =	simm.s32 @!p0 $0x100;
	[sflag:s31] =	ssyncadd.s32 $0xFFFFD800  }
0x66: {  	[tilespmem:s25], [sflag:$0x3] =	stream.linear.gather @!p0 [hbm4b:s9+s10], $0x80, $0x38;
	[tilespmem:$0xF200] =	vst v63  }
0x67: {  	s9 =	sadd.s32 @!p0 s23, s13;
	s25 =	simm.s32 @!p0 $0x180  }
0x68: {  	[tilespmem:s25], [sflag:$0x4] =	stream.linear.gather @!p0 [hbm4b:s9+s10], $0x80, $0x38;
	[tilespmem:$0xF200] =	vst v63  }
0x69: {  	_ = 	snop  }
0x6a: {  	[hbm4b:s16+s3] =	stream.linear.scatter [tilespmem:s0], [sflag:$0xE], $0x2800, $0x38;
	[tilespmem:$0xF200] =	vst v63  }
0x6b: {  	_ = 	snop  }
0x6c: {  	[hbm4b:s26+s3] =	stream.linear.scatter [tilespmem:s1], [sflag:$0xF], $0x2800, $0x38;
	[tilespmem:$0xF200] =	vst v63  }
0x6d: {  	_ = 	snop  }
0x6e: {  	[hbm4b:s17+s3] =	stream.linear.scatter [tilespmem:s8], [sflag:$0x10], $0x2800, $0x38;
	[tilespmem:$0xF200] =	vst v63  }
.LBB2_9:
0x6f: {  	s23 =	sadd.s32 $0x10, s23  }
0x70: {  	p0 =	sne.s32 s23, $0x3E0  }
.Ltmp3:
0x71: {  	_ = 	snop;
	(pc) =	sbr.rel @!p0 .LBB2_10-.Ltmp3, $3  }
0x72: {  	_ =	sdelay $0x1  }
0x73: {  	s24 =	sadd.s32 $0x1, s24  }
0x74: {  	s16 =	sadd.s32 $0x500, s16;
	s26 =	sadd.s32 $0x500, s26;
	s17 =	sadd.s32 $0x500, s17  }
.LBB2_2:
0x75: {  	s25 =	sand.u32 $0x1, s24  }
0x76: {  	p0 =	seq.s32 s25, $0x1  }
.Ltmp4:
0x77: {  	_ = 	snop;
	(pc) =	sbr.rel @p0 .LBB2_8-.Ltmp4, $1  }
0x78: {  	_ =	sdelay $0x3  }
0x79: {  	p0 =	seq.s32 s24, $0x0  }
.Ltmp5:
0x7a: {  	_ = 	snop;
	(pc) =	sbr.rel @p0 .LBB2_6-.Ltmp5, $1  }
0x7b: {  	_ =	sdelay $0x3  }
0x7c: {  	p0 =	seq.s32 s24, $0x3D  }
.Ltmp6:
0x7d: {  	_ = 	snop;
	(pc) =	sbr.rel @p0 .LBB2_7-.Ltmp6, $1  }
0x7e: {  	_ =	sdelay $0x3  }
0x7f: {  	s9 =	simm.s32 $0xE  }
0x80: {  	_ =	swait.ge [sflag:s9], $0x2800  }
0x81: {  	[sflag:s9] =	ssyncset.done $0x0  }
0x82: {  	s25 =	simm.s32 $0xF;
	[sflag:s9] =	ssyncadd.s32 $0xFFFFD800  }
0x83: {  	_ =	swait.ge [sflag:s25], $0x2800  }
0x84: {  	[sflag:s25] =	ssyncset.done $0x0  }
0x85: {  	[sflag:s25] =	ssyncadd.s32 $0xFFFFD800  }
0x86: {  	_ =	swait.ge [sflag:s11], $0x2800  }
0x87: {  	[sflag:s11] =	ssyncset.done $0x0  }
0x88: {  	[sflag:s11] =	ssyncadd.s32 $0xFFFFD800  }
.LBB2_6:
0x89: {  	_ =	swait.ge [sflag:s18], $0x80  }
0x8a: {  	[sflag:s18] =	ssyncset.done $0x0  }
0x8b: {  	[sflag:s18] =	ssyncadd.s32 $0xFFFFFF80  }
0x8c: {  	_ =	swait.ge [sflag:s19], $0x80  }
0x8d: {  	[sflag:s19] =	ssyncset.done $0x0  }
0x8e: {  	s9 =	simm.s32 $0x100;
	[sflag:s19] =	ssyncadd.s32 $0xFFFFFF80  }
0x8f: {  	[tilespmem:s0], [sflag:$0x8] =	stream.indirect.gather [hbm4b:s2+s22], $0x80, s9, s22, $0xb8;
	[tilespmem:$0xF200] =	vst v63  }
0x90: {  	_ = 	snop  }
0x91: {  	[tilespmem:s1], [sflag:$0x9] =	stream.indirect.gather [hbm4b:s4+s22], $0x80, s28, s22, $0xb8;
	[tilespmem:$0xF200] =	vst v63  }
0x92: {  	_ = 	snop  }
0x93: {  	[tilespmem:s8], [sflag:$0xA] =	stream.indirect.gather [hbm4b:s5+s22], $0x80, s28, s22, $0xb8;
	[tilespmem:$0xF200] =	vst v63  }
.LBB2_7:
0x94: {  	_ =	swait.ge [sflag:s20], $0x2800  }
0x95: {  	[sflag:s20] =	ssyncset.done $0x0  }
0x96: {  	[sflag:s20] =	ssyncadd.s32 $0xFFFFD800  }
0x97: {  	_ =	swait.ge [sflag:s21], $0x2800  }
0x98: {  	[sflag:s21] =	ssyncset.done $0x0  }
0x99: {  	p0 =	sgt.u32 s24, $0x3B;
	[sflag:s21] =	ssyncadd.s32 $0xFFFFD800  }
0x9a: {  	s25 =	sadd.s32 @!p0 s23, s15;
	_ =	swait.ge [sflag:s12], $0x2800  }
0x9b: {  	s25 =	sand.u32 @!p0 $0xFFFFFE0, s25;
	[sflag:s12] =	ssyncset.done $0x0  }
0x9c: {  	s10 =	simm.s32 @!p0 $0x0;
	s9 =	sadd.s32 @!p0 s6, s25;
	[sflag:s12] =	ssyncadd.s32 $0xFFFFD800  }
0x9d: {  	[tilespmem:s10], [sflag:$0x1] =	stream.linear.gather @!p0 [hbm4b:s9+s10], $0x80, $0x38;
	[tilespmem:$0xF200] =	vst v63  }
0x9e: {  	s9 =	sadd.s32 @!p0 s7, s25;
	s25 =	simm.s32 @!p0 $0x80  }
0x9f: {  	[tilespmem:s25], [sflag:$0x2] =	stream.linear.gather @!p0 [hbm4b:s9+s10], $0x80, $0x38;
	[tilespmem:$0xF200] =	vst v63  }
0xa0: {  	s25 =	simm.s32 $0x200  }
0xa1: {  	[hbm4b:s16+s3] =	stream.linear.scatter [tilespmem:s25], [sflag:$0xB], $0x2800, $0x38;
	[tilespmem:$0xF200] =	vst v63  }
.Ltmp7:
0xa2: {  	_ = 	snop;
	(pc) =	sbr.rel .LBB2_9-.Ltmp7, $4  }
0xa3: {  	s10 =	simm.s32 $0x2A00  }
0xa4: {  	[hbm4b:s26+s3] =	stream.linear.scatter [tilespmem:s10], [sflag:$0xC], $0x2800, $0x38;
	[tilespmem:$0xF200] =	vst v63  }
0xa5: {  	s25 =	simm.s32 $0x5200  }
0xa6: {  	[hbm4b:s17+s3] =	stream.linear.scatter [tilespmem:s25], [sflag:$0xD], $0x2800, $0x38;
	[tilespmem:$0xF200] =	vst v63  }
.LBB2_11:
0xa7: {  	_ =	sfence.sel $0x180000  }
0xa8: {  	[bflag:$0x0] =	sbarrier.arrive $0xFFFF  }
0xa9: {  	_ =	strace $0x90000047  }
0xaa: {  	s0 =	stileid.u32;
	[bflag:$0x2] =	sbarrier.arrive $0xFFFF  }
0xab: {  	p0 =	sne.s32 s0, $0x0;
	s0 =	rddreg [dreg:$0x2]  }
0xac: {  	s0 =	sadd.s32 @!p0 $0x100000, s0  }
0xad: {  	[sflag:s0] =	ssyncadd.tile.s32 @!p0 $0x1;
	_ =	shalt  }
.Lfunc_end2:
_tile_overlayer_lowered:
.L_overlay_start_2:
0xae: {  	(tag) =	ssettag $0x2  }
0xaf: {  	s0 =	rddreg [dreg:$0x0];
	s2 =	stileid.u32  }
0xb0: {  	s1 =	rddreg [dreg:$0x1];
	p0 =	sne.s32 s2, $0x0  }
0xb1: {  	s3 =	rddreg [dreg:$0x2];
	[bflag:$0x3] =	sbarrier.arrive $0xFFFF;
	s2 =	simm.s32 @!p0 $0x1C11  }
0xb2: {  	[timem:s3], [sflag:s2] =	dma.local @!p0 [hbm:s0], s1  }
0xb3: {  	s0 =	simm.s32 @!p0 $0x11  }
0xb4: {  	_ =	swait.ge @!p0 [sflag:s0], s1  }
0xb5: {  	s1 =	ssub.s32 @!p0 $0x0, s1;
	[sflag:s0] =	ssyncset.done @!p0 $0x0  }
0xb6: {  	[sflag:s0] =	ssyncadd.s32 @!p0 s1  }
0xb7: {  	[bflag:$0x3] =	sbarrier.arrive $0xFFFF  }
0xb8: {  	_ =	shalt  }

// kernel: kernel.13.cloned.1.call-start
scs
__scs_entry_jumppad:
0x0: {  	(pc) =	sbr.rel $0x88, $3  }
0x1: {  	(tag) =	ssettag $0x0;
	lr =	simm.s32 $0x1  }
0x2: {  	[smem:$0x3F90] =	sst lr;
	_ =	strace $0xD0000000  }
0x3: {  	_ = 	snop  }
0x4: {  	_ = 	snop  }
0x5: {  	_ = 	snop  }
0x6: {  	_ = 	snop  }
0x7: {  	_ = 	snop  }
__scs_overlays_trampoline_lowered:
0x8: {  	[smem:$0x3F9F] =	sst s0  }
0x9: {  	[smem:$0x3FA0] =	sst s1  }
0xa: {  	[smem:$0x3FA1] =	sst s2  }
0xb: {  	[smem:$0x3FA2] =	sst s3  }
0xc: {  	[smem:$0x3FA3] =	sst s4  }
0xd: {  	[smem:$0x3FA4] =	sst s5  }
0xe: {  	[smem:$0x3FA5] =	sst s6  }
0xf: {  	[smem:$0x3FA6] =	sst s7  }
0x10: {  	[smem:$0x3FA7] =	sst s8  }
0x11: {  	[smem:$0x3FA8] =	sst s9;
	s0 =	simm.s32 @!p0 $0x0  }
0x12: {  	s1 =	sld [smem:$0x3F8E];
	s0 =	simm.s32 @p0 $0x1  }
0x13: {  	[smem:$0x3FA9] =	sst s0;
	s0 =	simm.s32 @!p1 $0x0  }
0x14: {  	s2 =	sld [smem:$0x3F8D];
	s0 =	simm.s32 @p1 $0x1  }
0x15: {  	[smem:$0x3FAA] =	sst s0;
	s0 =	simm.s32 @!p2 $0x0  }
0x16: {  	s3 =	sld [smem:$0x3FDB];
	s0 =	simm.s32 @p2 $0x1  }
0x17: {  	s4 =	simm.s32 $0x1BF5;
	[smem:$0x3FAC] =	sst s0  }
0x18: {  	s0 =	sld [smem:$0x3F8F];
	_ =	swait.ge [sflag:s4], $0x0  }
0x19: {  	s7 =	sld [smem:$0x3F90]  }
0x1a: {  	s8 =	sadd.s32 $0xFFFFE003, lr  }
0x1b: {  	s9 =	sadd.s32 $0xFFFFFEF7, lr;
	s5 =	simm.s32 $0xFFFFFFFF;
	p2 =	slt.u32 s8, $0xFFFFF086  }
0x1c: {  	p1 =	slt.u32 s9, $0xF7A;
	s5 =	simm.s32 @!p2 $0x0  }
0x1d: {  	s5 =	simm.s32 @p1 $0x1;
	p0 =	seq.s32 s7, s2  }
0x1e: {  	s7 =	smul.u32 @!p0 $0xF7A, s2;
	p2 =	seq.s32 @!p0 s5, $0x0  }
0x1f: {  	s9 =	smul.u32 $0xF7A, s1;
	s8 =	simm.s32 @!p0 $0x1BF5;
	p2 =	por !p2, p0  }
0x20: {  	[sflag:s8] =	ssyncset.s32 @!p0 $0xFFFFF086;
	s6 =	sadd.s32 @!p0 s3, s7;
	s7 =	simm.s32 @!p0 $0x108  }
0x21: {  	s3 =	sadd.s32 s3, s9;
	s6 =	sadd.s32 @!p0 $0x88, s6;
	s7 =	simm.s32 @p2 $0x1082  }
0x22: {  	[simem:s7], [sflag:s8] =	dma.local @!p0 [hbm:s6], $0xF7A  }
0x23: {  	s9 =	sor.u32 $0xD0000000, s2;
	s6 =	simm.s32 $0x108;
	_ =	swait.ge @!p0 [sflag:s8], $0x0  }
0x24: {  	s3 =	sadd.s32 $0x88, s3;
	s6 =	simm.s32 @!p1 $0x1082;
	[sflag:s4] =	ssyncset.s32 $0xFFFFF086  }
0x25: {  	[simem:s6], [sflag:s4] =	dma.local [hbm:s3], $0xF7A  }
0x26: {  	[smem:$0x3F90] =	sst s1;
	(tag) =	ssettag s2;
	_ =	strace s9  }
0x27: {  	s1 =	sld [smem:$0x3FA0]  }
0x28: {  	s2 =	sld [smem:$0x3FA1]  }
0x29: {  	s4 =	sld [smem:$0x3FA3]  }
0x2a: {  	p0 =	seq.s32 s5, $0x0;
	s5 =	sld [smem:$0x3FA4]  }
0x2b: {  	s6 =	sld [smem:$0x3FA5]  }
0x2c: {  	s7 =	sld [smem:$0x3FA6]  }
0x2d: {  	s3 =	simm.s32 $0x108;
	s8 =	sld [smem:$0x3FA7]  }
0x2e: {  	s3 =	simm.s32 @!p0 $0x1082;
	s9 =	sld [smem:$0x3FA8]  }
0x2f: {  	lr =	sadd.s32 s0, s3;
	s0 =	sld [smem:$0x3F9F]  }
0x30: {  	s3 =	sld [smem:$0x3FA2]  }
0x31: {  	[smem:$0x3FAB] =	sst s10  }
0x32: {  	s10 =	sld [smem:$0x3FA9];
	_ =	sdelay $0x3  }
0x33: {  	p0 =	seq.s32 s10, $0x1;
	s10 =	sld [smem:$0x3FAB];
	_ =	sdelay $0x3  }
0x34: {  	[smem:$0x3FAB] =	sst s10  }
0x35: {  	s10 =	sld [smem:$0x3FAA];
	_ =	sdelay $0x3  }
0x36: {  	p1 =	seq.s32 s10, $0x1;
	s10 =	sld [smem:$0x3FAB];
	_ =	sdelay $0x3  }
0x37: {  	[smem:$0x3FAB] =	sst s10  }
0x38: {  	s10 =	sld [smem:$0x3FAC]  }
0x39: {  	_ = 	snop;
	(pc) =	sbr.ind lr, $3  }
0x3a: {  	_ = 	snop  }
0x3b: {  	_ = 	snop  }
0x3c: {  	p2 =	seq.s32 s10, $0x1;
	s10 =	sld [smem:$0x3FAB]  }
0x3d: {  	_ =	shalt  }
0x3e: {  	_ =	shalt  }
0x3f: {  	_ =	shalt  }
0x40: {  	_ =	shalt  }
0x41: {  	_ =	shalt  }
0x42: {  	_ =	shalt  }
0x43: {  	_ =	shalt  }
0x44: {  	_ =	shalt  }
0x45: {  	_ =	shalt  }
0x46: {  	_ =	shalt  }
0x47: {  	_ =	shalt  }
0x48: {  	_ =	shalt  }
0x49: {  	_ =	shalt  }
0x4a: {  	_ =	shalt  }
0x4b: {  	_ =	shalt  }
0x4c: {  	_ =	shalt  }
0x4d: {  	_ =	shalt  }
0x4e: {  	_ =	shalt  }
0x4f: {  	_ =	shalt  }
0x50: {  	_ =	shalt  }
0x51: {  	_ =	shalt  }
0x52: {  	_ =	shalt  }
0x53: {  	_ =	shalt  }
0x54: {  	_ =	shalt  }
0x55: {  	_ =	shalt  }
0x56: {  	_ =	shalt  }
0x57: {  	_ =	shalt  }
0x58: {  	_ =	shalt  }
0x59: {  	_ =	shalt  }
0x5a: {  	_ =	shalt  }
0x5b: {  	_ =	shalt  }
0x5c: {  	_ =	shalt  }
0x5d: {  	_ =	shalt  }
0x5e: {  	_ =	shalt  }
0x5f: {  	_ =	shalt  }
0x60: {  	_ =	shalt  }
0x61: {  	_ =	shalt  }
0x62: {  	_ =	shalt  }
0x63: {  	_ =	shalt  }
0x64: {  	_ =	shalt  }
0x65: {  	_ =	shalt  }
0x66: {  	_ =	shalt  }
0x67: {  	_ =	shalt  }
0x68: {  	_ =	shalt  }
0x69: {  	_ =	shalt  }
0x6a: {  	_ =	shalt  }
0x6b: {  	_ =	shalt  }
0x6c: {  	_ =	shalt  }
0x6d: {  	_ =	shalt  }
0x6e: {  	_ =	shalt  }
0x6f: {  	_ =	shalt  }
0x70: {  	_ =	shalt  }
0x71: {  	_ =	shalt  }
0x72: {  	_ =	shalt  }
0x73: {  	_ =	shalt  }
0x74: {  	_ =	shalt  }
0x75: {  	_ =	shalt  }
0x76: {  	_ =	shalt  }
0x77: {  	_ =	shalt  }
0x78: {  	_ =	shalt  }
0x79: {  	_ =	shalt  }
0x7a: {  	_ =	shalt  }
0x7b: {  	_ =	shalt  }
0x7c: {  	_ =	shalt  }
0x7d: {  	_ =	shalt  }
0x7e: {  	_ =	shalt  }
0x7f: {  	_ =	shalt  }
0x80: {  	_ =	shalt  }
0x81: {  	_ =	shalt  }
0x82: {  	_ =	shalt  }
0x83: {  	_ =	shalt  }
0x84: {  	_ =	shalt  }
0x85: {  	_ =	shalt  }
0x86: {  	_ =	shalt  }
0x87: {  	_ =	shalt  }
.Lfunc_end0:
.L_simem_size_0:
called_computation.1_lowered:
.L_overlay_start_0:
0x88: {  	s2 =	sld [smem:$0x3FD9]  }
0x89: {  	s3 =	sld [smem:$0x3FFE];
	_ =	sdelay $0x1  }
0x8a: {  	s1 =	srdreg.scid  }
0x8b: {  	s0 =	sand.u32 $0x1, s1  }
0x8c: {  	s17 =	sshll.u32 s0, $0xA;
	s2 =	sadd.s32 s3, s2  }
0x8d: {  	s2 =	sadd.s32 s2, s17  }
0x8e: {  	[smem:$0x3FB7] =	sst s2  }
0x8f: {  	_ = 	snop  }
0x90: {  	(tm) =	ssettm $0x1  }
0x91: {  	s18 =	sld [smem:$0x3FFB];
	_ =	sdelay $0x3  }
0x92: {  	_ =	strace s18  }
0x93: {  	s2 =	sld [smem:$0x3FFC];
	_ =	sdelay $0x3  }
0x94: {  	_ =	strace s2  }
0x95: {  	s2 =	sld [smem:$0x3FFD];
	_ =	sdelay $0x3  }
0x96: {  	_ =	strace s2  }
0x97: {  	_ =	strace $0x8FFFFFFF  }
0x98: {  	s19 =	sld [smem:$0x3FDB];
	_ =	sdelay $0x1  }
0x99: {  	s20 =	simm.s32 $_scs_section_size  }
0x9a: {  	s4 =	simm.s32 $_size__tile_overlayer_lowered;
	s5 =	simm.s32 $_tile_overlayer_lowered  }
0x9b: {  	s6 =	simm.s32 $0x1BFF;
	s21 =	sshll.u32 s5, $0x1;
	s3 =	sadd.s32 s20, s19  }
0x9c: {  	s22 =	simm.s32 $0x0;
	s4 =	sshll.u32 s4, $0x1;
	s5 =	sadd.s32 s21, s3  }
0x9d: {  	[timem:s22], [sflag:s6] =	dma.local [hbm:s5], s4  }
0x9e: {  	_ =	swait.ge [sflag:s6], s4  }
0x9f: {  	s4 =	ssub.s32 $0x0, s4;
	[sflag:s6] =	ssyncset.done $0x0  }
0xa0: {  	[sflag:s6] =	ssyncadd.s32 s4;
	_ =	sdelay $0x1  }
0xa1: {  	s23 =	simm.s32 $0x1B8B  }
0xa2: {  	_ =	swait.ge [sflag:s23], $0x1  }
0xa3: {  	[sflag:s23] =	ssyncset.done $0x0  }
0xa4: {  	[sflag:s23] =	ssyncadd.s32 $0xFFFFFFFF  }
0xa5: {  	s4 =	sld [smem:$0x0]  }
0xa6: {  	s5 =	sand.u32 $0xFFFFFFFE, s1  }
0xa7: {  	p0 =	sne.s32 s1, s5  }
0xa8: {  	s5 =	sshll.u32 @p0 s5, $0xE  }
0xa9: {  	s5 =	sadd.s32 @p0 $0x11B8D, s5;
	s6 =	sshll.u32 @p0 s4, $0x11  }
0xaa: {  	s5 =	sor.u32 @p0 s6, s5  }
0xab: {  	[sflag:s5] =	ssyncadd.remote.s32 @p0 $0x1;
	_ =	sdelay $0x1  }
0xac: {  	s5 =	simm.s32 @p0 $0x1B8D  }
0xad: {  	_ =	swait.eq @p0 [sflag:s5], $0x1  }
0xae: {  	[sflag:s5] =	ssyncadd.s32 @p0 $0xFFFFFFFF  }
0xaf: {  	s6 =	sshll.u32 @!p0 s1, $0xE  }
0xb0: {  	s6 =	sor.u32 @!p0 $0x4000, s6;
	s5 =	simm.s32 @!p0 $0x1B8D  }
0xb1: {  	s4 =	sshll.u32 @!p0 s4, $0x11;
	s6 =	sadd.s32 @!p0 $0x11B8D, s6;
	_ =	swait.eq @!p0 [sflag:s5], $0x1  }
0xb2: {  	s4 =	sor.u32 @!p0 s4, s6;
	[sflag:s5] =	ssyncadd.s32 @!p0 $0xFFFFFFFF  }
0xb3: {  	s25 =	simm.s32 $0x1B8E;
	s24 =	sld [smem:$0x3FFE];
	[sflag:s4] =	ssyncadd.remote.s32 @!p0 $0x1  }
0xb4: {  	s26 =	simm.s32 $execute0_lowered;
	[smem:$0x3FD2] =	sst s25  }
0xb5: {  	s5 =	sshll.u32 s26, $0x1;
	_ =	strace $0x8000004C;
	[dreg:$0x1] =	wrdreg $0xFFFFFFFF  }
0xb6: {  	s28 =	simm.s32 $_size_execute0_lowered;
	s3 =	sadd.s32 s3, s5;
	[dreg:$0x0] =	wrdreg $0x0  }
0xb7: {  	s5 =	sshll.u32 s28, $0x1;
	[dreg:$0x2] =	wrdreg s3  }
0xb8: {  	[dreg:$0x3] =	wrdreg s5  }
0xb9: {  	[dreg:$0x4] =	wrdreg $0xC0  }
0xba: {  	_ =	task [dreg:s22], $0x5FFFF  }
0xbb: {  	[dreg:$0x1] =	wrdreg $0xFFFFFFFF  }
0xbc: {  	[dreg:$0x0] =	wrdreg $0x60  }
0xbd: {  	[dreg:$0x2] =	wrdreg s24  }
0xbe: {  	[dreg:$0x3] =	wrdreg $0x0  }
0xbf: {  	[dreg:$0x4] =	wrdreg $0x9  }
0xc0: {  	_ =	task.clear_ibuf [dreg:s22], $0x5FFFF;
	_ =	strace $0x9000004C  }
0xc1: {  	s29 =	simm.s32 $0x9;
	_ =	strace $0x8000004E  }
0xc2: {  	_ =	swait.ge [sflag:s29], $0x1  }
0xc3: {  	[sflag:s29] =	ssyncadd.s32 $0xFFFFFFFF  }
0xc4: {  	_ =	strace $0x9000004E  }
0xc5: {  	_ =	sfence  }
0xc6: {  	s30 =	sld [smem:$0x0];
	_ =	sdelay $0x2  }
0xc7: {  	s31 =	sshll.u32 s1, $0xD;
	s1 =	sshrl.u32 s1, $0x2  }
0xc8: {  	s4 =	sand.u32 $0x4000, s31;
	s1 =	sadd.s32 s1, s30  }
0xc9: {  	s0 =	sor.u32 s4, s0;
	s1 =	sshll.u32 s1, $0x11  }
0xca: {  	s0 =	sor.u32 s1, s0  }
0xcb: {  	s0 =	sadd.s32 $0x8F2B, s0  }
0xcc: {  	[sflag:s0] =	ssyncadd.remote.s32 $0x1  }
0xcd: {  	_ =	sfence.sel $0xFFFF  }
0xce: {  	[dreg:$0x0] =	wrdreg $0xFFFFFFFF;
	(pc) =	sbr.abs _section_cstart, $3  }
0xcf: {  	[dreg:$0x1] =	wrdreg $0xFFFFFFFF  }
0xd0: {  	_ =	task.clear_ibuf [dreg:s22], $0x2FFFF;
	_ =	strace $0x9FFFFFFF  }
0xd1: {  	(tm) =	ssettm $0x7FFFFFFF  }
tec
execute0_lowered:
.L_overlay_start_1:
0x0: {  	(tag) =	ssettag $0x1  }
0x1: {  	s0 =	rddreg [dreg:$0x0];
	s14 =	stileid.u32  }
0x2: {  	s1 =	srdreg.scid;
	s2 =	rddreg [dreg:$0x1]  }
0x3: {  	s3 =	simm.s32 $0x0;
	s18 =	simm.s32 $0x7;
	s19 =	simm.s32 $0x14000  }
0x4: {  	s20 =	simm.s32 $0x16800;
	s28 =	simm.s32 $0x1B800;
	s10 =	smul.u32 $0x26C00, s14  }
0x5: {  	s29 =	simm.s32 $0x3;
	s30 =	simm.s32 $0x1;
	s7 =	smul.u32 $0x14000, s14  }
0x6: {  	s31 =	simm.s32 $0x6;
	s1 =	sand.u32 $0x1, s1;
	s9 =	smul.u32 $0x3E00, s14  }
0x7: {  	[smem:$0x7FF] =	sst s3;
	s4 =	sadd.s32 $0x1186200, s0;
	s22 =	smul.u32 $0x50000, s14  }
0x8: {  	s5 =	sadd.s32 $0x4800, s0;
	s11 =	sshll.u32 s14, $0x9;
	s23 =	smul.u32 $0x7C0, s14  }
0x9: {  	s13 =	sshll.u32 s14, $0x6;
	s6 =	smul.u32 $0x140000, s1;
	_ =	strace $0x8000004D  }
0xa: {  	s8 =	ssub.s32 $0x2, s1;
	s11 =	sand.u32 $0x200, s11;
	p0 =	seq.s32 s1, $0x1  }
0xb: {  	s1 =	simm.s32 $0x5;
	s15 =	sadd.s32 s10, s0;
	s21 =	sshrl.u32 s8, $0x1  }
0xc: {  	s9 =	sand.u32 $0x3FC00, s9;
	s10 =	sadd.s32 s4, s10;
	s25 =	sadd.s32 s23, s5  }
0xd: {  	s23 =	simm.s32 $0x4;
	s7 =	sadd.s32 s7, s6;
	s6 =	sadd.s32 $0x72000, s0  }
0xe: {  	s12 =	ssub.s32 s8, s21;
	s8 =	sshrl.u32 s22, $0x2;
	s9 =	sor.u32 s11, s9  }
0xf: {  	s24 =	sadd.s32 $0xF1A200, s15;
	[dreg:$0x4] =	wrdreg s10;
	s26 =	sadd.s32 $0xF1A700, s15  }
0x10: {  	s21 =	simm.s32 $0x1E000;
	s7 =	sshrl.u32 s7, $0x3;
	s16 =	sadd.s32 s8, s2  }
0x11: {  	s8 =	sor.u32 $0x1C07, s13;
	s9 =	sshrl.u32 s9, $0x3;
	[dreg:$0x3] =	wrdreg s24  }
.Ltmp0:
0x12: {  	[dreg:$0x6] =	wrdreg s26;
	s24 =	simm.s32 $0x2;
	(pc) =	sbr.rel .LBB2_1-.Ltmp0, $4  }
0x13: {  	s26 =	simm.s32 $0x1E080;
	s0 =	sadd.s32 s7, s0;
	s7 =	smul.u32 $0x7C, s14  }
0x14: {  	s9 =	sadd.s32 s5, s9;
	s14 =	smax.u32 s12, $0x1;
	s17 =	sshrl.u32 s16, $0x3  }
0x15: {  	s13 =	sadd.s32 $0x74800, s0;
	s0 =	sadd.s32 $0x10, s25;
	s25 =	simm.s32 $0x50  }
0x16: {  	s11 =	sor.u32 $0x1, s7;
	[dreg:$0x5] =	wrdreg s0;
	s0 =	simm.s32 $0x0  }
.LBB2_11:
0x17: {  	_ =	swait.ge [sflag:s23], $0x80  }
0x18: {  	[sflag:s23] =	ssyncset.done $0x0  }
0x19: {  	[sflag:s23] =	ssyncadd.s32 $0xFFFFFF80  }
0x1a: {  	_ =	swait.ge [sflag:s24], $0x2800  }
0x1b: {  	[sflag:s24] =	ssyncset.done $0x0  }
0x1c: {  	[sflag:s24] =	ssyncadd.s32 $0xFFFFD800  }
0x1d: {  	[spmem:s2] =	stream.indirect.scatter.add.f32 [tilespmem:s20], [sflag:$0x6], $0x80, s26, s25, $0xb8;
	[tilespmem:$0x1E100] =	vst v63  }
.LBB2_25:
0x1e: {  	_ =	swait.ge [sflag:s31], $0x2800  }
0x1f: {  	[sflag:s31] =	ssyncset.done $0x0  }
0x20: {  	[sflag:s31] =	ssyncadd.s32 $0xFFFFD800  }
0x21: {  	_ =	swait.ge [sflag:s1], $0x2800  }
0x22: {  	s0 =	sadd.s32 $0x1, s0;
	[sflag:s1] =	ssyncset.done $0x0  }
0x23: {  	p1 =	sne.s32 s0, s14;
	[sflag:s1] =	ssyncadd.s32 $0xFFFFD800  }
.Ltmp1:
0x24: {  	[bflag:$0x0] =	sbarrier.arrive $0xFFFF;
	(pc) =	sbr.rel @!p1 .LBB2_26-.Ltmp1, $4  }
0x25: {  	[hbm:s13], [sflag:s8] =	dma.local [spmem:s17], $0x2800  }
0x26: {  	_ =	swait.ge [sflag:s18], $0x2800  }
0x27: {  	[sflag:s18] =	ssyncset.done $0x0  }
0x28: {  	[sflag:s18] =	ssyncadd.s32 $0xFFFFD800  }
.LBB2_1:
.Ltmp2:
0x29: {  	(pc) =	sbr.rel @!p0 .LBB2_2-.Ltmp2, $4  }
0x2a: {  	[spmem:s17], [sflag:s8] =	dma.local [hbm:s6], $0x2800  }
0x2b: {  	_ =	swait.ge [sflag:s18], $0x2800  }
0x2c: {  	[sflag:s18] =	ssyncset.done $0x0  }
0x2d: {  	[sflag:s18] =	ssyncadd.s32 $0xFFFFD800  }
0x2e: {  	s22 =	simm.s32 $0x0  }
0x2f: {  	[tilespmem:s19], [sflag:$0x7] =	stream.linear.gather [hbm4b:s6+s22], $0x2800, $0x38;
	[tilespmem:$0x1E100] =	vst v63  }
0x30: {  	_ =	swait.ge [sflag:s18], $0x2800  }
0x31: {  	[sflag:s18] =	ssyncset.done $0x0  }
0x32: {  	[sflag:s18] =	ssyncadd.s32 $0xFFFFD800  }
0x33: {  	[tilespmem:s20], [sflag:$0x7] =	stream.linear.gather [hbm4b:s6+s22], $0x2800, $0x38;
	[tilespmem:$0x1E100] =	vst v63  }
0x34: {  	_ =	swait.ge [sflag:s18], $0x2800  }
0x35: {  	[sflag:s18] =	ssyncset.done $0x0  }
.Ltmp3:
0x36: {  	[sflag:s18] =	ssyncadd.s32 $0xFFFFD800;
	(pc) =	sbr.rel .LBB2_13-.Ltmp3, $4  }
0x37: {  	[bflag:$0x0] =	sbarrier.arrive $0xFFFF  }
0x38: {  	[tilespmem:s21], [sflag:$0x3] =	stream.linear.gather [hbm4b:s9+s22], $0x80, $0x38;
	[tilespmem:$0x1E100] =	vst v63  }
0x39: {  	s12 =	simm.s32 $0x19000;
	s10 =	rddreg [dreg:$0x4]  }
0x3a: {  	[tilespmem:s12], [sflag:$0x1] =	stream.linear.gather [hbm4b:s10+s22], $0x2800, $0x38;
	[tilespmem:$0x1E100] =	vst v63  }
.LBB2_20:
0x3b: {  	[tilespmem:s15+$0x14000] =	vst v0  }
0x3c: {  	[spmem:s2] =	stream.indirect.scatter.add.f32 [tilespmem:s19], [sflag:$0x5], $0x80, s21, s25, $0xb8;
	[tilespmem:$0x1E100] =	vst v63  }
.LBB2_24:
0x3d: {  	s22 =	sadd.s32 $0x1, s22  }
0x3e: {  	p1 =	sne.s32 s22, $0x7C  }
.Ltmp4:
0x3f: {  	_ = 	snop;
	(pc) =	sbr.rel @!p1 .LBB2_25-.Ltmp4, $1  }
0x40: {  	_ =	sdelay $0x3  }
.LBB2_13:
0x41: {  	s12 =	sand.u32 $0x1, s22  }
0x42: {  	p1 =	seq.s32 s12, $0x1  }
.Ltmp5:
0x43: {  	_ = 	snop;
	(pc) =	sbr.rel @!p1 .LBB2_14-.Ltmp5, $1  }
0x44: {  	_ =	sdelay $0x3  }
0x45: {  	p1 =	seq.s32 s22, $0x7B  }
0x46: {  	s12 =	simm.s32 @!p1 $0x5  }
0x47: {  	s15 =	sadd.s32 @!p1 s22, s11;
	s10 =	simm.s32 @!p1 $0x1E000;
	_ =	swait.ge @!p1 [sflag:s12], $0x2800  }
0x48: {  	s16 =	sshll.u32 @!p1 s15, $0x4;
	s15 =	smul.u32 @!p1 $0x500, s15;
	[sflag:s12] =	ssyncset.done @!p1 $0x0  }
0x49: {  	[sflag:s12] =	ssyncadd.s32 @!p1 $0xFFFFD800;
	s12 =	sadd.s32 @!p1 s5, s16;
	s16 =	simm.s32 @!p1 $0x0  }
0x4a: {  	[tilespmem:s10], [sflag:$0x3] =	stream.linear.gather @!p1 [hbm4b:s12+s16], $0x80, $0x38;
	[tilespmem:$0x1E100] =	vst v63  }
0x4b: {  	s10 =	sadd.s32 @!p1 s4, s15;
	s12 =	simm.s32 @!p1 $0x19000  }
0x4c: {  	[tilespmem:s12], [sflag:$0x1] =	stream.linear.gather @!p1 [hbm4b:s10+s16], $0x2800, $0x38;
	[tilespmem:$0x1E100] =	vst v63  }
0x4d: {  	_ =	swait.ge [sflag:s23], $0x80  }
0x4e: {  	[sflag:s23] =	ssyncset.done $0x0  }
0x4f: {  	[sflag:s23] =	ssyncadd.s32 $0xFFFFFF80  }
0x50: {  	_ =	swait.ge [sflag:s24], $0x2800  }
0x51: {  	[sflag:s24] =	ssyncset.done $0x0  }
0x52: {  	s15 =	simm.s32 $0x0;
	[sflag:s24] =	ssyncadd.s32 $0xFFFFD800  }
0x53: {  	s16 =	simm.s32 $0x200;
	v0 =	vld [tilespmem:s15+$0x1B800]  }
.LBB2_22:
0x54: {  	p1 =	sne.s32 s16, $0x9E00  }
.Ltmp6:
0x55: {  	_ = 	snop;
	(pc) =	sbr.rel @p1 .LBB2_22-.Ltmp6, $3  }
0x56: {  	_ =	sdelay $0x1  }
0x57: {  	[tilespmem:s15+$0x16800] =	vst v0;
	s15 =	sshra.s32 s16, $0x2;
	s16 =	sadd.s32 $0x200, s16  }
0x58: {  	v0 =	vld [tilespmem:s15+$0x1B800]  }
0x59: {  	_ = 	snop  }
.Ltmp7:
0x5a: {  	_ = 	snop;
	(pc) =	sbr.rel .LBB2_24-.Ltmp7, $3  }
0x5b: {  	_ =	sdelay $0x1  }
0x5c: {  	[tilespmem:s15+$0x16800] =	vst v0  }
0x5d: {  	[spmem:s2] =	stream.indirect.scatter.add.f32 [tilespmem:s20], [sflag:$0x6], $0x80, s26, s25, $0xb8;
	[tilespmem:$0x1E100] =	vst v63  }
.LBB2_14:
0x5e: {  	p1 =	seq.s32 s22, $0x0  }
.Ltmp8:
0x5f: {  	_ = 	snop;
	(pc) =	sbr.rel @p1 .LBB2_17-.Ltmp8, $1  }
0x60: {  	_ =	sdelay $0x3  }
0x61: {  	p1 =	seq.s32 s22, $0x7B  }
.Ltmp9:
0x62: {  	_ = 	snop;
	(pc) =	sbr.rel @p1 .LBB2_18-.Ltmp9, $1  }
0x63: {  	_ =	sdelay $0x3  }
0x64: {  	_ =	swait.ge [sflag:s31], $0x2800  }
0x65: {  	[sflag:s31] =	ssyncset.done $0x0  }
0x66: {  	[sflag:s31] =	ssyncadd.s32 $0xFFFFD800  }
.LBB2_17:
0x67: {  	s12 =	sor.u32 $0x1, s22  }
0x68: {  	s12 =	sadd.s32 s7, s12  }
0x69: {  	s15 =	sshll.u32 s12, $0x4  }
0x6a: {  	s12 =	smul.u32 $0x500, s12;
	s15 =	sadd.s32 s5, s15  }
0x6b: {  	[tilespmem:s26], [sflag:$0x4] =	stream.linear.gather [hbm4b:s15+s3], $0x80, $0x38;
	[tilespmem:$0x1E100] =	vst v63  }
0x6c: {  	s12 =	sadd.s32 s4, s12  }
0x6d: {  	[tilespmem:s28], [sflag:$0x2] =	stream.linear.gather [hbm4b:s12+s3], $0x2800, $0x38;
	[tilespmem:$0x1E100] =	vst v63  }
.LBB2_18:
0x6e: {  	_ =	swait.ge [sflag:s29], $0x80  }
0x6f: {  	[sflag:s29] =	ssyncset.done $0x0  }
0x70: {  	[sflag:s29] =	ssyncadd.s32 $0xFFFFFF80  }
0x71: {  	_ =	swait.ge [sflag:s30], $0x2800  }
0x72: {  	[sflag:s30] =	ssyncset.done $0x0  }
0x73: {  	s15 =	simm.s32 $0x0;
	[sflag:s30] =	ssyncadd.s32 $0xFFFFD800  }
0x74: {  	s16 =	simm.s32 $0x200;
	v0 =	vld [tilespmem:s15+$0x19000]  }
.LBB2_19:
0x75: {  	p1 =	sne.s32 s16, $0x9E00  }
.Ltmp10:
0x76: {  	_ = 	snop;
	(pc) =	sbr.rel @p1 .LBB2_19-.Ltmp10, $3  }
0x77: {  	_ =	sdelay $0x1  }
0x78: {  	[tilespmem:s15+$0x14000] =	vst v0;
	s15 =	sshra.s32 s16, $0x2;
	s16 =	sadd.s32 $0x200, s16  }
0x79: {  	v0 =	vld [tilespmem:s15+$0x19000]  }
.Ltmp11:
0x7a: {  	_ = 	snop;
	(pc) =	sbr.rel .LBB2_20-.Ltmp11, $1  }
0x7b: {  	_ =	sdelay $0x3  }
.LBB2_2:
0x7c: {  	[bflag:$0x0] =	sbarrier.arrive $0xFFFF;
	s22 =	simm.s32 $0x0  }
0x7d: {  	[tilespmem:s21], [sflag:$0x3] =	stream.linear.gather [hbm4b:s9+s22], $0x80, $0x38;
	[tilespmem:$0x1E100] =	vst v63  }
.Ltmp12:
0x7e: {  	_ = 	snop;
	(pc) =	sbr.rel .LBB2_3-.Ltmp12, $4  }
0x7f: {  	s10 =	rddreg [dreg:$0x3]  }
0x80: {  	s16 =	rddreg [dreg:$0x6]  }
0x81: {  	s15 =	rddreg [dreg:$0x5]  }
0x82: {  	[tilespmem:s19], [sflag:$0x1] =	stream.linear.gather [hbm4b:s10+s22], $0x2800, $0x38;
	[tilespmem:$0x1E100] =	vst v63  }
.LBB2_9:
0x83: {  	_ =	swait.ge [sflag:s1], $0x2800  }
0x84: {  	[sflag:s1] =	ssyncset.done $0x0  }
0x85: {  	[sflag:s1] =	ssyncadd.s32 $0xFFFFD800  }
0x86: {  	[tilespmem:s21], [sflag:$0x3] =	stream.linear.gather [hbm4b:s15+s3], $0x80, $0x38;
	[tilespmem:$0x1E100] =	vst v63  }
0x87: {  	_ = 	snop  }
0x88: {  	[tilespmem:s19], [sflag:$0x1] =	stream.linear.gather [hbm4b:s16+s3], $0x2800, $0x38;
	[tilespmem:$0x1E100] =	vst v63  }
0x89: {  	_ =	swait.ge [sflag:s23], $0x80  }
0x8a: {  	[sflag:s23] =	ssyncset.done $0x0  }
0x8b: {  	[sflag:s23] =	ssyncadd.s32 $0xFFFFFF80  }
0x8c: {  	_ =	swait.ge [sflag:s24], $0x2800  }
0x8d: {  	[sflag:s24] =	ssyncset.done $0x0  }
0x8e: {  	[sflag:s24] =	ssyncadd.s32 $0xFFFFD800  }
0x8f: {  	[spmem:s2] =	stream.indirect.scatter.add.f32 [tilespmem:s20], [sflag:$0x6], $0x80, s26, s25, $0xb8;
	[tilespmem:$0x1E100] =	vst v63  }
.LBB2_10:
0x90: {  	s22 =	sadd.s32 $0x1, s22  }
0x91: {  	p1 =	sne.s32 s22, $0x7B  }
.Ltmp13:
0x92: {  	_ = 	snop;
	(pc) =	sbr.rel @!p1 .LBB2_11-.Ltmp13, $2  }
0x93: {  	_ =	sdelay $0x2  }
0x94: {  	s15 =	sadd.s32 $0x10, s15;
	s16 =	sadd.s32 $0x500, s16  }
.LBB2_3:
0x95: {  	s12 =	sand.u32 $0x1, s22  }
0x96: {  	p1 =	seq.s32 s12, $0x1  }
.Ltmp14:
0x97: {  	_ = 	snop;
	(pc) =	sbr.rel @p1 .LBB2_9-.Ltmp14, $1  }
0x98: {  	_ =	sdelay $0x3  }
0x99: {  	p1 =	seq.s32 s22, $0x0  }
.Ltmp15:
0x9a: {  	_ = 	snop;
	(pc) =	sbr.rel @p1 .LBB2_7-.Ltmp15, $1  }
0x9b: {  	_ =	sdelay $0x3  }
0x9c: {  	p1 =	seq.s32 s22, $0x7B  }
.Ltmp16:
0x9d: {  	_ = 	snop;
	(pc) =	sbr.rel @p1 .LBB2_8-.Ltmp16, $1  }
0x9e: {  	_ =	sdelay $0x3  }
0x9f: {  	_ =	swait.ge [sflag:s31], $0x2800  }
0xa0: {  	[sflag:s31] =	ssyncset.done $0x0  }
0xa1: {  	[sflag:s31] =	ssyncadd.s32 $0xFFFFD800  }
.LBB2_7:
0xa2: {  	[tilespmem:s26], [sflag:$0x4] =	stream.linear.gather [hbm4b:s15+s3], $0x80, $0x38;
	[tilespmem:$0x1E100] =	vst v63  }
0xa3: {  	_ = 	snop  }
0xa4: {  	[tilespmem:s20], [sflag:$0x2] =	stream.linear.gather [hbm4b:s16+s3], $0x2800, $0x38;
	[tilespmem:$0x1E100] =	vst v63  }
.LBB2_8:
0xa5: {  	_ =	swait.ge [sflag:s29], $0x80  }
0xa6: {  	[sflag:s29] =	ssyncset.done $0x0  }
.Ltmp17:
0xa7: {  	[sflag:s29] =	ssyncadd.s32 $0xFFFFFF80;
	(pc) =	sbr.rel .LBB2_10-.Ltmp17, $4  }
0xa8: {  	_ =	swait.ge [sflag:s30], $0x2800  }
0xa9: {  	[sflag:s30] =	ssyncset.done $0x0  }
0xaa: {  	[sflag:s30] =	ssyncadd.s32 $0xFFFFD800  }
0xab: {  	[spmem:s2] =	stream.indirect.scatter.add.f32 [tilespmem:s19], [sflag:$0x5], $0x80, s21, s25, $0xb8;
	[tilespmem:$0x1E100] =	vst v63  }
.LBB2_26:
0xac: {  	_ =	sfence.sel $0x180000  }
0xad: {  	[bflag:$0x0] =	sbarrier.arrive $0xFFFF  }
0xae: {  	_ =	strace $0x9000004D  }
0xaf: {  	s0 =	stileid.u32;
	[bflag:$0x2] =	sbarrier.arrive $0xFFFF  }
0xb0: {  	p0 =	sne.s32 s0, $0x0;
	s0 =	rddreg [dreg:$0x2]  }
0xb1: {  	s0 =	sadd.s32 @!p0 $0x100000, s0  }
0xb2: {  	[sflag:s0] =	ssyncadd.tile.s32 @!p0 $0x1;
	_ =	shalt  }
.Lfunc_end2:
_tile_overlayer_lowered:
.L_overlay_start_2:
0xb3: {  	(tag) =	ssettag $0x2  }
0xb4: {  	s0 =	rddreg [dreg:$0x0];
	s2 =	stileid.u32  }
0xb5: {  	s1 =	rddreg [dreg:$0x1];
	p0 =	sne.s32 s2, $0x0  }
0xb6: {  	s3 =	rddreg [dreg:$0x2];
	[bflag:$0x3] =	sbarrier.arrive $0xFFFF;
	s2 =	simm.s32 @!p0 $0x1C07  }
0xb7: {  	[timem:s3], [sflag:s2] =	dma.local @!p0 [hbm:s0], s1  }
0xb8: {  	s0 =	simm.s32 @!p0 $0x7  }
0xb9: {  	_ =	swait.ge @!p0 [sflag:s0], s1  }
0xba: {  	s1 =	ssub.s32 @!p0 $0x0, s1;
	[sflag:s0] =	ssyncset.done @!p0 $0x0  }
0xbb: {  	[sflag:s0] =	ssyncadd.s32 @!p0 s1  }
0xbc: {  	[bflag:$0x3] =	sbarrier.arrive $0xFFFF  }
0xbd: {  	_ =	shalt  }

// kernel: kernel.16.cloned.1.call-start
scs
__scs_entry_jumppad:
0x0: {  	(pc) =	sbr.rel $0x88, $3  }
0x1: {  	(tag) =	ssettag $0x0;
	lr =	simm.s32 $0x1  }
0x2: {  	[smem:$0x3F90] =	sst lr;
	_ =	strace $0xD0000000  }
0x3: {  	_ = 	snop  }
0x4: {  	_ = 	snop  }
0x5: {  	_ = 	snop  }
0x6: {  	_ = 	snop  }
0x7: {  	_ = 	snop  }
__scs_overlays_trampoline_lowered:
0x8: {  	[smem:$0x3F9F] =	sst s0  }
0x9: {  	[smem:$0x3FA0] =	sst s1  }
0xa: {  	[smem:$0x3FA1] =	sst s2  }
0xb: {  	[smem:$0x3FA2] =	sst s3  }
0xc: {  	[smem:$0x3FA3] =	sst s4  }
0xd: {  	[smem:$0x3FA4] =	sst s5  }
0xe: {  	[smem:$0x3FA5] =	sst s6  }
0xf: {  	[smem:$0x3FA6] =	sst s7  }
0x10: {  	[smem:$0x3FA7] =	sst s8  }
0x11: {  	[smem:$0x3FA8] =	sst s9;
	s0 =	simm.s32 @!p0 $0x0  }
0x12: {  	s1 =	sld [smem:$0x3F8E];
	s0 =	simm.s32 @p0 $0x1  }
0x13: {  	[smem:$0x3FA9] =	sst s0;
	s0 =	simm.s32 @!p1 $0x0  }
0x14: {  	s2 =	sld [smem:$0x3F8D];
	s0 =	simm.s32 @p1 $0x1  }
0x15: {  	[smem:$0x3FAA] =	sst s0;
	s0 =	simm.s32 @!p2 $0x0  }
0x16: {  	s3 =	sld [smem:$0x3FDB];
	s0 =	simm.s32 @p2 $0x1  }
0x17: {  	s4 =	simm.s32 $0x1BF5;
	[smem:$0x3FAC] =	sst s0  }
0x18: {  	s0 =	sld [smem:$0x3F8F];
	_ =	swait.ge [sflag:s4], $0x0  }
0x19: {  	s7 =	sld [smem:$0x3F90]  }
0x1a: {  	s8 =	sadd.s32 $0xFFFFE003, lr  }
0x1b: {  	s9 =	sadd.s32 $0xFFFFFEF7, lr;
	s5 =	simm.s32 $0xFFFFFFFF;
	p2 =	slt.u32 s8, $0xFFFFF086  }
0x1c: {  	p1 =	slt.u32 s9, $0xF7A;
	s5 =	simm.s32 @!p2 $0x0  }
0x1d: {  	s5 =	simm.s32 @p1 $0x1;
	p0 =	seq.s32 s7, s2  }
0x1e: {  	s7 =	smul.u32 @!p0 $0xF7A, s2;
	p2 =	seq.s32 @!p0 s5, $0x0  }
0x1f: {  	s9 =	smul.u32 $0xF7A, s1;
	s8 =	simm.s32 @!p0 $0x1BF5;
	p2 =	por !p2, p0  }
0x20: {  	[sflag:s8] =	ssyncset.s32 @!p0 $0xFFFFF086;
	s6 =	sadd.s32 @!p0 s3, s7;
	s7 =	simm.s32 @!p0 $0x108  }
0x21: {  	s3 =	sadd.s32 s3, s9;
	s6 =	sadd.s32 @!p0 $0x88, s6;
	s7 =	simm.s32 @p2 $0x1082  }
0x22: {  	[simem:s7], [sflag:s8] =	dma.local @!p0 [hbm:s6], $0xF7A  }
0x23: {  	s9 =	sor.u32 $0xD0000000, s2;
	s6 =	simm.s32 $0x108;
	_ =	swait.ge @!p0 [sflag:s8], $0x0  }
0x24: {  	s3 =	sadd.s32 $0x88, s3;
	s6 =	simm.s32 @!p1 $0x1082;
	[sflag:s4] =	ssyncset.s32 $0xFFFFF086  }
0x25: {  	[simem:s6], [sflag:s4] =	dma.local [hbm:s3], $0xF7A  }
0x26: {  	[smem:$0x3F90] =	sst s1;
	(tag) =	ssettag s2;
	_ =	strace s9  }
0x27: {  	s1 =	sld [smem:$0x3FA0]  }
0x28: {  	s2 =	sld [smem:$0x3FA1]  }
0x29: {  	s4 =	sld [smem:$0x3FA3]  }
0x2a: {  	p0 =	seq.s32 s5, $0x0;
	s5 =	sld [smem:$0x3FA4]  }
0x2b: {  	s6 =	sld [smem:$0x3FA5]  }
0x2c: {  	s7 =	sld [smem:$0x3FA6]  }
0x2d: {  	s3 =	simm.s32 $0x108;
	s8 =	sld [smem:$0x3FA7]  }
0x2e: {  	s3 =	simm.s32 @!p0 $0x1082;
	s9 =	sld [smem:$0x3FA8]  }
0x2f: {  	lr =	sadd.s32 s0, s3;
	s0 =	sld [smem:$0x3F9F]  }
0x30: {  	s3 =	sld [smem:$0x3FA2]  }
0x31: {  	[smem:$0x3FAB] =	sst s10  }
0x32: {  	s10 =	sld [smem:$0x3FA9];
	_ =	sdelay $0x3  }
0x33: {  	p0 =	seq.s32 s10, $0x1;
	s10 =	sld [smem:$0x3FAB];
	_ =	sdelay $0x3  }
0x34: {  	[smem:$0x3FAB] =	sst s10  }
0x35: {  	s10 =	sld [smem:$0x3FAA];
	_ =	sdelay $0x3  }
0x36: {  	p1 =	seq.s32 s10, $0x1;
	s10 =	sld [smem:$0x3FAB];
	_ =	sdelay $0x3  }
0x37: {  	[smem:$0x3FAB] =	sst s10  }
0x38: {  	s10 =	sld [smem:$0x3FAC]  }
0x39: {  	_ = 	snop;
	(pc) =	sbr.ind lr, $3  }
0x3a: {  	_ = 	snop  }
0x3b: {  	_ = 	snop  }
0x3c: {  	p2 =	seq.s32 s10, $0x1;
	s10 =	sld [smem:$0x3FAB]  }
0x3d: {  	_ =	shalt  }
0x3e: {  	_ =	shalt  }
0x3f: {  	_ =	shalt  }
0x40: {  	_ =	shalt  }
0x41: {  	_ =	shalt  }
0x42: {  	_ =	shalt  }
0x43: {  	_ =	shalt  }
0x44: {  	_ =	shalt  }
0x45: {  	_ =	shalt  }
0x46: {  	_ =	shalt  }
0x47: {  	_ =	shalt  }
0x48: {  	_ =	shalt  }
0x49: {  	_ =	shalt  }
0x4a: {  	_ =	shalt  }
0x4b: {  	_ =	shalt  }
0x4c: {  	_ =	shalt  }
0x4d: {  	_ =	shalt  }
0x4e: {  	_ =	shalt  }
0x4f: {  	_ =	shalt  }
0x50: {  	_ =	shalt  }
0x51: {  	_ =	shalt  }
0x52: {  	_ =	shalt  }
0x53: {  	_ =	shalt  }
0x54: {  	_ =	shalt  }
0x55: {  	_ =	shalt  }
0x56: {  	_ =	shalt  }
0x57: {  	_ =	shalt  }
0x58: {  	_ =	shalt  }
0x59: {  	_ =	shalt  }
0x5a: {  	_ =	shalt  }
0x5b: {  	_ =	shalt  }
0x5c: {  	_ =	shalt  }
0x5d: {  	_ =	shalt  }
0x5e: {  	_ =	shalt  }
0x5f: {  	_ =	shalt  }
0x60: {  	_ =	shalt  }
0x61: {  	_ =	shalt  }
0x62: {  	_ =	shalt  }
0x63: {  	_ =	shalt  }
0x64: {  	_ =	shalt  }
0x65: {  	_ =	shalt  }
0x66: {  	_ =	shalt  }
0x67: {  	_ =	shalt  }
0x68: {  	_ =	shalt  }
0x69: {  	_ =	shalt  }
0x6a: {  	_ =	shalt  }
0x6b: {  	_ =	shalt  }
0x6c: {  	_ =	shalt  }
0x6d: {  	_ =	shalt  }
0x6e: {  	_ =	shalt  }
0x6f: {  	_ =	shalt  }
0x70: {  	_ =	shalt  }
0x71: {  	_ =	shalt  }
0x72: {  	_ =	shalt  }
0x73: {  	_ =	shalt  }
0x74: {  	_ =	shalt  }
0x75: {  	_ =	shalt  }
0x76: {  	_ =	shalt  }
0x77: {  	_ =	shalt  }
0x78: {  	_ =	shalt  }
0x79: {  	_ =	shalt  }
0x7a: {  	_ =	shalt  }
0x7b: {  	_ =	shalt  }
0x7c: {  	_ =	shalt  }
0x7d: {  	_ =	shalt  }
0x7e: {  	_ =	shalt  }
0x7f: {  	_ =	shalt  }
0x80: {  	_ =	shalt  }
0x81: {  	_ =	shalt  }
0x82: {  	_ =	shalt  }
0x83: {  	_ =	shalt  }
0x84: {  	_ =	shalt  }
0x85: {  	_ =	shalt  }
0x86: {  	_ =	shalt  }
0x87: {  	_ =	shalt  }
.Lfunc_end0:
.L_simem_size_0:
called_computation.2_lowered:
.L_overlay_start_0:
0x88: {  	s2 =	sld [smem:$0x3FD9]  }
0x89: {  	s3 =	sld [smem:$0x3FFE];
	_ =	sdelay $0x1  }
0x8a: {  	s1 =	srdreg.scid  }
0x8b: {  	s0 =	sand.u32 $0x1, s1  }
0x8c: {  	s17 =	sshll.u32 s0, $0xA;
	s2 =	sadd.s32 s3, s2  }
0x8d: {  	s2 =	sadd.s32 s2, s17  }
0x8e: {  	[smem:$0x3FB7] =	sst s2  }
0x8f: {  	_ = 	snop  }
0x90: {  	s18 =	sld [smem:$0x3FD0];
	(tm) =	ssettm $0x1  }
0x91: {  	s19 =	sld [smem:$0x3FFB];
	_ =	sdelay $0x3  }
0x92: {  	_ =	strace s19  }
0x93: {  	s2 =	sld [smem:$0x3FFC];
	_ =	sdelay $0x3  }
0x94: {  	_ =	strace s2  }
0x95: {  	s2 =	sld [smem:$0x3FFD];
	_ =	sdelay $0x3  }
0x96: {  	_ =	strace s2  }
0x97: {  	_ =	strace $0x8FFFFFFF  }
0x98: {  	s20 =	sld [smem:$0x3FDB];
	_ =	sdelay $0x1  }
0x99: {  	s4 =	simm.s32 $_scs_section_size  }
0x9a: {  	s5 =	simm.s32 $_size__tile_overlayer_lowered;
	s6 =	simm.s32 $_tile_overlayer_lowered  }
0x9b: {  	s7 =	simm.s32 $0x1BFF;
	s21 =	sshll.u32 s6, $0x1;
	s4 =	sadd.s32 s4, s20  }
0x9c: {  	s22 =	simm.s32 $0x0;
	s5 =	sshll.u32 s5, $0x1;
	s6 =	sadd.s32 s21, s4  }
0x9d: {  	[timem:s22], [sflag:s7] =	dma.local [hbm:s6], s5  }
0x9e: {  	_ =	swait.ge [sflag:s7], s5  }
0x9f: {  	s5 =	ssub.s32 $0x0, s5;
	[sflag:s7] =	ssyncset.done $0x0  }
0xa0: {  	[sflag:s7] =	ssyncadd.s32 s5;
	_ =	sdelay $0x1  }
0xa1: {  	s23 =	simm.s32 $0x1B8B  }
0xa2: {  	_ =	swait.ge [sflag:s23], $0x1  }
0xa3: {  	[sflag:s23] =	ssyncset.done $0x0  }
0xa4: {  	[sflag:s23] =	ssyncadd.s32 $0xFFFFFFFF  }
0xa5: {  	s5 =	sld [smem:$0x0]  }
0xa6: {  	s6 =	sand.u32 $0xFFFFFFFE, s1  }
0xa7: {  	p0 =	sne.s32 s1, s6  }
0xa8: {  	s6 =	sshll.u32 @p0 s6, $0xE  }
0xa9: {  	s6 =	sadd.s32 @p0 $0x11B8D, s6;
	s7 =	sshll.u32 @p0 s5, $0x11  }
0xaa: {  	s6 =	sor.u32 @p0 s7, s6  }
0xab: {  	[sflag:s6] =	ssyncadd.remote.s32 @p0 $0x1;
	_ =	sdelay $0x1  }
0xac: {  	s6 =	simm.s32 @p0 $0x1B8D  }
0xad: {  	_ =	swait.eq @p0 [sflag:s6], $0x1  }
0xae: {  	[sflag:s6] =	ssyncadd.s32 @p0 $0xFFFFFFFF  }
0xaf: {  	s7 =	sshll.u32 @!p0 s1, $0xE  }
0xb0: {  	s7 =	sor.u32 @!p0 $0x4000, s7;
	s6 =	simm.s32 @!p0 $0x1B8D  }
0xb1: {  	s5 =	sshll.u32 @!p0 s5, $0x11;
	s7 =	sadd.s32 @!p0 $0x11B8D, s7;
	_ =	swait.eq @!p0 [sflag:s6], $0x1  }
0xb2: {  	s5 =	sor.u32 @!p0 s5, s7;
	[sflag:s6] =	ssyncadd.s32 @!p0 $0xFFFFFFFF  }
0xb3: {  	s25 =	simm.s32 $0x1B8E;
	s24 =	sld [smem:$0x3FFE];
	[sflag:s5] =	ssyncadd.remote.s32 @!p0 $0x1  }
0xb4: {  	s26 =	simm.s32 $execute0_lowered;
	[smem:$0x3FD2] =	sst s25  }
0xb5: {  	s6 =	sshll.u32 s26, $0x1;
	_ =	strace $0x80000049;
	[dreg:$0x1] =	wrdreg $0xFFFFFFFF  }
0xb6: {  	s28 =	simm.s32 $_size_execute0_lowered;
	s4 =	sadd.s32 s4, s6;
	[dreg:$0x0] =	wrdreg $0x0  }
0xb7: {  	s6 =	sshll.u32 s28, $0x1;
	[dreg:$0x2] =	wrdreg s4  }
0xb8: {  	[dreg:$0x3] =	wrdreg s6  }
0xb9: {  	[dreg:$0x4] =	wrdreg $0xC0  }
0xba: {  	_ =	task [dreg:s22], $0x5FFFF  }
0xbb: {  	[dreg:$0x1] =	wrdreg $0xFFFFFFFF  }
0xbc: {  	[dreg:$0x0] =	wrdreg $0x60  }
0xbd: {  	[dreg:$0x2] =	wrdreg s18  }
0xbe: {  	[dreg:$0x3] =	wrdreg s24  }
0xbf: {  	[dreg:$0x4] =	wrdreg $0xA  }
0xc0: {  	_ =	task.clear_ibuf [dreg:s22], $0x5FFFF;
	_ =	strace $0x90000049  }
0xc1: {  	s29 =	simm.s32 $0xA;
	_ =	strace $0x8000004B  }
0xc2: {  	_ =	swait.ge [sflag:s29], $0x1  }
0xc3: {  	[sflag:s29] =	ssyncadd.s32 $0xFFFFFFFF  }
0xc4: {  	_ =	strace $0x9000004B  }
0xc5: {  	_ =	sfence  }
0xc6: {  	s30 =	sld [smem:$0x0];
	_ =	sdelay $0x2  }
0xc7: {  	s31 =	sshll.u32 s1, $0xD;
	s1 =	sshrl.u32 s1, $0x2  }
0xc8: {  	s4 =	sand.u32 $0x4000, s31;
	s1 =	sadd.s32 s1, s30  }
0xc9: {  	s0 =	sor.u32 s4, s0;
	s1 =	sshll.u32 s1, $0x11  }
0xca: {  	s0 =	sor.u32 s1, s0  }
0xcb: {  	s0 =	sadd.s32 $0x8F2B, s0  }
0xcc: {  	[sflag:s0] =	ssyncadd.remote.s32 $0x1  }
0xcd: {  	_ =	sfence.sel $0xFFFF  }
0xce: {  	[dreg:$0x0] =	wrdreg $0xFFFFFFFF;
	(pc) =	sbr.abs _section_cstart, $3  }
0xcf: {  	[dreg:$0x1] =	wrdreg $0xFFFFFFFF  }
0xd0: {  	_ =	task.clear_ibuf [dreg:s22], $0x2FFFF;
	_ =	strace $0x9FFFFFFF  }
0xd1: {  	(tm) =	ssettm $0x7FFFFFFF  }
tec
execute0_lowered:
.L_overlay_start_1:
0x0: {  	(tag) =	ssettag $0x1  }
0x1: {  	s0 =	rddreg [dreg:$0x1]  }
0x2: {  	s11 =	stileid.u32;
	s1 =	srdreg.scid  }
0x3: {  	s3 =	simm.s32 $0x0;
	s16 =	simm.s32 $0x80;
	s17 =	simm.s32 $0x1  }
0x4: {  	s18 =	simm.s32 $0x2;
	s28 =	simm.s32 $0xD;
	s29 =	simm.s32 $0x8  }
0x5: {  	s30 =	simm.s32 $0x9;
	s31 =	simm.s32 $0xA;
	s1 =	sand.u32 $0x1, s1  }
0x6: {  	s2 =	sshll.u32 s11, $0x1;
	[smem:$0x7FF] =	sst s3;
	s6 =	smul.u32 $0x27600, s11  }
0x7: {  	s4 =	sadd.s32 $0x23C00, s0;
	s5 =	sadd.s32 $0x4AE00, s0;
	s21 =	smul.u32 $0x7E, s11  }
0x8: {  	s8 =	sadd.s32 $0x4800, s0;
	s9 =	sadd.s32 $0x14200, s0;
	s12 =	smul.u32 $0x3F, s1  }
0x9: {  	s2 =	sor.u32 s1, s2;
	s20 =	ssub.s32 $0x2, s1;
	s1 =	smul.u32 $0x13B00, s1  }
0xa: {  	s11 =	simm.s32 $0x4;
	_ =	strace $0x8000004A;
	s7 =	smul.u32 $0x1F80, s2  }
0xb: {  	s2 =	smul.u32 $0x380, s2;
	s0 =	sadd.s32 s6, s0;
	s22 =	sshrl.u32 s20, $0x1  }
0xc: {  	s6 =	sadd.s32 s12, s21;
	s0 =	sadd.s32 s1, s0;
	s21 =	simm.s32 $0x2A00  }
0xd: {  	s12 =	simm.s32 $0x5;
	s10 =	sadd.s32 $0x3E000, s7;
	s2 =	sand.u32 $0x380, s2  }
0xe: {  	s7 =	sshrl.u32 s7, $0x3;
	s6 =	sshll.u32 s6, $0x4;
	s13 =	sadd.s32 $0x7B6000, s0  }
0xf: {  	s14 =	sadd.s32 $0xA2C000, s0;
	s15 =	sadd.s32 $0xCA2000, s0;
	s19 =	sand.u32 $0x7FC00, s10  }
0x10: {  	s10 =	ssub.s32 s20, s22;
	s24 =	sadd.s32 $0x7C10, s7;
	s26 =	sadd.s32 $0x7C20, s6  }
0x11: {  	s20 =	simm.s32 $0x200;
	s22 =	simm.s32 $0x5200;
	s7 =	sadd.s32 s8, s24  }
0x12: {  	s2 =	sor.u32 s2, s19;
	s25 =	smax.u32 s10, $0x1;
	[dreg:$0x5] =	wrdreg s7  }
0x13: {  	s6 =	sadd.s32 s26, s9;
	s19 =	simm.s32 $0x50;
	[dreg:$0x7] =	wrdreg s25  }
0x14: {  	s10 =	simm.s32 $0x3;
	s2 =	sshrl.u32 s2, $0x3;
	[dreg:$0x8] =	wrdreg s6  }
.Ltmp0:
0x15: {  	s25 =	simm.s32 $0xB;
	s23 =	sadd.s32 s8, s2;
	(pc) =	sbr.rel .LBB2_1-.Ltmp0, $4  }
0x16: {  	s6 =	simm.s32 $0xA200;
	s2 =	sadd.s32 s9, s2;
	[dreg:$0x3] =	wrdreg s23  }
0x17: {  	s7 =	simm.s32 $0x7;
	[dreg:$0x4] =	wrdreg s2;
	s2 =	sadd.s32 s9, s24  }
0x18: {  	s23 =	simm.s32 $0x6;
	[dreg:$0x6] =	wrdreg s2;
	s2 =	sadd.s32 s26, s8  }
0x19: {  	s26 =	simm.s32 $0xC;
	[dreg:$0x9] =	wrdreg s2;
	s2 =	simm.s32 $0x0  }
.LBB2_10:
0x1a: {  	_ =	swait.ge [sflag:s25], $0x2800  }
0x1b: {  	[sflag:s25] =	ssyncset.done $0x0  }
0x1c: {  	[sflag:s25] =	ssyncadd.s32 $0xFFFFD800  }
0x1d: {  	_ =	swait.ge [sflag:s26], $0x2800  }
0x1e: {  	[sflag:s26] =	ssyncset.done $0x0  }
0x1f: {  	[sflag:s26] =	ssyncadd.s32 $0xFFFFD800  }
0x20: {  	_ =	swait.ge [sflag:s28], $0x2800  }
0x21: {  	[sflag:s28] =	ssyncset.done $0x0  }
0x22: {  	s0 =	simm.s32 $0xE;
	[sflag:s28] =	ssyncadd.s32 $0xFFFFD800  }
0x23: {  	_ =	swait.ge [sflag:s0], $0x2800  }
0x24: {  	[sflag:s0] =	ssyncset.done $0x0  }
0x25: {  	s9 =	simm.s32 $0xF;
	[sflag:s0] =	ssyncadd.s32 $0xFFFFD800  }
0x26: {  	_ =	swait.ge [sflag:s9], $0x2800  }
0x27: {  	[sflag:s9] =	ssyncset.done $0x0  }
0x28: {  	s1 =	simm.s32 $0x10;
	[sflag:s9] =	ssyncadd.s32 $0xFFFFD800  }
0x29: {  	_ =	swait.ge [sflag:s1], $0x2800  }
0x2a: {  	s2 =	rddreg [dreg:$0xa]  }
0x2b: {  	s24 =	rddreg [dreg:$0x7];
	s2 =	sadd.s32 $0x1, s2  }
0x2c: {  	p0 =	sne.s32 s2, s24  }
.Ltmp1:
0x2d: {  	_ = 	snop;
	(pc) =	sbr.rel @!p0 .LBB2_11-.Ltmp1, $3  }
0x2e: {  	_ =	sdelay $0x1  }
0x2f: {  	[sflag:s1] =	ssyncset.done $0x0  }
0x30: {  	[sflag:s1] =	ssyncadd.s32 $0xFFFFD800  }
.LBB2_1:
0x31: {  	[dreg:$0xa] =	wrdreg s2  }
0x32: {  	s0 =	rddreg [dreg:$0x3]  }
0x33: {  	[tilespmem:s3], [sflag:$0x1] =	stream.linear.gather [hbm4b:s0+s3], $0x80, $0x38;
	[tilespmem:$0xF200] =	vst v63  }
0x34: {  	s1 =	rddreg [dreg:$0x4]  }
0x35: {  	[tilespmem:s16], [sflag:$0x2] =	stream.linear.gather [hbm4b:s1+s3], $0x80, $0x38;
	[tilespmem:$0xF200] =	vst v63  }
0x36: {  	_ =	swait.ge [sflag:s17], $0x80  }
0x37: {  	[sflag:s17] =	ssyncset.done $0x0  }
0x38: {  	[sflag:s17] =	ssyncadd.s32 $0xFFFFFF80  }
0x39: {  	_ =	swait.ge [sflag:s18], $0x80  }
0x3a: {  	[sflag:s18] =	ssyncset.done $0x0  }
0x3b: {  	[sflag:s18] =	ssyncadd.s32 $0xFFFFFF80  }
0x3c: {  	s2 =	rddreg [dreg:$0x0]  }
0x3d: {  	[tilespmem:s20], [sflag:$0x5] =	stream.indirect.gather [hbm4b:s2+s19], $0x80, s3, s19, $0xb8;
	[tilespmem:$0xF200] =	vst v63  }
0x3e: {  	_ = 	snop  }
0x3f: {  	[tilespmem:s21], [sflag:$0x6] =	stream.indirect.gather [hbm4b:s4+s19], $0x80, s16, s19, $0xb8;
	[tilespmem:$0xF200] =	vst v63  }
0x40: {  	s8 =	rddreg [dreg:$0x5]  }
0x41: {  	[tilespmem:s22], [sflag:$0x7] =	stream.indirect.gather [hbm4b:s5+s19], $0x80, s16, s19, $0xb8;
	[tilespmem:$0xF200] =	vst v63  }
.Ltmp2:
0x42: {  	s1 =	simm.s32 $0x100;
	s9 =	rddreg [dreg:$0x6];
	(pc) =	sbr.rel .LBB2_2-.Ltmp2, $4  }
0x43: {  	[tilespmem:s1], [sflag:$0x3] =	stream.linear.gather [hbm4b:s8+s3], $0x80, $0x38;
	[tilespmem:$0xF200] =	vst v63  }
0x44: {  	s24 =	simm.s32 $0x180;
	s2 =	rddreg [dreg:$0x8]  }
0x45: {  	[tilespmem:s24], [sflag:$0x4] =	stream.linear.gather [hbm4b:s9+s3], $0x80, $0x38;
	[tilespmem:$0xF200] =	vst v63  }
0x46: {  	s8 =	simm.s32 $0x0;
	s9 =	rddreg [dreg:$0x9];
	s24 =	simm.s32 $0x0  }
.LBB2_8:
0x47: {  	_ =	swait.ge [sflag:s25], $0x2800  }
0x48: {  	[sflag:s25] =	ssyncset.done $0x0  }
0x49: {  	[sflag:s25] =	ssyncadd.s32 $0xFFFFD800  }
0x4a: {  	_ =	swait.ge [sflag:s26], $0x2800  }
0x4b: {  	[sflag:s26] =	ssyncset.done $0x0  }
0x4c: {  	[sflag:s26] =	ssyncadd.s32 $0xFFFFD800  }
0x4d: {  	_ =	swait.ge [sflag:s28], $0x2800  }
0x4e: {  	[sflag:s28] =	ssyncset.done $0x0  }
0x4f: {  	[sflag:s28] =	ssyncadd.s32 $0xFFFFD800  }
0x50: {  	_ =	swait.ge [sflag:s17], $0x80  }
0x51: {  	[sflag:s17] =	ssyncset.done $0x0  }
0x52: {  	[sflag:s17] =	ssyncadd.s32 $0xFFFFFF80  }
0x53: {  	_ =	swait.ge [sflag:s18], $0x80  }
0x54: {  	[sflag:s18] =	ssyncset.done $0x0  }
0x55: {  	[sflag:s18] =	ssyncadd.s32 $0xFFFFFF80  }
0x56: {  	s0 =	rddreg [dreg:$0x0]  }
0x57: {  	[tilespmem:s20], [sflag:$0x5] =	stream.indirect.gather [hbm4b:s0+s19], $0x80, s3, s19, $0xb8;
	[tilespmem:$0xF200] =	vst v63  }
0x58: {  	_ = 	snop  }
0x59: {  	[tilespmem:s21], [sflag:$0x6] =	stream.indirect.gather [hbm4b:s4+s19], $0x80, s16, s19, $0xb8;
	[tilespmem:$0xF200] =	vst v63  }
0x5a: {  	_ = 	snop  }
0x5b: {  	[tilespmem:s22], [sflag:$0x7] =	stream.indirect.gather [hbm4b:s5+s19], $0x80, s16, s19, $0xb8;
	[tilespmem:$0xF200] =	vst v63  }
0x5c: {  	_ =	swait.ge [sflag:s29], $0x2800  }
0x5d: {  	[sflag:s29] =	ssyncset.done $0x0  }
0x5e: {  	[sflag:s29] =	ssyncadd.s32 $0xFFFFD800  }
0x5f: {  	_ =	swait.ge [sflag:s30], $0x2800  }
0x60: {  	[sflag:s30] =	ssyncset.done $0x0  }
0x61: {  	[sflag:s30] =	ssyncadd.s32 $0xFFFFD800  }
0x62: {  	_ =	swait.ge [sflag:s31], $0x2800  }
0x63: {  	p0 =	sgt.u32 s24, $0x3C;
	[sflag:s31] =	ssyncset.done $0x0  }
0x64: {  	s1 =	simm.s32 @!p0 $0x100;
	s0 =	simm.s32 @!p0 $0x0;
	[sflag:s31] =	ssyncadd.s32 $0xFFFFD800  }
0x65: {  	[tilespmem:s1], [sflag:$0x3] =	stream.linear.gather @!p0 [hbm4b:s9+s0], $0x80, $0x38;
	[tilespmem:$0xF200] =	vst v63  }
0x66: {  	s1 =	simm.s32 @!p0 $0x180  }
0x67: {  	[tilespmem:s1], [sflag:$0x4] =	stream.linear.gather @!p0 [hbm4b:s2+s0], $0x80, $0x38;
	[tilespmem:$0xF200] =	vst v63  }
0x68: {  	s0 =	sadd.s32 s8, s13;
	s1 =	simm.s32 $0x7A00  }
0x69: {  	[hbm4b:s0+s3] =	stream.linear.scatter [tilespmem:s1], [sflag:$0xE], $0x2800, $0x38;
	[tilespmem:$0xF200] =	vst v63  }
0x6a: {  	s1 =	sadd.s32 s8, s14  }
0x6b: {  	[hbm4b:s1+s3] =	stream.linear.scatter [tilespmem:s6], [sflag:$0xF], $0x2800, $0x38;
	[tilespmem:$0xF200] =	vst v63  }
0x6c: {  	s0 =	sadd.s32 s8, s15;
	s1 =	simm.s32 $0xCA00  }
0x6d: {  	[hbm4b:s0+s3] =	stream.linear.scatter [tilespmem:s1], [sflag:$0x10], $0x2800, $0x38;
	[tilespmem:$0xF200] =	vst v63  }
.LBB2_9:
0x6e: {  	s8 =	sadd.s32 $0x500, s8  }
0x6f: {  	p0 =	sne.s32 s8, $0x13B00  }
.Ltmp3:
0x70: {  	_ = 	snop;
	(pc) =	sbr.rel @!p0 .LBB2_10-.Ltmp3, $2  }
0x71: {  	_ =	sdelay $0x2  }
0x72: {  	s24 =	sadd.s32 $0x1, s24;
	s2 =	sadd.s32 $0x10, s2;
	s9 =	sadd.s32 $0x10, s9  }
.LBB2_2:
0x73: {  	s0 =	sand.u32 $0x1, s24  }
0x74: {  	p0 =	seq.s32 s0, $0x1  }
.Ltmp4:
0x75: {  	_ = 	snop;
	(pc) =	sbr.rel @p0 .LBB2_8-.Ltmp4, $1  }
0x76: {  	_ =	sdelay $0x3  }
0x77: {  	p0 =	seq.s32 s24, $0x0  }
.Ltmp5:
0x78: {  	_ = 	snop;
	(pc) =	sbr.rel @p0 .LBB2_6-.Ltmp5, $1  }
0x79: {  	_ =	sdelay $0x3  }
0x7a: {  	p0 =	seq.s32 s24, $0x3E  }
.Ltmp6:
0x7b: {  	_ = 	snop;
	(pc) =	sbr.rel @p0 .LBB2_7-.Ltmp6, $1  }
0x7c: {  	_ =	sdelay $0x3  }
0x7d: {  	s0 =	simm.s32 $0xE  }
0x7e: {  	_ =	swait.ge [sflag:s0], $0x2800  }
0x7f: {  	[sflag:s0] =	ssyncset.done $0x0  }
0x80: {  	s1 =	simm.s32 $0xF;
	[sflag:s0] =	ssyncadd.s32 $0xFFFFD800  }
0x81: {  	_ =	swait.ge [sflag:s1], $0x2800  }
0x82: {  	[sflag:s1] =	ssyncset.done $0x0  }
0x83: {  	s6 =	simm.s32 $0x10;
	[sflag:s1] =	ssyncadd.s32 $0xFFFFD800  }
0x84: {  	_ =	swait.ge [sflag:s6], $0x2800  }
0x85: {  	[sflag:s6] =	ssyncset.done $0x0  }
0x86: {  	[sflag:s6] =	ssyncadd.s32 $0xFFFFD800  }
.LBB2_6:
0x87: {  	_ =	swait.ge [sflag:s10], $0x80  }
0x88: {  	[sflag:s10] =	ssyncset.done $0x0  }
0x89: {  	[sflag:s10] =	ssyncadd.s32 $0xFFFFFF80  }
0x8a: {  	_ =	swait.ge [sflag:s11], $0x80  }
0x8b: {  	[sflag:s11] =	ssyncset.done $0x0  }
0x8c: {  	[sflag:s11] =	ssyncadd.s32 $0xFFFFFF80  }
0x8d: {  	s1 =	simm.s32 $0x100;
	s6 =	simm.s32 $0x7A00;
	s0 =	rddreg [dreg:$0x0]  }
0x8e: {  	[tilespmem:s6], [sflag:$0x8] =	stream.indirect.gather [hbm4b:s0+s19], $0x80, s1, s19, $0xb8;
	[tilespmem:$0xF200] =	vst v63  }
0x8f: {  	s6 =	simm.s32 $0xA200;
	s0 =	simm.s32 $0x180  }
0x90: {  	[tilespmem:s6], [sflag:$0x9] =	stream.indirect.gather [hbm4b:s4+s19], $0x80, s0, s19, $0xb8;
	[tilespmem:$0xF200] =	vst v63  }
0x91: {  	s1 =	simm.s32 $0xCA00  }
0x92: {  	[tilespmem:s1], [sflag:$0xA] =	stream.indirect.gather [hbm4b:s5+s19], $0x80, s0, s19, $0xb8;
	[tilespmem:$0xF200] =	vst v63  }
.LBB2_7:
0x93: {  	_ =	swait.ge [sflag:s12], $0x2800  }
0x94: {  	[sflag:s12] =	ssyncset.done $0x0  }
0x95: {  	[sflag:s12] =	ssyncadd.s32 $0xFFFFD800  }
0x96: {  	_ =	swait.ge [sflag:s23], $0x2800  }
0x97: {  	[sflag:s23] =	ssyncset.done $0x0  }
0x98: {  	[sflag:s23] =	ssyncadd.s32 $0xFFFFD800  }
0x99: {  	_ =	swait.ge [sflag:s7], $0x2800  }
0x9a: {  	p0 =	sgt.u32 s24, $0x3C;
	[sflag:s7] =	ssyncset.done $0x0  }
0x9b: {  	s0 =	simm.s32 @!p0 $0x0;
	[sflag:s7] =	ssyncadd.s32 $0xFFFFD800  }
0x9c: {  	[tilespmem:s0], [sflag:$0x1] =	stream.linear.gather @!p0 [hbm4b:s9+s0], $0x80, $0x38;
	[tilespmem:$0xF200] =	vst v63  }
0x9d: {  	s1 =	simm.s32 @!p0 $0x80  }
0x9e: {  	[tilespmem:s1], [sflag:$0x2] =	stream.linear.gather @!p0 [hbm4b:s2+s0], $0x80, $0x38;
	[tilespmem:$0xF200] =	vst v63  }
0x9f: {  	s1 =	sadd.s32 s8, s13  }
0xa0: {  	[hbm4b:s1+s3] =	stream.linear.scatter [tilespmem:s20], [sflag:$0xB], $0x2800, $0x38;
	[tilespmem:$0xF200] =	vst v63  }
.Ltmp7:
0xa1: {  	_ = 	snop;
	(pc) =	sbr.rel .LBB2_9-.Ltmp7, $4  }
0xa2: {  	s1 =	sadd.s32 s8, s14  }
0xa3: {  	[hbm4b:s1+s3] =	stream.linear.scatter [tilespmem:s21], [sflag:$0xC], $0x2800, $0x38;
	[tilespmem:$0xF200] =	vst v63  }
0xa4: {  	s1 =	sadd.s32 s8, s15  }
0xa5: {  	[hbm4b:s1+s3] =	stream.linear.scatter [tilespmem:s22], [sflag:$0xD], $0x2800, $0x38;
	[tilespmem:$0xF200] =	vst v63  }
.LBB2_11:
0xa6: {  	_ =	sfence.sel $0x180000  }
0xa7: {  	[bflag:$0x0] =	sbarrier.arrive $0xFFFF  }
0xa8: {  	_ =	strace $0x9000004A  }
0xa9: {  	s0 =	stileid.u32;
	[bflag:$0x2] =	sbarrier.arrive $0xFFFF  }
0xaa: {  	p0 =	sne.s32 s0, $0x0;
	s0 =	rddreg [dreg:$0x2]  }
0xab: {  	s0 =	sadd.s32 @!p0 $0x100000, s0  }
0xac: {  	[sflag:s0] =	ssyncadd.tile.s32 @!p0 $0x1;
	_ =	shalt  }
.Lfunc_end2:
_tile_overlayer_lowered:
.L_overlay_start_2:
0xad: {  	(tag) =	ssettag $0x2  }
0xae: {  	s0 =	rddreg [dreg:$0x0];
	s2 =	stileid.u32  }
0xaf: {  	s1 =	rddreg [dreg:$0x1];
	p0 =	sne.s32 s2, $0x0  }
0xb0: {  	s3 =	rddreg [dreg:$0x2];
	[bflag:$0x3] =	sbarrier.arrive $0xFFFF;
	s2 =	simm.s32 @!p0 $0x1C11  }
0xb1: {  	[timem:s3], [sflag:s2] =	dma.local @!p0 [hbm:s0], s1  }
0xb2: {  	s0 =	simm.s32 @!p0 $0x11  }
0xb3: {  	_ =	swait.ge @!p0 [sflag:s0], s1  }
0xb4: {  	s1 =	ssub.s32 @!p0 $0x0, s1;
	[sflag:s0] =	ssyncset.done @!p0 $0x0  }
0xb5: {  	[sflag:s0] =	ssyncadd.s32 @!p0 s1  }
0xb6: {  	[bflag:$0x3] =	sbarrier.arrive $0xFFFF  }
0xb7: {  	_ =	shalt  }

// kernel: kernel.19.cloned.1.call-start
scs
__scs_entry_jumppad:
0x0: {  	(pc) =	sbr.rel $0x88, $3  }
0x1: {  	(tag) =	ssettag $0x0;
	lr =	simm.s32 $0x1  }
0x2: {  	[smem:$0x3F90] =	sst lr;
	_ =	strace $0xD0000000  }
0x3: {  	_ = 	snop  }
0x4: {  	_ = 	snop  }
0x5: {  	_ = 	snop  }
0x6: {  	_ = 	snop  }
0x7: {  	_ = 	snop  }
__scs_overlays_trampoline_lowered:
0x8: {  	[smem:$0x3F9F] =	sst s0  }
0x9: {  	[smem:$0x3FA0] =	sst s1  }
0xa: {  	[smem:$0x3FA1] =	sst s2  }
0xb: {  	[smem:$0x3FA2] =	sst s3  }
0xc: {  	[smem:$0x3FA3] =	sst s4  }
0xd: {  	[smem:$0x3FA4] =	sst s5  }
0xe: {  	[smem:$0x3FA5] =	sst s6  }
0xf: {  	[smem:$0x3FA6] =	sst s7  }
0x10: {  	[smem:$0x3FA7] =	sst s8  }
0x11: {  	[smem:$0x3FA8] =	sst s9;
	s0 =	simm.s32 @!p0 $0x0  }
0x12: {  	s1 =	sld [smem:$0x3F8E];
	s0 =	simm.s32 @p0 $0x1  }
0x13: {  	[smem:$0x3FA9] =	sst s0;
	s0 =	simm.s32 @!p1 $0x0  }
0x14: {  	s2 =	sld [smem:$0x3F8D];
	s0 =	simm.s32 @p1 $0x1  }
0x15: {  	[smem:$0x3FAA] =	sst s0;
	s0 =	simm.s32 @!p2 $0x0  }
0x16: {  	s3 =	sld [smem:$0x3FDB];
	s0 =	simm.s32 @p2 $0x1  }
0x17: {  	s4 =	simm.s32 $0x1BF5;
	[smem:$0x3FAC] =	sst s0  }
0x18: {  	s0 =	sld [smem:$0x3F8F];
	_ =	swait.ge [sflag:s4], $0x0  }
0x19: {  	s7 =	sld [smem:$0x3F90]  }
0x1a: {  	s8 =	sadd.s32 $0xFFFFE003, lr  }
0x1b: {  	s9 =	sadd.s32 $0xFFFFFEF7, lr;
	s5 =	simm.s32 $0xFFFFFFFF;
	p2 =	slt.u32 s8, $0xFFFFF086  }
0x1c: {  	p1 =	slt.u32 s9, $0xF7A;
	s5 =	simm.s32 @!p2 $0x0  }
0x1d: {  	s5 =	simm.s32 @p1 $0x1;
	p0 =	seq.s32 s7, s2  }
0x1e: {  	s7 =	smul.u32 @!p0 $0xF7A, s2;
	p2 =	seq.s32 @!p0 s5, $0x0  }
0x1f: {  	s9 =	smul.u32 $0xF7A, s1;
	s8 =	simm.s32 @!p0 $0x1BF5;
	p2 =	por !p2, p0  }
0x20: {  	[sflag:s8] =	ssyncset.s32 @!p0 $0xFFFFF086;
	s6 =	sadd.s32 @!p0 s3, s7;
	s7 =	simm.s32 @!p0 $0x108  }
0x21: {  	s3 =	sadd.s32 s3, s9;
	s6 =	sadd.s32 @!p0 $0x88, s6;
	s7 =	simm.s32 @p2 $0x1082  }
0x22: {  	[simem:s7], [sflag:s8] =	dma.local @!p0 [hbm:s6], $0xF7A  }
0x23: {  	s9 =	sor.u32 $0xD0000000, s2;
	s6 =	simm.s32 $0x108;
	_ =	swait.ge @!p0 [sflag:s8], $0x0  }
0x24: {  	s3 =	sadd.s32 $0x88, s3;
	s6 =	simm.s32 @!p1 $0x1082;
	[sflag:s4] =	ssyncset.s32 $0xFFFFF086  }
0x25: {  	[simem:s6], [sflag:s4] =	dma.local [hbm:s3], $0xF7A  }
0x26: {  	[smem:$0x3F90] =	sst s1;
	(tag) =	ssettag s2;
	_ =	strace s9  }
0x27: {  	s1 =	sld [smem:$0x3FA0]  }
0x28: {  	s2 =	sld [smem:$0x3FA1]  }
0x29: {  	s4 =	sld [smem:$0x3FA3]  }
0x2a: {  	p0 =	seq.s32 s5, $0x0;
	s5 =	sld [smem:$0x3FA4]  }
0x2b: {  	s6 =	sld [smem:$0x3FA5]  }
0x2c: {  	s7 =	sld [smem:$0x3FA6]  }
0x2d: {  	s3 =	simm.s32 $0x108;
	s8 =	sld [smem:$0x3FA7]  }
0x2e: {  	s3 =	simm.s32 @!p0 $0x1082;
	s9 =	sld [smem:$0x3FA8]  }
0x2f: {  	lr =	sadd.s32 s0, s3;
	s0 =	sld [smem:$0x3F9F]  }
0x30: {  	s3 =	sld [smem:$0x3FA2]  }
0x31: {  	[smem:$0x3FAB] =	sst s10  }
0x32: {  	s10 =	sld [smem:$0x3FA9];
	_ =	sdelay $0x3  }
0x33: {  	p0 =	seq.s32 s10, $0x1;
	s10 =	sld [smem:$0x3FAB];
	_ =	sdelay $0x3  }
0x34: {  	[smem:$0x3FAB] =	sst s10  }
0x35: {  	s10 =	sld [smem:$0x3FAA];
	_ =	sdelay $0x3  }
0x36: {  	p1 =	seq.s32 s10, $0x1;
	s10 =	sld [smem:$0x3FAB];
	_ =	sdelay $0x3  }
0x37: {  	[smem:$0x3FAB] =	sst s10  }
0x38: {  	s10 =	sld [smem:$0x3FAC]  }
0x39: {  	_ = 	snop;
	(pc) =	sbr.ind lr, $3  }
0x3a: {  	_ = 	snop  }
0x3b: {  	_ = 	snop  }
0x3c: {  	p2 =	seq.s32 s10, $0x1;
	s10 =	sld [smem:$0x3FAB]  }
0x3d: {  	_ =	shalt  }
0x3e: {  	_ =	shalt  }
0x3f: {  	_ =	shalt  }
0x40: {  	_ =	shalt  }
0x41: {  	_ =	shalt  }
0x42: {  	_ =	shalt  }
0x43: {  	_ =	shalt  }
0x44: {  	_ =	shalt  }
0x45: {  	_ =	shalt  }
0x46: {  	_ =	shalt  }
0x47: {  	_ =	shalt  }
0x48: {  	_ =	shalt  }
0x49: {  	_ =	shalt  }
0x4a: {  	_ =	shalt  }
0x4b: {  	_ =	shalt  }
0x4c: {  	_ =	shalt  }
0x4d: {  	_ =	shalt  }
0x4e: {  	_ =	shalt  }
0x4f: {  	_ =	shalt  }
0x50: {  	_ =	shalt  }
0x51: {  	_ =	shalt  }
0x52: {  	_ =	shalt  }
0x53: {  	_ =	shalt  }
0x54: {  	_ =	shalt  }
0x55: {  	_ =	shalt  }
0x56: {  	_ =	shalt  }
0x57: {  	_ =	shalt  }
0x58: {  	_ =	shalt  }
0x59: {  	_ =	shalt  }
0x5a: {  	_ =	shalt  }
0x5b: {  	_ =	shalt  }
0x5c: {  	_ =	shalt  }
0x5d: {  	_ =	shalt  }
0x5e: {  	_ =	shalt  }
0x5f: {  	_ =	shalt  }
0x60: {  	_ =	shalt  }
0x61: {  	_ =	shalt  }
0x62: {  	_ =	shalt  }
0x63: {  	_ =	shalt  }
0x64: {  	_ =	shalt  }
0x65: {  	_ =	shalt  }
0x66: {  	_ =	shalt  }
0x67: {  	_ =	shalt  }
0x68: {  	_ =	shalt  }
0x69: {  	_ =	shalt  }
0x6a: {  	_ =	shalt  }
0x6b: {  	_ =	shalt  }
0x6c: {  	_ =	shalt  }
0x6d: {  	_ =	shalt  }
0x6e: {  	_ =	shalt  }
0x6f: {  	_ =	shalt  }
0x70: {  	_ =	shalt  }
0x71: {  	_ =	shalt  }
0x72: {  	_ =	shalt  }
0x73: {  	_ =	shalt  }
0x74: {  	_ =	shalt  }
0x75: {  	_ =	shalt  }
0x76: {  	_ =	shalt  }
0x77: {  	_ =	shalt  }
0x78: {  	_ =	shalt  }
0x79: {  	_ =	shalt  }
0x7a: {  	_ =	shalt  }
0x7b: {  	_ =	shalt  }
0x7c: {  	_ =	shalt  }
0x7d: {  	_ =	shalt  }
0x7e: {  	_ =	shalt  }
0x7f: {  	_ =	shalt  }
0x80: {  	_ =	shalt  }
0x81: {  	_ =	shalt  }
0x82: {  	_ =	shalt  }
0x83: {  	_ =	shalt  }
0x84: {  	_ =	shalt  }
0x85: {  	_ =	shalt  }
0x86: {  	_ =	shalt  }
0x87: {  	_ =	shalt  }
.Lfunc_end0:
.L_simem_size_0:
called_computation.3_lowered:
.L_overlay_start_0:
0x88: {  	s2 =	sld [smem:$0x3FD9]  }
0x89: {  	s3 =	sld [smem:$0x3FFE];
	_ =	sdelay $0x1  }
0x8a: {  	s1 =	srdreg.scid  }
0x8b: {  	s0 =	sand.u32 $0x1, s1  }
0x8c: {  	s17 =	sshll.u32 s0, $0xA;
	s2 =	sadd.s32 s3, s2  }
0x8d: {  	s2 =	sadd.s32 s2, s17  }
0x8e: {  	[smem:$0x3FB7] =	sst s2  }
0x8f: {  	_ = 	snop  }
0x90: {  	(tm) =	ssettm $0x1  }
0x91: {  	s18 =	sld [smem:$0x3FFB];
	_ =	sdelay $0x3  }
0x92: {  	_ =	strace s18  }
0x93: {  	s2 =	sld [smem:$0x3FFC];
	_ =	sdelay $0x3  }
0x94: {  	_ =	strace s2  }
0x95: {  	s2 =	sld [smem:$0x3FFD];
	_ =	sdelay $0x3  }
0x96: {  	_ =	strace s2  }
0x97: {  	_ =	strace $0x8FFFFFFF  }
0x98: {  	s19 =	sld [smem:$0x3FDB];
	_ =	sdelay $0x1  }
0x99: {  	s20 =	simm.s32 $_scs_section_size  }
0x9a: {  	s4 =	simm.s32 $_size__tile_overlayer_lowered;
	s5 =	simm.s32 $_tile_overlayer_lowered  }
0x9b: {  	s6 =	simm.s32 $0x1BFF;
	s21 =	sshll.u32 s5, $0x1;
	s3 =	sadd.s32 s20, s19  }
0x9c: {  	s22 =	simm.s32 $0x0;
	s4 =	sshll.u32 s4, $0x1;
	s5 =	sadd.s32 s21, s3  }
0x9d: {  	[timem:s22], [sflag:s6] =	dma.local [hbm:s5], s4  }
0x9e: {  	_ =	swait.ge [sflag:s6], s4  }
0x9f: {  	s4 =	ssub.s32 $0x0, s4;
	[sflag:s6] =	ssyncset.done $0x0  }
0xa0: {  	[sflag:s6] =	ssyncadd.s32 s4;
	_ =	sdelay $0x1  }
0xa1: {  	s23 =	simm.s32 $0x1B8B  }
0xa2: {  	_ =	swait.ge [sflag:s23], $0x1  }
0xa3: {  	[sflag:s23] =	ssyncset.done $0x0  }
0xa4: {  	[sflag:s23] =	ssyncadd.s32 $0xFFFFFFFF  }
0xa5: {  	s4 =	sld [smem:$0x0]  }
0xa6: {  	s5 =	sand.u32 $0xFFFFFFFE, s1  }
0xa7: {  	p0 =	sne.s32 s1, s5  }
0xa8: {  	s5 =	sshll.u32 @p0 s5, $0xE  }
0xa9: {  	s5 =	sadd.s32 @p0 $0x11B8D, s5;
	s6 =	sshll.u32 @p0 s4, $0x11  }
0xaa: {  	s5 =	sor.u32 @p0 s6, s5  }
0xab: {  	[sflag:s5] =	ssyncadd.remote.s32 @p0 $0x1;
	_ =	sdelay $0x1  }
0xac: {  	s5 =	simm.s32 @p0 $0x1B8D  }
0xad: {  	_ =	swait.eq @p0 [sflag:s5], $0x1  }
0xae: {  	[sflag:s5] =	ssyncadd.s32 @p0 $0xFFFFFFFF  }
0xaf: {  	s6 =	sshll.u32 @!p0 s1, $0xE  }
0xb0: {  	s6 =	sor.u32 @!p0 $0x4000, s6;
	s5 =	simm.s32 @!p0 $0x1B8D  }
0xb1: {  	s4 =	sshll.u32 @!p0 s4, $0x11;
	s6 =	sadd.s32 @!p0 $0x11B8D, s6;
	_ =	swait.eq @!p0 [sflag:s5], $0x1  }
0xb2: {  	s4 =	sor.u32 @!p0 s4, s6;
	[sflag:s5] =	ssyncadd.s32 @!p0 $0xFFFFFFFF  }
0xb3: {  	s25 =	simm.s32 $0x1B8E;
	s24 =	sld [smem:$0x3FFE];
	[sflag:s4] =	ssyncadd.remote.s32 @!p0 $0x1  }
0xb4: {  	s26 =	simm.s32 $execute0_lowered;
	[smem:$0x3FD2] =	sst s25  }
0xb5: {  	s5 =	sshll.u32 s26, $0x1;
	_ =	strace $0x8000004F;
	[dreg:$0x1] =	wrdreg $0xFFFFFFFF  }
0xb6: {  	s28 =	simm.s32 $_size_execute0_lowered;
	s3 =	sadd.s32 s3, s5;
	[dreg:$0x0] =	wrdreg $0x0  }
0xb7: {  	s5 =	sshll.u32 s28, $0x1;
	[dreg:$0x2] =	wrdreg s3  }
0xb8: {  	[dreg:$0x3] =	wrdreg s5  }
0xb9: {  	[dreg:$0x4] =	wrdreg $0xC0  }
0xba: {  	_ =	task [dreg:s22], $0x5FFFF  }
0xbb: {  	[dreg:$0x1] =	wrdreg $0xFFFFFFFF  }
0xbc: {  	[dreg:$0x0] =	wrdreg $0x60  }
0xbd: {  	[dreg:$0x2] =	wrdreg s24  }
0xbe: {  	[dreg:$0x3] =	wrdreg $0x0  }
0xbf: {  	[dreg:$0x4] =	wrdreg $0xA  }
0xc0: {  	_ =	task.clear_ibuf [dreg:s22], $0x5FFFF;
	_ =	strace $0x9000004F  }
0xc1: {  	s29 =	simm.s32 $0xA;
	_ =	strace $0x80000051  }
0xc2: {  	_ =	swait.ge [sflag:s29], $0x1  }
0xc3: {  	[sflag:s29] =	ssyncadd.s32 $0xFFFFFFFF  }
0xc4: {  	_ =	strace $0x90000051  }
0xc5: {  	_ =	sfence  }
0xc6: {  	s30 =	sld [smem:$0x0];
	_ =	sdelay $0x2  }
0xc7: {  	s31 =	sshll.u32 s1, $0xD;
	s1 =	sshrl.u32 s1, $0x2  }
0xc8: {  	s4 =	sand.u32 $0x4000, s31;
	s1 =	sadd.s32 s1, s30  }
0xc9: {  	s0 =	sor.u32 s4, s0;
	s1 =	sshll.u32 s1, $0x11  }
0xca: {  	s0 =	sor.u32 s1, s0  }
0xcb: {  	s0 =	sadd.s32 $0x8F2B, s0  }
0xcc: {  	[sflag:s0] =	ssyncadd.remote.s32 $0x1  }
0xcd: {  	_ =	sfence.sel $0xFFFF  }
0xce: {  	[dreg:$0x0] =	wrdreg $0xFFFFFFFF;
	(pc) =	sbr.abs _section_cstart, $3  }
0xcf: {  	[dreg:$0x1] =	wrdreg $0xFFFFFFFF  }
0xd0: {  	_ =	task.clear_ibuf [dreg:s22], $0x2FFFF;
	_ =	strace $0x9FFFFFFF  }
0xd1: {  	(tm) =	ssettm $0x7FFFFFFF  }
tec
execute0_lowered:
.L_overlay_start_1:
0x0: {  	(tag) =	ssettag $0x1  }
0x1: {  	s0 =	rddreg [dreg:$0x0];
	s18 =	stileid.u32  }
0x2: {  	s1 =	srdreg.scid;
	s10 =	smul.u32 $0x27600, s18  }
0x3: {  	s2 =	rddreg [dreg:$0x1];
	s7 =	smul.u32 $0x14000, s18  }
0x4: {  	s3 =	simm.s32 $0x0;
	s28 =	simm.s32 $0x1E080;
	s25 =	smul.u32 $0x3F00, s18  }
0x5: {  	s29 =	simm.s32 $0x1B800;
	s30 =	simm.s32 $0x3;
	s11 =	smul.u32 $0x300, s18  }
0x6: {  	s31 =	simm.s32 $0x1;
	s1 =	sand.u32 $0x1, s1;
	s12 =	smul.u32 $0x50000, s18  }
0x7: {  	[smem:$0x7FF] =	sst s3;
	s4 =	sadd.s32 $0x33A800, s0;
	s24 =	smul.u32 $0x7E0, s18  }
0x8: {  	s5 =	sadd.s32 $0x4800, s0;
	s19 =	sshll.u32 s18, $0x6;
	s6 =	smul.u32 $0x140000, s1  }
0x9: {  	_ =	strace $0x80000050;
	s9 =	ssub.s32 $0x2, s1;
	p0 =	seq.s32 s1, $0x1  }
0xa: {  	s1 =	simm.s32 $0x6;
	s13 =	sadd.s32 s10, s0;
	s26 =	sshrl.u32 s9, $0x1  }
0xb: {  	s15 =	sand.u32 $0x3FC00, s25;
	s11 =	sand.u32 $0x300, s11;
	s17 =	sshrl.u32 s12, $0x2  }
0xc: {  	s25 =	sadd.s32 s4, s10;
	s6 =	sadd.s32 s7, s6;
	s16 =	ssub.s32 s9, s26  }
0xd: {  	s7 =	smul.u32 $0x7E, s18;
	s15 =	sor.u32 s11, s15;
	s17 =	sadd.s32 s17, s2  }
0xe: {  	s23 =	sadd.s32 $0xC4800, s13;
	s11 =	sadd.s32 $0xC400, s0;
	[dreg:$0x5] =	wrdreg s25  }
0xf: {  	s26 =	sadd.s32 $0xC4D00, s13;
	s25 =	simm.s32 $0x2;
	s8 =	sshrl.u32 s6, $0x3  }
0x10: {  	s6 =	sadd.s32 $0x72000, s0;
	s20 =	sadd.s32 $0x3E000, s15;
	[dreg:$0x4] =	wrdreg s23  }
0x11: {  	s15 =	smax.u32 s16, $0x1;
	[dreg:$0x6] =	wrdreg s26;
	s18 =	sshrl.u32 s17, $0x3  }
0x12: {  	s26 =	simm.s32 $0x50;
	s23 =	simm.s32 $0x0;
	s14 =	sadd.s32 s8, s0  }
.Ltmp0:
0x13: {  	s8 =	sor.u32 $0x1C07, s19;
	s21 =	sshrl.u32 s20, $0x3;
	(pc) =	sbr.rel .LBB2_1-.Ltmp0, $4  }
0x14: {  	s12 =	sor.u32 $0x1, s7;
	s0 =	sor.u32 $0x10, s24;
	s19 =	simm.s32 $0x7  }
0x15: {  	s20 =	simm.s32 $0x14000;
	s24 =	simm.s32 $0x4;
	s22 =	sadd.s32 s5, s21  }
0x16: {  	s14 =	sadd.s32 $0x14200, s14;
	[dreg:$0x7] =	wrdreg s0;
	s21 =	simm.s32 $0x16800  }
0x17: {  	s0 =	simm.s32 $0x5;
	[dreg:$0x3] =	wrdreg s22;
	s22 =	simm.s32 $0x1E000  }
.LBB2_11:
0x18: {  	_ =	swait.ge [sflag:s24], $0x80  }
0x19: {  	[sflag:s24] =	ssyncset.done $0x0  }
0x1a: {  	[sflag:s24] =	ssyncadd.s32 $0xFFFFFF80  }
0x1b: {  	_ =	swait.ge [sflag:s25], $0x2800  }
0x1c: {  	[sflag:s25] =	ssyncset.done $0x0  }
0x1d: {  	[sflag:s25] =	ssyncadd.s32 $0xFFFFD800  }
0x1e: {  	[spmem:s2] =	stream.indirect.scatter.add.f32 [tilespmem:s21], [sflag:$0x6], $0x80, s28, s26, $0xb8;
	[tilespmem:$0x1E100] =	vst v63  }
.LBB2_25:
0x1f: {  	_ =	swait.ge [sflag:s1], $0x2800  }
0x20: {  	[sflag:s1] =	ssyncset.done $0x0  }
0x21: {  	[sflag:s1] =	ssyncadd.s32 $0xFFFFD800  }
0x22: {  	_ =	swait.ge [sflag:s0], $0x2800  }
0x23: {  	s23 =	sadd.s32 $0x1, s23;
	[sflag:s0] =	ssyncset.done $0x0  }
0x24: {  	p1 =	sne.s32 s23, s15;
	[sflag:s0] =	ssyncadd.s32 $0xFFFFD800  }
.Ltmp1:
0x25: {  	[bflag:$0x0] =	sbarrier.arrive $0xFFFF;
	(pc) =	sbr.rel @!p1 .LBB2_26-.Ltmp1, $4  }
0x26: {  	[hbm:s14], [sflag:s8] =	dma.local [spmem:s18], $0x2800  }
0x27: {  	_ =	swait.ge [sflag:s19], $0x2800  }
0x28: {  	[sflag:s19] =	ssyncset.done $0x0  }
0x29: {  	[sflag:s19] =	ssyncadd.s32 $0xFFFFD800  }
.LBB2_1:
.Ltmp2:
0x2a: {  	(pc) =	sbr.rel @!p0 .LBB2_2-.Ltmp2, $4  }
0x2b: {  	[spmem:s18], [sflag:s8] =	dma.local [hbm:s6], $0x2800  }
0x2c: {  	_ =	swait.ge [sflag:s19], $0x2800  }
0x2d: {  	[sflag:s19] =	ssyncset.done $0x0  }
0x2e: {  	[sflag:s19] =	ssyncadd.s32 $0xFFFFD800  }
0x2f: {  	s10 =	simm.s32 $0x0  }
0x30: {  	[tilespmem:s20], [sflag:$0x7] =	stream.linear.gather [hbm4b:s6+s10], $0x2800, $0x38;
	[tilespmem:$0x1E100] =	vst v63  }
0x31: {  	_ =	swait.ge [sflag:s19], $0x2800  }
0x32: {  	[sflag:s19] =	ssyncset.done $0x0  }
0x33: {  	[sflag:s19] =	ssyncadd.s32 $0xFFFFD800  }
0x34: {  	[tilespmem:s21], [sflag:$0x7] =	stream.linear.gather [hbm4b:s6+s10], $0x2800, $0x38;
	[tilespmem:$0x1E100] =	vst v63  }
0x35: {  	_ =	swait.ge [sflag:s19], $0x2800  }
0x36: {  	[sflag:s19] =	ssyncset.done $0x0  }
0x37: {  	[sflag:s19] =	ssyncadd.s32 $0xFFFFD800  }
.Ltmp3:
0x38: {  	[bflag:$0x0] =	sbarrier.arrive $0xFFFF;
	(pc) =	sbr.rel .LBB2_13-.Ltmp3, $4  }
0x39: {  	s9 =	rddreg [dreg:$0x3]  }
0x3a: {  	[tilespmem:s22], [sflag:$0x3] =	stream.linear.gather [hbm4b:s9+s10], $0x80, $0x38;
	[tilespmem:$0x1E100] =	vst v63  }
0x3b: {  	s13 =	simm.s32 $0x19000;
	s17 =	rddreg [dreg:$0x5]  }
0x3c: {  	[tilespmem:s13], [sflag:$0x1] =	stream.linear.gather [hbm4b:s17+s10], $0x2800, $0x38;
	[tilespmem:$0x1E100] =	vst v63  }
.LBB2_20:
0x3d: {  	[tilespmem:s16+$0x14000] =	vst v0  }
0x3e: {  	[spmem:s2] =	stream.indirect.scatter.add.f32 [tilespmem:s20], [sflag:$0x5], $0x80, s22, s26, $0xb8;
	[tilespmem:$0x1E100] =	vst v63  }
.LBB2_24:
0x3f: {  	s10 =	sadd.s32 $0x1, s10  }
0x40: {  	p1 =	sne.s32 s10, $0x7E  }
.Ltmp4:
0x41: {  	_ = 	snop;
	(pc) =	sbr.rel @!p1 .LBB2_25-.Ltmp4, $1  }
0x42: {  	_ =	sdelay $0x3  }
.LBB2_13:
0x43: {  	s9 =	sand.u32 $0x1, s10  }
0x44: {  	p1 =	seq.s32 s9, $0x1  }
.Ltmp5:
0x45: {  	_ = 	snop;
	(pc) =	sbr.rel @!p1 .LBB2_14-.Ltmp5, $1  }
0x46: {  	_ =	sdelay $0x3  }
0x47: {  	p1 =	seq.s32 s10, $0x7D  }
0x48: {  	s9 =	sadd.s32 @!p1 s10, s12  }
0x49: {  	s13 =	sshll.u32 @!p1 s9, $0x7  }
0x4a: {  	s16 =	simm.s32 @!p1 $0x5;
	s13 =	sand.u32 @!p1 $0x7FF00, s13  }
0x4b: {  	s17 =	simm.s32 @!p1 $0x1E000;
	_ =	swait.ge @!p1 [sflag:s16], $0x2800;
	s13 =	sadd.s32 @!p1 $0x3E000, s13  }
0x4c: {  	s9 =	smul.u32 @!p1 $0x500, s9;
	[sflag:s16] =	ssyncset.done @!p1 $0x0;
	s13 =	sshrl.u32 @!p1 s13, $0x3  }
0x4d: {  	[sflag:s16] =	ssyncadd.s32 @!p1 $0xFFFFD800;
	s16 =	simm.s32 @!p1 $0x0;
	s13 =	sadd.s32 @!p1 s5, s13  }
0x4e: {  	[tilespmem:s17], [sflag:$0x3] =	stream.linear.gather @!p1 [hbm4b:s13+s16], $0x80, $0x38;
	[tilespmem:$0x1E100] =	vst v63  }
0x4f: {  	s9 =	sadd.s32 @!p1 s4, s9;
	s13 =	simm.s32 @!p1 $0x19000  }
0x50: {  	[tilespmem:s13], [sflag:$0x1] =	stream.linear.gather @!p1 [hbm4b:s9+s16], $0x2800, $0x38;
	[tilespmem:$0x1E100] =	vst v63  }
0x51: {  	_ =	swait.ge [sflag:s24], $0x80  }
0x52: {  	[sflag:s24] =	ssyncset.done $0x0  }
0x53: {  	[sflag:s24] =	ssyncadd.s32 $0xFFFFFF80  }
0x54: {  	_ =	swait.ge [sflag:s25], $0x2800  }
0x55: {  	[sflag:s25] =	ssyncset.done $0x0  }
0x56: {  	s16 =	simm.s32 $0x0;
	[sflag:s25] =	ssyncadd.s32 $0xFFFFD800  }
0x57: {  	s17 =	simm.s32 $0x200;
	v0 =	vld [tilespmem:s16+$0x1B800]  }
.LBB2_22:
0x58: {  	p1 =	sne.s32 s17, $0x9E00  }
.Ltmp6:
0x59: {  	_ = 	snop;
	(pc) =	sbr.rel @p1 .LBB2_22-.Ltmp6, $3  }
0x5a: {  	_ =	sdelay $0x1  }
0x5b: {  	[tilespmem:s16+$0x16800] =	vst v0;
	s16 =	sshra.s32 s17, $0x2;
	s17 =	sadd.s32 $0x200, s17  }
0x5c: {  	v0 =	vld [tilespmem:s16+$0x1B800]  }
0x5d: {  	_ = 	snop  }
.Ltmp7:
0x5e: {  	_ = 	snop;
	(pc) =	sbr.rel .LBB2_24-.Ltmp7, $3  }
0x5f: {  	_ =	sdelay $0x1  }
0x60: {  	[tilespmem:s16+$0x16800] =	vst v0  }
0x61: {  	[spmem:s2] =	stream.indirect.scatter.add.f32 [tilespmem:s21], [sflag:$0x6], $0x80, s28, s26, $0xb8;
	[tilespmem:$0x1E100] =	vst v63  }
.LBB2_14:
0x62: {  	p1 =	seq.s32 s10, $0x0  }
.Ltmp8:
0x63: {  	_ = 	snop;
	(pc) =	sbr.rel @p1 .LBB2_17-.Ltmp8, $1  }
0x64: {  	_ =	sdelay $0x3  }
0x65: {  	p1 =	seq.s32 s10, $0x7D  }
.Ltmp9:
0x66: {  	_ = 	snop;
	(pc) =	sbr.rel @p1 .LBB2_18-.Ltmp9, $1  }
0x67: {  	_ =	sdelay $0x3  }
0x68: {  	_ =	swait.ge [sflag:s1], $0x2800  }
0x69: {  	[sflag:s1] =	ssyncset.done $0x0  }
0x6a: {  	[sflag:s1] =	ssyncadd.s32 $0xFFFFD800  }
.LBB2_17:
0x6b: {  	s9 =	sor.u32 $0x1, s10  }
0x6c: {  	s9 =	sadd.s32 s7, s9  }
0x6d: {  	s13 =	sshll.u32 s9, $0x7  }
0x6e: {  	s13 =	sand.u32 $0x7FF80, s13  }
0x6f: {  	s13 =	sadd.s32 $0x3E000, s13  }
0x70: {  	s13 =	sshrl.u32 s13, $0x3  }
0x71: {  	s9 =	smul.u32 $0x500, s9;
	s13 =	sadd.s32 s5, s13  }
0x72: {  	[tilespmem:s28], [sflag:$0x4] =	stream.linear.gather [hbm4b:s13+s3], $0x80, $0x38;
	[tilespmem:$0x1E100] =	vst v63  }
0x73: {  	s9 =	sadd.s32 s4, s9  }
0x74: {  	[tilespmem:s29], [sflag:$0x2] =	stream.linear.gather [hbm4b:s9+s3], $0x2800, $0x38;
	[tilespmem:$0x1E100] =	vst v63  }
.LBB2_18:
0x75: {  	_ =	swait.ge [sflag:s30], $0x80  }
0x76: {  	[sflag:s30] =	ssyncset.done $0x0  }
0x77: {  	[sflag:s30] =	ssyncadd.s32 $0xFFFFFF80  }
0x78: {  	_ =	swait.ge [sflag:s31], $0x2800  }
0x79: {  	[sflag:s31] =	ssyncset.done $0x0  }
0x7a: {  	s16 =	simm.s32 $0x0;
	[sflag:s31] =	ssyncadd.s32 $0xFFFFD800  }
0x7b: {  	s17 =	simm.s32 $0x200;
	v0 =	vld [tilespmem:s16+$0x19000]  }
.LBB2_19:
0x7c: {  	p1 =	sne.s32 s17, $0x9E00  }
.Ltmp10:
0x7d: {  	_ = 	snop;
	(pc) =	sbr.rel @p1 .LBB2_19-.Ltmp10, $3  }
0x7e: {  	_ =	sdelay $0x1  }
0x7f: {  	[tilespmem:s16+$0x14000] =	vst v0;
	s16 =	sshra.s32 s17, $0x2;
	s17 =	sadd.s32 $0x200, s17  }
0x80: {  	v0 =	vld [tilespmem:s16+$0x19000]  }
.Ltmp11:
0x81: {  	_ = 	snop;
	(pc) =	sbr.rel .LBB2_20-.Ltmp11, $1  }
0x82: {  	_ =	sdelay $0x3  }
.LBB2_2:
0x83: {  	[bflag:$0x0] =	sbarrier.arrive $0xFFFF  }
0x84: {  	s9 =	rddreg [dreg:$0x3]  }
.Ltmp12:
0x85: {  	s10 =	simm.s32 $0x0;
	s17 =	rddreg [dreg:$0x4];
	(pc) =	sbr.rel .LBB2_3-.Ltmp12, $4  }
0x86: {  	[tilespmem:s22], [sflag:$0x3] =	stream.linear.gather [hbm4b:s9+s10], $0x80, $0x38;
	[tilespmem:$0x1E100] =	vst v63  }
0x87: {  	s16 =	rddreg [dreg:$0x6]  }
0x88: {  	[tilespmem:s20], [sflag:$0x1] =	stream.linear.gather [hbm4b:s17+s10], $0x2800, $0x38;
	[tilespmem:$0x1E100] =	vst v63  }
0x89: {  	s17 =	rddreg [dreg:$0x7]  }
.LBB2_9:
0x8a: {  	_ =	swait.ge [sflag:s0], $0x2800;
	s9 =	sand.u32 $0xFF80, s17  }
0x8b: {  	s13 =	sand.u32 $0x60, s17;
	[sflag:s0] =	ssyncset.done $0x0;
	s9 =	sadd.s32 s9, s11  }
0x8c: {  	[sflag:s0] =	ssyncadd.s32 $0xFFFFD800;
	s9 =	sadd.s32 s13, s9  }
0x8d: {  	[tilespmem:s22], [sflag:$0x3] =	stream.linear.gather [hbm4b:s9+s3], $0x80, $0x38;
	[tilespmem:$0x1E100] =	vst v63  }
0x8e: {  	_ = 	snop  }
0x8f: {  	[tilespmem:s20], [sflag:$0x1] =	stream.linear.gather [hbm4b:s16+s3], $0x2800, $0x38;
	[tilespmem:$0x1E100] =	vst v63  }
0x90: {  	_ =	swait.ge [sflag:s24], $0x80  }
0x91: {  	[sflag:s24] =	ssyncset.done $0x0  }
0x92: {  	[sflag:s24] =	ssyncadd.s32 $0xFFFFFF80  }
0x93: {  	_ =	swait.ge [sflag:s25], $0x2800  }
0x94: {  	[sflag:s25] =	ssyncset.done $0x0  }
0x95: {  	[sflag:s25] =	ssyncadd.s32 $0xFFFFD800  }
0x96: {  	[spmem:s2] =	stream.indirect.scatter.add.f32 [tilespmem:s21], [sflag:$0x6], $0x80, s28, s26, $0xb8;
	[tilespmem:$0x1E100] =	vst v63  }
.LBB2_10:
0x97: {  	s10 =	sadd.s32 $0x1, s10  }
0x98: {  	p1 =	sne.s32 s10, $0x7D  }
.Ltmp13:
0x99: {  	_ = 	snop;
	(pc) =	sbr.rel @!p1 .LBB2_11-.Ltmp13, $2  }
0x9a: {  	_ =	sdelay $0x2  }
0x9b: {  	s16 =	sadd.s32 $0x500, s16;
	s17 =	sadd.s32 $0x10, s17  }
.LBB2_3:
0x9c: {  	s13 =	sand.u32 $0x1, s10  }
0x9d: {  	p1 =	seq.s32 s13, $0x1  }
.Ltmp14:
0x9e: {  	_ = 	snop;
	(pc) =	sbr.rel @p1 .LBB2_9-.Ltmp14, $1  }
0x9f: {  	_ =	sdelay $0x3  }
0xa0: {  	p1 =	seq.s32 s10, $0x0  }
.Ltmp15:
0xa1: {  	_ = 	snop;
	(pc) =	sbr.rel @p1 .LBB2_7-.Ltmp15, $1  }
0xa2: {  	_ =	sdelay $0x3  }
0xa3: {  	p1 =	seq.s32 s10, $0x7D  }
.Ltmp16:
0xa4: {  	_ = 	snop;
	(pc) =	sbr.rel @p1 .LBB2_8-.Ltmp16, $1  }
0xa5: {  	_ =	sdelay $0x3  }
0xa6: {  	_ =	swait.ge [sflag:s1], $0x2800  }
0xa7: {  	[sflag:s1] =	ssyncset.done $0x0  }
0xa8: {  	[sflag:s1] =	ssyncadd.s32 $0xFFFFD800  }
.LBB2_7:
0xa9: {  	s13 =	sand.u32 $0xFF80, s17  }
0xaa: {  	s9 =	sand.u32 $0x70, s17;
	s13 =	sadd.s32 s13, s11  }
0xab: {  	s9 =	sadd.s32 s9, s13  }
0xac: {  	[tilespmem:s28], [sflag:$0x4] =	stream.linear.gather [hbm4b:s9+s3], $0x80, $0x38;
	[tilespmem:$0x1E100] =	vst v63  }
0xad: {  	_ = 	snop  }
0xae: {  	[tilespmem:s21], [sflag:$0x2] =	stream.linear.gather [hbm4b:s16+s3], $0x2800, $0x38;
	[tilespmem:$0x1E100] =	vst v63  }
.LBB2_8:
0xaf: {  	_ =	swait.ge [sflag:s30], $0x80  }
0xb0: {  	[sflag:s30] =	ssyncset.done $0x0  }
.Ltmp17:
0xb1: {  	[sflag:s30] =	ssyncadd.s32 $0xFFFFFF80;
	(pc) =	sbr.rel .LBB2_10-.Ltmp17, $4  }
0xb2: {  	_ =	swait.ge [sflag:s31], $0x2800  }
0xb3: {  	[sflag:s31] =	ssyncset.done $0x0  }
0xb4: {  	[sflag:s31] =	ssyncadd.s32 $0xFFFFD800  }
0xb5: {  	[spmem:s2] =	stream.indirect.scatter.add.f32 [tilespmem:s20], [sflag:$0x5], $0x80, s22, s26, $0xb8;
	[tilespmem:$0x1E100] =	vst v63  }
.LBB2_26:
0xb6: {  	_ =	sfence.sel $0x180000  }
0xb7: {  	[bflag:$0x0] =	sbarrier.arrive $0xFFFF  }
0xb8: {  	_ =	strace $0x90000050  }
0xb9: {  	s0 =	stileid.u32;
	[bflag:$0x2] =	sbarrier.arrive $0xFFFF  }
0xba: {  	p0 =	sne.s32 s0, $0x0;
	s0 =	rddreg [dreg:$0x2]  }
0xbb: {  	s0 =	sadd.s32 @!p0 $0x100000, s0  }
0xbc: {  	[sflag:s0] =	ssyncadd.tile.s32 @!p0 $0x1;
	_ =	shalt  }
.Lfunc_end2:
_tile_overlayer_lowered:
.L_overlay_start_2:
0xbd: {  	(tag) =	ssettag $0x2  }
0xbe: {  	s0 =	rddreg [dreg:$0x0];
	s2 =	stileid.u32  }
0xbf: {  	s1 =	rddreg [dreg:$0x1];
	p0 =	sne.s32 s2, $0x0  }
0xc0: {  	s3 =	rddreg [dreg:$0x2];
	[bflag:$0x3] =	sbarrier.arrive $0xFFFF;
	s2 =	simm.s32 @!p0 $0x1C07  }
0xc1: {  	[timem:s3], [sflag:s2] =	dma.local @!p0 [hbm:s0], s1  }
0xc2: {  	s0 =	simm.s32 @!p0 $0x7  }
0xc3: {  	_ =	swait.ge @!p0 [sflag:s0], s1  }
0xc4: {  	s1 =	ssub.s32 @!p0 $0x0, s1;
	[sflag:s0] =	ssyncset.done @!p0 $0x0  }
0xc5: {  	[sflag:s0] =	ssyncadd.s32 @!p0 s1  }
0xc6: {  	[bflag:$0x3] =	sbarrier.arrive $0xFFFF  }
0xc7: {  	_ =	shalt  }

</sc_bundles>
